<compile_context>
chip_gen: v7x
topology: tpu7x:2x2x1
jax: 0.10.2.dev20260603
libtpu: 0.0.44.dev20260713+nightly
codegen_flags: <defaults>
</compile_context>

<pallas_src>
import functools

import jax
import jax.numpy as jnp
from jax import lax
from jax.experimental import pallas as pl
from jax.experimental.pallas import tpu as pltpu
from jax.experimental.pallas import tpu_sc as plsc

F32 = jnp.float32
I32 = jnp.int32

HID = 128
TW = 256
SW = 144
NC = 2
NS = 16
NW = NC * NS
L = 16

NSLAB = 1
CH = 80
EB = 512
NB = 1000
PACK = 32


def _silu(x):
    return x * jax.nn.sigmoid(x)


def _tables_body(h_ref, c_ref, lb_ref, wa_ref, wb_ref, b1_ref,
                 ta_ref, tb_ref):
    h = h_ref[:]
    c = c_ref[:]
    nb = h.shape[0]
    a = jnp.dot(h, wa_ref[:], preferred_element_type=F32) + b1_ref[:]
    b = jnp.dot(h, wb_ref[:], preferred_element_type=F32)
    ta_ref[:] = jnp.concatenate(
        [a, c, lb_ref[:], jnp.zeros((nb, TW - HID - 4), F32)], axis=1)
    tb_ref[:] = jnp.concatenate(
        [b, -c, jnp.zeros((nb, TW - HID - 3), F32)], axis=1)


def _build_tables(h, coords, lbn, wa, wb, b1):
    n = h.shape[0]
    return pl.pallas_call(
        _tables_body,
        grid=(n // NB,),
        in_specs=[
            pl.BlockSpec((NB, HID), lambda i: (i, 0)),
            pl.BlockSpec((NB, 3), lambda i: (i, 0)),
            pl.BlockSpec((NB, 1), lambda i: (i, 0)),
            pl.BlockSpec((HID, HID), lambda i: (0, 0)),
            pl.BlockSpec((HID, HID), lambda i: (0, 0)),
            pl.BlockSpec((1, HID), lambda i: (0, 0)),
        ],
        out_specs=[
            pl.BlockSpec((NB, TW), lambda i: (i, 0)),
            pl.BlockSpec((NB, TW), lambda i: (i, 0)),
        ],
        out_shape=[
            jax.ShapeDtypeStruct((n, TW), F32),
            jax.ShapeDtypeStruct((n, TW), F32),
        ],
    )(h, coords, lbn, wa, wb, b1)


def _gather_sum(ta, tb, row, col, e):
    epw = e // NW
    nchunk = epw // CH
    mesh = plsc.VectorSubcoreMesh(core_axis_name="c", subcore_axis_name="s")

    @functools.partial(
        pl.kernel,
        out_type=jax.ShapeDtypeStruct((e, SW), F32),
        mesh=mesh,
        scratch_types=[
            pltpu.VMEM((2, CH), I32),
            pltpu.VMEM((2, CH), I32),
            pltpu.VMEM((2, CH, TW), F32),
            pltpu.VMEM((2, CH, TW), F32),
            pltpu.VMEM((2, CH, SW), F32),
            pltpu.SemaphoreType.DMA,
            pltpu.SemaphoreType.DMA,
            pltpu.SemaphoreType.DMA,
            pltpu.SemaphoreType.DMA,
            pltpu.SemaphoreType.DMA,
            pltpu.SemaphoreType.DMA,
            pltpu.SemaphoreType.DMA,
            pltpu.SemaphoreType.DMA,
        ],
    )
    def k(ta_hbm, tb_hbm, row_hbm, col_hbm, out_hbm,
          idxa, idxb, bufa, bufb, sbuf,
          ia0, ia1, ga0, gb0, ga1, gb1, ss0, ss1):
        wid = lax.axis_index("s") * NC + lax.axis_index("c")
        base = wid * epw
        isems = (ia0, ia1)
        gsems = ((ga0, gb0), (ga1, gb1))
        ssems = (ss0, ss1)

        def idx_start(i, s):
            off = base + i * CH
            pltpu.async_copy(row_hbm.at[pl.ds(off, CH)], idxa.at[s], isems[s])
            pltpu.async_copy(col_hbm.at[pl.ds(off, CH)], idxb.at[s], isems[s])

        def idx_wait(i, s):
            off = base + i * CH
            pltpu.make_async_copy(
                row_hbm.at[pl.ds(off, CH)], idxa.at[s], isems[s]).wait()
            pltpu.make_async_copy(
                col_hbm.at[pl.ds(off, CH)], idxb.at[s], isems[s]).wait()

        def gather_start(s):
            pltpu.async_copy(ta_hbm.at[idxa.at[s]], bufa.at[s], gsems[s][0])
            pltpu.async_copy(tb_hbm.at[idxb.at[s]], bufb.at[s], gsems[s][1])

        def gather_wait(s):
            pltpu.make_async_copy(
                ta_hbm.at[idxa.at[s]], bufa.at[s], gsems[s][0]).wait()
            pltpu.make_async_copy(
                tb_hbm.at[idxb.at[s]], bufb.at[s], gsems[s][1]).wait()

        def store_start(i, s):
            pltpu.async_copy(
                sbuf.at[s], out_hbm.at[pl.ds(base + i * CH, CH)], ssems[s])

        def store_wait(i, s):
            pltpu.make_async_copy(
                sbuf.at[s], out_hbm.at[pl.ds(base + i * CH, CH)],
                ssems[s]).wait()

        def proc(i, s):
            q = 1 - s

            @pl.when(i + 1 < nchunk)
            def _():
                idx_wait(i + 1, q)
                gather_start(q)

            gather_wait(s)

            @pl.when(i + 2 < nchunk)
            def _():
                idx_start(i + 2, s)

            @pl.when(i >= 2)
            def _():
                store_wait(i - 2, s)

            @plsc.parallel_loop(0, CH, 1, unroll=4)
            def add_row(j):
                for t in range(SW // L):
                    sl = pl.ds(t * L, L)
                    sbuf[s, j, sl] = bufa[s, j, sl] + bufb[s, j, sl]

            store_start(i, s)

        assert nchunk % 2 == 1
        idx_start(0, 0)
        idx_start(1, 1)
        idx_wait(0, 0)
        gather_start(0)

        def body(g, carry):
            proc(2 * g, 0)
            proc(2 * g + 1, 1)
            return carry

        lax.fori_loop(0, (nchunk - 1) // 2, body, 0)
        proc(nchunk - 1, 0)
        store_wait(nchunk - 2, 1)
        store_wait(nchunk - 1, 0)

    return k(ta, tb, row, col)


def _edge_body(s_ref, w2_ref, b2_ref, cw1_ref, cb1_ref, cw2_ref, cb2_ref,
               wr_ref, oh_ref, oc_ref):
    s = s_ref[:]
    pre_h = s[:, :HID]
    d3 = s[:, HID:HID + 3]
    lb = s[:, HID + 3:HID + 4].astype(I32)
    r2 = jnp.sum(d3 * d3, axis=1, keepdims=True)
    r = jnp.sqrt(r2)
    pre = pre_h + r * wr_ref[:]
    act = _silu(pre)
    msg = jnp.dot(act, w2_ref[:], preferred_element_type=F32) + b2_ref[:]
    t = _silu(jnp.dot(msg, cw1_ref[:], preferred_element_type=F32) + cb1_ref[:])
    cw = jnp.sum(t * cw2_ref[:], axis=1, keepdims=True) + cb2_ref[:]
    upd = cw * d3 / (r + 1e-8)
    oh_ref[:] = msg
    lane = lax.broadcasted_iota(I32, (s.shape[0], HID), 1)
    oc = jnp.zeros((s.shape[0], HID), F32)
    for c in range(3):
        oc = oc + jnp.where(lane == lb + c, upd[:, c:c + 1], 0.0)
    oc_ref[:] = oc


def _edge_mlp(s, w2, b2, cw1, cb1, cw2r, cb2, wr, e):
    return pl.pallas_call(
        _edge_body,
        grid=(e // EB,),
        in_specs=[
            pl.BlockSpec((EB, SW), lambda i: (i, 0)),
            pl.BlockSpec((HID, HID), lambda i: (0, 0)),
            pl.BlockSpec((1, HID), lambda i: (0, 0)),
            pl.BlockSpec((HID, HID // 2), lambda i: (0, 0)),
            pl.BlockSpec((1, HID // 2), lambda i: (0, 0)),
            pl.BlockSpec((1, HID // 2), lambda i: (0, 0)),
            pl.BlockSpec((1, 1), lambda i: (0, 0)),
            pl.BlockSpec((1, HID), lambda i: (0, 0)),
        ],
        out_specs=[
            pl.BlockSpec((EB, HID), lambda i: (i, 0)),
            pl.BlockSpec((EB, HID), lambda i: (i, 0)),
        ],
        out_shape=[
            jax.ShapeDtypeStruct((e, HID), F32),
            jax.ShapeDtypeStruct((e, HID), F32),
        ],
    )(s, w2, b2, cw1, cb1, cw2r, cb2, wr)


def _scatter_add(oh, oc, row, n, e):
    epw = e // NW
    nchunk = epw // CH
    npad = (n + 8 * NS - 1) // (8 * NS) * (8 * NS)
    rpt = (npad // NS + 7) // 8 * 8
    npad = rpt * NS
    crpt = ((n + PACK - 1) // PACK + NS - 1) // NS
    crpt = (crpt + 7) // 8 * 8
    ncr = crpt * NS
    zr = 128
    mesh = plsc.VectorSubcoreMesh(core_axis_name="c", subcore_axis_name="s")

    @functools.partial(
        pl.kernel,
        out_type=[
            jax.ShapeDtypeStruct((NC, npad, HID), F32),
            jax.ShapeDtypeStruct((NC, ncr, HID), F32),
        ],
        mesh=mesh,
        scratch_types=[
            pltpu.VMEM_SHARED((npad, HID), F32),
            pltpu.VMEM_SHARED((ncr, HID), F32),
            pltpu.VMEM((2, CH), I32),
            pltpu.VMEM((2, CH), I32),
            pltpu.VMEM((2, CH, HID), F32),
            pltpu.VMEM((2, CH, HID), F32),
            pltpu.SemaphoreType.DMA,
            pltpu.SemaphoreType.DMA,
            pltpu.SemaphoreType.DMA,
            pltpu.SemaphoreType.DMA,
            pltpu.SemaphoreType.DMA,
            pltpu.SemaphoreType.DMA,
        ],
    )
    def k(oh_hbm, oc_hbm, row_hbm, outh_hbm, outc_hbm,
          acch, accc, idx, idxc, valh, valc,
          si0, sh0, sc0, si1, sh1, sc1):
        cid = lax.axis_index("c")
        sid = lax.axis_index("s")
        wid = sid * NC + cid
        base = wid * epw
        sems = ((si0, sh0, sc0), (si1, sh1, sc1))

        def zrow(j, c2):
            for t in range(HID // L):
                valh[0, j, pl.ds(t * L, L)] = jnp.zeros((L,), F32)
            return c2

        lax.fori_loop(0, CH, zrow, 0)
        for kk in range((rpt + CH - 1) // CH):
            sz = min(CH, rpt - kk * CH)
            pltpu.sync_copy(valh.at[0].at[pl.ds(0, sz)],
                            acch.at[pl.ds(sid * rpt + kk * CH, sz)])
        pltpu.sync_copy(valh.at[0].at[pl.ds(0, crpt)],
                        accc.at[pl.ds(sid * crpt, crpt)])
        plsc.subcore_barrier()

        def start(i, s):
            off = base + i * CH
            pltpu.async_copy(row_hbm.at[pl.ds(off, CH)], idx.at[s], sems[s][0])
            pltpu.async_copy(oh_hbm.at[pl.ds(off, CH)], valh.at[s], sems[s][1])
            pltpu.async_copy(oc_hbm.at[pl.ds(off, CH)], valc.at[s], sems[s][2])

        def finish(i, s):
            off = base + i * CH
            pltpu.make_async_copy(
                row_hbm.at[pl.ds(off, CH)], idx.at[s], sems[s][0]).wait()
            pltpu.make_async_copy(
                oh_hbm.at[pl.ds(off, CH)], valh.at[s], sems[s][1]).wait()
            pltpu.make_async_copy(
                oc_hbm.at[pl.ds(off, CH)], valc.at[s], sems[s][2]).wait()
            for g in range(CH // L):
                sl = pl.ds(g * L, L)
                idxc[s, sl] = lax.shift_right_logical(idx[s, sl], 5)
            pltpu.sync_copy(valh.at[s], acch.at[idx.at[s]], add=True)
            pltpu.sync_copy(valc.at[s], accc.at[idxc.at[s]], add=True)

        assert nchunk % 2 == 1
        start(0, 0)

        def body(g, carry):
            i0 = 2 * g
            start(i0 + 1, 1)
            finish(i0, 0)
            start(i0 + 2, 0)
            finish(i0 + 1, 1)
            return carry

        lax.fori_loop(0, (nchunk - 1) // 2, body, 0)
        finish(nchunk - 1, 0)
        plsc.subcore_barrier()
        pltpu.sync_copy(acch.at[pl.ds(sid * rpt, rpt)],
                        outh_hbm.at[cid, pl.ds(sid * rpt, rpt)])
        pltpu.sync_copy(accc.at[pl.ds(sid * crpt, crpt)],
                        outc_hbm.at[cid, pl.ds(sid * crpt, crpt)])

    return k(oh, oc, row)


def _node_mlp(h, coords, accs, deltas, wa, wb, b1, w2, b2):
    n = h.shape[0]
    na = len(accs)
    nd = len(deltas)

    def body(*refs):
        h_ref, c_ref = refs[0], refs[1]
        a_refs = refs[2:2 + na]
        d_refs = refs[2 + na:2 + na + nd]
        wa_ref, wb_ref, b1_ref, w2_ref, b2_ref = refs[2 + na + nd:-2]
        h_out, c_out = refs[-2], refs[-1]
        h_ = h_ref[:]
        agg = a_refs[0][:]
        for a in a_refs[1:]:
            agg = agg + a[:]
        z = (jnp.dot(h_, wa_ref[:], preferred_element_type=F32)
             + jnp.dot(agg, wb_ref[:], preferred_element_type=F32)
             + b1_ref[:])
        z = _silu(z)
        h_out[:] = jnp.dot(z, w2_ref[:], preferred_element_type=F32) + b2_ref[:]
        cc = c_ref[:]
        for d in d_refs:
            cc = cc + d[:]
        c_out[:] = cc

    return pl.pallas_call(
        body,
        grid=(n // NB,),
        in_specs=(
            [pl.BlockSpec((NB, HID), lambda i: (i, 0)),
             pl.BlockSpec((NB, 3), lambda i: (i, 0))]
            + [pl.BlockSpec((NB, HID), lambda i: (i, 0))] * na
            + [pl.BlockSpec((NB, 3), lambda i: (i, 0))] * nd
            + [pl.BlockSpec((HID, HID), lambda i: (0, 0)),
               pl.BlockSpec((HID, HID), lambda i: (0, 0)),
               pl.BlockSpec((1, HID), lambda i: (0, 0)),
               pl.BlockSpec((HID, HID), lambda i: (0, 0)),
               pl.BlockSpec((1, HID), lambda i: (0, 0))]
        ),
        out_specs=[
            pl.BlockSpec((NB, HID), lambda i: (i, 0)),
            pl.BlockSpec((NB, 3), lambda i: (i, 0)),
        ],
        out_shape=[
            jax.ShapeDtypeStruct((n, HID), F32),
            jax.ShapeDtypeStruct((n, 3), F32),
        ],
    )(h, coords, *accs, *deltas, wa, wb, b1, w2, b2)


def kernel(h, coords, edges, mW1, mb1, mW2, mb2, nW1, nb1, nW2, nb2,
           cW1, cb1, cW2, cb2):
    n = h.shape[0]
    e = edges.shape[1]
    row = edges[0].astype(I32)
    col = edges[1].astype(I32)

    lbn = (4.0 * (jnp.arange(n) % PACK)).astype(F32).reshape(n, 1)
    ta, tb = _build_tables(h, coords, lbn, mW1[:HID], mW1[HID:2 * HID],
                           mb1.reshape(1, HID))
    es = e // NSLAB
    accs, deltas = [], []
    for k in range(NSLAB):
        rk = lax.dynamic_slice_in_dim(row, k * es, es)
        ck = lax.dynamic_slice_in_dim(col, k * es, es)
        s = _gather_sum(ta, tb, rk, ck, es)
        oh, oc = _edge_mlp(s, mW2, mb2.reshape(1, HID), cW1,
                           cb1.reshape(1, HID // 2), cW2.reshape(1, HID // 2),
                           cb2.reshape(1, 1), mW1[2 * HID].reshape(1, HID), es)
        acch, accc = _scatter_add(oh, oc, rk, n, es)
        accs += [acch[0][:n], acch[1][:n]]
        deltas += [accc[0].reshape(-1, 4)[:n, :3],
                   accc[1].reshape(-1, 4)[:n, :3]]
    h_new, coords_new = _node_mlp(h, coords, accs, deltas,
                                  nW1[:HID], nW1[HID:], nb1.reshape(1, HID),
                                  nW2, nb2.reshape(1, HID))
    return (h_new, coords_new)

# --- scband reference (transcript-rebuilt; emitter-appended) ---
"""Pipeline reference for scband-egnnlayer-3539053052443 (READ-ONLY COPY).

The authoritative reference and input builder live on the scoring server;
editing this copy changes nothing except your own understanding.
"""

import jax, jax.numpy as jnp
import numpy as np

HIDDEN = 128
N = 10000
E = 320000

def silu(x):
    return x * jax.nn.sigmoid(x)

def setup_inputs(seed: int = 0) -> dict:
    key = jax.random.key(seed)
    ks = jax.random.split(key, 16)
    h = jax.random.normal(ks[0], (N, HIDDEN), dtype=jnp.float32)
    coords = jax.random.normal(ks[1], (N, 3), dtype=jnp.float32)
    edges = jax.random.randint(ks[2], (2, E), 0, N, dtype=jnp.int64)
    def lin(k, fan_in, fan_out):
        bound = 1.0 / np.sqrt(fan_in)
        kw, kb = jax.random.split(k)
        W = jax.random.uniform(kw, (fan_in, fan_out), minval=-bound, maxval=bound, dtype=jnp.float32)
        b = jax.random.uniform(kb, (fan_out,), minval=-bound, maxval=bound, dtype=jnp.float32)
        return W, b
    mW1, mb1 = lin(ks[3], HIDDEN * 2 + 1, HIDDEN)
    mW2, mb2 = lin(ks[4], HIDDEN, HIDDEN)
    nW1, nb1 = lin(ks[5], HIDDEN * 2, HIDDEN)
    nW2, nb2 = lin(ks[6], HIDDEN, HIDDEN)
    cW1, cb1 = lin(ks[7], HIDDEN, HIDDEN // 2)
    cW2, cb2 = lin(ks[8], HIDDEN // 2, 1)
    return {"h": h, "coords": coords, "edges": edges,
            "mW1": mW1, "mb1": mb1, "mW2": mW2, "mb2": mb2,
            "nW1": nW1, "nb1": nb1, "nW2": nW2, "nb2": nb2,
            "cW1": cW1, "cb1": cb1, "cW2": cW2, "cb2": cb2}

def reference(h, coords, edges, mW1, mb1, mW2, mb2, nW1, nb1, nW2, nb2, cW1, cb1, cW2, cb2):
    row, col = edges[0], edges[1]
    coord_diff = coords[row] - coords[col]
    radial = jnp.linalg.norm(coord_diff, axis=1, keepdims=True)
    h_i = h[row]
    h_j = h[col]
    message_input = jnp.concatenate([h_i, h_j, radial], axis=1)
    messages = silu(message_input @ mW1 + mb1) @ mW2 + mb2
    h_agg = jnp.zeros_like(h).at[row].add(messages)
    h_new = silu(jnp.concatenate([h, h_agg], axis=1) @ nW1 + nb1) @ nW2 + nb2
    coord_weights = silu(messages @ cW1 + cb1) @ cW2 + cb2
    coord_updates = coord_weights * coord_diff / (radial + 1e-08)
    coords_new = coords.at[row].add(coord_updates)
    return (h_new, coords_new)

if __name__ == "__main__":
    import jax
    _d = setup_inputs()
    print(jax.jit(kernel)(*tuple(_d.values())))

</pallas_src>

<mosaic_0001>
#map = affine_map<(d0, d1) -> (0, 0)>
#map1 = affine_map<(d0, d1) -> (0)>
module attributes {stable_mosaic.version = 14 : i64} {
  func.func @k(%arg0: i32, %arg1: i32, %arg2: memref<10000x256xf32, #tpu.memory_space<hbm>>, %arg3: memref<10000x256xf32, #tpu.memory_space<hbm>>, %arg4: memref<320000xi32, #tpu.memory_space<hbm>>, %arg5: memref<320000xi32, #tpu.memory_space<hbm>>, %arg6: memref<320000x144xf32, #tpu.memory_space<hbm>>, %arg7: memref<2x80xi32, #tpu.memory_space<vmem>>, %arg8: memref<2x80xi32, #tpu.memory_space<vmem>>, %arg9: memref<2x80x256xf32, #tpu.memory_space<vmem>>, %arg10: memref<2x80x256xf32, #tpu.memory_space<vmem>>, %arg11: memref<2x80x144xf32, #tpu.memory_space<vmem>>, %arg12: memref<!tpu.dma_semaphore, #tpu.memory_space<semaphore_mem>>, %arg13: memref<!tpu.dma_semaphore, #tpu.memory_space<semaphore_mem>>, %arg14: memref<!tpu.dma_semaphore, #tpu.memory_space<semaphore_mem>>, %arg15: memref<!tpu.dma_semaphore, #tpu.memory_space<semaphore_mem>>, %arg16: memref<!tpu.dma_semaphore, #tpu.memory_space<semaphore_mem>>, %arg17: memref<!tpu.dma_semaphore, #tpu.memory_space<semaphore_mem>>, %arg18: memref<!tpu.dma_semaphore, #tpu.memory_space<semaphore_mem>>, %arg19: memref<!tpu.dma_semaphore, #tpu.memory_space<semaphore_mem>>) attributes {dimension_semantics = [#tpu.dimension_semantics<core_parallel>, #tpu.dimension_semantics<subcore_parallel>], iteration_bounds = array<i64: 2, 16>, scalar_prefetch = 0 : i64, scratch_operands = 13 : i64, tpu.core_type = #tpu.core_type<sc_vector_subcore>, window_params = [{transform_indices = #map}, {transform_indices = #map}, {transform_indices = #map1}, {transform_indices = #map1}, {transform_indices = #map}]} {
    %mul3A = arith.constant 2 : i32
    %mul3A_0 = arith.muli %arg1, %mul3A : i32
    %add3A = arith.addi %mul3A_0, %arg0 : i32
    %mul3A_1 = arith.constant 10000 : i32
    %mul3A_2 = arith.muli %add3A, %mul3A_1 : i32
    %add3A_3 = arith.constant 0 : i32
    %add3A_4 = arith.addi %mul3A_2, %add3A_3 : i32
    %dma_start3A = arith.constant 0 : i32
    %dma_start3A_5 = arith.constant 0 : i32
    %dma_start3A_6 = tpu.memref_slice %arg7[%dma_start3A, %dma_start3A_5] : memref<2x80xi32, #tpu.memory_space<vmem>> -> memref<1x80xi32, #tpu.memory_space<vmem>>
    %dma_start3A_7 = tpu.memref_squeeze %dma_start3A_6 : memref<1x80xi32, #tpu.memory_space<vmem>> -> memref<80xi32, #tpu.memory_space<vmem>>
    %dma_start3A_8 = tpu.memref_slice %arg4[%add3A_4] : memref<320000xi32, #tpu.memory_space<hbm>> -> memref<80xi32, #tpu.memory_space<hbm>>
    %dma_start3A_9 = arith.constant 0 : i32
    %dma_start3A_10 = tpu.memref_slice %arg7[%dma_start3A, %dma_start3A_9] : memref<2x80xi32, #tpu.memory_space<vmem>> -> memref<1x80xi32, #tpu.memory_space<vmem>>
    %dma_start3A_11 = tpu.memref_squeeze %dma_start3A_10 : memref<1x80xi32, #tpu.memory_space<vmem>> -> memref<80xi32, #tpu.memory_space<vmem>>
    %dma_start3A_12 = tpu.memref_slice %arg4[%add3A_4] : memref<320000xi32, #tpu.memory_space<hbm>> -> memref<80xi32, #tpu.memory_space<hbm>>
    tpu.enqueue_dma source(%dma_start3A_12 : memref<80xi32, #tpu.memory_space<hbm>>) target(%dma_start3A_11 : memref<80xi32, #tpu.memory_space<vmem>>) target_semaphore(%arg12 : memref<!tpu.dma_semaphore, #tpu.memory_space<semaphore_mem>>)
    %dma_start3A_13 = arith.constant 0 : i32
    %dma_start3A_14 = arith.constant 0 : i32
    %dma_start3A_15 = tpu.memref_slice %arg8[%dma_start3A_13, %dma_start3A_14] : memref<2x80xi32, #tpu.memory_space<vmem>> -> memref<1x80xi32, #tpu.memory_space<vmem>>
    %dma_start3A_16 = tpu.memref_squeeze %dma_start3A_15 : memref<1x80xi32, #tpu.memory_space<vmem>> -> memref<80xi32, #tpu.memory_space<vmem>>
    %dma_start3A_17 = tpu.memref_slice %arg5[%add3A_4] : memref<320000xi32, #tpu.memory_space<hbm>> -> memref<80xi32, #tpu.memory_space<hbm>>
    %dma_start3A_18 = arith.constant 0 : i32
    %dma_start3A_19 = tpu.memref_slice %arg8[%dma_start3A_13, %dma_start3A_18] : memref<2x80xi32, #tpu.memory_space<vmem>> -> memref<1x80xi32, #tpu.memory_space<vmem>>
    %dma_start3A_20 = tpu.memref_squeeze %dma_start3A_19 : memref<1x80xi32, #tpu.memory_space<vmem>> -> memref<80xi32, #tpu.memory_space<vmem>>
    %dma_start3A_21 = tpu.memref_slice %arg5[%add3A_4] : memref<320000xi32, #tpu.memory_space<hbm>> -> memref<80xi32, #tpu.memory_space<hbm>>
    tpu.enqueue_dma source(%dma_start3A_21 : memref<80xi32, #tpu.memory_space<hbm>>) target(%dma_start3A_20 : memref<80xi32, #tpu.memory_space<vmem>>) target_semaphore(%arg12 : memref<!tpu.dma_semaphore, #tpu.memory_space<semaphore_mem>>)
    %add3A_22 = arith.constant 80 : i32
    %add3A_23 = arith.addi %mul3A_2, %add3A_22 : i32
    %dma_start3A_24 = arith.constant 1 : i32
    %dma_start3A_25 = arith.constant 0 : i32
    %dma_start3A_26 = tpu.memref_slice %arg7[%dma_start3A_24, %dma_start3A_25] : memref<2x80xi32, #tpu.memory_space<vmem>> -> memref<1x80xi32, #tpu.memory_space<vmem>>
    %dma_start3A_27 = tpu.memref_squeeze %dma_start3A_26 : memref<1x80xi32, #tpu.memory_space<vmem>> -> memref<80xi32, #tpu.memory_space<vmem>>
    %dma_start3A_28 = tpu.memref_slice %arg4[%add3A_23] : memref<320000xi32, #tpu.memory_space<hbm>> -> memref<80xi32, #tpu.memory_space<hbm>>
    %dma_start3A_29 = arith.constant 0 : i32
    %dma_start3A_30 = tpu.memref_slice %arg7[%dma_start3A_24, %dma_start3A_29] : memref<2x80xi32, #tpu.memory_space<vmem>> -> memref<1x80xi32, #tpu.memory_space<vmem>>
    %dma_start3A_31 = tpu.memref_squeeze %dma_start3A_30 : memref<1x80xi32, #tpu.memory_space<vmem>> -> memref<80xi32, #tpu.memory_space<vmem>>
    %dma_start3A_32 = tpu.memref_slice %arg4[%add3A_23] : memref<320000xi32, #tpu.memory_space<hbm>> -> memref<80xi32, #tpu.memory_space<hbm>>
    tpu.enqueue_dma source(%dma_start3A_32 : memref<80xi32, #tpu.memory_space<hbm>>) target(%dma_start3A_31 : memref<80xi32, #tpu.memory_space<vmem>>) target_semaphore(%arg13 : memref<!tpu.dma_semaphore, #tpu.memory_space<semaphore_mem>>)
    %dma_start3A_33 = arith.constant 1 : i32
    %dma_start3A_34 = arith.constant 0 : i32
    %dma_start3A_35 = tpu.memref_slice %arg8[%dma_start3A_33, %dma_start3A_34] : memref<2x80xi32, #tpu.memory_space<vmem>> -> memref<1x80xi32, #tpu.memory_space<vmem>>
    %dma_start3A_36 = tpu.memref_squeeze %dma_start3A_35 : memref<1x80xi32, #tpu.memory_space<vmem>> -> memref<80xi32, #tpu.memory_space<vmem>>
    %dma_start3A_37 = tpu.memref_slice %arg5[%add3A_23] : memref<320000xi32, #tpu.memory_space<hbm>> -> memref<80xi32, #tpu.memory_space<hbm>>
    %dma_start3A_38 = arith.constant 0 : i32
    %dma_start3A_39 = tpu.memref_slice %arg8[%dma_start3A_33, %dma_start3A_38] : memref<2x80xi32, #tpu.memory_space<vmem>> -> memref<1x80xi32, #tpu.memory_space<vmem>>
    %dma_start3A_40 = tpu.memref_squeeze %dma_start3A_39 : memref<1x80xi32, #tpu.memory_space<vmem>> -> memref<80xi32, #tpu.memory_space<vmem>>
    %dma_start3A_41 = tpu.memref_slice %arg5[%add3A_23] : memref<320000xi32, #tpu.memory_space<hbm>> -> memref<80xi32, #tpu.memory_space<hbm>>
    tpu.enqueue_dma source(%dma_start3A_41 : memref<80xi32, #tpu.memory_space<hbm>>) target(%dma_start3A_40 : memref<80xi32, #tpu.memory_space<vmem>>) target_semaphore(%arg13 : memref<!tpu.dma_semaphore, #tpu.memory_space<semaphore_mem>>)
    %add3A_42 = arith.constant 0 : i32
    %add3A_43 = arith.addi %mul3A_2, %add3A_42 : i32
    %dma_wait3A = arith.constant 0 : i32
    %dma_wait3A_44 = arith.constant 0 : i32
    %dma_wait3A_45 = tpu.memref_slice %arg7[%dma_wait3A, %dma_wait3A_44] : memref<2x80xi32, #tpu.memory_space<vmem>> -> memref<1x80xi32, #tpu.memory_space<vmem>>
    %dma_wait3A_46 = tpu.memref_squeeze %dma_wait3A_45 : memref<1x80xi32, #tpu.memory_space<vmem>> -> memref<80xi32, #tpu.memory_space<vmem>>
    %dma_wait3A_47 = tpu.memref_slice %arg4[%add3A_43] : memref<320000xi32, #tpu.memory_space<hbm>> -> memref<80xi32, #tpu.memory_space<hbm>>
    %dma_wait3A_48 = arith.constant 0 : i32
    %dma_wait3A_49 = tpu.memref_slice %arg7[%dma_wait3A, %dma_wait3A_48] : memref<2x80xi32, #tpu.memory_space<vmem>> -> memref<1x80xi32, #tpu.memory_space<vmem>>
    %dma_wait3A_50 = tpu.memref_squeeze %dma_wait3A_49 : memref<1x80xi32, #tpu.memory_space<vmem>> -> memref<80xi32, #tpu.memory_space<vmem>>
    %dma_wait3A_51 = tpu.memref_slice %arg4[%add3A_43] : memref<320000xi32, #tpu.memory_space<hbm>> -> memref<80xi32, #tpu.memory_space<hbm>>
    tpu.wait_dma2 semaphore(%arg12 : memref<!tpu.dma_semaphore, #tpu.memory_space<semaphore_mem>>) src(%dma_wait3A_51 : memref<80xi32, #tpu.memory_space<hbm>>) dst(%dma_wait3A_50 : memref<80xi32, #tpu.memory_space<vmem>>)
    %dma_wait3A_52 = arith.constant 0 : i32
    %dma_wait3A_53 = arith.constant 0 : i32
    %dma_wait3A_54 = tpu.memref_slice %arg8[%dma_wait3A_52, %dma_wait3A_53] : memref<2x80xi32, #tpu.memory_space<vmem>> -> memref<1x80xi32, #tpu.memory_space<vmem>>
    %dma_wait3A_55 = tpu.memref_squeeze %dma_wait3A_54 : memref<1x80xi32, #tpu.memory_space<vmem>> -> memref<80xi32, #tpu.memory_space<vmem>>
    %dma_wait3A_56 = tpu.memref_slice %arg5[%add3A_43] : memref<320000xi32, #tpu.memory_space<hbm>> -> memref<80xi32, #tpu.memory_space<hbm>>
    %dma_wait3A_57 = arith.constant 0 : i32
    %dma_wait3A_58 = tpu.memref_slice %arg8[%dma_wait3A_52, %dma_wait3A_57] : memref<2x80xi32, #tpu.memory_space<vmem>> -> memref<1x80xi32, #tpu.memory_space<vmem>>
    %dma_wait3A_59 = tpu.memref_squeeze %dma_wait3A_58 : memref<1x80xi32, #tpu.memory_space<vmem>> -> memref<80xi32, #tpu.memory_space<vmem>>
    %dma_wait3A_60 = tpu.memref_slice %arg5[%add3A_43] : memref<320000xi32, #tpu.memory_space<hbm>> -> memref<80xi32, #tpu.memory_space<hbm>>
    tpu.wait_dma2 semaphore(%arg12 : memref<!tpu.dma_semaphore, #tpu.memory_space<semaphore_mem>>) src(%dma_wait3A_60 : memref<80xi32, #tpu.memory_space<hbm>>) dst(%dma_wait3A_59 : memref<80xi32, #tpu.memory_space<vmem>>)
    %dma_start3A_61 = arith.constant 0 : i32
    %dma_start3A_62 = arith.constant 0 : i32
    %dma_start3A_63 = arith.constant 0 : i32
    %dma_start3A_64 = arith.constant 0 : i32
    %dma_start3A_65 = tpu.memref_slice %arg9[%dma_start3A_62, %dma_start3A_63, %dma_start3A_64] : memref<2x80x256xf32, #tpu.memory_space<vmem>> -> memref<1x80x256xf32, #tpu.memory_space<vmem>>
    %dma_start3A_66 = tpu.memref_squeeze %dma_start3A_65 : memref<1x80x256xf32, #tpu.memory_space<vmem>> -> memref<80x256xf32, #tpu.memory_space<vmem>>
    %dma_start3A_67 = arith.constant 0 : i32
    %dma_start3A_68 = tpu.memref_slice %arg7[%dma_start3A_61, %dma_start3A_67] : memref<2x80xi32, #tpu.memory_space<vmem>> -> memref<1x80xi32, #tpu.memory_space<vmem>>
    %dma_start3A_69 = tpu.memref_squeeze %dma_start3A_68 : memref<1x80xi32, #tpu.memory_space<vmem>> -> memref<80xi32, #tpu.memory_space<vmem>>
    %dma_start3A_70 = arith.constant 0 : i32
    %dma_start3A_71 = arith.constant 0 : i32
    %dma_start3A_72 = tpu.memref_slice %arg2[%dma_start3A_70, %dma_start3A_71] : memref<10000x256xf32, #tpu.memory_space<hbm>> -> memref<10000x256xf32, #tpu.memory_space<hbm>>
    tpu.enqueue_indirect_dma source(%dma_start3A_72 : memref<10000x256xf32, #tpu.memory_space<hbm>>) target(%dma_start3A_66 : memref<80x256xf32, #tpu.memory_space<vmem>>) offsets(%dma_start3A_69 : memref<80xi32, #tpu.memory_space<vmem>>) semaphore(%arg14 : memref<!tpu.dma_semaphore, #tpu.memory_space<semaphore_mem>>)
    %dma_start3A_73 = arith.constant 0 : i32
    %dma_start3A_74 = arith.constant 0 : i32
    %dma_start3A_75 = arith.constant 0 : i32
    %dma_start3A_76 = arith.constant 0 : i32
    %dma_start3A_77 = tpu.memref_slice %arg10[%dma_start3A_74, %dma_start3A_75, %dma_start3A_76] : memref<2x80x256xf32, #tpu.memory_space<vmem>> -> memref<1x80x256xf32, #tpu.memory_space<vmem>>
    %dma_start3A_78 = tpu.memref_squeeze %dma_start3A_77 : memref<1x80x256xf32, #tpu.memory_space<vmem>> -> memref<80x256xf32, #tpu.memory_space<vmem>>
    %dma_start3A_79 = arith.constant 0 : i32
    %dma_start3A_80 = tpu.memref_slice %arg8[%dma_start3A_73, %dma_start3A_79] : memref<2x80xi32, #tpu.memory_space<vmem>> -> memref<1x80xi32, #tpu.memory_space<vmem>>
    %dma_start3A_81 = tpu.memref_squeeze %dma_start3A_80 : memref<1x80xi32, #tpu.memory_space<vmem>> -> memref<80xi32, #tpu.memory_space<vmem>>
    %dma_start3A_82 = arith.constant 0 : i32
    %dma_start3A_83 = arith.constant 0 : i32
    %dma_start3A_84 = tpu.memref_slice %arg3[%dma_start3A_82, %dma_start3A_83] : memref<10000x256xf32, #tpu.memory_space<hbm>> -> memref<10000x256xf32, #tpu.memory_space<hbm>>
    tpu.enqueue_indirect_dma source(%dma_start3A_84 : memref<10000x256xf32, #tpu.memory_space<hbm>>) target(%dma_start3A_78 : memref<80x256xf32, #tpu.memory_space<vmem>>) offsets(%dma_start3A_81 : memref<80xi32, #tpu.memory_space<vmem>>) semaphore(%arg15 : memref<!tpu.dma_semaphore, #tpu.memory_space<semaphore_mem>>)
    %scan3A = arith.constant 0 : i32
    %scan3A_85 = arith.constant 0 : i32
    %scan3A_86 = arith.constant 62 : i32
    %scan3A_87 = arith.addi %scan3A_85, %scan3A_86 : i32
    %scan3A_88 = arith.constant 1 : i32
    scf.for %scan3A_176 = %scan3A_85 to %scan3A_87 step %scan3A_88  : i32 {
      %mul3A_177 = arith.constant 2 : i32
      %mul3A_178 = arith.muli %mul3A_177, %scan3A_176 : i32
      %add3A_179 = arith.constant 1 : i32
      %add3A_180 = arith.addi %mul3A_178, %add3A_179 : i32
      %lt3A = arith.constant 125 : i32
      %lt3A_181 = arith.cmpi slt, %add3A_180, %lt3A : i32
      %convert_element_type3A = arith.extui %lt3A_181 : i1 to i32
      %cond3A = arith.constant 0 : i32
      %cond3A_182 = arith.cmpi ne, %convert_element_type3A, %cond3A : i32
      scf.if %cond3A_182 {
        %add3A_303 = arith.constant 1 : i32
        %add3A_304 = arith.addi %mul3A_178, %add3A_303 : i32
        %mul3A_305 = arith.constant 80 : i32
        %mul3A_306 = arith.muli %add3A_304, %mul3A_305 : i32
        %add3A_307 = arith.addi %mul3A_2, %mul3A_306 : i32
        %dma_wait3A_308 = arith.constant 1 : i32
        %dma_wait3A_309 = arith.constant 0 : i32
        %dma_wait3A_310 = tpu.memref_slice %arg7[%dma_wait3A_308, %dma_wait3A_309] : memref<2x80xi32, #tpu.memory_space<vmem>> -> memref<1x80xi32, #tpu.memory_space<vmem>>
        %dma_wait3A_311 = tpu.memref_squeeze %dma_wait3A_310 : memref<1x80xi32, #tpu.memory_space<vmem>> -> memref<80xi32, #tpu.memory_space<vmem>>
        %dma_wait3A_312 = tpu.memref_slice %arg4[%add3A_307] : memref<320000xi32, #tpu.memory_space<hbm>> -> memref<80xi32, #tpu.memory_space<hbm>>
        %dma_wait3A_313 = arith.constant 0 : i32
        %dma_wait3A_314 = tpu.memref_slice %arg7[%dma_wait3A_308, %dma_wait3A_313] : memref<2x80xi32, #tpu.memory_space<vmem>> -> memref<1x80xi32, #tpu.memory_space<vmem>>
        %dma_wait3A_315 = tpu.memref_squeeze %dma_wait3A_314 : memref<1x80xi32, #tpu.memory_space<vmem>> -> memref<80xi32, #tpu.memory_space<vmem>>
        %dma_wait3A_316 = tpu.memref_slice %arg4[%add3A_307] : memref<320000xi32, #tpu.memory_space<hbm>> -> memref<80xi32, #tpu.memory_space<hbm>>
        tpu.wait_dma2 semaphore(%arg13 : memref<!tpu.dma_semaphore, #tpu.memory_space<semaphore_mem>>) src(%dma_wait3A_316 : memref<80xi32, #tpu.memory_space<hbm>>) dst(%dma_wait3A_315 : memref<80xi32, #tpu.memory_space<vmem>>)
        %dma_wait3A_317 = arith.constant 1 : i32
        %dma_wait3A_318 = arith.constant 0 : i32
        %dma_wait3A_319 = tpu.memref_slice %arg8[%dma_wait3A_317, %dma_wait3A_318] : memref<2x80xi32, #tpu.memory_space<vmem>> -> memref<1x80xi32, #tpu.memory_space<vmem>>
        %dma_wait3A_320 = tpu.memref_squeeze %dma_wait3A_319 : memref<1x80xi32, #tpu.memory_space<vmem>> -> memref<80xi32, #tpu.memory_space<vmem>>
        %dma_wait3A_321 = tpu.memref_slice %arg5[%add3A_307] : memref<320000xi32, #tpu.memory_space<hbm>> -> memref<80xi32, #tpu.memory_space<hbm>>
        %dma_wait3A_322 = arith.constant 0 : i32
        %dma_wait3A_323 = tpu.memref_slice %arg8[%dma_wait3A_317, %dma_wait3A_322] : memref<2x80xi32, #tpu.memory_space<vmem>> -> memref<1x80xi32, #tpu.memory_space<vmem>>
        %dma_wait3A_324 = tpu.memref_squeeze %dma_wait3A_323 : memref<1x80xi32, #tpu.memory_space<vmem>> -> memref<80xi32, #tpu.memory_space<vmem>>
        %dma_wait3A_325 = tpu.memref_slice %arg5[%add3A_307] : memref<320000xi32, #tpu.memory_space<hbm>> -> memref<80xi32, #tpu.memory_space<hbm>>
        tpu.wait_dma2 semaphore(%arg13 : memref<!tpu.dma_semaphore, #tpu.memory_space<semaphore_mem>>) src(%dma_wait3A_325 : memref<80xi32, #tpu.memory_space<hbm>>) dst(%dma_wait3A_324 : memref<80xi32, #tpu.memory_space<vmem>>)
        %dma_start3A_326 = arith.constant 1 : i32
        %dma_start3A_327 = arith.constant 1 : i32
        %dma_start3A_328 = arith.constant 0 : i32
        %dma_start3A_329 = arith.constant 0 : i32
        %dma_start3A_330 = tpu.memref_slice %arg9[%dma_start3A_327, %dma_start3A_328, %dma_start3A_329] : memref<2x80x256xf32, #tpu.memory_space<vmem>> -> memref<1x80x256xf32, #tpu.memory_space<vmem>>
        %dma_start3A_331 = tpu.memref_squeeze %dma_start3A_330 : memref<1x80x256xf32, #tpu.memory_space<vmem>> -> memref<80x256xf32, #tpu.memory_space<vmem>>
        %dma_start3A_332 = arith.constant 0 : i32
        %dma_start3A_333 = tpu.memref_slice %arg7[%dma_start3A_326, %dma_start3A_332] : memref<2x80xi32, #tpu.memory_space<vmem>> -> memref<1x80xi32, #tpu.memory_space<vmem>>
        %dma_start3A_334 = tpu.memref_squeeze %dma_start3A_333 : memref<1x80xi32, #tpu.memory_space<vmem>> -> memref<80xi32, #tpu.memory_space<vmem>>
        %dma_start3A_335 = arith.constant 0 : i32
        %dma_start3A_336 = arith.constant 0 : i32
        %dma_start3A_337 = tpu.memref_slice %arg2[%dma_start3A_335, %dma_start3A_336] : memref<10000x256xf32, #tpu.memory_space<hbm>> -> memref<10000x256xf32, #tpu.memory_space<hbm>>
        tpu.enqueue_indirect_dma source(%dma_start3A_337 : memref<10000x256xf32, #tpu.memory_space<hbm>>) target(%dma_start3A_331 : memref<80x256xf32, #tpu.memory_space<vmem>>) offsets(%dma_start3A_334 : memref<80xi32, #tpu.memory_space<vmem>>) semaphore(%arg16 : memref<!tpu.dma_semaphore, #tpu.memory_space<semaphore_mem>>)
        %dma_start3A_338 = arith.constant 1 : i32
        %dma_start3A_339 = arith.constant 1 : i32
        %dma_start3A_340 = arith.constant 0 : i32
        %dma_start3A_341 = arith.constant 0 : i32
        %dma_start3A_342 = tpu.memref_slice %arg10[%dma_start3A_339, %dma_start3A_340, %dma_start3A_341] : memref<2x80x256xf32, #tpu.memory_space<vmem>> -> memref<1x80x256xf32, #tpu.memory_space<vmem>>
        %dma_start3A_343 = tpu.memref_squeeze %dma_start3A_342 : memref<1x80x256xf32, #tpu.memory_space<vmem>> -> memref<80x256xf32, #tpu.memory_space<vmem>>
        %dma_start3A_344 = arith.constant 0 : i32
        %dma_start3A_345 = tpu.memref_slice %arg8[%dma_start3A_338, %dma_start3A_344] : memref<2x80xi32, #tpu.memory_space<vmem>> -> memref<1x80xi32, #tpu.memory_space<vmem>>
        %dma_start3A_346 = tpu.memref_squeeze %dma_start3A_345 : memref<1x80xi32, #tpu.memory_space<vmem>> -> memref<80xi32, #tpu.memory_space<vmem>>
        %dma_start3A_347 = arith.constant 0 : i32
        %dma_start3A_348 = arith.constant 0 : i32
        %dma_start3A_349 = tpu.memref_slice %arg3[%dma_start3A_347, %dma_start3A_348] : memref<10000x256xf32, #tpu.memory_space<hbm>> -> memref<10000x256xf32, #tpu.memory_space<hbm>>
        tpu.enqueue_indirect_dma source(%dma_start3A_349 : memref<10000x256xf32, #tpu.memory_space<hbm>>) target(%dma_start3A_343 : memref<80x256xf32, #tpu.memory_space<vmem>>) offsets(%dma_start3A_346 : memref<80xi32, #tpu.memory_space<vmem>>) semaphore(%arg17 : memref<!tpu.dma_semaphore, #tpu.memory_space<semaphore_mem>>)
      } else {
      }
      %dma_wait3A_183 = arith.constant 0 : i32
      %dma_wait3A_184 = arith.constant 0 : i32
      %dma_wait3A_185 = arith.constant 0 : i32
      %dma_wait3A_186 = arith.constant 0 : i32
      %dma_wait3A_187 = tpu.memref_slice %arg9[%dma_wait3A_184, %dma_wait3A_185, %dma_wait3A_186] : memref<2x80x256xf32, #tpu.memory_space<vmem>> -> memref<1x80x256xf32, #tpu.memory_space<vmem>>
      %dma_wait3A_188 = tpu.memref_squeeze %dma_wait3A_187 : memref<1x80x256xf32, #tpu.memory_space<vmem>> -> memref<80x256xf32, #tpu.memory_space<vmem>>
      %dma_wait3A_189 = arith.constant 0 : i32
      %dma_wait3A_190 = tpu.memref_slice %arg7[%dma_wait3A_183, %dma_wait3A_189] : memref<2x80xi32, #tpu.memory_space<vmem>> -> memref<1x80xi32, #tpu.memory_space<vmem>>
      %dma_wait3A_191 = tpu.memref_squeeze %dma_wait3A_190 : memref<1x80xi32, #tpu.memory_space<vmem>> -> memref<80xi32, #tpu.memory_space<vmem>>
      %dma_wait3A_192 = arith.constant 0 : i32
      %dma_wait3A_193 = arith.constant 0 : i32
      %dma_wait3A_194 = tpu.memref_slice %arg2[%dma_wait3A_192, %dma_wait3A_193] : memref<10000x256xf32, #tpu.memory_space<hbm>> -> memref<10000x256xf32, #tpu.memory_space<hbm>>
      tpu.wait_indirect_dma semaphore(%arg14 : memref<!tpu.dma_semaphore, #tpu.memory_space<semaphore_mem>>) src(%dma_wait3A_194 : memref<10000x256xf32, #tpu.memory_space<hbm>>) dst(%dma_wait3A_188 : memref<80x256xf32, #tpu.memory_space<vmem>>)
      %dma_wait3A_195 = arith.constant 0 : i32
      %dma_wait3A_196 = arith.constant 0 : i32
      %dma_wait3A_197 = arith.constant 0 : i32
      %dma_wait3A_198 = arith.constant 0 : i32
      %dma_wait3A_199 = tpu.memref_slice %arg10[%dma_wait3A_196, %dma_wait3A_197, %dma_wait3A_198] : memref<2x80x256xf32, #tpu.memory_space<vmem>> -> memref<1x80x256xf32, #tpu.memory_space<vmem>>
      %dma_wait3A_200 = tpu.memref_squeeze %dma_wait3A_199 : memref<1x80x256xf32, #tpu.memory_space<vmem>> -> memref<80x256xf32, #tpu.memory_space<vmem>>
      %dma_wait3A_201 = arith.constant 0 : i32
      %dma_wait3A_202 = tpu.memref_slice %arg8[%dma_wait3A_195, %dma_wait3A_201] : memref<2x80xi32, #tpu.memory_space<vmem>> -> memref<1x80xi32, #tpu.memory_space<vmem>>
      %dma_wait3A_203 = tpu.memref_squeeze %dma_wait3A_202 : memref<1x80xi32, #tpu.memory_space<vmem>> -> memref<80xi32, #tpu.memory_space<vmem>>
      %dma_wait3A_204 = arith.constant 0 : i32
      %dma_wait3A_205 = arith.constant 0 : i32
      %dma_wait3A_206 = tpu.memref_slice %arg3[%dma_wait3A_204, %dma_wait3A_205] : memref<10000x256xf32, #tpu.memory_space<hbm>> -> memref<10000x256xf32, #tpu.memory_space<hbm>>
      tpu.wait_indirect_dma semaphore(%arg15 : memref<!tpu.dma_semaphore, #tpu.memory_space<semaphore_mem>>) src(%dma_wait3A_206 : memref<10000x256xf32, #tpu.memory_space<hbm>>) dst(%dma_wait3A_200 : memref<80x256xf32, #tpu.memory_space<vmem>>)
      %add3A_207 = arith.constant 2 : i32
      %add3A_208 = arith.addi %mul3A_178, %add3A_207 : i32
      %lt3A_209 = arith.constant 125 : i32
      %lt3A_210 = arith.cmpi slt, %add3A_208, %lt3A_209 : i32
      %convert_element_type3A_211 = arith.extui %lt3A_210 : i1 to i32
      %cond3A_212 = arith.constant 0 : i32
      %cond3A_213 = arith.cmpi ne, %convert_element_type3A_211, %cond3A_212 : i32
      scf.if %cond3A_213 {
        %add3A_303 = arith.constant 2 : i32
        %add3A_304 = arith.addi %mul3A_178, %add3A_303 : i32
        %mul3A_305 = arith.constant 80 : i32
        %mul3A_306 = arith.muli %add3A_304, %mul3A_305 : i32
        %add3A_307 = arith.addi %mul3A_2, %mul3A_306 : i32
        %dma_start3A_308 = arith.constant 0 : i32
        %dma_start3A_309 = arith.constant 0 : i32
        %dma_start3A_310 = tpu.memref_slice %arg7[%dma_start3A_308, %dma_start3A_309] : memref<2x80xi32, #tpu.memory_space<vmem>> -> memref<1x80xi32, #tpu.memory_space<vmem>>
        %dma_start3A_311 = tpu.memref_squeeze %dma_start3A_310 : memref<1x80xi32, #tpu.memory_space<vmem>> -> memref<80xi32, #tpu.memory_space<vmem>>
        %dma_start3A_312 = tpu.memref_slice %arg4[%add3A_307] : memref<320000xi32, #tpu.memory_space<hbm>> -> memref<80xi32, #tpu.memory_space<hbm>>
        %dma_start3A_313 = arith.constant 0 : i32
        %dma_start3A_314 = tpu.memref_slice %arg7[%dma_start3A_308, %dma_start3A_313] : memref<2x80xi32, #tpu.memory_space<vmem>> -> memref<1x80xi32, #tpu.memory_space<vmem>>
        %dma_start3A_315 = tpu.memref_squeeze %dma_start3A_314 : memref<1x80xi32, #tpu.memory_space<vmem>> -> memref<80xi32, #tpu.memory_space<vmem>>
        %dma_start3A_316 = tpu.memref_slice %arg4[%add3A_307] : memref<320000xi32, #tpu.memory_space<hbm>> -> memref<80xi32, #tpu.memory_space<hbm>>
        tpu.enqueue_dma source(%dma_start3A_316 : memref<80xi32, #tpu.memory_space<hbm>>) target(%dma_start3A_315 : memref<80xi32, #tpu.memory_space<vmem>>) target_semaphore(%arg12 : memref<!tpu.dma_semaphore, #tpu.memory_space<semaphore_mem>>)
        %dma_start3A_317 = arith.constant 0 : i32
        %dma_start3A_318 = arith.constant 0 : i32
        %dma_start3A_319 = tpu.memref_slice %arg8[%dma_start3A_317, %dma_start3A_318] : memref<2x80xi32, #tpu.memory_space<vmem>> -> memref<1x80xi32, #tpu.memory_space<vmem>>
        %dma_start3A_320 = tpu.memref_squeeze %dma_start3A_319 : memref<1x80xi32, #tpu.memory_space<vmem>> -> memref<80xi32, #tpu.memory_space<vmem>>
        %dma_start3A_321 = tpu.memref_slice %arg5[%add3A_307] : memref<320000xi32, #tpu.memory_space<hbm>> -> memref<80xi32, #tpu.memory_space<hbm>>
        %dma_start3A_322 = arith.constant 0 : i32
        %dma_start3A_323 = tpu.memref_slice %arg8[%dma_start3A_317, %dma_start3A_322] : memref<2x80xi32, #tpu.memory_space<vmem>> -> memref<1x80xi32, #tpu.memory_space<vmem>>
        %dma_start3A_324 = tpu.memref_squeeze %dma_start3A_323 : memref<1x80xi32, #tpu.memory_space<vmem>> -> memref<80xi32, #tpu.memory_space<vmem>>
        %dma_start3A_325 = tpu.memref_slice %arg5[%add3A_307] : memref<320000xi32, #tpu.memory_space<hbm>> -> memref<80xi32, #tpu.memory_space<hbm>>
        tpu.enqueue_dma source(%dma_start3A_325 : memref<80xi32, #tpu.memory_space<hbm>>) target(%dma_start3A_324 : memref<80xi32, #tpu.memory_space<vmem>>) target_semaphore(%arg12 : memref<!tpu.dma_semaphore, #tpu.memory_space<semaphore_mem>>)
      } else {
      }
      %ge3A = arith.constant 2 : i32
      %ge3A_214 = arith.cmpi sge, %mul3A_178, %ge3A : i32
      %convert_element_type3A_215 = arith.extui %ge3A_214 : i1 to i32
      %cond3A_216 = arith.constant 0 : i32
      %cond3A_217 = arith.cmpi ne, %convert_element_type3A_215, %cond3A_216 : i32
      scf.if %cond3A_217 {
        %sub3A = arith.constant 2 : i32
        %sub3A_303 = arith.subi %mul3A_178, %sub3A : i32
        %mul3A_304 = arith.constant 80 : i32
        %mul3A_305 = arith.muli %sub3A_303, %mul3A_304 : i32
        %add3A_306 = arith.addi %mul3A_2, %mul3A_305 : i32
        %dma_wait3A_307 = arith.constant 0 : i32
        %dma_wait3A_308 = arith.constant 0 : i32
        %dma_wait3A_309 = arith.constant 0 : i32
        %dma_wait3A_310 = tpu.memref_slice %arg11[%dma_wait3A_307, %dma_wait3A_308, %dma_wait3A_309] : memref<2x80x144xf32, #tpu.memory_space<vmem>> -> memref<1x80x144xf32, #tpu.memory_space<vmem>>
        %dma_wait3A_311 = tpu.memref_squeeze %dma_wait3A_310 : memref<1x80x144xf32, #tpu.memory_space<vmem>> -> memref<80x144xf32, #tpu.memory_space<vmem>>
        %dma_wait3A_312 = arith.constant 0 : i32
        %dma_wait3A_313 = tpu.memref_slice %arg6[%add3A_306, %dma_wait3A_312] : memref<320000x144xf32, #tpu.memory_space<hbm>> -> memref<80x144xf32, #tpu.memory_space<hbm>>
        %dma_wait3A_314 = arith.constant 0 : i32
        %dma_wait3A_315 = tpu.memref_slice %arg6[%add3A_306, %dma_wait3A_314] : memref<320000x144xf32, #tpu.memory_space<hbm>> -> memref<80x144xf32, #tpu.memory_space<hbm>>
        %dma_wait3A_316 = arith.constant 0 : i32
        %dma_wait3A_317 = arith.constant 0 : i32
        %dma_wait3A_318 = tpu.memref_slice %arg11[%dma_wait3A_307, %dma_wait3A_316, %dma_wait3A_317] : memref<2x80x144xf32, #tpu.memory_space<vmem>> -> memref<1x80x144xf32, #tpu.memory_space<vmem>>
        %dma_wait3A_319 = tpu.memref_squeeze %dma_wait3A_318 : memref<1x80x144xf32, #tpu.memory_space<vmem>> -> memref<80x144xf32, #tpu.memory_space<vmem>>
        tpu.wait_dma2 semaphore(%arg18 : memref<!tpu.dma_semaphore, #tpu.memory_space<semaphore_mem>>) src(%dma_wait3A_319 : memref<80x144xf32, #tpu.memory_space<vmem>>) dst(%dma_wait3A_315 : memref<80x144xf32, #tpu.memory_space<hbm>>)
      } else {
      }
      %parallel_loop3A_218 = arith.constant 0 : i32
      %parallel_loop3A_219 = arith.constant 80 : i32
      %parallel_loop3A_220 = arith.constant 1 : i32
      scf.for %parallel_loop3A_303 = %parallel_loop3A_218 to %parallel_loop3A_219 step %parallel_loop3A_220  : i32 {
        %parallel_loop3A_304 = arith.constant 0 : i32
        %parallel_loop3A_305 = arith.index_cast %parallel_loop3A_304 : i32 to index
        %parallel_loop3A_306 = arith.index_cast %parallel_loop3A_303 : i32 to index
        %parallel_loop3A_307 = arith.constant 0 : index
        %parallel_loop3A_308 = tpu.vector_load %arg9[%parallel_loop3A_305, %parallel_loop3A_306, %parallel_loop3A_307] {strides = array<i32>} : memref<2x80x256xf32, #tpu.memory_space<vmem>>, vector<1x1x16xf32>,
        %parallel_loop3A_309 = vector.shape_cast %parallel_loop3A_308 : vector<1x1x16xf32> to vector<16xf32>
        %parallel_loop3A_310 = arith.constant 0 : i32
        %parallel_loop3A_311 = arith.index_cast %parallel_loop3A_310 : i32 to index
        %parallel_loop3A_312 = arith.index_cast %parallel_loop3A_303 : i32 to index
        %parallel_loop3A_313 = arith.constant 0 : index
        %parallel_loop3A_314 = tpu.vector_load %arg10[%parallel_loop3A_311, %parallel_loop3A_312, %parallel_loop3A_313] {strides = array<i32>} : memref<2x80x256xf32, #tpu.memory_space<vmem>>, vector<1x1x16xf32>,
        %parallel_loop3A_315 = vector.shape_cast %parallel_loop3A_314 : vector<1x1x16xf32> to vector<16xf32>
        %parallel_loop3A_316 = arith.addf %parallel_loop3A_309, %parallel_loop3A_315 : vector<16xf32>
        %parallel_loop3A_317 = arith.constant 0 : i32
        %parallel_loop3A_318 = arith.index_cast %parallel_loop3A_317 : i32 to index
        %parallel_loop3A_319 = arith.index_cast %parallel_loop3A_303 : i32 to index
        %parallel_loop3A_320 = arith.constant 0 : index
        %parallel_loop3A_321 = tpu.vector_load %arg11[%parallel_loop3A_318, %parallel_loop3A_319, %parallel_loop3A_320] {strides = array<i32>} : memref<2x80x144xf32, #tpu.memory_space<vmem>>, vector<1x1x16xf32>,
        %parallel_loop3A_322 = vector.shape_cast %parallel_loop3A_321 : vector<1x1x16xf32> to vector<16xf32>
        %parallel_loop3A_323 = vector.shape_cast %parallel_loop3A_316 : vector<16xf32> to vector<1x1x16xf32>
        tpu.vector_store %arg11[%parallel_loop3A_318, %parallel_loop3A_319, %parallel_loop3A_320], %parallel_loop3A_323 {strides = array<i32>} : memref<2x80x144xf32, #tpu.memory_space<vmem>>, vector<1x1x16xf32>,
        %parallel_loop3A_324 = arith.constant 0 : i32
        %parallel_loop3A_325 = arith.index_cast %parallel_loop3A_324 : i32 to index
        %parallel_loop3A_326 = arith.index_cast %parallel_loop3A_303 : i32 to index
        %parallel_loop3A_327 = arith.constant 16 : index
        %parallel_loop3A_328 = tpu.vector_load %arg9[%parallel_loop3A_325, %parallel_loop3A_326, %parallel_loop3A_327] {strides = array<i32>} : memref<2x80x256xf32, #tpu.memory_space<vmem>>, vector<1x1x16xf32>,
        %parallel_loop3A_329 = vector.shape_cast %parallel_loop3A_328 : vector<1x1x16xf32> to vector<16xf32>
        %parallel_loop3A_330 = arith.constant 0 : i32
        %parallel_loop3A_331 = arith.index_cast %parallel_loop3A_330 : i32 to index
        %parallel_loop3A_332 = arith.index_cast %parallel_loop3A_303 : i32 to index
        %parallel_loop3A_333 = arith.constant 16 : index
        %parallel_loop3A_334 = tpu.vector_load %arg10[%parallel_loop3A_331, %parallel_loop3A_332, %parallel_loop3A_333] {strides = array<i32>} : memref<2x80x256xf32, #tpu.memory_space<vmem>>, vector<1x1x16xf32>,
        %parallel_loop3A_335 = vector.shape_cast %parallel_loop3A_334 : vector<1x1x16xf32> to vector<16xf32>
        %parallel_loop3A_336 = arith.addf %parallel_loop3A_329, %parallel_loop3A_335 : vector<16xf32>
        %parallel_loop3A_337 = arith.constant 0 : i32
        %parallel_loop3A_338 = arith.index_cast %parallel_loop3A_337 : i32 to index
        %parallel_loop3A_339 = arith.index_cast %parallel_loop3A_303 : i32 to index
        %parallel_loop3A_340 = arith.constant 16 : index
        %parallel_loop3A_341 = tpu.vector_load %arg11[%parallel_loop3A_338, %parallel_loop3A_339, %parallel_loop3A_340] {strides = array<i32>} : memref<2x80x144xf32, #tpu.memory_space<vmem>>, vector<1x1x16xf32>,
        %parallel_loop3A_342 = vector.shape_cast %parallel_loop3A_341 : vector<1x1x16xf32> to vector<16xf32>
        %parallel_loop3A_343 = vector.shape_cast %parallel_loop3A_336 : vector<16xf32> to vector<1x1x16xf32>
        tpu.vector_store %arg11[%parallel_loop3A_338, %parallel_loop3A_339, %parallel_loop3A_340], %parallel_loop3A_343 {strides = array<i32>} : memref<2x80x144xf32, #tpu.memory_space<vmem>>, vector<1x1x16xf32>,
        %parallel_loop3A_344 = arith.constant 0 : i32
        %parallel_loop3A_345 = arith.index_cast %parallel_loop3A_344 : i32 to index
        %parallel_loop3A_346 = arith.index_cast %parallel_loop3A_303 : i32 to index
        %parallel_loop3A_347 = arith.constant 32 : index
        %parallel_loop3A_348 = tpu.vector_load %arg9[%parallel_loop3A_345, %parallel_loop3A_346, %parallel_loop3A_347] {strides = array<i32>} : memref<2x80x256xf32, #tpu.memory_space<vmem>>, vector<1x1x16xf32>,
        %parallel_loop3A_349 = vector.shape_cast %parallel_loop3A_348 : vector<1x1x16xf32> to vector<16xf32>
        %parallel_loop3A_350 = arith.constant 0 : i32
        %parallel_loop3A_351 = arith.index_cast %parallel_loop3A_350 : i32 to index
        %parallel_loop3A_352 = arith.index_cast %parallel_loop3A_303 : i32 to index
        %parallel_loop3A_353 = arith.constant 32 : index
        %parallel_loop3A_354 = tpu.vector_load %arg10[%parallel_loop3A_351, %parallel_loop3A_352, %parallel_loop3A_353] {strides = array<i32>} : memref<2x80x256xf32, #tpu.memory_space<vmem>>, vector<1x1x16xf32>,
        %parallel_loop3A_355 = vector.shape_cast %parallel_loop3A_354 : vector<1x1x16xf32> to vector<16xf32>
        %parallel_loop3A_356 = arith.addf %parallel_loop3A_349, %parallel_loop3A_355 : vector<16xf32>
        %parallel_loop3A_357 = arith.constant 0 : i32
        %parallel_loop3A_358 = arith.index_cast %parallel_loop3A_357 : i32 to index
        %parallel_loop3A_359 = arith.index_cast %parallel_loop3A_303 : i32 to index
        %parallel_loop3A_360 = arith.constant 32 : index
        %parallel_loop3A_361 = tpu.vector_load %arg11[%parallel_loop3A_358, %parallel_loop3A_359, %parallel_loop3A_360] {strides = array<i32>} : memref<2x80x144xf32, #tpu.memory_space<vmem>>, vector<1x1x16xf32>,
        %parallel_loop3A_362 = vector.shape_cast %parallel_loop3A_361 : vector<1x1x16xf32> to vector<16xf32>
        %parallel_loop3A_363 = vector.shape_cast %parallel_loop3A_356 : vector<16xf32> to vector<1x1x16xf32>
        tpu.vector_store %arg11[%parallel_loop3A_358, %parallel_loop3A_359, %parallel_loop3A_360], %parallel_loop3A_363 {strides = array<i32>} : memref<2x80x144xf32, #tpu.memory_space<vmem>>, vector<1x1x16xf32>,
        %parallel_loop3A_364 = arith.constant 0 : i32
        %parallel_loop3A_365 = arith.index_cast %parallel_loop3A_364 : i32 to index
        %parallel_loop3A_366 = arith.index_cast %parallel_loop3A_303 : i32 to index
        %parallel_loop3A_367 = arith.constant 48 : index
        %parallel_loop3A_368 = tpu.vector_load %arg9[%parallel_loop3A_365, %parallel_loop3A_366, %parallel_loop3A_367] {strides = array<i32>} : memref<2x80x256xf32, #tpu.memory_space<vmem>>, vector<1x1x16xf32>,
        %parallel_loop3A_369 = vector.shape_cast %parallel_loop3A_368 : vector<1x1x16xf32> to vector<16xf32>
        %parallel_loop3A_370 = arith.constant 0 : i32
        %parallel_loop3A_371 = arith.index_cast %parallel_loop3A_370 : i32 to index
        %parallel_loop3A_372 = arith.index_cast %parallel_loop3A_303 : i32 to index
        %parallel_loop3A_373 = arith.constant 48 : index
        %parallel_loop3A_374 = tpu.vector_load %arg10[%parallel_loop3A_371, %parallel_loop3A_372, %parallel_loop3A_373] {strides = array<i32>} : memref<2x80x256xf32, #tpu.memory_space<vmem>>, vector<1x1x16xf32>,
        %parallel_loop3A_375 = vector.shape_cast %parallel_loop3A_374 : vector<1x1x16xf32> to vector<16xf32>
        %parallel_loop3A_376 = arith.addf %parallel_loop3A_369, %parallel_loop3A_375 : vector<16xf32>
        %parallel_loop3A_377 = arith.constant 0 : i32
        %parallel_loop3A_378 = arith.index_cast %parallel_loop3A_377 : i32 to index
        %parallel_loop3A_379 = arith.index_cast %parallel_loop3A_303 : i32 to index
        %parallel_loop3A_380 = arith.constant 48 : index
        %parallel_loop3A_381 = tpu.vector_load %arg11[%parallel_loop3A_378, %parallel_loop3A_379, %parallel_loop3A_380] {strides = array<i32>} : memref<2x80x144xf32, #tpu.memory_space<vmem>>, vector<1x1x16xf32>,
        %parallel_loop3A_382 = vector.shape_cast %parallel_loop3A_381 : vector<1x1x16xf32> to vector<16xf32>
        %parallel_loop3A_383 = vector.shape_cast %parallel_loop3A_376 : vector<16xf32> to vector<1x1x16xf32>
        tpu.vector_store %arg11[%parallel_loop3A_378, %parallel_loop3A_379, %parallel_loop3A_380], %parallel_loop3A_383 {strides = array<i32>} : memref<2x80x144xf32, #tpu.memory_space<vmem>>, vector<1x1x16xf32>,
        %parallel_loop3A_384 = arith.constant 0 : i32
        %parallel_loop3A_385 = arith.index_cast %parallel_loop3A_384 : i32 to index
        %parallel_loop3A_386 = arith.index_cast %parallel_loop3A_303 : i32 to index
        %parallel_loop3A_387 = arith.constant 64 : index
        %parallel_loop3A_388 = tpu.vector_load %arg9[%parallel_loop3A_385, %parallel_loop3A_386, %parallel_loop3A_387] {strides = array<i32>} : memref<2x80x256xf32, #tpu.memory_space<vmem>>, vector<1x1x16xf32>,
        %parallel_loop3A_389 = vector.shape_cast %parallel_loop3A_388 : vector<1x1x16xf32> to vector<16xf32>
        %parallel_loop3A_390 = arith.constant 0 : i32
        %parallel_loop3A_391 = arith.index_cast %parallel_loop3A_390 : i32 to index
        %parallel_loop3A_392 = arith.index_cast %parallel_loop3A_303 : i32 to index
        %parallel_loop3A_393 = arith.constant 64 : index
        %parallel_loop3A_394 = tpu.vector_load %arg10[%parallel_loop3A_391, %parallel_loop3A_392, %parallel_loop3A_393] {strides = array<i32>} : memref<2x80x256xf32, #tpu.memory_space<vmem>>, vector<1x1x16xf32>,
        %parallel_loop3A_395 = vector.shape_cast %parallel_loop3A_394 : vector<1x1x16xf32> to vector<16xf32>
        %parallel_loop3A_396 = arith.addf %parallel_loop3A_389, %parallel_loop3A_395 : vector<16xf32>
        %parallel_loop3A_397 = arith.constant 0 : i32
        %parallel_loop3A_398 = arith.index_cast %parallel_loop3A_397 : i32 to index
        %parallel_loop3A_399 = arith.index_cast %parallel_loop3A_303 : i32 to index
        %parallel_loop3A_400 = arith.constant 64 : index
        %parallel_loop3A_401 = tpu.vector_load %arg11[%parallel_loop3A_398, %parallel_loop3A_399, %parallel_loop3A_400] {strides = array<i32>} : memref<2x80x144xf32, #tpu.memory_space<vmem>>, vector<1x1x16xf32>,
        %parallel_loop3A_402 = vector.shape_cast %parallel_loop3A_401 : vector<1x1x16xf32> to vector<16xf32>
        %parallel_loop3A_403 = vector.shape_cast %parallel_loop3A_396 : vector<16xf32> to vector<1x1x16xf32>
        tpu.vector_store %arg11[%parallel_loop3A_398, %parallel_loop3A_399, %parallel_loop3A_400], %parallel_loop3A_403 {strides = array<i32>} : memref<2x80x144xf32, #tpu.memory_space<vmem>>, vector<1x1x16xf32>,
        %parallel_loop3A_404 = arith.constant 0 : i32
        %parallel_loop3A_405 = arith.index_cast %parallel_loop3A_404 : i32 to index
        %parallel_loop3A_406 = arith.index_cast %parallel_loop3A_303 : i32 to index
        %parallel_loop3A_407 = arith.constant 80 : index
        %parallel_loop3A_408 = tpu.vector_load %arg9[%parallel_loop3A_405, %parallel_loop3A_406, %parallel_loop3A_407] {strides = array<i32>} : memref<2x80x256xf32, #tpu.memory_space<vmem>>, vector<1x1x16xf32>,
        %parallel_loop3A_409 = vector.shape_cast %parallel_loop3A_408 : vector<1x1x16xf32> to vector<16xf32>
        %parallel_loop3A_410 = arith.constant 0 : i32
        %parallel_loop3A_411 = arith.index_cast %parallel_loop3A_410 : i32 to index
        %parallel_loop3A_412 = arith.index_cast %parallel_loop3A_303 : i32 to index
        %parallel_loop3A_413 = arith.constant 80 : index
        %parallel_loop3A_414 = tpu.vector_load %arg10[%parallel_loop3A_411, %parallel_loop3A_412, %parallel_loop3A_413] {strides = array<i32>} : memref<2x80x256xf32, #tpu.memory_space<vmem>>, vector<1x1x16xf32>,
        %parallel_loop3A_415 = vector.shape_cast %parallel_loop3A_414 : vector<1x1x16xf32> to vector<16xf32>
        %parallel_loop3A_416 = arith.addf %parallel_loop3A_409, %parallel_loop3A_415 : vector<16xf32>
        %parallel_loop3A_417 = arith.constant 0 : i32
        %parallel_loop3A_418 = arith.index_cast %parallel_loop3A_417 : i32 to index
        %parallel_loop3A_419 = arith.index_cast %parallel_loop3A_303 : i32 to index
        %parallel_loop3A_420 = arith.constant 80 : index
        %parallel_loop3A_421 = tpu.vector_load %arg11[%parallel_loop3A_418, %parallel_loop3A_419, %parallel_loop3A_420] {strides = array<i32>} : memref<2x80x144xf32, #tpu.memory_space<vmem>>, vector<1x1x16xf32>,
        %parallel_loop3A_422 = vector.shape_cast %parallel_loop3A_421 : vector<1x1x16xf32> to vector<16xf32>
        %parallel_loop3A_423 = vector.shape_cast %parallel_loop3A_416 : vector<16xf32> to vector<1x1x16xf32>
        tpu.vector_store %arg11[%parallel_loop3A_418, %parallel_loop3A_419, %parallel_loop3A_420], %parallel_loop3A_423 {strides = array<i32>} : memref<2x80x144xf32, #tpu.memory_space<vmem>>, vector<1x1x16xf32>,
        %parallel_loop3A_424 = arith.constant 0 : i32
        %parallel_loop3A_425 = arith.index_cast %parallel_loop3A_424 : i32 to index
        %parallel_loop3A_426 = arith.index_cast %parallel_loop3A_303 : i32 to index
        %parallel_loop3A_427 = arith.constant 96 : index
        %parallel_loop3A_428 = tpu.vector_load %arg9[%parallel_loop3A_425, %parallel_loop3A_426, %parallel_loop3A_427] {strides = array<i32>} : memref<2x80x256xf32, #tpu.memory_space<vmem>>, vector<1x1x16xf32>,
        %parallel_loop3A_429 = vector.shape_cast %parallel_loop3A_428 : vector<1x1x16xf32> to vector<16xf32>
        %parallel_loop3A_430 = arith.constant 0 : i32
        %parallel_loop3A_431 = arith.index_cast %parallel_loop3A_430 : i32 to index
        %parallel_loop3A_432 = arith.index_cast %parallel_loop3A_303 : i32 to index
        %parallel_loop3A_433 = arith.constant 96 : index
        %parallel_loop3A_434 = tpu.vector_load %arg10[%parallel_loop3A_431, %parallel_loop3A_432, %parallel_loop3A_433] {strides = array<i32>} : memref<2x80x256xf32, #tpu.memory_space<vmem>>, vector<1x1x16xf32>,
        %parallel_loop3A_435 = vector.shape_cast %parallel_loop3A_434 : vector<1x1x16xf32> to vector<16xf32>
        %parallel_loop3A_436 = arith.addf %parallel_loop3A_429, %parallel_loop3A_435 : vector<16xf32>
        %parallel_loop3A_437 = arith.constant 0 : i32
        %parallel_loop3A_438 = arith.index_cast %parallel_loop3A_437 : i32 to index
        %parallel_loop3A_439 = arith.index_cast %parallel_loop3A_303 : i32 to index
        %parallel_loop3A_440 = arith.constant 96 : index
        %parallel_loop3A_441 = tpu.vector_load %arg11[%parallel_loop3A_438, %parallel_loop3A_439, %parallel_loop3A_440] {strides = array<i32>} : memref<2x80x144xf32, #tpu.memory_space<vmem>>, vector<1x1x16xf32>,
        %parallel_loop3A_442 = vector.shape_cast %parallel_loop3A_441 : vector<1x1x16xf32> to vector<16xf32>
        %parallel_loop3A_443 = vector.shape_cast %parallel_loop3A_436 : vector<16xf32> to vector<1x1x16xf32>
        tpu.vector_store %arg11[%parallel_loop3A_438, %parallel_loop3A_439, %parallel_loop3A_440], %parallel_loop3A_443 {strides = array<i32>} : memref<2x80x144xf32, #tpu.memory_space<vmem>>, vector<1x1x16xf32>,
        %parallel_loop3A_444 = arith.constant 0 : i32
        %parallel_loop3A_445 = arith.index_cast %parallel_loop3A_444 : i32 to index
        %parallel_loop3A_446 = arith.index_cast %parallel_loop3A_303 : i32 to index
        %parallel_loop3A_447 = arith.constant 112 : index
        %parallel_loop3A_448 = tpu.vector_load %arg9[%parallel_loop3A_445, %parallel_loop3A_446, %parallel_loop3A_447] {strides = array<i32>} : memref<2x80x256xf32, #tpu.memory_space<vmem>>, vector<1x1x16xf32>,
        %parallel_loop3A_449 = vector.shape_cast %parallel_loop3A_448 : vector<1x1x16xf32> to vector<16xf32>
        %parallel_loop3A_450 = arith.constant 0 : i32
        %parallel_loop3A_451 = arith.index_cast %parallel_loop3A_450 : i32 to index
        %parallel_loop3A_452 = arith.index_cast %parallel_loop3A_303 : i32 to index
        %parallel_loop3A_453 = arith.constant 112 : index
        %parallel_loop3A_454 = tpu.vector_load %arg10[%parallel_loop3A_451, %parallel_loop3A_452, %parallel_loop3A_453] {strides = array<i32>} : memref<2x80x256xf32, #tpu.memory_space<vmem>>, vector<1x1x16xf32>,
        %parallel_loop3A_455 = vector.shape_cast %parallel_loop3A_454 : vector<1x1x16xf32> to vector<16xf32>
        %parallel_loop3A_456 = arith.addf %parallel_loop3A_449, %parallel_loop3A_455 : vector<16xf32>
        %parallel_loop3A_457 = arith.constant 0 : i32
        %parallel_loop3A_458 = arith.index_cast %parallel_loop3A_457 : i32 to index
        %parallel_loop3A_459 = arith.index_cast %parallel_loop3A_303 : i32 to index
        %parallel_loop3A_460 = arith.constant 112 : index
        %parallel_loop3A_461 = tpu.vector_load %arg11[%parallel_loop3A_458, %parallel_loop3A_459, %parallel_loop3A_460] {strides = array<i32>} : memref<2x80x144xf32, #tpu.memory_space<vmem>>, vector<1x1x16xf32>,
        %parallel_loop3A_462 = vector.shape_cast %parallel_loop3A_461 : vector<1x1x16xf32> to vector<16xf32>
        %parallel_loop3A_463 = vector.shape_cast %parallel_loop3A_456 : vector<16xf32> to vector<1x1x16xf32>
        tpu.vector_store %arg11[%parallel_loop3A_458, %parallel_loop3A_459, %parallel_loop3A_460], %parallel_loop3A_463 {strides = array<i32>} : memref<2x80x144xf32, #tpu.memory_space<vmem>>, vector<1x1x16xf32>,
        %parallel_loop3A_464 = arith.constant 0 : i32
        %parallel_loop3A_465 = arith.index_cast %parallel_loop3A_464 : i32 to index
        %parallel_loop3A_466 = arith.index_cast %parallel_loop3A_303 : i32 to index
        %parallel_loop3A_467 = arith.constant 128 : index
        %parallel_loop3A_468 = tpu.vector_load %arg9[%parallel_loop3A_465, %parallel_loop3A_466, %parallel_loop3A_467] {strides = array<i32>} : memref<2x80x256xf32, #tpu.memory_space<vmem>>, vector<1x1x16xf32>,
        %parallel_loop3A_469 = vector.shape_cast %parallel_loop3A_468 : vector<1x1x16xf32> to vector<16xf32>
        %parallel_loop3A_470 = arith.constant 0 : i32
        %parallel_loop3A_471 = arith.index_cast %parallel_loop3A_470 : i32 to index
        %parallel_loop3A_472 = arith.index_cast %parallel_loop3A_303 : i32 to index
        %parallel_loop3A_473 = arith.constant 128 : index
        %parallel_loop3A_474 = tpu.vector_load %arg10[%parallel_loop3A_471, %parallel_loop3A_472, %parallel_loop3A_473] {strides = array<i32>} : memref<2x80x256xf32, #tpu.memory_space<vmem>>, vector<1x1x16xf32>,
        %parallel_loop3A_475 = vector.shape_cast %parallel_loop3A_474 : vector<1x1x16xf32> to vector<16xf32>
        %parallel_loop3A_476 = arith.addf %parallel_loop3A_469, %parallel_loop3A_475 : vector<16xf32>
        %parallel_loop3A_477 = arith.constant 0 : i32
        %parallel_loop3A_478 = arith.index_cast %parallel_loop3A_477 : i32 to index
        %parallel_loop3A_479 = arith.index_cast %parallel_loop3A_303 : i32 to index
        %parallel_loop3A_480 = arith.constant 128 : index
        %parallel_loop3A_481 = tpu.vector_load %arg11[%parallel_loop3A_478, %parallel_loop3A_479, %parallel_loop3A_480] {strides = array<i32>} : memref<2x80x144xf32, #tpu.memory_space<vmem>>, vector<1x1x16xf32>,
        %parallel_loop3A_482 = vector.shape_cast %parallel_loop3A_481 : vector<1x1x16xf32> to vector<16xf32>
        %parallel_loop3A_483 = vector.shape_cast %parallel_loop3A_476 : vector<16xf32> to vector<1x1x16xf32>
        tpu.vector_store %arg11[%parallel_loop3A_478, %parallel_loop3A_479, %parallel_loop3A_480], %parallel_loop3A_483 {strides = array<i32>} : memref<2x80x144xf32, #tpu.memory_space<vmem>>, vector<1x1x16xf32>,
      } {sc.loop_unroll_factor = 4 : i64, sc.parallel_access}
      %mul3A_221 = arith.constant 80 : i32
      %mul3A_222 = arith.muli %mul3A_178, %mul3A_221 : i32
      %add3A_223 = arith.addi %mul3A_2, %mul3A_222 : i32
      %dma_start3A_224 = arith.constant 0 : i32
      %dma_start3A_225 = arith.constant 0 : i32
      %dma_start3A_226 = arith.constant 0 : i32
      %dma_start3A_227 = tpu.memref_slice %arg11[%dma_start3A_224, %dma_start3A_225, %dma_start3A_226] : memref<2x80x144xf32, #tpu.memory_space<vmem>> -> memref<1x80x144xf32, #tpu.memory_space<vmem>>
      %dma_start3A_228 = tpu.memref_squeeze %dma_start3A_227 : memref<1x80x144xf32, #tpu.memory_space<vmem>> -> memref<80x144xf32, #tpu.memory_space<vmem>>
      %dma_start3A_229 = arith.constant 0 : i32
      %dma_start3A_230 = tpu.memref_slice %arg6[%add3A_223, %dma_start3A_229] : memref<320000x144xf32, #tpu.memory_space<hbm>> -> memref<80x144xf32, #tpu.memory_space<hbm>>
      %dma_start3A_231 = arith.constant 0 : i32
      %dma_start3A_232 = tpu.memref_slice %arg6[%add3A_223, %dma_start3A_231] : memref<320000x144xf32, #tpu.memory_space<hbm>> -> memref<80x144xf32, #tpu.memory_space<hbm>>
      %dma_start3A_233 = arith.constant 0 : i32
      %dma_start3A_234 = arith.constant 0 : i32
      %dma_start3A_235 = tpu.memref_slice %arg11[%dma_start3A_224, %dma_start3A_233, %dma_start3A_234] : memref<2x80x144xf32, #tpu.memory_space<vmem>> -> memref<1x80x144xf32, #tpu.memory_space<vmem>>
      %dma_start3A_236 = tpu.memref_squeeze %dma_start3A_235 : memref<1x80x144xf32, #tpu.memory_space<vmem>> -> memref<80x144xf32, #tpu.memory_space<vmem>>
      tpu.enqueue_dma source(%dma_start3A_236 : memref<80x144xf32, #tpu.memory_space<vmem>>) target(%dma_start3A_232 : memref<80x144xf32, #tpu.memory_space<hbm>>) target_semaphore(%arg18 : memref<!tpu.dma_semaphore, #tpu.memory_space<semaphore_mem>>)
      %mul3A_237 = arith.constant 2 : i32
      %mul3A_238 = arith.muli %mul3A_237, %scan3A_176 : i32
      %add3A_239 = arith.constant 1 : i32
      %add3A_240 = arith.addi %mul3A_238, %add3A_239 : i32
      %add3A_241 = arith.constant 1 : i32
      %add3A_242 = arith.addi %add3A_240, %add3A_241 : i32
      %lt3A_243 = arith.constant 125 : i32
      %lt3A_244 = arith.cmpi slt, %add3A_242, %lt3A_243 : i32
      %convert_element_type3A_245 = arith.extui %lt3A_244 : i1 to i32
      %cond3A_246 = arith.constant 0 : i32
      %cond3A_247 = arith.cmpi ne, %convert_element_type3A_245, %cond3A_246 : i32
      scf.if %cond3A_247 {
        %add3A_303 = arith.constant 1 : i32
        %add3A_304 = arith.addi %add3A_240, %add3A_303 : i32
        %mul3A_305 = arith.constant 80 : i32
        %mul3A_306 = arith.muli %add3A_304, %mul3A_305 : i32
        %add3A_307 = arith.addi %mul3A_2, %mul3A_306 : i32
        %dma_wait3A_308 = arith.constant 0 : i32
        %dma_wait3A_309 = arith.constant 0 : i32
        %dma_wait3A_310 = tpu.memref_slice %arg7[%dma_wait3A_308, %dma_wait3A_309] : memref<2x80xi32, #tpu.memory_space<vmem>> -> memref<1x80xi32, #tpu.memory_space<vmem>>
        %dma_wait3A_311 = tpu.memref_squeeze %dma_wait3A_310 : memref<1x80xi32, #tpu.memory_space<vmem>> -> memref<80xi32, #tpu.memory_space<vmem>>
        %dma_wait3A_312 = tpu.memref_slice %arg4[%add3A_307] : memref<320000xi32, #tpu.memory_space<hbm>> -> memref<80xi32, #tpu.memory_space<hbm>>
        %dma_wait3A_313 = arith.constant 0 : i32
        %dma_wait3A_314 = tpu.memref_slice %arg7[%dma_wait3A_308, %dma_wait3A_313] : memref<2x80xi32, #tpu.memory_space<vmem>> -> memref<1x80xi32, #tpu.memory_space<vmem>>
        %dma_wait3A_315 = tpu.memref_squeeze %dma_wait3A_314 : memref<1x80xi32, #tpu.memory_space<vmem>> -> memref<80xi32, #tpu.memory_space<vmem>>
        %dma_wait3A_316 = tpu.memref_slice %arg4[%add3A_307] : memref<320000xi32, #tpu.memory_space<hbm>> -> memref<80xi32, #tpu.memory_space<hbm>>
        tpu.wait_dma2 semaphore(%arg12 : memref<!tpu.dma_semaphore, #tpu.memory_space<semaphore_mem>>) src(%dma_wait3A_316 : memref<80xi32, #tpu.memory_space<hbm>>) dst(%dma_wait3A_315 : memref<80xi32, #tpu.memory_space<vmem>>)
        %dma_wait3A_317 = arith.constant 0 : i32
        %dma_wait3A_318 = arith.constant 0 : i32
        %dma_wait3A_319 = tpu.memref_slice %arg8[%dma_wait3A_317, %dma_wait3A_318] : memref<2x80xi32, #tpu.memory_space<vmem>> -> memref<1x80xi32, #tpu.memory_space<vmem>>
        %dma_wait3A_320 = tpu.memref_squeeze %dma_wait3A_319 : memref<1x80xi32, #tpu.memory_space<vmem>> -> memref<80xi32, #tpu.memory_space<vmem>>
        %dma_wait3A_321 = tpu.memref_slice %arg5[%add3A_307] : memref<320000xi32, #tpu.memory_space<hbm>> -> memref<80xi32, #tpu.memory_space<hbm>>
        %dma_wait3A_322 = arith.constant 0 : i32
        %dma_wait3A_323 = tpu.memref_slice %arg8[%dma_wait3A_317, %dma_wait3A_322] : memref<2x80xi32, #tpu.memory_space<vmem>> -> memref<1x80xi32, #tpu.memory_space<vmem>>
        %dma_wait3A_324 = tpu.memref_squeeze %dma_wait3A_323 : memref<1x80xi32, #tpu.memory_space<vmem>> -> memref<80xi32, #tpu.memory_space<vmem>>
        %dma_wait3A_325 = tpu.memref_slice %arg5[%add3A_307] : memref<320000xi32, #tpu.memory_space<hbm>> -> memref<80xi32, #tpu.memory_space<hbm>>
        tpu.wait_dma2 semaphore(%arg12 : memref<!tpu.dma_semaphore, #tpu.memory_space<semaphore_mem>>) src(%dma_wait3A_325 : memref<80xi32, #tpu.memory_space<hbm>>) dst(%dma_wait3A_324 : memref<80xi32, #tpu.memory_space<vmem>>)
        %dma_start3A_326 = arith.constant 0 : i32
        %dma_start3A_327 = arith.constant 0 : i32
        %dma_start3A_328 = arith.constant 0 : i32
        %dma_start3A_329 = arith.constant 0 : i32
        %dma_start3A_330 = tpu.memref_slice %arg9[%dma_start3A_327, %dma_start3A_328, %dma_start3A_329] : memref<2x80x256xf32, #tpu.memory_space<vmem>> -> memref<1x80x256xf32, #tpu.memory_space<vmem>>
        %dma_start3A_331 = tpu.memref_squeeze %dma_start3A_330 : memref<1x80x256xf32, #tpu.memory_space<vmem>> -> memref<80x256xf32, #tpu.memory_space<vmem>>
        %dma_start3A_332 = arith.constant 0 : i32
        %dma_start3A_333 = tpu.memref_slice %arg7[%dma_start3A_326, %dma_start3A_332] : memref<2x80xi32, #tpu.memory_space<vmem>> -> memref<1x80xi32, #tpu.memory_space<vmem>>
        %dma_start3A_334 = tpu.memref_squeeze %dma_start3A_333 : memref<1x80xi32, #tpu.memory_space<vmem>> -> memref<80xi32, #tpu.memory_space<vmem>>
        %dma_start3A_335 = arith.constant 0 : i32
        %dma_start3A_336 = arith.constant 0 : i32
        %dma_start3A_337 = tpu.memref_slice %arg2[%dma_start3A_335, %dma_start3A_336] : memref<10000x256xf32, #tpu.memory_space<hbm>> -> memref<10000x256xf32, #tpu.memory_space<hbm>>
        tpu.enqueue_indirect_dma source(%dma_start3A_337 : memref<10000x256xf32, #tpu.memory_space<hbm>>) target(%dma_start3A_331 : memref<80x256xf32, #tpu.memory_space<vmem>>) offsets(%dma_start3A_334 : memref<80xi32, #tpu.memory_space<vmem>>) semaphore(%arg14 : memref<!tpu.dma_semaphore, #tpu.memory_space<semaphore_mem>>)
        %dma_start3A_338 = arith.constant 0 : i32
        %dma_start3A_339 = arith.constant 0 : i32
        %dma_start3A_340 = arith.constant 0 : i32
        %dma_start3A_341 = arith.constant 0 : i32
        %dma_start3A_342 = tpu.memref_slice %arg10[%dma_start3A_339, %dma_start3A_340, %dma_start3A_341] : memref<2x80x256xf32, #tpu.memory_space<vmem>> -> memref<1x80x256xf32, #tpu.memory_space<vmem>>
        %dma_start3A_343 = tpu.memref_squeeze %dma_start3A_342 : memref<1x80x256xf32, #tpu.memory_space<vmem>> -> memref<80x256xf32, #tpu.memory_space<vmem>>
        %dma_start3A_344 = arith.constant 0 : i32
        %dma_start3A_345 = tpu.memref_slice %arg8[%dma_start3A_338, %dma_start3A_344] : memref<2x80xi32, #tpu.memory_space<vmem>> -> memref<1x80xi32, #tpu.memory_space<vmem>>
        %dma_start3A_346 = tpu.memref_squeeze %dma_start3A_345 : memref<1x80xi32, #tpu.memory_space<vmem>> -> memref<80xi32, #tpu.memory_space<vmem>>
        %dma_start3A_347 = arith.constant 0 : i32
        %dma_start3A_348 = arith.constant 0 : i32
        %dma_start3A_349 = tpu.memref_slice %arg3[%dma_start3A_347, %dma_start3A_348] : memref<10000x256xf32, #tpu.memory_space<hbm>> -> memref<10000x256xf32, #tpu.memory_space<hbm>>
        tpu.enqueue_indirect_dma source(%dma_start3A_349 : memref<10000x256xf32, #tpu.memory_space<hbm>>) target(%dma_start3A_343 : memref<80x256xf32, #tpu.memory_space<vmem>>) offsets(%dma_start3A_346 : memref<80xi32, #tpu.memory_space<vmem>>) semaphore(%arg15 : memref<!tpu.dma_semaphore, #tpu.memory_space<semaphore_mem>>)
      } else {
      }
      %dma_wait3A_248 = arith.constant 1 : i32
      %dma_wait3A_249 = arith.constant 1 : i32
      %dma_wait3A_250 = arith.constant 0 : i32
      %dma_wait3A_251 = arith.constant 0 : i32
      %dma_wait3A_252 = tpu.memref_slice %arg9[%dma_wait3A_249, %dma_wait3A_250, %dma_wait3A_251] : memref<2x80x256xf32, #tpu.memory_space<vmem>> -> memref<1x80x256xf32, #tpu.memory_space<vmem>>
      %dma_wait3A_253 = tpu.memref_squeeze %dma_wait3A_252 : memref<1x80x256xf32, #tpu.memory_space<vmem>> -> memref<80x256xf32, #tpu.memory_space<vmem>>
      %dma_wait3A_254 = arith.constant 0 : i32
      %dma_wait3A_255 = tpu.memref_slice %arg7[%dma_wait3A_248, %dma_wait3A_254] : memref<2x80xi32, #tpu.memory_space<vmem>> -> memref<1x80xi32, #tpu.memory_space<vmem>>
      %dma_wait3A_256 = tpu.memref_squeeze %dma_wait3A_255 : memref<1x80xi32, #tpu.memory_space<vmem>> -> memref<80xi32, #tpu.memory_space<vmem>>
      %dma_wait3A_257 = arith.constant 0 : i32
      %dma_wait3A_258 = arith.constant 0 : i32
      %dma_wait3A_259 = tpu.memref_slice %arg2[%dma_wait3A_257, %dma_wait3A_258] : memref<10000x256xf32, #tpu.memory_space<hbm>> -> memref<10000x256xf32, #tpu.memory_space<hbm>>
      tpu.wait_indirect_dma semaphore(%arg16 : memref<!tpu.dma_semaphore, #tpu.memory_space<semaphore_mem>>) src(%dma_wait3A_259 : memref<10000x256xf32, #tpu.memory_space<hbm>>) dst(%dma_wait3A_253 : memref<80x256xf32, #tpu.memory_space<vmem>>)
      %dma_wait3A_260 = arith.constant 1 : i32
      %dma_wait3A_261 = arith.constant 1 : i32
      %dma_wait3A_262 = arith.constant 0 : i32
      %dma_wait3A_263 = arith.constant 0 : i32
      %dma_wait3A_264 = tpu.memref_slice %arg10[%dma_wait3A_261, %dma_wait3A_262, %dma_wait3A_263] : memref<2x80x256xf32, #tpu.memory_space<vmem>> -> memref<1x80x256xf32, #tpu.memory_space<vmem>>
      %dma_wait3A_265 = tpu.memref_squeeze %dma_wait3A_264 : memref<1x80x256xf32, #tpu.memory_space<vmem>> -> memref<80x256xf32, #tpu.memory_space<vmem>>
      %dma_wait3A_266 = arith.constant 0 : i32
      %dma_wait3A_267 = tpu.memref_slice %arg8[%dma_wait3A_260, %dma_wait3A_266] : memref<2x80xi32, #tpu.memory_space<vmem>> -> memref<1x80xi32, #tpu.memory_space<vmem>>
      %dma_wait3A_268 = tpu.memref_squeeze %dma_wait3A_267 : memref<1x80xi32, #tpu.memory_space<vmem>> -> memref<80xi32, #tpu.memory_space<vmem>>
      %dma_wait3A_269 = arith.constant 0 : i32
      %dma_wait3A_270 = arith.constant 0 : i32
      %dma_wait3A_271 = tpu.memref_slice %arg3[%dma_wait3A_269, %dma_wait3A_270] : memref<10000x256xf32, #tpu.memory_space<hbm>> -> memref<10000x256xf32, #tpu.memory_space<hbm>>
      tpu.wait_indirect_dma semaphore(%arg17 : memref<!tpu.dma_semaphore, #tpu.memory_space<semaphore_mem>>) src(%dma_wait3A_271 : memref<10000x256xf32, #tpu.memory_space<hbm>>) dst(%dma_wait3A_265 : memref<80x256xf32, #tpu.memory_space<vmem>>)
      %add3A_272 = arith.constant 2 : i32
      %add3A_273 = arith.addi %add3A_240, %add3A_272 : i32
      %lt3A_274 = arith.constant 125 : i32
      %lt3A_275 = arith.cmpi slt, %add3A_273, %lt3A_274 : i32
      %convert_element_type3A_276 = arith.extui %lt3A_275 : i1 to i32
      %cond3A_277 = arith.constant 0 : i32
      %cond3A_278 = arith.cmpi ne, %convert_element_type3A_276, %cond3A_277 : i32
      scf.if %cond3A_278 {
        %add3A_303 = arith.constant 2 : i32
        %add3A_304 = arith.addi %add3A_240, %add3A_303 : i32
        %mul3A_305 = arith.constant 80 : i32
        %mul3A_306 = arith.muli %add3A_304, %mul3A_305 : i32
        %add3A_307 = arith.addi %mul3A_2, %mul3A_306 : i32
        %dma_start3A_308 = arith.constant 1 : i32
        %dma_start3A_309 = arith.constant 0 : i32
        %dma_start3A_310 = tpu.memref_slice %arg7[%dma_start3A_308, %dma_start3A_309] : memref<2x80xi32, #tpu.memory_space<vmem>> -> memref<1x80xi32, #tpu.memory_space<vmem>>
        %dma_start3A_311 = tpu.memref_squeeze %dma_start3A_310 : memref<1x80xi32, #tpu.memory_space<vmem>> -> memref<80xi32, #tpu.memory_space<vmem>>
        %dma_start3A_312 = tpu.memref_slice %arg4[%add3A_307] : memref<320000xi32, #tpu.memory_space<hbm>> -> memref<80xi32, #tpu.memory_space<hbm>>
        %dma_start3A_313 = arith.constant 0 : i32
        %dma_start3A_314 = tpu.memref_slice %arg7[%dma_start3A_308, %dma_start3A_313] : memref<2x80xi32, #tpu.memory_space<vmem>> -> memref<1x80xi32, #tpu.memory_space<vmem>>
        %dma_start3A_315 = tpu.memref_squeeze %dma_start3A_314 : memref<1x80xi32, #tpu.memory_space<vmem>> -> memref<80xi32, #tpu.memory_space<vmem>>
        %dma_start3A_316 = tpu.memref_slice %arg4[%add3A_307] : memref<320000xi32, #tpu.memory_space<hbm>> -> memref<80xi32, #tpu.memory_space<hbm>>
        tpu.enqueue_dma source(%dma_start3A_316 : memref<80xi32, #tpu.memory_space<hbm>>) target(%dma_start3A_315 : memref<80xi32, #tpu.memory_space<vmem>>) target_semaphore(%arg13 : memref<!tpu.dma_semaphore, #tpu.memory_space<semaphore_mem>>)
        %dma_start3A_317 = arith.constant 1 : i32
        %dma_start3A_318 = arith.constant 0 : i32
        %dma_start3A_319 = tpu.memref_slice %arg8[%dma_start3A_317, %dma_start3A_318] : memref<2x80xi32, #tpu.memory_space<vmem>> -> memref<1x80xi32, #tpu.memory_space<vmem>>
        %dma_start3A_320 = tpu.memref_squeeze %dma_start3A_319 : memref<1x80xi32, #tpu.memory_space<vmem>> -> memref<80xi32, #tpu.memory_space<vmem>>
        %dma_start3A_321 = tpu.memref_slice %arg5[%add3A_307] : memref<320000xi32, #tpu.memory_space<hbm>> -> memref<80xi32, #tpu.memory_space<hbm>>
        %dma_start3A_322 = arith.constant 0 : i32
        %dma_start3A_323 = tpu.memref_slice %arg8[%dma_start3A_317, %dma_start3A_322] : memref<2x80xi32, #tpu.memory_space<vmem>> -> memref<1x80xi32, #tpu.memory_space<vmem>>
        %dma_start3A_324 = tpu.memref_squeeze %dma_start3A_323 : memref<1x80xi32, #tpu.memory_space<vmem>> -> memref<80xi32, #tpu.memory_space<vmem>>
        %dma_start3A_325 = tpu.memref_slice %arg5[%add3A_307] : memref<320000xi32, #tpu.memory_space<hbm>> -> memref<80xi32, #tpu.memory_space<hbm>>
        tpu.enqueue_dma source(%dma_start3A_325 : memref<80xi32, #tpu.memory_space<hbm>>) target(%dma_start3A_324 : memref<80xi32, #tpu.memory_space<vmem>>) target_semaphore(%arg13 : memref<!tpu.dma_semaphore, #tpu.memory_space<semaphore_mem>>)
      } else {
      }
      %ge3A_279 = arith.constant 2 : i32
      %ge3A_280 = arith.cmpi sge, %add3A_240, %ge3A_279 : i32
      %convert_element_type3A_281 = arith.extui %ge3A_280 : i1 to i32
      %cond3A_282 = arith.constant 0 : i32
      %cond3A_283 = arith.cmpi ne, %convert_element_type3A_281, %cond3A_282 : i32
      scf.if %cond3A_283 {
        %sub3A = arith.constant 2 : i32
        %sub3A_303 = arith.subi %add3A_240, %sub3A : i32
        %mul3A_304 = arith.constant 80 : i32
        %mul3A_305 = arith.muli %sub3A_303, %mul3A_304 : i32
        %add3A_306 = arith.addi %mul3A_2, %mul3A_305 : i32
        %dma_wait3A_307 = arith.constant 1 : i32
        %dma_wait3A_308 = arith.constant 0 : i32
        %dma_wait3A_309 = arith.constant 0 : i32
        %dma_wait3A_310 = tpu.memref_slice %arg11[%dma_wait3A_307, %dma_wait3A_308, %dma_wait3A_309] : memref<2x80x144xf32, #tpu.memory_space<vmem>> -> memref<1x80x144xf32, #tpu.memory_space<vmem>>
        %dma_wait3A_311 = tpu.memref_squeeze %dma_wait3A_310 : memref<1x80x144xf32, #tpu.memory_space<vmem>> -> memref<80x144xf32, #tpu.memory_space<vmem>>
        %dma_wait3A_312 = arith.constant 0 : i32
        %dma_wait3A_313 = tpu.memref_slice %arg6[%add3A_306, %dma_wait3A_312] : memref<320000x144xf32, #tpu.memory_space<hbm>> -> memref<80x144xf32, #tpu.memory_space<hbm>>
        %dma_wait3A_314 = arith.constant 0 : i32
        %dma_wait3A_315 = tpu.memref_slice %arg6[%add3A_306, %dma_wait3A_314] : memref<320000x144xf32, #tpu.memory_space<hbm>> -> memref<80x144xf32, #tpu.memory_space<hbm>>
        %dma_wait3A_316 = arith.constant 0 : i32
        %dma_wait3A_317 = arith.constant 0 : i32
        %dma_wait3A_318 = tpu.memref_slice %arg11[%dma_wait3A_307, %dma_wait3A_316, %dma_wait3A_317] : memref<2x80x144xf32, #tpu.memory_space<vmem>> -> memref<1x80x144xf32, #tpu.memory_space<vmem>>
        %dma_wait3A_319 = tpu.memref_squeeze %dma_wait3A_318 : memref<1x80x144xf32, #tpu.memory_space<vmem>> -> memref<80x144xf32, #tpu.memory_space<vmem>>
        tpu.wait_dma2 semaphore(%arg19 : memref<!tpu.dma_semaphore, #tpu.memory_space<semaphore_mem>>) src(%dma_wait3A_319 : memref<80x144xf32, #tpu.memory_space<vmem>>) dst(%dma_wait3A_315 : memref<80x144xf32, #tpu.memory_space<hbm>>)
      } else {
      }
      %parallel_loop3A_284 = arith.constant 0 : i32
      %parallel_loop3A_285 = arith.constant 80 : i32
      %parallel_loop3A_286 = arith.constant 1 : i32
      scf.for %parallel_loop3A_303 = %parallel_loop3A_284 to %parallel_loop3A_285 step %parallel_loop3A_286  : i32 {
        %parallel_loop3A_304 = arith.constant 1 : i32
        %parallel_loop3A_305 = arith.index_cast %parallel_loop3A_304 : i32 to index
        %parallel_loop3A_306 = arith.index_cast %parallel_loop3A_303 : i32 to index
        %parallel_loop3A_307 = arith.constant 0 : index
        %parallel_loop3A_308 = tpu.vector_load %arg9[%parallel_loop3A_305, %parallel_loop3A_306, %parallel_loop3A_307] {strides = array<i32>} : memref<2x80x256xf32, #tpu.memory_space<vmem>>, vector<1x1x16xf32>,
        %parallel_loop3A_309 = vector.shape_cast %parallel_loop3A_308 : vector<1x1x16xf32> to vector<16xf32>
        %parallel_loop3A_310 = arith.constant 1 : i32
        %parallel_loop3A_311 = arith.index_cast %parallel_loop3A_310 : i32 to index
        %parallel_loop3A_312 = arith.index_cast %parallel_loop3A_303 : i32 to index
        %parallel_loop3A_313 = arith.constant 0 : index
        %parallel_loop3A_314 = tpu.vector_load %arg10[%parallel_loop3A_311, %parallel_loop3A_312, %parallel_loop3A_313] {strides = array<i32>} : memref<2x80x256xf32, #tpu.memory_space<vmem>>, vector<1x1x16xf32>,
        %parallel_loop3A_315 = vector.shape_cast %parallel_loop3A_314 : vector<1x1x16xf32> to vector<16xf32>
        %parallel_loop3A_316 = arith.addf %parallel_loop3A_309, %parallel_loop3A_315 : vector<16xf32>
        %parallel_loop3A_317 = arith.constant 1 : i32
        %parallel_loop3A_318 = arith.index_cast %parallel_loop3A_317 : i32 to index
        %parallel_loop3A_319 = arith.index_cast %parallel_loop3A_303 : i32 to index
        %parallel_loop3A_320 = arith.constant 0 : index
        %parallel_loop3A_321 = tpu.vector_load %arg11[%parallel_loop3A_318, %parallel_loop3A_319, %parallel_loop3A_320] {strides = array<i32>} : memref<2x80x144xf32, #tpu.memory_space<vmem>>, vector<1x1x16xf32>,
        %parallel_loop3A_322 = vector.shape_cast %parallel_loop3A_321 : vector<1x1x16xf32> to vector<16xf32>
        %parallel_loop3A_323 = vector.shape_cast %parallel_loop3A_316 : vector<16xf32> to vector<1x1x16xf32>
        tpu.vector_store %arg11[%parallel_loop3A_318, %parallel_loop3A_319, %parallel_loop3A_320], %parallel_loop3A_323 {strides = array<i32>} : memref<2x80x144xf32, #tpu.memory_space<vmem>>, vector<1x1x16xf32>,
        %parallel_loop3A_324 = arith.constant 1 : i32
        %parallel_loop3A_325 = arith.index_cast %parallel_loop3A_324 : i32 to index
        %parallel_loop3A_326 = arith.index_cast %parallel_loop3A_303 : i32 to index
        %parallel_loop3A_327 = arith.constant 16 : index
        %parallel_loop3A_328 = tpu.vector_load %arg9[%parallel_loop3A_325, %parallel_loop3A_326, %parallel_loop3A_327] {strides = array<i32>} : memref<2x80x256xf32, #tpu.memory_space<vmem>>, vector<1x1x16xf32>,
        %parallel_loop3A_329 = vector.shape_cast %parallel_loop3A_328 : vector<1x1x16xf32> to vector<16xf32>
        %parallel_loop3A_330 = arith.constant 1 : i32
        %parallel_loop3A_331 = arith.index_cast %parallel_loop3A_330 : i32 to index
        %parallel_loop3A_332 = arith.index_cast %parallel_loop3A_303 : i32 to index
        %parallel_loop3A_333 = arith.constant 16 : index
        %parallel_loop3A_334 = tpu.vector_load %arg10[%parallel_loop3A_331, %parallel_loop3A_332, %parallel_loop3A_333] {strides = array<i32>} : memref<2x80x256xf32, #tpu.memory_space<vmem>>, vector<1x1x16xf32>,
        %parallel_loop3A_335 = vector.shape_cast %parallel_loop3A_334 : vector<1x1x16xf32> to vector<16xf32>
        %parallel_loop3A_336 = arith.addf %parallel_loop3A_329, %parallel_loop3A_335 : vector<16xf32>
        %parallel_loop3A_337 = arith.constant 1 : i32
        %parallel_loop3A_338 = arith.index_cast %parallel_loop3A_337 : i32 to index
        %parallel_loop3A_339 = arith.index_cast %parallel_loop3A_303 : i32 to index
        %parallel_loop3A_340 = arith.constant 16 : index
        %parallel_loop3A_341 = tpu.vector_load %arg11[%parallel_loop3A_338, %parallel_loop3A_339, %parallel_loop3A_340] {strides = array<i32>} : memref<2x80x144xf32, #tpu.memory_space<vmem>>, vector<1x1x16xf32>,
        %parallel_loop3A_342 = vector.shape_cast %parallel_loop3A_341 : vector<1x1x16xf32> to vector<16xf32>
        %parallel_loop3A_343 = vector.shape_cast %parallel_loop3A_336 : vector<16xf32> to vector<1x1x16xf32>
        tpu.vector_store %arg11[%parallel_loop3A_338, %parallel_loop3A_339, %parallel_loop3A_340], %parallel_loop3A_343 {strides = array<i32>} : memref<2x80x144xf32, #tpu.memory_space<vmem>>, vector<1x1x16xf32>,
        %parallel_loop3A_344 = arith.constant 1 : i32
        %parallel_loop3A_345 = arith.index_cast %parallel_loop3A_344 : i32 to index
        %parallel_loop3A_346 = arith.index_cast %parallel_loop3A_303 : i32 to index
        %parallel_loop3A_347 = arith.constant 32 : index
        %parallel_loop3A_348 = tpu.vector_load %arg9[%parallel_loop3A_345, %parallel_loop3A_346, %parallel_loop3A_347] {strides = array<i32>} : memref<2x80x256xf32, #tpu.memory_space<vmem>>, vector<1x1x16xf32>,
        %parallel_loop3A_349 = vector.shape_cast %parallel_loop3A_348 : vector<1x1x16xf32> to vector<16xf32>
        %parallel_loop3A_350 = arith.constant 1 : i32
        %parallel_loop3A_351 = arith.index_cast %parallel_loop3A_350 : i32 to index
        %parallel_loop3A_352 = arith.index_cast %parallel_loop3A_303 : i32 to index
        %parallel_loop3A_353 = arith.constant 32 : index
        %parallel_loop3A_354 = tpu.vector_load %arg10[%parallel_loop3A_351, %parallel_loop3A_352, %parallel_loop3A_353] {strides = array<i32>} : memref<2x80x256xf32, #tpu.memory_space<vmem>>, vector<1x1x16xf32>,
        %parallel_loop3A_355 = vector.shape_cast %parallel_loop3A_354 : vector<1x1x16xf32> to vector<16xf32>
        %parallel_loop3A_356 = arith.addf %parallel_loop3A_349, %parallel_loop3A_355 : vector<16xf32>
        %parallel_loop3A_357 = arith.constant 1 : i32
        %parallel_loop3A_358 = arith.index_cast %parallel_loop3A_357 : i32 to index
        %parallel_loop3A_359 = arith.index_cast %parallel_loop3A_303 : i32 to index
        %parallel_loop3A_360 = arith.constant 32 : index
        %parallel_loop3A_361 = tpu.vector_load %arg11[%parallel_loop3A_358, %parallel_loop3A_359, %parallel_loop3A_360] {strides = array<i32>} : memref<2x80x144xf32, #tpu.memory_space<vmem>>, vector<1x1x16xf32>,
        %parallel_loop3A_362 = vector.shape_cast %parallel_loop3A_361 : vector<1x1x16xf32> to vector<16xf32>
        %parallel_loop3A_363 = vector.shape_cast %parallel_loop3A_356 : vector<16xf32> to vector<1x1x16xf32>
        tpu.vector_store %arg11[%parallel_loop3A_358, %parallel_loop3A_359, %parallel_loop3A_360], %parallel_loop3A_363 {strides = array<i32>} : memref<2x80x144xf32, #tpu.memory_space<vmem>>, vector<1x1x16xf32>,
        %parallel_loop3A_364 = arith.constant 1 : i32
        %parallel_loop3A_365 = arith.index_cast %parallel_loop3A_364 : i32 to index
        %parallel_loop3A_366 = arith.index_cast %parallel_loop3A_303 : i32 to index
        %parallel_loop3A_367 = arith.constant 48 : index
        %parallel_loop3A_368 = tpu.vector_load %arg9[%parallel_loop3A_365, %parallel_loop3A_366, %parallel_loop3A_367] {strides = array<i32>} : memref<2x80x256xf32, #tpu.memory_space<vmem>>, vector<1x1x16xf32>,
        %parallel_loop3A_369 = vector.shape_cast %parallel_loop3A_368 : vector<1x1x16xf32> to vector<16xf32>
        %parallel_loop3A_370 = arith.constant 1 : i32
        %parallel_loop3A_371 = arith.index_cast %parallel_loop3A_370 : i32 to index
        %parallel_loop3A_372 = arith.index_cast %parallel_loop3A_303 : i32 to index
        %parallel_loop3A_373 = arith.constant 48 : index
        %parallel_loop3A_374 = tpu.vector_load %arg10[%parallel_loop3A_371, %parallel_loop3A_372, %parallel_loop3A_373] {strides = array<i32>} : memref<2x80x256xf32, #tpu.memory_space<vmem>>, vector<1x1x16xf32>,
        %parallel_loop3A_375 = vector.shape_cast %parallel_loop3A_374 : vector<1x1x16xf32> to vector<16xf32>
        %parallel_loop3A_376 = arith.addf %parallel_loop3A_369, %parallel_loop3A_375 : vector<16xf32>
        %parallel_loop3A_377 = arith.constant 1 : i32
        %parallel_loop3A_378 = arith.index_cast %parallel_loop3A_377 : i32 to index
        %parallel_loop3A_379 = arith.index_cast %parallel_loop3A_303 : i32 to index
        %parallel_loop3A_380 = arith.constant 48 : index
        %parallel_loop3A_381 = tpu.vector_load %arg11[%parallel_loop3A_378, %parallel_loop3A_379, %parallel_loop3A_380] {strides = array<i32>} : memref<2x80x144xf32, #tpu.memory_space<vmem>>, vector<1x1x16xf32>,
        %parallel_loop3A_382 = vector.shape_cast %parallel_loop3A_381 : vector<1x1x16xf32> to vector<16xf32>
        %parallel_loop3A_383 = vector.shape_cast %parallel_loop3A_376 : vector<16xf32> to vector<1x1x16xf32>
        tpu.vector_store %arg11[%parallel_loop3A_378, %parallel_loop3A_379, %parallel_loop3A_380], %parallel_loop3A_383 {strides = array<i32>} : memref<2x80x144xf32, #tpu.memory_space<vmem>>, vector<1x1x16xf32>,
        %parallel_loop3A_384 = arith.constant 1 : i32
        %parallel_loop3A_385 = arith.index_cast %parallel_loop3A_384 : i32 to index
        %parallel_loop3A_386 = arith.index_cast %parallel_loop3A_303 : i32 to index
        %parallel_loop3A_387 = arith.constant 64 : index
        %parallel_loop3A_388 = tpu.vector_load %arg9[%parallel_loop3A_385, %parallel_loop3A_386, %parallel_loop3A_387] {strides = array<i32>} : memref<2x80x256xf32, #tpu.memory_space<vmem>>, vector<1x1x16xf32>,
        %parallel_loop3A_389 = vector.shape_cast %parallel_loop3A_388 : vector<1x1x16xf32> to vector<16xf32>
        %parallel_loop3A_390 = arith.constant 1 : i32
        %parallel_loop3A_391 = arith.index_cast %parallel_loop3A_390 : i32 to index
        %parallel_loop3A_392 = arith.index_cast %parallel_loop3A_303 : i32 to index
        %parallel_loop3A_393 = arith.constant 64 : index
        %parallel_loop3A_394 = tpu.vector_load %arg10[%parallel_loop3A_391, %parallel_loop3A_392, %parallel_loop3A_393] {strides = array<i32>} : memref<2x80x256xf32, #tpu.memory_space<vmem>>, vector<1x1x16xf32>,
        %parallel_loop3A_395 = vector.shape_cast %parallel_loop3A_394 : vector<1x1x16xf32> to vector<16xf32>
        %parallel_loop3A_396 = arith.addf %parallel_loop3A_389, %parallel_loop3A_395 : vector<16xf32>
        %parallel_loop3A_397 = arith.constant 1 : i32
        %parallel_loop3A_398 = arith.index_cast %parallel_loop3A_397 : i32 to index
        %parallel_loop3A_399 = arith.index_cast %parallel_loop3A_303 : i32 to index
        %parallel_loop3A_400 = arith.constant 64 : index
        %parallel_loop3A_401 = tpu.vector_load %arg11[%parallel_loop3A_398, %parallel_loop3A_399, %parallel_loop3A_400] {strides = array<i32>} : memref<2x80x144xf32, #tpu.memory_space<vmem>>, vector<1x1x16xf32>,
        %parallel_loop3A_402 = vector.shape_cast %parallel_loop3A_401 : vector<1x1x16xf32> to vector<16xf32>
        %parallel_loop3A_403 = vector.shape_cast %parallel_loop3A_396 : vector<16xf32> to vector<1x1x16xf32>
        tpu.vector_store %arg11[%parallel_loop3A_398, %parallel_loop3A_399, %parallel_loop3A_400], %parallel_loop3A_403 {strides = array<i32>} : memref<2x80x144xf32, #tpu.memory_space<vmem>>, vector<1x1x16xf32>,
        %parallel_loop3A_404 = arith.constant 1 : i32
        %parallel_loop3A_405 = arith.index_cast %parallel_loop3A_404 : i32 to index
        %parallel_loop3A_406 = arith.index_cast %parallel_loop3A_303 : i32 to index
        %parallel_loop3A_407 = arith.constant 80 : index
        %parallel_loop3A_408 = tpu.vector_load %arg9[%parallel_loop3A_405, %parallel_loop3A_406, %parallel_loop3A_407] {strides = array<i32>} : memref<2x80x256xf32, #tpu.memory_space<vmem>>, vector<1x1x16xf32>,
        %parallel_loop3A_409 = vector.shape_cast %parallel_loop3A_408 : vector<1x1x16xf32> to vector<16xf32>
        %parallel_loop3A_410 = arith.constant 1 : i32
        %parallel_loop3A_411 = arith.index_cast %parallel_loop3A_410 : i32 to index
        %parallel_loop3A_412 = arith.index_cast %parallel_loop3A_303 : i32 to index
        %parallel_loop3A_413 = arith.constant 80 : index
        %parallel_loop3A_414 = tpu.vector_load %arg10[%parallel_loop3A_411, %parallel_loop3A_412, %parallel_loop3A_413] {strides = array<i32>} : memref<2x80x256xf32, #tpu.memory_space<vmem>>, vector<1x1x16xf32>,
        %parallel_loop3A_415 = vector.shape_cast %parallel_loop3A_414 : vector<1x1x16xf32> to vector<16xf32>
        %parallel_loop3A_416 = arith.addf %parallel_loop3A_409, %parallel_loop3A_415 : vector<16xf32>
        %parallel_loop3A_417 = arith.constant 1 : i32
        %parallel_loop3A_418 = arith.index_cast %parallel_loop3A_417 : i32 to index
        %parallel_loop3A_419 = arith.index_cast %parallel_loop3A_303 : i32 to index
        %parallel_loop3A_420 = arith.constant 80 : index
        %parallel_loop3A_421 = tpu.vector_load %arg11[%parallel_loop3A_418, %parallel_loop3A_419, %parallel_loop3A_420] {strides = array<i32>} : memref<2x80x144xf32, #tpu.memory_space<vmem>>, vector<1x1x16xf32>,
        %parallel_loop3A_422 = vector.shape_cast %parallel_loop3A_421 : vector<1x1x16xf32> to vector<16xf32>
        %parallel_loop3A_423 = vector.shape_cast %parallel_loop3A_416 : vector<16xf32> to vector<1x1x16xf32>
        tpu.vector_store %arg11[%parallel_loop3A_418, %parallel_loop3A_419, %parallel_loop3A_420], %parallel_loop3A_423 {strides = array<i32>} : memref<2x80x144xf32, #tpu.memory_space<vmem>>, vector<1x1x16xf32>,
        %parallel_loop3A_424 = arith.constant 1 : i32
        %parallel_loop3A_425 = arith.index_cast %parallel_loop3A_424 : i32 to index
        %parallel_loop3A_426 = arith.index_cast %parallel_loop3A_303 : i32 to index
        %parallel_loop3A_427 = arith.constant 96 : index
        %parallel_loop3A_428 = tpu.vector_load %arg9[%parallel_loop3A_425, %parallel_loop3A_426, %parallel_loop3A_427] {strides = array<i32>} : memref<2x80x256xf32, #tpu.memory_space<vmem>>, vector<1x1x16xf32>,
        %parallel_loop3A_429 = vector.shape_cast %parallel_loop3A_428 : vector<1x1x16xf32> to vector<16xf32>
        %parallel_loop3A_430 = arith.constant 1 : i32
        %parallel_loop3A_431 = arith.index_cast %parallel_loop3A_430 : i32 to index
        %parallel_loop3A_432 = arith.index_cast %parallel_loop3A_303 : i32 to index
        %parallel_loop3A_433 = arith.constant 96 : index
        %parallel_loop3A_434 = tpu.vector_load %arg10[%parallel_loop3A_431, %parallel_loop3A_432, %parallel_loop3A_433] {strides = array<i32>} : memref<2x80x256xf32, #tpu.memory_space<vmem>>, vector<1x1x16xf32>,
        %parallel_loop3A_435 = vector.shape_cast %parallel_loop3A_434 : vector<1x1x16xf32> to vector<16xf32>
        %parallel_loop3A_436 = arith.addf %parallel_loop3A_429, %parallel_loop3A_435 : vector<16xf32>
        %parallel_loop3A_437 = arith.constant 1 : i32
        %parallel_loop3A_438 = arith.index_cast %parallel_loop3A_437 : i32 to index
        %parallel_loop3A_439 = arith.index_cast %parallel_loop3A_303 : i32 to index
        %parallel_loop3A_440 = arith.constant 96 : index
        %parallel_loop3A_441 = tpu.vector_load %arg11[%parallel_loop3A_438, %parallel_loop3A_439, %parallel_loop3A_440] {strides = array<i32>} : memref<2x80x144xf32, #tpu.memory_space<vmem>>, vector<1x1x16xf32>,
        %parallel_loop3A_442 = vector.shape_cast %parallel_loop3A_441 : vector<1x1x16xf32> to vector<16xf32>
        %parallel_loop3A_443 = vector.shape_cast %parallel_loop3A_436 : vector<16xf32> to vector<1x1x16xf32>
        tpu.vector_store %arg11[%parallel_loop3A_438, %parallel_loop3A_439, %parallel_loop3A_440], %parallel_loop3A_443 {strides = array<i32>} : memref<2x80x144xf32, #tpu.memory_space<vmem>>, vector<1x1x16xf32>,
        %parallel_loop3A_444 = arith.constant 1 : i32
        %parallel_loop3A_445 = arith.index_cast %parallel_loop3A_444 : i32 to index
        %parallel_loop3A_446 = arith.index_cast %parallel_loop3A_303 : i32 to index
        %parallel_loop3A_447 = arith.constant 112 : index
        %parallel_loop3A_448 = tpu.vector_load %arg9[%parallel_loop3A_445, %parallel_loop3A_446, %parallel_loop3A_447] {strides = array<i32>} : memref<2x80x256xf32, #tpu.memory_space<vmem>>, vector<1x1x16xf32>,
        %parallel_loop3A_449 = vector.shape_cast %parallel_loop3A_448 : vector<1x1x16xf32> to vector<16xf32>
        %parallel_loop3A_450 = arith.constant 1 : i32
        %parallel_loop3A_451 = arith.index_cast %parallel_loop3A_450 : i32 to index
        %parallel_loop3A_452 = arith.index_cast %parallel_loop3A_303 : i32 to index
        %parallel_loop3A_453 = arith.constant 112 : index
        %parallel_loop3A_454 = tpu.vector_load %arg10[%parallel_loop3A_451, %parallel_loop3A_452, %parallel_loop3A_453] {strides = array<i32>} : memref<2x80x256xf32, #tpu.memory_space<vmem>>, vector<1x1x16xf32>,
        %parallel_loop3A_455 = vector.shape_cast %parallel_loop3A_454 : vector<1x1x16xf32> to vector<16xf32>
        %parallel_loop3A_456 = arith.addf %parallel_loop3A_449, %parallel_loop3A_455 : vector<16xf32>
        %parallel_loop3A_457 = arith.constant 1 : i32
        %parallel_loop3A_458 = arith.index_cast %parallel_loop3A_457 : i32 to index
        %parallel_loop3A_459 = arith.index_cast %parallel_loop3A_303 : i32 to index
        %parallel_loop3A_460 = arith.constant 112 : index
        %parallel_loop3A_461 = tpu.vector_load %arg11[%parallel_loop3A_458, %parallel_loop3A_459, %parallel_loop3A_460] {strides = array<i32>} : memref<2x80x144xf32, #tpu.memory_space<vmem>>, vector<1x1x16xf32>,
        %parallel_loop3A_462 = vector.shape_cast %parallel_loop3A_461 : vector<1x1x16xf32> to vector<16xf32>
        %parallel_loop3A_463 = vector.shape_cast %parallel_loop3A_456 : vector<16xf32> to vector<1x1x16xf32>
        tpu.vector_store %arg11[%parallel_loop3A_458, %parallel_loop3A_459, %parallel_loop3A_460], %parallel_loop3A_463 {strides = array<i32>} : memref<2x80x144xf32, #tpu.memory_space<vmem>>, vector<1x1x16xf32>,
        %parallel_loop3A_464 = arith.constant 1 : i32
        %parallel_loop3A_465 = arith.index_cast %parallel_loop3A_464 : i32 to index
        %parallel_loop3A_466 = arith.index_cast %parallel_loop3A_303 : i32 to index
        %parallel_loop3A_467 = arith.constant 128 : index
        %parallel_loop3A_468 = tpu.vector_load %arg9[%parallel_loop3A_465, %parallel_loop3A_466, %parallel_loop3A_467] {strides = array<i32>} : memref<2x80x256xf32, #tpu.memory_space<vmem>>, vector<1x1x16xf32>,
        %parallel_loop3A_469 = vector.shape_cast %parallel_loop3A_468 : vector<1x1x16xf32> to vector<16xf32>
        %parallel_loop3A_470 = arith.constant 1 : i32
        %parallel_loop3A_471 = arith.index_cast %parallel_loop3A_470 : i32 to index
        %parallel_loop3A_472 = arith.index_cast %parallel_loop3A_303 : i32 to index
        %parallel_loop3A_473 = arith.constant 128 : index
        %parallel_loop3A_474 = tpu.vector_load %arg10[%parallel_loop3A_471, %parallel_loop3A_472, %parallel_loop3A_473] {strides = array<i32>} : memref<2x80x256xf32, #tpu.memory_space<vmem>>, vector<1x1x16xf32>,
        %parallel_loop3A_475 = vector.shape_cast %parallel_loop3A_474 : vector<1x1x16xf32> to vector<16xf32>
        %parallel_loop3A_476 = arith.addf %parallel_loop3A_469, %parallel_loop3A_475 : vector<16xf32>
        %parallel_loop3A_477 = arith.constant 1 : i32
        %parallel_loop3A_478 = arith.index_cast %parallel_loop3A_477 : i32 to index
        %parallel_loop3A_479 = arith.index_cast %parallel_loop3A_303 : i32 to index
        %parallel_loop3A_480 = arith.constant 128 : index
        %parallel_loop3A_481 = tpu.vector_load %arg11[%parallel_loop3A_478, %parallel_loop3A_479, %parallel_loop3A_480] {strides = array<i32>} : memref<2x80x144xf32, #tpu.memory_space<vmem>>, vector<1x1x16xf32>,
        %parallel_loop3A_482 = vector.shape_cast %parallel_loop3A_481 : vector<1x1x16xf32> to vector<16xf32>
        %parallel_loop3A_483 = vector.shape_cast %parallel_loop3A_476 : vector<16xf32> to vector<1x1x16xf32>
        tpu.vector_store %arg11[%parallel_loop3A_478, %parallel_loop3A_479, %parallel_loop3A_480], %parallel_loop3A_483 {strides = array<i32>} : memref<2x80x144xf32, #tpu.memory_space<vmem>>, vector<1x1x16xf32>,
      } {sc.loop_unroll_factor = 4 : i64, sc.parallel_access}
      %mul3A_287 = arith.constant 80 : i32
      %mul3A_288 = arith.muli %add3A_240, %mul3A_287 : i32
      %add3A_289 = arith.addi %mul3A_2, %mul3A_288 : i32
      %dma_start3A_290 = arith.constant 1 : i32
      %dma_start3A_291 = arith.constant 0 : i32
      %dma_start3A_292 = arith.constant 0 : i32
      %dma_start3A_293 = tpu.memref_slice %arg11[%dma_start3A_290, %dma_start3A_291, %dma_start3A_292] : memref<2x80x144xf32, #tpu.memory_space<vmem>> -> memref<1x80x144xf32, #tpu.memory_space<vmem>>
      %dma_start3A_294 = tpu.memref_squeeze %dma_start3A_293 : memref<1x80x144xf32, #tpu.memory_space<vmem>> -> memref<80x144xf32, #tpu.memory_space<vmem>>
      %dma_start3A_295 = arith.constant 0 : i32
      %dma_start3A_296 = tpu.memref_slice %arg6[%add3A_289, %dma_start3A_295] : memref<320000x144xf32, #tpu.memory_space<hbm>> -> memref<80x144xf32, #tpu.memory_space<hbm>>
      %dma_start3A_297 = arith.constant 0 : i32
      %dma_start3A_298 = tpu.memref_slice %arg6[%add3A_289, %dma_start3A_297] : memref<320000x144xf32, #tpu.memory_space<hbm>> -> memref<80x144xf32, #tpu.memory_space<hbm>>
      %dma_start3A_299 = arith.constant 0 : i32
      %dma_start3A_300 = arith.constant 0 : i32
      %dma_start3A_301 = tpu.memref_slice %arg11[%dma_start3A_290, %dma_start3A_299, %dma_start3A_300] : memref<2x80x144xf32, #tpu.memory_space<vmem>> -> memref<1x80x144xf32, #tpu.memory_space<vmem>>
      %dma_start3A_302 = tpu.memref_squeeze %dma_start3A_301 : memref<1x80x144xf32, #tpu.memory_space<vmem>> -> memref<80x144xf32, #tpu.memory_space<vmem>>
      tpu.enqueue_dma source(%dma_start3A_302 : memref<80x144xf32, #tpu.memory_space<vmem>>) target(%dma_start3A_298 : memref<80x144xf32, #tpu.memory_space<hbm>>) target_semaphore(%arg19 : memref<!tpu.dma_semaphore, #tpu.memory_space<semaphore_mem>>)
    }
    %scan3A_89 = arith.constant 62 : i32
    %dma_wait3A_90 = arith.constant 0 : i32
    %dma_wait3A_91 = arith.constant 0 : i32
    %dma_wait3A_92 = arith.constant 0 : i32
    %dma_wait3A_93 = arith.constant 0 : i32
    %dma_wait3A_94 = tpu.memref_slice %arg9[%dma_wait3A_91, %dma_wait3A_92, %dma_wait3A_93] : memref<2x80x256xf32, #tpu.memory_space<vmem>> -> memref<1x80x256xf32, #tpu.memory_space<vmem>>
    %dma_wait3A_95 = tpu.memref_squeeze %dma_wait3A_94 : memref<1x80x256xf32, #tpu.memory_space<vmem>> -> memref<80x256xf32, #tpu.memory_space<vmem>>
    %dma_wait3A_96 = arith.constant 0 : i32
    %dma_wait3A_97 = tpu.memref_slice %arg7[%dma_wait3A_90, %dma_wait3A_96] : memref<2x80xi32, #tpu.memory_space<vmem>> -> memref<1x80xi32, #tpu.memory_space<vmem>>
    %dma_wait3A_98 = tpu.memref_squeeze %dma_wait3A_97 : memref<1x80xi32, #tpu.memory_space<vmem>> -> memref<80xi32, #tpu.memory_space<vmem>>
    %dma_wait3A_99 = arith.constant 0 : i32
    %dma_wait3A_100 = arith.constant 0 : i32
    %dma_wait3A_101 = tpu.memref_slice %arg2[%dma_wait3A_99, %dma_wait3A_100] : memref<10000x256xf32, #tpu.memory_space<hbm>> -> memref<10000x256xf32, #tpu.memory_space<hbm>>
    tpu.wait_indirect_dma semaphore(%arg14 : memref<!tpu.dma_semaphore, #tpu.memory_space<semaphore_mem>>) src(%dma_wait3A_101 : memref<10000x256xf32, #tpu.memory_space<hbm>>) dst(%dma_wait3A_95 : memref<80x256xf32, #tpu.memory_space<vmem>>)
    %dma_wait3A_102 = arith.constant 0 : i32
    %dma_wait3A_103 = arith.constant 0 : i32
    %dma_wait3A_104 = arith.constant 0 : i32
    %dma_wait3A_105 = arith.constant 0 : i32
    %dma_wait3A_106 = tpu.memref_slice %arg10[%dma_wait3A_103, %dma_wait3A_104, %dma_wait3A_105] : memref<2x80x256xf32, #tpu.memory_space<vmem>> -> memref<1x80x256xf32, #tpu.memory_space<vmem>>
    %dma_wait3A_107 = tpu.memref_squeeze %dma_wait3A_106 : memref<1x80x256xf32, #tpu.memory_space<vmem>> -> memref<80x256xf32, #tpu.memory_space<vmem>>
    %dma_wait3A_108 = arith.constant 0 : i32
    %dma_wait3A_109 = tpu.memref_slice %arg8[%dma_wait3A_102, %dma_wait3A_108] : memref<2x80xi32, #tpu.memory_space<vmem>> -> memref<1x80xi32, #tpu.memory_space<vmem>>
    %dma_wait3A_110 = tpu.memref_squeeze %dma_wait3A_109 : memref<1x80xi32, #tpu.memory_space<vmem>> -> memref<80xi32, #tpu.memory_space<vmem>>
    %dma_wait3A_111 = arith.constant 0 : i32
    %dma_wait3A_112 = arith.constant 0 : i32
    %dma_wait3A_113 = tpu.memref_slice %arg3[%dma_wait3A_111, %dma_wait3A_112] : memref<10000x256xf32, #tpu.memory_space<hbm>> -> memref<10000x256xf32, #tpu.memory_space<hbm>>
    tpu.wait_indirect_dma semaphore(%arg15 : memref<!tpu.dma_semaphore, #tpu.memory_space<semaphore_mem>>) src(%dma_wait3A_113 : memref<10000x256xf32, #tpu.memory_space<hbm>>) dst(%dma_wait3A_107 : memref<80x256xf32, #tpu.memory_space<vmem>>)
    %add3A_114 = arith.constant 9760 : i32
    %add3A_115 = arith.addi %mul3A_2, %add3A_114 : i32
    %dma_wait3A_116 = arith.constant 0 : i32
    %dma_wait3A_117 = arith.constant 0 : i32
    %dma_wait3A_118 = arith.constant 0 : i32
    %dma_wait3A_119 = tpu.memref_slice %arg11[%dma_wait3A_116, %dma_wait3A_117, %dma_wait3A_118] : memref<2x80x144xf32, #tpu.memory_space<vmem>> -> memref<1x80x144xf32, #tpu.memory_space<vmem>>
    %dma_wait3A_120 = tpu.memref_squeeze %dma_wait3A_119 : memref<1x80x144xf32, #tpu.memory_space<vmem>> -> memref<80x144xf32, #tpu.memory_space<vmem>>
    %dma_wait3A_121 = arith.constant 0 : i32
    %dma_wait3A_122 = tpu.memref_slice %arg6[%add3A_115, %dma_wait3A_121] : memref<320000x144xf32, #tpu.memory_space<hbm>> -> memref<80x144xf32, #tpu.memory_space<hbm>>
    %dma_wait3A_123 = arith.constant 0 : i32
    %dma_wait3A_124 = tpu.memref_slice %arg6[%add3A_115, %dma_wait3A_123] : memref<320000x144xf32, #tpu.memory_space<hbm>> -> memref<80x144xf32, #tpu.memory_space<hbm>>
    %dma_wait3A_125 = arith.constant 0 : i32
    %dma_wait3A_126 = arith.constant 0 : i32
    %dma_wait3A_127 = tpu.memref_slice %arg11[%dma_wait3A_116, %dma_wait3A_125, %dma_wait3A_126] : memref<2x80x144xf32, #tpu.memory_space<vmem>> -> memref<1x80x144xf32, #tpu.memory_space<vmem>>
    %dma_wait3A_128 = tpu.memref_squeeze %dma_wait3A_127 : memref<1x80x144xf32, #tpu.memory_space<vmem>> -> memref<80x144xf32, #tpu.memory_space<vmem>>
    tpu.wait_dma2 semaphore(%arg18 : memref<!tpu.dma_semaphore, #tpu.memory_space<semaphore_mem>>) src(%dma_wait3A_128 : memref<80x144xf32, #tpu.memory_space<vmem>>) dst(%dma_wait3A_124 : memref<80x144xf32, #tpu.memory_space<hbm>>)
    %parallel_loop3A = arith.constant 0 : i32
    %parallel_loop3A_129 = arith.constant 80 : i32
    %parallel_loop3A_130 = arith.constant 1 : i32
    scf.for %parallel_loop3A_176 = %parallel_loop3A to %parallel_loop3A_129 step %parallel_loop3A_130  : i32 {
      %parallel_loop3A_177 = arith.constant 0 : i32
      %parallel_loop3A_178 = arith.index_cast %parallel_loop3A_177 : i32 to index
      %parallel_loop3A_179 = arith.index_cast %parallel_loop3A_176 : i32 to index
      %parallel_loop3A_180 = arith.constant 0 : index
      %parallel_loop3A_181 = tpu.vector_load %arg9[%parallel_loop3A_178, %parallel_loop3A_179, %parallel_loop3A_180] {strides = array<i32>} : memref<2x80x256xf32, #tpu.memory_space<vmem>>, vector<1x1x16xf32>,
      %parallel_loop3A_182 = vector.shape_cast %parallel_loop3A_181 : vector<1x1x16xf32> to vector<16xf32>
      %parallel_loop3A_183 = arith.constant 0 : i32
      %parallel_loop3A_184 = arith.index_cast %parallel_loop3A_183 : i32 to index
      %parallel_loop3A_185 = arith.index_cast %parallel_loop3A_176 : i32 to index
      %parallel_loop3A_186 = arith.constant 0 : index
      %parallel_loop3A_187 = tpu.vector_load %arg10[%parallel_loop3A_184, %parallel_loop3A_185, %parallel_loop3A_186] {strides = array<i32>} : memref<2x80x256xf32, #tpu.memory_space<vmem>>, vector<1x1x16xf32>,
      %parallel_loop3A_188 = vector.shape_cast %parallel_loop3A_187 : vector<1x1x16xf32> to vector<16xf32>
      %parallel_loop3A_189 = arith.addf %parallel_loop3A_182, %parallel_loop3A_188 : vector<16xf32>
      %parallel_loop3A_190 = arith.constant 0 : i32
      %parallel_loop3A_191 = arith.index_cast %parallel_loop3A_190 : i32 to index
      %parallel_loop3A_192 = arith.index_cast %parallel_loop3A_176 : i32 to index
      %parallel_loop3A_193 = arith.constant 0 : index
      %parallel_loop3A_194 = tpu.vector_load %arg11[%parallel_loop3A_191, %parallel_loop3A_192, %parallel_loop3A_193] {strides = array<i32>} : memref<2x80x144xf32, #tpu.memory_space<vmem>>, vector<1x1x16xf32>,
      %parallel_loop3A_195 = vector.shape_cast %parallel_loop3A_194 : vector<1x1x16xf32> to vector<16xf32>
      %parallel_loop3A_196 = vector.shape_cast %parallel_loop3A_189 : vector<16xf32> to vector<1x1x16xf32>
      tpu.vector_store %arg11[%parallel_loop3A_191, %parallel_loop3A_192, %parallel_loop3A_193], %parallel_loop3A_196 {strides = array<i32>} : memref<2x80x144xf32, #tpu.memory_space<vmem>>, vector<1x1x16xf32>,
      %parallel_loop3A_197 = arith.constant 0 : i32
      %parallel_loop3A_198 = arith.index_cast %parallel_loop3A_197 : i32 to index
      %parallel_loop3A_199 = arith.index_cast %parallel_loop3A_176 : i32 to index
      %parallel_loop3A_200 = arith.constant 16 : index
      %parallel_loop3A_201 = tpu.vector_load %arg9[%parallel_loop3A_198, %parallel_loop3A_199, %parallel_loop3A_200] {strides = array<i32>} : memref<2x80x256xf32, #tpu.memory_space<vmem>>, vector<1x1x16xf32>,
      %parallel_loop3A_202 = vector.shape_cast %parallel_loop3A_201 : vector<1x1x16xf32> to vector<16xf32>
      %parallel_loop3A_203 = arith.constant 0 : i32
      %parallel_loop3A_204 = arith.index_cast %parallel_loop3A_203 : i32 to index
      %parallel_loop3A_205 = arith.index_cast %parallel_loop3A_176 : i32 to index
      %parallel_loop3A_206 = arith.constant 16 : index
      %parallel_loop3A_207 = tpu.vector_load %arg10[%parallel_loop3A_204, %parallel_loop3A_205, %parallel_loop3A_206] {strides = array<i32>} : memref<2x80x256xf32, #tpu.memory_space<vmem>>, vector<1x1x16xf32>,
      %parallel_loop3A_208 = vector.shape_cast %parallel_loop3A_207 : vector<1x1x16xf32> to vector<16xf32>
      %parallel_loop3A_209 = arith.addf %parallel_loop3A_202, %parallel_loop3A_208 : vector<16xf32>
      %parallel_loop3A_210 = arith.constant 0 : i32
      %parallel_loop3A_211 = arith.index_cast %parallel_loop3A_210 : i32 to index
      %parallel_loop3A_212 = arith.index_cast %parallel_loop3A_176 : i32 to index
      %parallel_loop3A_213 = arith.constant 16 : index
      %parallel_loop3A_214 = tpu.vector_load %arg11[%parallel_loop3A_211, %parallel_loop3A_212, %parallel_loop3A_213] {strides = array<i32>} : memref<2x80x144xf32, #tpu.memory_space<vmem>>, vector<1x1x16xf32>,
      %parallel_loop3A_215 = vector.shape_cast %parallel_loop3A_214 : vector<1x1x16xf32> to vector<16xf32>
      %parallel_loop3A_216 = vector.shape_cast %parallel_loop3A_209 : vector<16xf32> to vector<1x1x16xf32>
      tpu.vector_store %arg11[%parallel_loop3A_211, %parallel_loop3A_212, %parallel_loop3A_213], %parallel_loop3A_216 {strides = array<i32>} : memref<2x80x144xf32, #tpu.memory_space<vmem>>, vector<1x1x16xf32>,
      %parallel_loop3A_217 = arith.constant 0 : i32
      %parallel_loop3A_218 = arith.index_cast %parallel_loop3A_217 : i32 to index
      %parallel_loop3A_219 = arith.index_cast %parallel_loop3A_176 : i32 to index
      %parallel_loop3A_220 = arith.constant 32 : index
      %parallel_loop3A_221 = tpu.vector_load %arg9[%parallel_loop3A_218, %parallel_loop3A_219, %parallel_loop3A_220] {strides = array<i32>} : memref<2x80x256xf32, #tpu.memory_space<vmem>>, vector<1x1x16xf32>,
      %parallel_loop3A_222 = vector.shape_cast %parallel_loop3A_221 : vector<1x1x16xf32> to vector<16xf32>
      %parallel_loop3A_223 = arith.constant 0 : i32
      %parallel_loop3A_224 = arith.index_cast %parallel_loop3A_223 : i32 to index
      %parallel_loop3A_225 = arith.index_cast %parallel_loop3A_176 : i32 to index
      %parallel_loop3A_226 = arith.constant 32 : index
      %parallel_loop3A_227 = tpu.vector_load %arg10[%parallel_loop3A_224, %parallel_loop3A_225, %parallel_loop3A_226] {strides = array<i32>} : memref<2x80x256xf32, #tpu.memory_space<vmem>>, vector<1x1x16xf32>,
      %parallel_loop3A_228 = vector.shape_cast %parallel_loop3A_227 : vector<1x1x16xf32> to vector<16xf32>
      %parallel_loop3A_229 = arith.addf %parallel_loop3A_222, %parallel_loop3A_228 : vector<16xf32>
      %parallel_loop3A_230 = arith.constant 0 : i32
      %parallel_loop3A_231 = arith.index_cast %parallel_loop3A_230 : i32 to index
      %parallel_loop3A_232 = arith.index_cast %parallel_loop3A_176 : i32 to index
      %parallel_loop3A_233 = arith.constant 32 : index
      %parallel_loop3A_234 = tpu.vector_load %arg11[%parallel_loop3A_231, %parallel_loop3A_232, %parallel_loop3A_233] {strides = array<i32>} : memref<2x80x144xf32, #tpu.memory_space<vmem>>, vector<1x1x16xf32>,
      %parallel_loop3A_235 = vector.shape_cast %parallel_loop3A_234 : vector<1x1x16xf32> to vector<16xf32>
      %parallel_loop3A_236 = vector.shape_cast %parallel_loop3A_229 : vector<16xf32> to vector<1x1x16xf32>
      tpu.vector_store %arg11[%parallel_loop3A_231, %parallel_loop3A_232, %parallel_loop3A_233], %parallel_loop3A_236 {strides = array<i32>} : memref<2x80x144xf32, #tpu.memory_space<vmem>>, vector<1x1x16xf32>,
      %parallel_loop3A_237 = arith.constant 0 : i32
      %parallel_loop3A_238 = arith.index_cast %parallel_loop3A_237 : i32 to index
      %parallel_loop3A_239 = arith.index_cast %parallel_loop3A_176 : i32 to index
      %parallel_loop3A_240 = arith.constant 48 : index
      %parallel_loop3A_241 = tpu.vector_load %arg9[%parallel_loop3A_238, %parallel_loop3A_239, %parallel_loop3A_240] {strides = array<i32>} : memref<2x80x256xf32, #tpu.memory_space<vmem>>, vector<1x1x16xf32>,
      %parallel_loop3A_242 = vector.shape_cast %parallel_loop3A_241 : vector<1x1x16xf32> to vector<16xf32>
      %parallel_loop3A_243 = arith.constant 0 : i32
      %parallel_loop3A_244 = arith.index_cast %parallel_loop3A_243 : i32 to index
      %parallel_loop3A_245 = arith.index_cast %parallel_loop3A_176 : i32 to index
      %parallel_loop3A_246 = arith.constant 48 : index
      %parallel_loop3A_247 = tpu.vector_load %arg10[%parallel_loop3A_244, %parallel_loop3A_245, %parallel_loop3A_246] {strides = array<i32>} : memref<2x80x256xf32, #tpu.memory_space<vmem>>, vector<1x1x16xf32>,
      %parallel_loop3A_248 = vector.shape_cast %parallel_loop3A_247 : vector<1x1x16xf32> to vector<16xf32>
      %parallel_loop3A_249 = arith.addf %parallel_loop3A_242, %parallel_loop3A_248 : vector<16xf32>
      %parallel_loop3A_250 = arith.constant 0 : i32
      %parallel_loop3A_251 = arith.index_cast %parallel_loop3A_250 : i32 to index
      %parallel_loop3A_252 = arith.index_cast %parallel_loop3A_176 : i32 to index
      %parallel_loop3A_253 = arith.constant 48 : index
      %parallel_loop3A_254 = tpu.vector_load %arg11[%parallel_loop3A_251, %parallel_loop3A_252, %parallel_loop3A_253] {strides = array<i32>} : memref<2x80x144xf32, #tpu.memory_space<vmem>>, vector<1x1x16xf32>,
      %parallel_loop3A_255 = vector.shape_cast %parallel_loop3A_254 : vector<1x1x16xf32> to vector<16xf32>
      %parallel_loop3A_256 = vector.shape_cast %parallel_loop3A_249 : vector<16xf32> to vector<1x1x16xf32>
      tpu.vector_store %arg11[%parallel_loop3A_251, %parallel_loop3A_252, %parallel_loop3A_253], %parallel_loop3A_256 {strides = array<i32>} : memref<2x80x144xf32, #tpu.memory_space<vmem>>, vector<1x1x16xf32>,
      %parallel_loop3A_257 = arith.constant 0 : i32
      %parallel_loop3A_258 = arith.index_cast %parallel_loop3A_257 : i32 to index
      %parallel_loop3A_259 = arith.index_cast %parallel_loop3A_176 : i32 to index
      %parallel_loop3A_260 = arith.constant 64 : index
      %parallel_loop3A_261 = tpu.vector_load %arg9[%parallel_loop3A_258, %parallel_loop3A_259, %parallel_loop3A_260] {strides = array<i32>} : memref<2x80x256xf32, #tpu.memory_space<vmem>>, vector<1x1x16xf32>,
      %parallel_loop3A_262 = vector.shape_cast %parallel_loop3A_261 : vector<1x1x16xf32> to vector<16xf32>
      %parallel_loop3A_263 = arith.constant 0 : i32
      %parallel_loop3A_264 = arith.index_cast %parallel_loop3A_263 : i32 to index
      %parallel_loop3A_265 = arith.index_cast %parallel_loop3A_176 : i32 to index
      %parallel_loop3A_266 = arith.constant 64 : index
      %parallel_loop3A_267 = tpu.vector_load %arg10[%parallel_loop3A_264, %parallel_loop3A_265, %parallel_loop3A_266] {strides = array<i32>} : memref<2x80x256xf32, #tpu.memory_space<vmem>>, vector<1x1x16xf32>,
      %parallel_loop3A_268 = vector.shape_cast %parallel_loop3A_267 : vector<1x1x16xf32> to vector<16xf32>
      %parallel_loop3A_269 = arith.addf %parallel_loop3A_262, %parallel_loop3A_268 : vector<16xf32>
      %parallel_loop3A_270 = arith.constant 0 : i32
      %parallel_loop3A_271 = arith.index_cast %parallel_loop3A_270 : i32 to index
      %parallel_loop3A_272 = arith.index_cast %parallel_loop3A_176 : i32 to index
      %parallel_loop3A_273 = arith.constant 64 : index
      %parallel_loop3A_274 = tpu.vector_load %arg11[%parallel_loop3A_271, %parallel_loop3A_272, %parallel_loop3A_273] {strides = array<i32>} : memref<2x80x144xf32, #tpu.memory_space<vmem>>, vector<1x1x16xf32>,
      %parallel_loop3A_275 = vector.shape_cast %parallel_loop3A_274 : vector<1x1x16xf32> to vector<16xf32>
      %parallel_loop3A_276 = vector.shape_cast %parallel_loop3A_269 : vector<16xf32> to vector<1x1x16xf32>
      tpu.vector_store %arg11[%parallel_loop3A_271, %parallel_loop3A_272, %parallel_loop3A_273], %parallel_loop3A_276 {strides = array<i32>} : memref<2x80x144xf32, #tpu.memory_space<vmem>>, vector<1x1x16xf32>,
      %parallel_loop3A_277 = arith.constant 0 : i32
      %parallel_loop3A_278 = arith.index_cast %parallel_loop3A_277 : i32 to index
      %parallel_loop3A_279 = arith.index_cast %parallel_loop3A_176 : i32 to index
      %parallel_loop3A_280 = arith.constant 80 : index
      %parallel_loop3A_281 = tpu.vector_load %arg9[%parallel_loop3A_278, %parallel_loop3A_279, %parallel_loop3A_280] {strides = array<i32>} : memref<2x80x256xf32, #tpu.memory_space<vmem>>, vector<1x1x16xf32>,
      %parallel_loop3A_282 = vector.shape_cast %parallel_loop3A_281 : vector<1x1x16xf32> to vector<16xf32>
      %parallel_loop3A_283 = arith.constant 0 : i32
      %parallel_loop3A_284 = arith.index_cast %parallel_loop3A_283 : i32 to index
      %parallel_loop3A_285 = arith.index_cast %parallel_loop3A_176 : i32 to index
      %parallel_loop3A_286 = arith.constant 80 : index
      %parallel_loop3A_287 = tpu.vector_load %arg10[%parallel_loop3A_284, %parallel_loop3A_285, %parallel_loop3A_286] {strides = array<i32>} : memref<2x80x256xf32, #tpu.memory_space<vmem>>, vector<1x1x16xf32>,
      %parallel_loop3A_288 = vector.shape_cast %parallel_loop3A_287 : vector<1x1x16xf32> to vector<16xf32>
      %parallel_loop3A_289 = arith.addf %parallel_loop3A_282, %parallel_loop3A_288 : vector<16xf32>
      %parallel_loop3A_290 = arith.constant 0 : i32
      %parallel_loop3A_291 = arith.index_cast %parallel_loop3A_290 : i32 to index
      %parallel_loop3A_292 = arith.index_cast %parallel_loop3A_176 : i32 to index
      %parallel_loop3A_293 = arith.constant 80 : index
      %parallel_loop3A_294 = tpu.vector_load %arg11[%parallel_loop3A_291, %parallel_loop3A_292, %parallel_loop3A_293] {strides = array<i32>} : memref<2x80x144xf32, #tpu.memory_space<vmem>>, vector<1x1x16xf32>,
      %parallel_loop3A_295 = vector.shape_cast %parallel_loop3A_294 : vector<1x1x16xf32> to vector<16xf32>
      %parallel_loop3A_296 = vector.shape_cast %parallel_loop3A_289 : vector<16xf32> to vector<1x1x16xf32>
      tpu.vector_store %arg11[%parallel_loop3A_291, %parallel_loop3A_292, %parallel_loop3A_293], %parallel_loop3A_296 {strides = array<i32>} : memref<2x80x144xf32, #tpu.memory_space<vmem>>, vector<1x1x16xf32>,
      %parallel_loop3A_297 = arith.constant 0 : i32
      %parallel_loop3A_298 = arith.index_cast %parallel_loop3A_297 : i32 to index
      %parallel_loop3A_299 = arith.index_cast %parallel_loop3A_176 : i32 to index
      %parallel_loop3A_300 = arith.constant 96 : index
      %parallel_loop3A_301 = tpu.vector_load %arg9[%parallel_loop3A_298, %parallel_loop3A_299, %parallel_loop3A_300] {strides = array<i32>} : memref<2x80x256xf32, #tpu.memory_space<vmem>>, vector<1x1x16xf32>,
      %parallel_loop3A_302 = vector.shape_cast %parallel_loop3A_301 : vector<1x1x16xf32> to vector<16xf32>
      %parallel_loop3A_303 = arith.constant 0 : i32
      %parallel_loop3A_304 = arith.index_cast %parallel_loop3A_303 : i32 to index
      %parallel_loop3A_305 = arith.index_cast %parallel_loop3A_176 : i32 to index
      %parallel_loop3A_306 = arith.constant 96 : index
      %parallel_loop3A_307 = tpu.vector_load %arg10[%parallel_loop3A_304, %parallel_loop3A_305, %parallel_loop3A_306] {strides = array<i32>} : memref<2x80x256xf32, #tpu.memory_space<vmem>>, vector<1x1x16xf32>,
      %parallel_loop3A_308 = vector.shape_cast %parallel_loop3A_307 : vector<1x1x16xf32> to vector<16xf32>
      %parallel_loop3A_309 = arith.addf %parallel_loop3A_302, %parallel_loop3A_308 : vector<16xf32>
      %parallel_loop3A_310 = arith.constant 0 : i32
      %parallel_loop3A_311 = arith.index_cast %parallel_loop3A_310 : i32 to index
      %parallel_loop3A_312 = arith.index_cast %parallel_loop3A_176 : i32 to index
      %parallel_loop3A_313 = arith.constant 96 : index
      %parallel_loop3A_314 = tpu.vector_load %arg11[%parallel_loop3A_311, %parallel_loop3A_312, %parallel_loop3A_313] {strides = array<i32>} : memref<2x80x144xf32, #tpu.memory_space<vmem>>, vector<1x1x16xf32>,
      %parallel_loop3A_315 = vector.shape_cast %parallel_loop3A_314 : vector<1x1x16xf32> to vector<16xf32>
      %parallel_loop3A_316 = vector.shape_cast %parallel_loop3A_309 : vector<16xf32> to vector<1x1x16xf32>
      tpu.vector_store %arg11[%parallel_loop3A_311, %parallel_loop3A_312, %parallel_loop3A_313], %parallel_loop3A_316 {strides = array<i32>} : memref<2x80x144xf32, #tpu.memory_space<vmem>>, vector<1x1x16xf32>,
      %parallel_loop3A_317 = arith.constant 0 : i32
      %parallel_loop3A_318 = arith.index_cast %parallel_loop3A_317 : i32 to index
      %parallel_loop3A_319 = arith.index_cast %parallel_loop3A_176 : i32 to index
      %parallel_loop3A_320 = arith.constant 112 : index
      %parallel_loop3A_321 = tpu.vector_load %arg9[%parallel_loop3A_318, %parallel_loop3A_319, %parallel_loop3A_320] {strides = array<i32>} : memref<2x80x256xf32, #tpu.memory_space<vmem>>, vector<1x1x16xf32>,
      %parallel_loop3A_322 = vector.shape_cast %parallel_loop3A_321 : vector<1x1x16xf32> to vector<16xf32>
      %parallel_loop3A_323 = arith.constant 0 : i32
      %parallel_loop3A_324 = arith.index_cast %parallel_loop3A_323 : i32 to index
      %parallel_loop3A_325 = arith.index_cast %parallel_loop3A_176 : i32 to index
      %parallel_loop3A_326 = arith.constant 112 : index
      %parallel_loop3A_327 = tpu.vector_load %arg10[%parallel_loop3A_324, %parallel_loop3A_325, %parallel_loop3A_326] {strides = array<i32>} : memref<2x80x256xf32, #tpu.memory_space<vmem>>, vector<1x1x16xf32>,
      %parallel_loop3A_328 = vector.shape_cast %parallel_loop3A_327 : vector<1x1x16xf32> to vector<16xf32>
      %parallel_loop3A_329 = arith.addf %parallel_loop3A_322, %parallel_loop3A_328 : vector<16xf32>
      %parallel_loop3A_330 = arith.constant 0 : i32
      %parallel_loop3A_331 = arith.index_cast %parallel_loop3A_330 : i32 to index
      %parallel_loop3A_332 = arith.index_cast %parallel_loop3A_176 : i32 to index
      %parallel_loop3A_333 = arith.constant 112 : index
      %parallel_loop3A_334 = tpu.vector_load %arg11[%parallel_loop3A_331, %parallel_loop3A_332, %parallel_loop3A_333] {strides = array<i32>} : memref<2x80x144xf32, #tpu.memory_space<vmem>>, vector<1x1x16xf32>,
      %parallel_loop3A_335 = vector.shape_cast %parallel_loop3A_334 : vector<1x1x16xf32> to vector<16xf32>
      %parallel_loop3A_336 = vector.shape_cast %parallel_loop3A_329 : vector<16xf32> to vector<1x1x16xf32>
      tpu.vector_store %arg11[%parallel_loop3A_331, %parallel_loop3A_332, %parallel_loop3A_333], %parallel_loop3A_336 {strides = array<i32>} : memref<2x80x144xf32, #tpu.memory_space<vmem>>, vector<1x1x16xf32>,
      %parallel_loop3A_337 = arith.constant 0 : i32
      %parallel_loop3A_338 = arith.index_cast %parallel_loop3A_337 : i32 to index
      %parallel_loop3A_339 = arith.index_cast %parallel_loop3A_176 : i32 to index
      %parallel_loop3A_340 = arith.constant 128 : index
      %parallel_loop3A_341 = tpu.vector_load %arg9[%parallel_loop3A_338, %parallel_loop3A_339, %parallel_loop3A_340] {strides = array<i32>} : memref<2x80x256xf32, #tpu.memory_space<vmem>>, vector<1x1x16xf32>,
      %parallel_loop3A_342 = vector.shape_cast %parallel_loop3A_341 : vector<1x1x16xf32> to vector<16xf32>
      %parallel_loop3A_343 = arith.constant 0 : i32
      %parallel_loop3A_344 = arith.index_cast %parallel_loop3A_343 : i32 to index
      %parallel_loop3A_345 = arith.index_cast %parallel_loop3A_176 : i32 to index
      %parallel_loop3A_346 = arith.constant 128 : index
      %parallel_loop3A_347 = tpu.vector_load %arg10[%parallel_loop3A_344, %parallel_loop3A_345, %parallel_loop3A_346] {strides = array<i32>} : memref<2x80x256xf32, #tpu.memory_space<vmem>>, vector<1x1x16xf32>,
      %parallel_loop3A_348 = vector.shape_cast %parallel_loop3A_347 : vector<1x1x16xf32> to vector<16xf32>
      %parallel_loop3A_349 = arith.addf %parallel_loop3A_342, %parallel_loop3A_348 : vector<16xf32>
      %parallel_loop3A_350 = arith.constant 0 : i32
      %parallel_loop3A_351 = arith.index_cast %parallel_loop3A_350 : i32 to index
      %parallel_loop3A_352 = arith.index_cast %parallel_loop3A_176 : i32 to index
      %parallel_loop3A_353 = arith.constant 128 : index
      %parallel_loop3A_354 = tpu.vector_load %arg11[%parallel_loop3A_351, %parallel_loop3A_352, %parallel_loop3A_353] {strides = array<i32>} : memref<2x80x144xf32, #tpu.memory_space<vmem>>, vector<1x1x16xf32>,
      %parallel_loop3A_355 = vector.shape_cast %parallel_loop3A_354 : vector<1x1x16xf32> to vector<16xf32>
      %parallel_loop3A_356 = vector.shape_cast %parallel_loop3A_349 : vector<16xf32> to vector<1x1x16xf32>
      tpu.vector_store %arg11[%parallel_loop3A_351, %parallel_loop3A_352, %parallel_loop3A_353], %parallel_loop3A_356 {strides = array<i32>} : memref<2x80x144xf32, #tpu.memory_space<vmem>>, vector<1x1x16xf32>,
    } {sc.loop_unroll_factor = 4 : i64, sc.parallel_access}
    %add3A_131 = arith.constant 9920 : i32
    %add3A_132 = arith.addi %mul3A_2, %add3A_131 : i32
    %dma_start3A_133 = arith.constant 0 : i32
    %dma_start3A_134 = arith.constant 0 : i32
    %dma_start3A_135 = arith.constant 0 : i32
    %dma_start3A_136 = tpu.memref_slice %arg11[%dma_start3A_133, %dma_start3A_134, %dma_start3A_135] : memref<2x80x144xf32, #tpu.memory_space<vmem>> -> memref<1x80x144xf32, #tpu.memory_space<vmem>>
    %dma_start3A_137 = tpu.memref_squeeze %dma_start3A_136 : memref<1x80x144xf32, #tpu.memory_space<vmem>> -> memref<80x144xf32, #tpu.memory_space<vmem>>
    %dma_start3A_138 = arith.constant 0 : i32
    %dma_start3A_139 = tpu.memref_slice %arg6[%add3A_132, %dma_start3A_138] : memref<320000x144xf32, #tpu.memory_space<hbm>> -> memref<80x144xf32, #tpu.memory_space<hbm>>
    %dma_start3A_140 = arith.constant 0 : i32
    %dma_start3A_141 = tpu.memref_slice %arg6[%add3A_132, %dma_start3A_140] : memref<320000x144xf32, #tpu.memory_space<hbm>> -> memref<80x144xf32, #tpu.memory_space<hbm>>
    %dma_start3A_142 = arith.constant 0 : i32
    %dma_start3A_143 = arith.constant 0 : i32
    %dma_start3A_144 = tpu.memref_slice %arg11[%dma_start3A_133, %dma_start3A_142, %dma_start3A_143] : memref<2x80x144xf32, #tpu.memory_space<vmem>> -> memref<1x80x144xf32, #tpu.memory_space<vmem>>
    %dma_start3A_145 = tpu.memref_squeeze %dma_start3A_144 : memref<1x80x144xf32, #tpu.memory_space<vmem>> -> memref<80x144xf32, #tpu.memory_space<vmem>>
    tpu.enqueue_dma source(%dma_start3A_145 : memref<80x144xf32, #tpu.memory_space<vmem>>) target(%dma_start3A_141 : memref<80x144xf32, #tpu.memory_space<hbm>>) target_semaphore(%arg18 : memref<!tpu.dma_semaphore, #tpu.memory_space<semaphore_mem>>)
    %add3A_146 = arith.constant 9840 : i32
    %add3A_147 = arith.addi %mul3A_2, %add3A_146 : i32
    %dma_wait3A_148 = arith.constant 1 : i32
    %dma_wait3A_149 = arith.constant 0 : i32
    %dma_wait3A_150 = arith.constant 0 : i32
    %dma_wait3A_151 = tpu.memref_slice %arg11[%dma_wait3A_148, %dma_wait3A_149, %dma_wait3A_150] : memref<2x80x144xf32, #tpu.memory_space<vmem>> -> memref<1x80x144xf32, #tpu.memory_space<vmem>>
    %dma_wait3A_152 = tpu.memref_squeeze %dma_wait3A_151 : memref<1x80x144xf32, #tpu.memory_space<vmem>> -> memref<80x144xf32, #tpu.memory_space<vmem>>
    %dma_wait3A_153 = arith.constant 0 : i32
    %dma_wait3A_154 = tpu.memref_slice %arg6[%add3A_147, %dma_wait3A_153] : memref<320000x144xf32, #tpu.memory_space<hbm>> -> memref<80x144xf32, #tpu.memory_space<hbm>>
    %dma_wait3A_155 = arith.constant 0 : i32
    %dma_wait3A_156 = tpu.memref_slice %arg6[%add3A_147, %dma_wait3A_155] : memref<320000x144xf32, #tpu.memory_space<hbm>> -> memref<80x144xf32, #tpu.memory_space<hbm>>
    %dma_wait3A_157 = arith.constant 0 : i32
    %dma_wait3A_158 = arith.constant 0 : i32
    %dma_wait3A_159 = tpu.memref_slice %arg11[%dma_wait3A_148, %dma_wait3A_157, %dma_wait3A_158] : memref<2x80x144xf32, #tpu.memory_space<vmem>> -> memref<1x80x144xf32, #tpu.memory_space<vmem>>
    %dma_wait3A_160 = tpu.memref_squeeze %dma_wait3A_159 : memref<1x80x144xf32, #tpu.memory_space<vmem>> -> memref<80x144xf32, #tpu.memory_space<vmem>>
    tpu.wait_dma2 semaphore(%arg19 : memref<!tpu.dma_semaphore, #tpu.memory_space<semaphore_mem>>) src(%dma_wait3A_160 : memref<80x144xf32, #tpu.memory_space<vmem>>) dst(%dma_wait3A_156 : memref<80x144xf32, #tpu.memory_space<hbm>>)
    %add3A_161 = arith.constant 9920 : i32
    %add3A_162 = arith.addi %mul3A_2, %add3A_161 : i32
    %dma_wait3A_163 = arith.constant 0 : i32
    %dma_wait3A_164 = arith.constant 0 : i32
    %dma_wait3A_165 = arith.constant 0 : i32
    %dma_wait3A_166 = tpu.memref_slice %arg11[%dma_wait3A_163, %dma_wait3A_164, %dma_wait3A_165] : memref<2x80x144xf32, #tpu.memory_space<vmem>> -> memref<1x80x144xf32, #tpu.memory_space<vmem>>
    %dma_wait3A_167 = tpu.memref_squeeze %dma_wait3A_166 : memref<1x80x144xf32, #tpu.memory_space<vmem>> -> memref<80x144xf32, #tpu.memory_space<vmem>>
    %dma_wait3A_168 = arith.constant 0 : i32
    %dma_wait3A_169 = tpu.memref_slice %arg6[%add3A_162, %dma_wait3A_168] : memref<320000x144xf32, #tpu.memory_space<hbm>> -> memref<80x144xf32, #tpu.memory_space<hbm>>
    %dma_wait3A_170 = arith.constant 0 : i32
    %dma_wait3A_171 = tpu.memref_slice %arg6[%add3A_162, %dma_wait3A_170] : memref<320000x144xf32, #tpu.memory_space<hbm>> -> memref<80x144xf32, #tpu.memory_space<hbm>>
    %dma_wait3A_172 = arith.constant 0 : i32
    %dma_wait3A_173 = arith.constant 0 : i32
    %dma_wait3A_174 = tpu.memref_slice %arg11[%dma_wait3A_163, %dma_wait3A_172, %dma_wait3A_173] : memref<2x80x144xf32, #tpu.memory_space<vmem>> -> memref<1x80x144xf32, #tpu.memory_space<vmem>>
    %dma_wait3A_175 = tpu.memref_squeeze %dma_wait3A_174 : memref<1x80x144xf32, #tpu.memory_space<vmem>> -> memref<80x144xf32, #tpu.memory_space<vmem>>
    tpu.wait_dma2 semaphore(%arg18 : memref<!tpu.dma_semaphore, #tpu.memory_space<semaphore_mem>>) src(%dma_wait3A_175 : memref<80x144xf32, #tpu.memory_space<vmem>>) dst(%dma_wait3A_171 : memref<80x144xf32, #tpu.memory_space<hbm>>)
    return
  }
}

#map = affine_map<(d0, d1) -> (0, 0)>
#map1 = affine_map<(d0, d1) -> (0)>
#map2 = affine_map<(d0, d1) -> (0, 0, 0)>
module attributes {stable_mosaic.version = 14 : i64} {
  func.func @k(%arg0: i32, %arg1: i32, %arg2: memref<320000x128xf32, #tpu.memory_space<hbm>>, %arg3: memref<320000x128xf32, #tpu.memory_space<hbm>>, %arg4: memref<320000xi32, #tpu.memory_space<hbm>>, %arg5: memref<2x10112x128xf32, #tpu.memory_space<hbm>>, %arg6: memref<2x384x128xf32, #tpu.memory_space<hbm>>, %arg7: memref<10112x128xf32, #tpu.memory_space<vmem_shared>>, %arg8: memref<384x128xf32, #tpu.memory_space<vmem_shared>>, %arg9: memref<2x80xi32, #tpu.memory_space<vmem>>, %arg10: memref<2x80xi32, #tpu.memory_space<vmem>>, %arg11: memref<2x80x128xf32, #tpu.memory_space<vmem>>, %arg12: memref<2x80x128xf32, #tpu.memory_space<vmem>>, %arg13: memref<!tpu.dma_semaphore, #tpu.memory_space<semaphore_mem>>, %arg14: memref<!tpu.dma_semaphore, #tpu.memory_space<semaphore_mem>>, %arg15: memref<!tpu.dma_semaphore, #tpu.memory_space<semaphore_mem>>, %arg16: memref<!tpu.dma_semaphore, #tpu.memory_space<semaphore_mem>>, %arg17: memref<!tpu.dma_semaphore, #tpu.memory_space<semaphore_mem>>, %arg18: memref<!tpu.dma_semaphore, #tpu.memory_space<semaphore_mem>>) attributes {dimension_semantics = [#tpu.dimension_semantics<core_parallel>, #tpu.dimension_semantics<subcore_parallel>], iteration_bounds = array<i64: 2, 16>, scalar_prefetch = 0 : i64, scratch_operands = 12 : i64, tpu.core_type = #tpu.core_type<sc_vector_subcore>, window_params = [{transform_indices = #map}, {transform_indices = #map}, {transform_indices = #map1}, {transform_indices = #map2}, {transform_indices = #map2}]} {
    %mul3A = arith.constant 2 : i32
    %mul3A_0 = arith.muli %arg1, %mul3A : i32
    %add3A = arith.addi %mul3A_0, %arg0 : i32
    %mul3A_1 = arith.constant 10000 : i32
    %mul3A_2 = arith.muli %add3A, %mul3A_1 : i32
    %scan3A = arith.constant 0 : i32
    %scan3A_3 = arith.constant 0 : i32
    %scan3A_4 = arith.constant 80 : i32
    %scan3A_5 = arith.addi %scan3A_3, %scan3A_4 : i32
    %scan3A_6 = arith.constant 1 : i32
    scf.for %scan3A_208 = %scan3A_3 to %scan3A_5 step %scan3A_6  : i32 {
      %broadcast_in_dim3A = arith.constant 0.000000e+00 : f32
      %broadcast_in_dim3A_209 = vector.broadcast %broadcast_in_dim3A : f32 to vector<16xf32>
      %swap3A_210 = arith.constant 0 : i32
      %swap3A_211 = arith.index_cast %swap3A_210 : i32 to index
      %swap3A_212 = arith.index_cast %scan3A_208 : i32 to index
      %swap3A_213 = arith.constant 0 : index
      %swap3A_214 = tpu.vector_load %arg11[%swap3A_211, %swap3A_212, %swap3A_213] {strides = array<i32>} : memref<2x80x128xf32, #tpu.memory_space<vmem>>, vector<1x1x16xf32>,
      %swap3A_215 = vector.shape_cast %swap3A_214 : vector<1x1x16xf32> to vector<16xf32>
      %swap3A_216 = vector.shape_cast %broadcast_in_dim3A_209 : vector<16xf32> to vector<1x1x16xf32>
      tpu.vector_store %arg11[%swap3A_211, %swap3A_212, %swap3A_213], %swap3A_216 {strides = array<i32>} : memref<2x80x128xf32, #tpu.memory_space<vmem>>, vector<1x1x16xf32>,
      %broadcast_in_dim3A_217 = arith.constant 0.000000e+00 : f32
      %broadcast_in_dim3A_218 = vector.broadcast %broadcast_in_dim3A_217 : f32 to vector<16xf32>
      %swap3A_219 = arith.constant 0 : i32
      %swap3A_220 = arith.index_cast %swap3A_219 : i32 to index
      %swap3A_221 = arith.index_cast %scan3A_208 : i32 to index
      %swap3A_222 = arith.constant 16 : index
      %swap3A_223 = tpu.vector_load %arg11[%swap3A_220, %swap3A_221, %swap3A_222] {strides = array<i32>} : memref<2x80x128xf32, #tpu.memory_space<vmem>>, vector<1x1x16xf32>,
      %swap3A_224 = vector.shape_cast %swap3A_223 : vector<1x1x16xf32> to vector<16xf32>
      %swap3A_225 = vector.shape_cast %broadcast_in_dim3A_218 : vector<16xf32> to vector<1x1x16xf32>
      tpu.vector_store %arg11[%swap3A_220, %swap3A_221, %swap3A_222], %swap3A_225 {strides = array<i32>} : memref<2x80x128xf32, #tpu.memory_space<vmem>>, vector<1x1x16xf32>,
      %broadcast_in_dim3A_226 = arith.constant 0.000000e+00 : f32
      %broadcast_in_dim3A_227 = vector.broadcast %broadcast_in_dim3A_226 : f32 to vector<16xf32>
      %swap3A_228 = arith.constant 0 : i32
      %swap3A_229 = arith.index_cast %swap3A_228 : i32 to index
      %swap3A_230 = arith.index_cast %scan3A_208 : i32 to index
      %swap3A_231 = arith.constant 32 : index
      %swap3A_232 = tpu.vector_load %arg11[%swap3A_229, %swap3A_230, %swap3A_231] {strides = array<i32>} : memref<2x80x128xf32, #tpu.memory_space<vmem>>, vector<1x1x16xf32>,
      %swap3A_233 = vector.shape_cast %swap3A_232 : vector<1x1x16xf32> to vector<16xf32>
      %swap3A_234 = vector.shape_cast %broadcast_in_dim3A_227 : vector<16xf32> to vector<1x1x16xf32>
      tpu.vector_store %arg11[%swap3A_229, %swap3A_230, %swap3A_231], %swap3A_234 {strides = array<i32>} : memref<2x80x128xf32, #tpu.memory_space<vmem>>, vector<1x1x16xf32>,
      %broadcast_in_dim3A_235 = arith.constant 0.000000e+00 : f32
      %broadcast_in_dim3A_236 = vector.broadcast %broadcast_in_dim3A_235 : f32 to vector<16xf32>
      %swap3A_237 = arith.constant 0 : i32
      %swap3A_238 = arith.index_cast %swap3A_237 : i32 to index
      %swap3A_239 = arith.index_cast %scan3A_208 : i32 to index
      %swap3A_240 = arith.constant 48 : index
      %swap3A_241 = tpu.vector_load %arg11[%swap3A_238, %swap3A_239, %swap3A_240] {strides = array<i32>} : memref<2x80x128xf32, #tpu.memory_space<vmem>>, vector<1x1x16xf32>,
      %swap3A_242 = vector.shape_cast %swap3A_241 : vector<1x1x16xf32> to vector<16xf32>
      %swap3A_243 = vector.shape_cast %broadcast_in_dim3A_236 : vector<16xf32> to vector<1x1x16xf32>
      tpu.vector_store %arg11[%swap3A_238, %swap3A_239, %swap3A_240], %swap3A_243 {strides = array<i32>} : memref<2x80x128xf32, #tpu.memory_space<vmem>>, vector<1x1x16xf32>,
      %broadcast_in_dim3A_244 = arith.constant 0.000000e+00 : f32
      %broadcast_in_dim3A_245 = vector.broadcast %broadcast_in_dim3A_244 : f32 to vector<16xf32>
      %swap3A_246 = arith.constant 0 : i32
      %swap3A_247 = arith.index_cast %swap3A_246 : i32 to index
      %swap3A_248 = arith.index_cast %scan3A_208 : i32 to index
      %swap3A_249 = arith.constant 64 : index
      %swap3A_250 = tpu.vector_load %arg11[%swap3A_247, %swap3A_248, %swap3A_249] {strides = array<i32>} : memref<2x80x128xf32, #tpu.memory_space<vmem>>, vector<1x1x16xf32>,
      %swap3A_251 = vector.shape_cast %swap3A_250 : vector<1x1x16xf32> to vector<16xf32>
      %swap3A_252 = vector.shape_cast %broadcast_in_dim3A_245 : vector<16xf32> to vector<1x1x16xf32>
      tpu.vector_store %arg11[%swap3A_247, %swap3A_248, %swap3A_249], %swap3A_252 {strides = array<i32>} : memref<2x80x128xf32, #tpu.memory_space<vmem>>, vector<1x1x16xf32>,
      %broadcast_in_dim3A_253 = arith.constant 0.000000e+00 : f32
      %broadcast_in_dim3A_254 = vector.broadcast %broadcast_in_dim3A_253 : f32 to vector<16xf32>
      %swap3A_255 = arith.constant 0 : i32
      %swap3A_256 = arith.index_cast %swap3A_255 : i32 to index
      %swap3A_257 = arith.index_cast %scan3A_208 : i32 to index
      %swap3A_258 = arith.constant 80 : index
      %swap3A_259 = tpu.vector_load %arg11[%swap3A_256, %swap3A_257, %swap3A_258] {strides = array<i32>} : memref<2x80x128xf32, #tpu.memory_space<vmem>>, vector<1x1x16xf32>,
      %swap3A_260 = vector.shape_cast %swap3A_259 : vector<1x1x16xf32> to vector<16xf32>
      %swap3A_261 = vector.shape_cast %broadcast_in_dim3A_254 : vector<16xf32> to vector<1x1x16xf32>
      tpu.vector_store %arg11[%swap3A_256, %swap3A_257, %swap3A_258], %swap3A_261 {strides = array<i32>} : memref<2x80x128xf32, #tpu.memory_space<vmem>>, vector<1x1x16xf32>,
      %broadcast_in_dim3A_262 = arith.constant 0.000000e+00 : f32
      %broadcast_in_dim3A_263 = vector.broadcast %broadcast_in_dim3A_262 : f32 to vector<16xf32>
      %swap3A_264 = arith.constant 0 : i32
      %swap3A_265 = arith.index_cast %swap3A_264 : i32 to index
      %swap3A_266 = arith.index_cast %scan3A_208 : i32 to index
      %swap3A_267 = arith.constant 96 : index
      %swap3A_268 = tpu.vector_load %arg11[%swap3A_265, %swap3A_266, %swap3A_267] {strides = array<i32>} : memref<2x80x128xf32, #tpu.memory_space<vmem>>, vector<1x1x16xf32>,
      %swap3A_269 = vector.shape_cast %swap3A_268 : vector<1x1x16xf32> to vector<16xf32>
      %swap3A_270 = vector.shape_cast %broadcast_in_dim3A_263 : vector<16xf32> to vector<1x1x16xf32>
      tpu.vector_store %arg11[%swap3A_265, %swap3A_266, %swap3A_267], %swap3A_270 {strides = array<i32>} : memref<2x80x128xf32, #tpu.memory_space<vmem>>, vector<1x1x16xf32>,
      %broadcast_in_dim3A_271 = arith.constant 0.000000e+00 : f32
      %broadcast_in_dim3A_272 = vector.broadcast %broadcast_in_dim3A_271 : f32 to vector<16xf32>
      %swap3A_273 = arith.constant 0 : i32
      %swap3A_274 = arith.index_cast %swap3A_273 : i32 to index
      %swap3A_275 = arith.index_cast %scan3A_208 : i32 to index
      %swap3A_276 = arith.constant 112 : index
      %swap3A_277 = tpu.vector_load %arg11[%swap3A_274, %swap3A_275, %swap3A_276] {strides = array<i32>} : memref<2x80x128xf32, #tpu.memory_space<vmem>>, vector<1x1x16xf32>,
      %swap3A_278 = vector.shape_cast %swap3A_277 : vector<1x1x16xf32> to vector<16xf32>
      %swap3A_279 = vector.shape_cast %broadcast_in_dim3A_272 : vector<16xf32> to vector<1x1x16xf32>
      tpu.vector_store %arg11[%swap3A_274, %swap3A_275, %swap3A_276], %swap3A_279 {strides = array<i32>} : memref<2x80x128xf32, #tpu.memory_space<vmem>>, vector<1x1x16xf32>,
    }
    %scan3A_7 = arith.constant 80 : i32
    %mul3A_8 = arith.constant 632 : i32
    %mul3A_9 = arith.muli %arg1, %mul3A_8 : i32
    %add3A_10 = arith.constant 0 : i32
    %add3A_11 = arith.addi %mul3A_9, %add3A_10 : i32
    %run_scoped3A = arith.constant 0 : i32
    "tpu.region"() ({
      %run_scoped3A_208 = tpu.sem_alloc : memref<!tpu.dma_semaphore, #tpu.memory_space<semaphore_mem>>
      %dma_start3A_209 = arith.constant 0 : i32
      %dma_start3A_210 = arith.constant 0 : i32
      %dma_start3A_211 = tpu.memref_slice %arg11[%run_scoped3A, %dma_start3A_209, %dma_start3A_210] : memref<2x80x128xf32, #tpu.memory_space<vmem>> -> memref<1x80x128xf32, #tpu.memory_space<vmem>>
      %dma_start3A_212 = tpu.memref_squeeze %dma_start3A_211 : memref<1x80x128xf32, #tpu.memory_space<vmem>> -> memref<80x128xf32, #tpu.memory_space<vmem>>
      %dma_start3A_213 = arith.constant 0 : i32
      %dma_start3A_214 = arith.constant 0 : i32
      %dma_start3A_215 = tpu.memref_slice %dma_start3A_212[%dma_start3A_213, %dma_start3A_214] : memref<80x128xf32, #tpu.memory_space<vmem>> -> memref<80x128xf32, #tpu.memory_space<vmem>>
      %dma_start3A_216 = arith.constant 0 : i32
      %dma_start3A_217 = tpu.memref_slice %arg7[%add3A_11, %dma_start3A_216] : memref<10112x128xf32, #tpu.memory_space<vmem_shared>> -> memref<80x128xf32, #tpu.memory_space<vmem_shared>>
      %dma_start3A_218 = arith.constant 0 : i32
      %dma_start3A_219 = tpu.memref_slice %arg7[%add3A_11, %dma_start3A_218] : memref<10112x128xf32, #tpu.memory_space<vmem_shared>> -> memref<80x128xf32, #tpu.memory_space<vmem_shared>>
      %dma_start3A_220 = arith.constant 0 : i32
      %dma_start3A_221 = arith.constant 0 : i32
      %dma_start3A_222 = tpu.memref_slice %arg11[%run_scoped3A, %dma_start3A_220, %dma_start3A_221] : memref<2x80x128xf32, #tpu.memory_space<vmem>> -> memref<1x80x128xf32, #tpu.memory_space<vmem>>
      %dma_start3A_223 = tpu.memref_squeeze %dma_start3A_222 : memref<1x80x128xf32, #tpu.memory_space<vmem>> -> memref<80x128xf32, #tpu.memory_space<vmem>>
      %dma_start3A_224 = arith.constant 0 : i32
      %dma_start3A_225 = arith.constant 0 : i32
      %dma_start3A_226 = tpu.memref_slice %dma_start3A_223[%dma_start3A_224, %dma_start3A_225] : memref<80x128xf32, #tpu.memory_space<vmem>> -> memref<80x128xf32, #tpu.memory_space<vmem>>
      tpu.enqueue_dma source(%dma_start3A_226 : memref<80x128xf32, #tpu.memory_space<vmem>>) target(%dma_start3A_219 : memref<80x128xf32, #tpu.memory_space<vmem_shared>>) target_semaphore(%run_scoped3A_208 : memref<!tpu.dma_semaphore, #tpu.memory_space<semaphore_mem>>)
      %dma_wait3A_227 = arith.constant 0 : i32
      %dma_wait3A_228 = arith.constant 0 : i32
      %dma_wait3A_229 = tpu.memref_slice %arg11[%run_scoped3A, %dma_wait3A_227, %dma_wait3A_228] : memref<2x80x128xf32, #tpu.memory_space<vmem>> -> memref<1x80x128xf32, #tpu.memory_space<vmem>>
      %dma_wait3A_230 = tpu.memref_squeeze %dma_wait3A_229 : memref<1x80x128xf32, #tpu.memory_space<vmem>> -> memref<80x128xf32, #tpu.memory_space<vmem>>
      %dma_wait3A_231 = arith.constant 0 : i32
      %dma_wait3A_232 = arith.constant 0 : i32
      %dma_wait3A_233 = tpu.memref_slice %dma_wait3A_230[%dma_wait3A_231, %dma_wait3A_232] : memref<80x128xf32, #tpu.memory_space<vmem>> -> memref<80x128xf32, #tpu.memory_space<vmem>>
      %dma_wait3A_234 = arith.constant 0 : i32
      %dma_wait3A_235 = tpu.memref_slice %arg7[%add3A_11, %dma_wait3A_234] : memref<10112x128xf32, #tpu.memory_space<vmem_shared>> -> memref<80x128xf32, #tpu.memory_space<vmem_shared>>
      %dma_wait3A_236 = arith.constant 0 : i32
      %dma_wait3A_237 = tpu.memref_slice %arg7[%add3A_11, %dma_wait3A_236] : memref<10112x128xf32, #tpu.memory_space<vmem_shared>> -> memref<80x128xf32, #tpu.memory_space<vmem_shared>>
      %dma_wait3A_238 = arith.constant 0 : i32
      %dma_wait3A_239 = arith.constant 0 : i32
      %dma_wait3A_240 = tpu.memref_slice %arg11[%run_scoped3A, %dma_wait3A_238, %dma_wait3A_239] : memref<2x80x128xf32, #tpu.memory_space<vmem>> -> memref<1x80x128xf32, #tpu.memory_space<vmem>>
      %dma_wait3A_241 = tpu.memref_squeeze %dma_wait3A_240 : memref<1x80x128xf32, #tpu.memory_space<vmem>> -> memref<80x128xf32, #tpu.memory_space<vmem>>
      %dma_wait3A_242 = arith.constant 0 : i32
      %dma_wait3A_243 = arith.constant 0 : i32
      %dma_wait3A_244 = tpu.memref_slice %dma_wait3A_241[%dma_wait3A_242, %dma_wait3A_243] : memref<80x128xf32, #tpu.memory_space<vmem>> -> memref<80x128xf32, #tpu.memory_space<vmem>>
      tpu.wait_dma2 semaphore(%run_scoped3A_208 : memref<!tpu.dma_semaphore, #tpu.memory_space<semaphore_mem>>) src(%dma_wait3A_244 : memref<80x128xf32, #tpu.memory_space<vmem>>) dst(%dma_wait3A_237 : memref<80x128xf32, #tpu.memory_space<vmem_shared>>)
      tpu.yield
    }) : () -> ()
    %mul3A_12 = arith.constant 632 : i32
    %mul3A_13 = arith.muli %arg1, %mul3A_12 : i32
    %add3A_14 = arith.constant 80 : i32
    %add3A_15 = arith.addi %mul3A_13, %add3A_14 : i32
    %run_scoped3A_16 = arith.constant 0 : i32
    "tpu.region"() ({
      %run_scoped3A_208 = tpu.sem_alloc : memref<!tpu.dma_semaphore, #tpu.memory_space<semaphore_mem>>
      %dma_start3A_209 = arith.constant 0 : i32
      %dma_start3A_210 = arith.constant 0 : i32
      %dma_start3A_211 = tpu.memref_slice %arg11[%run_scoped3A_16, %dma_start3A_209, %dma_start3A_210] : memref<2x80x128xf32, #tpu.memory_space<vmem>> -> memref<1x80x128xf32, #tpu.memory_space<vmem>>
      %dma_start3A_212 = tpu.memref_squeeze %dma_start3A_211 : memref<1x80x128xf32, #tpu.memory_space<vmem>> -> memref<80x128xf32, #tpu.memory_space<vmem>>
      %dma_start3A_213 = arith.constant 0 : i32
      %dma_start3A_214 = arith.constant 0 : i32
      %dma_start3A_215 = tpu.memref_slice %dma_start3A_212[%dma_start3A_213, %dma_start3A_214] : memref<80x128xf32, #tpu.memory_space<vmem>> -> memref<80x128xf32, #tpu.memory_space<vmem>>
      %dma_start3A_216 = arith.constant 0 : i32
      %dma_start3A_217 = tpu.memref_slice %arg7[%add3A_15, %dma_start3A_216] : memref<10112x128xf32, #tpu.memory_space<vmem_shared>> -> memref<80x128xf32, #tpu.memory_space<vmem_shared>>
      %dma_start3A_218 = arith.constant 0 : i32
      %dma_start3A_219 = tpu.memref_slice %arg7[%add3A_15, %dma_start3A_218] : memref<10112x128xf32, #tpu.memory_space<vmem_shared>> -> memref<80x128xf32, #tpu.memory_space<vmem_shared>>
      %dma_start3A_220 = arith.constant 0 : i32
      %dma_start3A_221 = arith.constant 0 : i32
      %dma_start3A_222 = tpu.memref_slice %arg11[%run_scoped3A_16, %dma_start3A_220, %dma_start3A_221] : memref<2x80x128xf32, #tpu.memory_space<vmem>> -> memref<1x80x128xf32, #tpu.memory_space<vmem>>
      %dma_start3A_223 = tpu.memref_squeeze %dma_start3A_222 : memref<1x80x128xf32, #tpu.memory_space<vmem>> -> memref<80x128xf32, #tpu.memory_space<vmem>>
      %dma_start3A_224 = arith.constant 0 : i32
      %dma_start3A_225 = arith.constant 0 : i32
      %dma_start3A_226 = tpu.memref_slice %dma_start3A_223[%dma_start3A_224, %dma_start3A_225] : memref<80x128xf32, #tpu.memory_space<vmem>> -> memref<80x128xf32, #tpu.memory_space<vmem>>
      tpu.enqueue_dma source(%dma_start3A_226 : memref<80x128xf32, #tpu.memory_space<vmem>>) target(%dma_start3A_219 : memref<80x128xf32, #tpu.memory_space<vmem_shared>>) target_semaphore(%run_scoped3A_208 : memref<!tpu.dma_semaphore, #tpu.memory_space<semaphore_mem>>)
      %dma_wait3A_227 = arith.constant 0 : i32
      %dma_wait3A_228 = arith.constant 0 : i32
      %dma_wait3A_229 = tpu.memref_slice %arg11[%run_scoped3A_16, %dma_wait3A_227, %dma_wait3A_228] : memref<2x80x128xf32, #tpu.memory_space<vmem>> -> memref<1x80x128xf32, #tpu.memory_space<vmem>>
      %dma_wait3A_230 = tpu.memref_squeeze %dma_wait3A_229 : memref<1x80x128xf32, #tpu.memory_space<vmem>> -> memref<80x128xf32, #tpu.memory_space<vmem>>
      %dma_wait3A_231 = arith.constant 0 : i32
      %dma_wait3A_232 = arith.constant 0 : i32
      %dma_wait3A_233 = tpu.memref_slice %dma_wait3A_230[%dma_wait3A_231, %dma_wait3A_232] : memref<80x128xf32, #tpu.memory_space<vmem>> -> memref<80x128xf32, #tpu.memory_space<vmem>>
      %dma_wait3A_234 = arith.constant 0 : i32
      %dma_wait3A_235 = tpu.memref_slice %arg7[%add3A_15, %dma_wait3A_234] : memref<10112x128xf32, #tpu.memory_space<vmem_shared>> -> memref<80x128xf32, #tpu.memory_space<vmem_shared>>
      %dma_wait3A_236 = arith.constant 0 : i32
      %dma_wait3A_237 = tpu.memref_slice %arg7[%add3A_15, %dma_wait3A_236] : memref<10112x128xf32, #tpu.memory_space<vmem_shared>> -> memref<80x128xf32, #tpu.memory_space<vmem_shared>>
      %dma_wait3A_238 = arith.constant 0 : i32
      %dma_wait3A_239 = arith.constant 0 : i32
      %dma_wait3A_240 = tpu.memref_slice %arg11[%run_scoped3A_16, %dma_wait3A_238, %dma_wait3A_239] : memref<2x80x128xf32, #tpu.memory_space<vmem>> -> memref<1x80x128xf32, #tpu.memory_space<vmem>>
      %dma_wait3A_241 = tpu.memref_squeeze %dma_wait3A_240 : memref<1x80x128xf32, #tpu.memory_space<vmem>> -> memref<80x128xf32, #tpu.memory_space<vmem>>
      %dma_wait3A_242 = arith.constant 0 : i32
      %dma_wait3A_243 = arith.constant 0 : i32
      %dma_wait3A_244 = tpu.memref_slice %dma_wait3A_241[%dma_wait3A_242, %dma_wait3A_243] : memref<80x128xf32, #tpu.memory_space<vmem>> -> memref<80x128xf32, #tpu.memory_space<vmem>>
      tpu.wait_dma2 semaphore(%run_scoped3A_208 : memref<!tpu.dma_semaphore, #tpu.memory_space<semaphore_mem>>) src(%dma_wait3A_244 : memref<80x128xf32, #tpu.memory_space<vmem>>) dst(%dma_wait3A_237 : memref<80x128xf32, #tpu.memory_space<vmem_shared>>)
      tpu.yield
    }) : () -> ()
    %mul3A_17 = arith.constant 632 : i32
    %mul3A_18 = arith.muli %arg1, %mul3A_17 : i32
    %add3A_19 = arith.constant 160 : i32
    %add3A_20 = arith.addi %mul3A_18, %add3A_19 : i32
    %run_scoped3A_21 = arith.constant 0 : i32
    "tpu.region"() ({
      %run_scoped3A_208 = tpu.sem_alloc : memref<!tpu.dma_semaphore, #tpu.memory_space<semaphore_mem>>
      %dma_start3A_209 = arith.constant 0 : i32
      %dma_start3A_210 = arith.constant 0 : i32
      %dma_start3A_211 = tpu.memref_slice %arg11[%run_scoped3A_21, %dma_start3A_209, %dma_start3A_210] : memref<2x80x128xf32, #tpu.memory_space<vmem>> -> memref<1x80x128xf32, #tpu.memory_space<vmem>>
      %dma_start3A_212 = tpu.memref_squeeze %dma_start3A_211 : memref<1x80x128xf32, #tpu.memory_space<vmem>> -> memref<80x128xf32, #tpu.memory_space<vmem>>
      %dma_start3A_213 = arith.constant 0 : i32
      %dma_start3A_214 = arith.constant 0 : i32
      %dma_start3A_215 = tpu.memref_slice %dma_start3A_212[%dma_start3A_213, %dma_start3A_214] : memref<80x128xf32, #tpu.memory_space<vmem>> -> memref<80x128xf32, #tpu.memory_space<vmem>>
      %dma_start3A_216 = arith.constant 0 : i32
      %dma_start3A_217 = tpu.memref_slice %arg7[%add3A_20, %dma_start3A_216] : memref<10112x128xf32, #tpu.memory_space<vmem_shared>> -> memref<80x128xf32, #tpu.memory_space<vmem_shared>>
      %dma_start3A_218 = arith.constant 0 : i32
      %dma_start3A_219 = tpu.memref_slice %arg7[%add3A_20, %dma_start3A_218] : memref<10112x128xf32, #tpu.memory_space<vmem_shared>> -> memref<80x128xf32, #tpu.memory_space<vmem_shared>>
      %dma_start3A_220 = arith.constant 0 : i32
      %dma_start3A_221 = arith.constant 0 : i32
      %dma_start3A_222 = tpu.memref_slice %arg11[%run_scoped3A_21, %dma_start3A_220, %dma_start3A_221] : memref<2x80x128xf32, #tpu.memory_space<vmem>> -> memref<1x80x128xf32, #tpu.memory_space<vmem>>
      %dma_start3A_223 = tpu.memref_squeeze %dma_start3A_222 : memref<1x80x128xf32, #tpu.memory_space<vmem>> -> memref<80x128xf32, #tpu.memory_space<vmem>>
      %dma_start3A_224 = arith.constant 0 : i32
      %dma_start3A_225 = arith.constant 0 : i32
      %dma_start3A_226 = tpu.memref_slice %dma_start3A_223[%dma_start3A_224, %dma_start3A_225] : memref<80x128xf32, #tpu.memory_space<vmem>> -> memref<80x128xf32, #tpu.memory_space<vmem>>
      tpu.enqueue_dma source(%dma_start3A_226 : memref<80x128xf32, #tpu.memory_space<vmem>>) target(%dma_start3A_219 : memref<80x128xf32, #tpu.memory_space<vmem_shared>>) target_semaphore(%run_scoped3A_208 : memref<!tpu.dma_semaphore, #tpu.memory_space<semaphore_mem>>)
      %dma_wait3A_227 = arith.constant 0 : i32
      %dma_wait3A_228 = arith.constant 0 : i32
      %dma_wait3A_229 = tpu.memref_slice %arg11[%run_scoped3A_21, %dma_wait3A_227, %dma_wait3A_228] : memref<2x80x128xf32, #tpu.memory_space<vmem>> -> memref<1x80x128xf32, #tpu.memory_space<vmem>>
      %dma_wait3A_230 = tpu.memref_squeeze %dma_wait3A_229 : memref<1x80x128xf32, #tpu.memory_space<vmem>> -> memref<80x128xf32, #tpu.memory_space<vmem>>
      %dma_wait3A_231 = arith.constant 0 : i32
      %dma_wait3A_232 = arith.constant 0 : i32
      %dma_wait3A_233 = tpu.memref_slice %dma_wait3A_230[%dma_wait3A_231, %dma_wait3A_232] : memref<80x128xf32, #tpu.memory_space<vmem>> -> memref<80x128xf32, #tpu.memory_space<vmem>>
      %dma_wait3A_234 = arith.constant 0 : i32
      %dma_wait3A_235 = tpu.memref_slice %arg7[%add3A_20, %dma_wait3A_234] : memref<10112x128xf32, #tpu.memory_space<vmem_shared>> -> memref<80x128xf32, #tpu.memory_space<vmem_shared>>
      %dma_wait3A_236 = arith.constant 0 : i32
      %dma_wait3A_237 = tpu.memref_slice %arg7[%add3A_20, %dma_wait3A_236] : memref<10112x128xf32, #tpu.memory_space<vmem_shared>> -> memref<80x128xf32, #tpu.memory_space<vmem_shared>>
      %dma_wait3A_238 = arith.constant 0 : i32
      %dma_wait3A_239 = arith.constant 0 : i32
      %dma_wait3A_240 = tpu.memref_slice %arg11[%run_scoped3A_21, %dma_wait3A_238, %dma_wait3A_239] : memref<2x80x128xf32, #tpu.memory_space<vmem>> -> memref<1x80x128xf32, #tpu.memory_space<vmem>>
      %dma_wait3A_241 = tpu.memref_squeeze %dma_wait3A_240 : memref<1x80x128xf32, #tpu.memory_space<vmem>> -> memref<80x128xf32, #tpu.memory_space<vmem>>
      %dma_wait3A_242 = arith.constant 0 : i32
      %dma_wait3A_243 = arith.constant 0 : i32
      %dma_wait3A_244 = tpu.memref_slice %dma_wait3A_241[%dma_wait3A_242, %dma_wait3A_243] : memref<80x128xf32, #tpu.memory_space<vmem>> -> memref<80x128xf32, #tpu.memory_space<vmem>>
      tpu.wait_dma2 semaphore(%run_scoped3A_208 : memref<!tpu.dma_semaphore, #tpu.memory_space<semaphore_mem>>) src(%dma_wait3A_244 : memref<80x128xf32, #tpu.memory_space<vmem>>) dst(%dma_wait3A_237 : memref<80x128xf32, #tpu.memory_space<vmem_shared>>)
      tpu.yield
    }) : () -> ()
    %mul3A_22 = arith.constant 632 : i32
    %mul3A_23 = arith.muli %arg1, %mul3A_22 : i32
    %add3A_24 = arith.constant 240 : i32
    %add3A_25 = arith.addi %mul3A_23, %add3A_24 : i32
    %run_scoped3A_26 = arith.constant 0 : i32
    "tpu.region"() ({
      %run_scoped3A_208 = tpu.sem_alloc : memref<!tpu.dma_semaphore, #tpu.memory_space<semaphore_mem>>
      %dma_start3A_209 = arith.constant 0 : i32
      %dma_start3A_210 = arith.constant 0 : i32
      %dma_start3A_211 = tpu.memref_slice %arg11[%run_scoped3A_26, %dma_start3A_209, %dma_start3A_210] : memref<2x80x128xf32, #tpu.memory_space<vmem>> -> memref<1x80x128xf32, #tpu.memory_space<vmem>>
      %dma_start3A_212 = tpu.memref_squeeze %dma_start3A_211 : memref<1x80x128xf32, #tpu.memory_space<vmem>> -> memref<80x128xf32, #tpu.memory_space<vmem>>
      %dma_start3A_213 = arith.constant 0 : i32
      %dma_start3A_214 = arith.constant 0 : i32
      %dma_start3A_215 = tpu.memref_slice %dma_start3A_212[%dma_start3A_213, %dma_start3A_214] : memref<80x128xf32, #tpu.memory_space<vmem>> -> memref<80x128xf32, #tpu.memory_space<vmem>>
      %dma_start3A_216 = arith.constant 0 : i32
      %dma_start3A_217 = tpu.memref_slice %arg7[%add3A_25, %dma_start3A_216] : memref<10112x128xf32, #tpu.memory_space<vmem_shared>> -> memref<80x128xf32, #tpu.memory_space<vmem_shared>>
      %dma_start3A_218 = arith.constant 0 : i32
      %dma_start3A_219 = tpu.memref_slice %arg7[%add3A_25, %dma_start3A_218] : memref<10112x128xf32, #tpu.memory_space<vmem_shared>> -> memref<80x128xf32, #tpu.memory_space<vmem_shared>>
      %dma_start3A_220 = arith.constant 0 : i32
      %dma_start3A_221 = arith.constant 0 : i32
      %dma_start3A_222 = tpu.memref_slice %arg11[%run_scoped3A_26, %dma_start3A_220, %dma_start3A_221] : memref<2x80x128xf32, #tpu.memory_space<vmem>> -> memref<1x80x128xf32, #tpu.memory_space<vmem>>
      %dma_start3A_223 = tpu.memref_squeeze %dma_start3A_222 : memref<1x80x128xf32, #tpu.memory_space<vmem>> -> memref<80x128xf32, #tpu.memory_space<vmem>>
      %dma_start3A_224 = arith.constant 0 : i32
      %dma_start3A_225 = arith.constant 0 : i32
      %dma_start3A_226 = tpu.memref_slice %dma_start3A_223[%dma_start3A_224, %dma_start3A_225] : memref<80x128xf32, #tpu.memory_space<vmem>> -> memref<80x128xf32, #tpu.memory_space<vmem>>
      tpu.enqueue_dma source(%dma_start3A_226 : memref<80x128xf32, #tpu.memory_space<vmem>>) target(%dma_start3A_219 : memref<80x128xf32, #tpu.memory_space<vmem_shared>>) target_semaphore(%run_scoped3A_208 : memref<!tpu.dma_semaphore, #tpu.memory_space<semaphore_mem>>)
      %dma_wait3A_227 = arith.constant 0 : i32
      %dma_wait3A_228 = arith.constant 0 : i32
      %dma_wait3A_229 = tpu.memref_slice %arg11[%run_scoped3A_26, %dma_wait3A_227, %dma_wait3A_228] : memref<2x80x128xf32, #tpu.memory_space<vmem>> -> memref<1x80x128xf32, #tpu.memory_space<vmem>>
      %dma_wait3A_230 = tpu.memref_squeeze %dma_wait3A_229 : memref<1x80x128xf32, #tpu.memory_space<vmem>> -> memref<80x128xf32, #tpu.memory_space<vmem>>
      %dma_wait3A_231 = arith.constant 0 : i32
      %dma_wait3A_232 = arith.constant 0 : i32
      %dma_wait3A_233 = tpu.memref_slice %dma_wait3A_230[%dma_wait3A_231, %dma_wait3A_232] : memref<80x128xf32, #tpu.memory_space<vmem>> -> memref<80x128xf32, #tpu.memory_space<vmem>>
      %dma_wait3A_234 = arith.constant 0 : i32
      %dma_wait3A_235 = tpu.memref_slice %arg7[%add3A_25, %dma_wait3A_234] : memref<10112x128xf32, #tpu.memory_space<vmem_shared>> -> memref<80x128xf32, #tpu.memory_space<vmem_shared>>
      %dma_wait3A_236 = arith.constant 0 : i32
      %dma_wait3A_237 = tpu.memref_slice %arg7[%add3A_25, %dma_wait3A_236] : memref<10112x128xf32, #tpu.memory_space<vmem_shared>> -> memref<80x128xf32, #tpu.memory_space<vmem_shared>>
      %dma_wait3A_238 = arith.constant 0 : i32
      %dma_wait3A_239 = arith.constant 0 : i32
      %dma_wait3A_240 = tpu.memref_slice %arg11[%run_scoped3A_26, %dma_wait3A_238, %dma_wait3A_239] : memref<2x80x128xf32, #tpu.memory_space<vmem>> -> memref<1x80x128xf32, #tpu.memory_space<vmem>>
      %dma_wait3A_241 = tpu.memref_squeeze %dma_wait3A_240 : memref<1x80x128xf32, #tpu.memory_space<vmem>> -> memref<80x128xf32, #tpu.memory_space<vmem>>
      %dma_wait3A_242 = arith.constant 0 : i32
      %dma_wait3A_243 = arith.constant 0 : i32
      %dma_wait3A_244 = tpu.memref_slice %dma_wait3A_241[%dma_wait3A_242, %dma_wait3A_243] : memref<80x128xf32, #tpu.memory_space<vmem>> -> memref<80x128xf32, #tpu.memory_space<vmem>>
      tpu.wait_dma2 semaphore(%run_scoped3A_208 : memref<!tpu.dma_semaphore, #tpu.memory_space<semaphore_mem>>) src(%dma_wait3A_244 : memref<80x128xf32, #tpu.memory_space<vmem>>) dst(%dma_wait3A_237 : memref<80x128xf32, #tpu.memory_space<vmem_shared>>)
      tpu.yield
    }) : () -> ()
    %mul3A_27 = arith.constant 632 : i32
    %mul3A_28 = arith.muli %arg1, %mul3A_27 : i32
    %add3A_29 = arith.constant 320 : i32
    %add3A_30 = arith.addi %mul3A_28, %add3A_29 : i32
    %run_scoped3A_31 = arith.constant 0 : i32
    "tpu.region"() ({
      %run_scoped3A_208 = tpu.sem_alloc : memref<!tpu.dma_semaphore, #tpu.memory_space<semaphore_mem>>
      %dma_start3A_209 = arith.constant 0 : i32
      %dma_start3A_210 = arith.constant 0 : i32
      %dma_start3A_211 = tpu.memref_slice %arg11[%run_scoped3A_31, %dma_start3A_209, %dma_start3A_210] : memref<2x80x128xf32, #tpu.memory_space<vmem>> -> memref<1x80x128xf32, #tpu.memory_space<vmem>>
      %dma_start3A_212 = tpu.memref_squeeze %dma_start3A_211 : memref<1x80x128xf32, #tpu.memory_space<vmem>> -> memref<80x128xf32, #tpu.memory_space<vmem>>
      %dma_start3A_213 = arith.constant 0 : i32
      %dma_start3A_214 = arith.constant 0 : i32
      %dma_start3A_215 = tpu.memref_slice %dma_start3A_212[%dma_start3A_213, %dma_start3A_214] : memref<80x128xf32, #tpu.memory_space<vmem>> -> memref<80x128xf32, #tpu.memory_space<vmem>>
      %dma_start3A_216 = arith.constant 0 : i32
      %dma_start3A_217 = tpu.memref_slice %arg7[%add3A_30, %dma_start3A_216] : memref<10112x128xf32, #tpu.memory_space<vmem_shared>> -> memref<80x128xf32, #tpu.memory_space<vmem_shared>>
      %dma_start3A_218 = arith.constant 0 : i32
      %dma_start3A_219 = tpu.memref_slice %arg7[%add3A_30, %dma_start3A_218] : memref<10112x128xf32, #tpu.memory_space<vmem_shared>> -> memref<80x128xf32, #tpu.memory_space<vmem_shared>>
      %dma_start3A_220 = arith.constant 0 : i32
      %dma_start3A_221 = arith.constant 0 : i32
      %dma_start3A_222 = tpu.memref_slice %arg11[%run_scoped3A_31, %dma_start3A_220, %dma_start3A_221] : memref<2x80x128xf32, #tpu.memory_space<vmem>> -> memref<1x80x128xf32, #tpu.memory_space<vmem>>
      %dma_start3A_223 = tpu.memref_squeeze %dma_start3A_222 : memref<1x80x128xf32, #tpu.memory_space<vmem>> -> memref<80x128xf32, #tpu.memory_space<vmem>>
      %dma_start3A_224 = arith.constant 0 : i32
      %dma_start3A_225 = arith.constant 0 : i32
      %dma_start3A_226 = tpu.memref_slice %dma_start3A_223[%dma_start3A_224, %dma_start3A_225] : memref<80x128xf32, #tpu.memory_space<vmem>> -> memref<80x128xf32, #tpu.memory_space<vmem>>
      tpu.enqueue_dma source(%dma_start3A_226 : memref<80x128xf32, #tpu.memory_space<vmem>>) target(%dma_start3A_219 : memref<80x128xf32, #tpu.memory_space<vmem_shared>>) target_semaphore(%run_scoped3A_208 : memref<!tpu.dma_semaphore, #tpu.memory_space<semaphore_mem>>)
      %dma_wait3A_227 = arith.constant 0 : i32
      %dma_wait3A_228 = arith.constant 0 : i32
      %dma_wait3A_229 = tpu.memref_slice %arg11[%run_scoped3A_31, %dma_wait3A_227, %dma_wait3A_228] : memref<2x80x128xf32, #tpu.memory_space<vmem>> -> memref<1x80x128xf32, #tpu.memory_space<vmem>>
      %dma_wait3A_230 = tpu.memref_squeeze %dma_wait3A_229 : memref<1x80x128xf32, #tpu.memory_space<vmem>> -> memref<80x128xf32, #tpu.memory_space<vmem>>
      %dma_wait3A_231 = arith.constant 0 : i32
      %dma_wait3A_232 = arith.constant 0 : i32
      %dma_wait3A_233 = tpu.memref_slice %dma_wait3A_230[%dma_wait3A_231, %dma_wait3A_232] : memref<80x128xf32, #tpu.memory_space<vmem>> -> memref<80x128xf32, #tpu.memory_space<vmem>>
      %dma_wait3A_234 = arith.constant 0 : i32
      %dma_wait3A_235 = tpu.memref_slice %arg7[%add3A_30, %dma_wait3A_234] : memref<10112x128xf32, #tpu.memory_space<vmem_shared>> -> memref<80x128xf32, #tpu.memory_space<vmem_shared>>
      %dma_wait3A_236 = arith.constant 0 : i32
      %dma_wait3A_237 = tpu.memref_slice %arg7[%add3A_30, %dma_wait3A_236] : memref<10112x128xf32, #tpu.memory_space<vmem_shared>> -> memref<80x128xf32, #tpu.memory_space<vmem_shared>>
      %dma_wait3A_238 = arith.constant 0 : i32
      %dma_wait3A_239 = arith.constant 0 : i32
      %dma_wait3A_240 = tpu.memref_slice %arg11[%run_scoped3A_31, %dma_wait3A_238, %dma_wait3A_239] : memref<2x80x128xf32, #tpu.memory_space<vmem>> -> memref<1x80x128xf32, #tpu.memory_space<vmem>>
      %dma_wait3A_241 = tpu.memref_squeeze %dma_wait3A_240 : memref<1x80x128xf32, #tpu.memory_space<vmem>> -> memref<80x128xf32, #tpu.memory_space<vmem>>
      %dma_wait3A_242 = arith.constant 0 : i32
      %dma_wait3A_243 = arith.constant 0 : i32
      %dma_wait3A_244 = tpu.memref_slice %dma_wait3A_241[%dma_wait3A_242, %dma_wait3A_243] : memref<80x128xf32, #tpu.memory_space<vmem>> -> memref<80x128xf32, #tpu.memory_space<vmem>>
      tpu.wait_dma2 semaphore(%run_scoped3A_208 : memref<!tpu.dma_semaphore, #tpu.memory_space<semaphore_mem>>) src(%dma_wait3A_244 : memref<80x128xf32, #tpu.memory_space<vmem>>) dst(%dma_wait3A_237 : memref<80x128xf32, #tpu.memory_space<vmem_shared>>)
      tpu.yield
    }) : () -> ()
    %mul3A_32 = arith.constant 632 : i32
    %mul3A_33 = arith.muli %arg1, %mul3A_32 : i32
    %add3A_34 = arith.constant 400 : i32
    %add3A_35 = arith.addi %mul3A_33, %add3A_34 : i32
    %run_scoped3A_36 = arith.constant 0 : i32
    "tpu.region"() ({
      %run_scoped3A_208 = tpu.sem_alloc : memref<!tpu.dma_semaphore, #tpu.memory_space<semaphore_mem>>
      %dma_start3A_209 = arith.constant 0 : i32
      %dma_start3A_210 = arith.constant 0 : i32
      %dma_start3A_211 = tpu.memref_slice %arg11[%run_scoped3A_36, %dma_start3A_209, %dma_start3A_210] : memref<2x80x128xf32, #tpu.memory_space<vmem>> -> memref<1x80x128xf32, #tpu.memory_space<vmem>>
      %dma_start3A_212 = tpu.memref_squeeze %dma_start3A_211 : memref<1x80x128xf32, #tpu.memory_space<vmem>> -> memref<80x128xf32, #tpu.memory_space<vmem>>
      %dma_start3A_213 = arith.constant 0 : i32
      %dma_start3A_214 = arith.constant 0 : i32
      %dma_start3A_215 = tpu.memref_slice %dma_start3A_212[%dma_start3A_213, %dma_start3A_214] : memref<80x128xf32, #tpu.memory_space<vmem>> -> memref<80x128xf32, #tpu.memory_space<vmem>>
      %dma_start3A_216 = arith.constant 0 : i32
      %dma_start3A_217 = tpu.memref_slice %arg7[%add3A_35, %dma_start3A_216] : memref<10112x128xf32, #tpu.memory_space<vmem_shared>> -> memref<80x128xf32, #tpu.memory_space<vmem_shared>>
      %dma_start3A_218 = arith.constant 0 : i32
      %dma_start3A_219 = tpu.memref_slice %arg7[%add3A_35, %dma_start3A_218] : memref<10112x128xf32, #tpu.memory_space<vmem_shared>> -> memref<80x128xf32, #tpu.memory_space<vmem_shared>>
      %dma_start3A_220 = arith.constant 0 : i32
      %dma_start3A_221 = arith.constant 0 : i32
      %dma_start3A_222 = tpu.memref_slice %arg11[%run_scoped3A_36, %dma_start3A_220, %dma_start3A_221] : memref<2x80x128xf32, #tpu.memory_space<vmem>> -> memref<1x80x128xf32, #tpu.memory_space<vmem>>
      %dma_start3A_223 = tpu.memref_squeeze %dma_start3A_222 : memref<1x80x128xf32, #tpu.memory_space<vmem>> -> memref<80x128xf32, #tpu.memory_space<vmem>>
      %dma_start3A_224 = arith.constant 0 : i32
      %dma_start3A_225 = arith.constant 0 : i32
      %dma_start3A_226 = tpu.memref_slice %dma_start3A_223[%dma_start3A_224, %dma_start3A_225] : memref<80x128xf32, #tpu.memory_space<vmem>> -> memref<80x128xf32, #tpu.memory_space<vmem>>
      tpu.enqueue_dma source(%dma_start3A_226 : memref<80x128xf32, #tpu.memory_space<vmem>>) target(%dma_start3A_219 : memref<80x128xf32, #tpu.memory_space<vmem_shared>>) target_semaphore(%run_scoped3A_208 : memref<!tpu.dma_semaphore, #tpu.memory_space<semaphore_mem>>)
      %dma_wait3A_227 = arith.constant 0 : i32
      %dma_wait3A_228 = arith.constant 0 : i32
      %dma_wait3A_229 = tpu.memref_slice %arg11[%run_scoped3A_36, %dma_wait3A_227, %dma_wait3A_228] : memref<2x80x128xf32, #tpu.memory_space<vmem>> -> memref<1x80x128xf32, #tpu.memory_space<vmem>>
      %dma_wait3A_230 = tpu.memref_squeeze %dma_wait3A_229 : memref<1x80x128xf32, #tpu.memory_space<vmem>> -> memref<80x128xf32, #tpu.memory_space<vmem>>
      %dma_wait3A_231 = arith.constant 0 : i32
      %dma_wait3A_232 = arith.constant 0 : i32
      %dma_wait3A_233 = tpu.memref_slice %dma_wait3A_230[%dma_wait3A_231, %dma_wait3A_232] : memref<80x128xf32, #tpu.memory_space<vmem>> -> memref<80x128xf32, #tpu.memory_space<vmem>>
      %dma_wait3A_234 = arith.constant 0 : i32
      %dma_wait3A_235 = tpu.memref_slice %arg7[%add3A_35, %dma_wait3A_234] : memref<10112x128xf32, #tpu.memory_space<vmem_shared>> -> memref<80x128xf32, #tpu.memory_space<vmem_shared>>
      %dma_wait3A_236 = arith.constant 0 : i32
      %dma_wait3A_237 = tpu.memref_slice %arg7[%add3A_35, %dma_wait3A_236] : memref<10112x128xf32, #tpu.memory_space<vmem_shared>> -> memref<80x128xf32, #tpu.memory_space<vmem_shared>>
      %dma_wait3A_238 = arith.constant 0 : i32
      %dma_wait3A_239 = arith.constant 0 : i32
      %dma_wait3A_240 = tpu.memref_slice %arg11[%run_scoped3A_36, %dma_wait3A_238, %dma_wait3A_239] : memref<2x80x128xf32, #tpu.memory_space<vmem>> -> memref<1x80x128xf32, #tpu.memory_space<vmem>>
      %dma_wait3A_241 = tpu.memref_squeeze %dma_wait3A_240 : memref<1x80x128xf32, #tpu.memory_space<vmem>> -> memref<80x128xf32, #tpu.memory_space<vmem>>
      %dma_wait3A_242 = arith.constant 0 : i32
      %dma_wait3A_243 = arith.constant 0 : i32
      %dma_wait3A_244 = tpu.memref_slice %dma_wait3A_241[%dma_wait3A_242, %dma_wait3A_243] : memref<80x128xf32, #tpu.memory_space<vmem>> -> memref<80x128xf32, #tpu.memory_space<vmem>>
      tpu.wait_dma2 semaphore(%run_scoped3A_208 : memref<!tpu.dma_semaphore, #tpu.memory_space<semaphore_mem>>) src(%dma_wait3A_244 : memref<80x128xf32, #tpu.memory_space<vmem>>) dst(%dma_wait3A_237 : memref<80x128xf32, #tpu.memory_space<vmem_shared>>)
      tpu.yield
    }) : () -> ()
    %mul3A_37 = arith.constant 632 : i32
    %mul3A_38 = arith.muli %arg1, %mul3A_37 : i32
    %add3A_39 = arith.constant 480 : i32
    %add3A_40 = arith.addi %mul3A_38, %add3A_39 : i32
    %run_scoped3A_41 = arith.constant 0 : i32
    "tpu.region"() ({
      %run_scoped3A_208 = tpu.sem_alloc : memref<!tpu.dma_semaphore, #tpu.memory_space<semaphore_mem>>
      %dma_start3A_209 = arith.constant 0 : i32
      %dma_start3A_210 = arith.constant 0 : i32
      %dma_start3A_211 = tpu.memref_slice %arg11[%run_scoped3A_41, %dma_start3A_209, %dma_start3A_210] : memref<2x80x128xf32, #tpu.memory_space<vmem>> -> memref<1x80x128xf32, #tpu.memory_space<vmem>>
      %dma_start3A_212 = tpu.memref_squeeze %dma_start3A_211 : memref<1x80x128xf32, #tpu.memory_space<vmem>> -> memref<80x128xf32, #tpu.memory_space<vmem>>
      %dma_start3A_213 = arith.constant 0 : i32
      %dma_start3A_214 = arith.constant 0 : i32
      %dma_start3A_215 = tpu.memref_slice %dma_start3A_212[%dma_start3A_213, %dma_start3A_214] : memref<80x128xf32, #tpu.memory_space<vmem>> -> memref<80x128xf32, #tpu.memory_space<vmem>>
      %dma_start3A_216 = arith.constant 0 : i32
      %dma_start3A_217 = tpu.memref_slice %arg7[%add3A_40, %dma_start3A_216] : memref<10112x128xf32, #tpu.memory_space<vmem_shared>> -> memref<80x128xf32, #tpu.memory_space<vmem_shared>>
      %dma_start3A_218 = arith.constant 0 : i32
      %dma_start3A_219 = tpu.memref_slice %arg7[%add3A_40, %dma_start3A_218] : memref<10112x128xf32, #tpu.memory_space<vmem_shared>> -> memref<80x128xf32, #tpu.memory_space<vmem_shared>>
      %dma_start3A_220 = arith.constant 0 : i32
      %dma_start3A_221 = arith.constant 0 : i32
      %dma_start3A_222 = tpu.memref_slice %arg11[%run_scoped3A_41, %dma_start3A_220, %dma_start3A_221] : memref<2x80x128xf32, #tpu.memory_space<vmem>> -> memref<1x80x128xf32, #tpu.memory_space<vmem>>
      %dma_start3A_223 = tpu.memref_squeeze %dma_start3A_222 : memref<1x80x128xf32, #tpu.memory_space<vmem>> -> memref<80x128xf32, #tpu.memory_space<vmem>>
      %dma_start3A_224 = arith.constant 0 : i32
      %dma_start3A_225 = arith.constant 0 : i32
      %dma_start3A_226 = tpu.memref_slice %dma_start3A_223[%dma_start3A_224, %dma_start3A_225] : memref<80x128xf32, #tpu.memory_space<vmem>> -> memref<80x128xf32, #tpu.memory_space<vmem>>
      tpu.enqueue_dma source(%dma_start3A_226 : memref<80x128xf32, #tpu.memory_space<vmem>>) target(%dma_start3A_219 : memref<80x128xf32, #tpu.memory_space<vmem_shared>>) target_semaphore(%run_scoped3A_208 : memref<!tpu.dma_semaphore, #tpu.memory_space<semaphore_mem>>)
      %dma_wait3A_227 = arith.constant 0 : i32
      %dma_wait3A_228 = arith.constant 0 : i32
      %dma_wait3A_229 = tpu.memref_slice %arg11[%run_scoped3A_41, %dma_wait3A_227, %dma_wait3A_228] : memref<2x80x128xf32, #tpu.memory_space<vmem>> -> memref<1x80x128xf32, #tpu.memory_space<vmem>>
      %dma_wait3A_230 = tpu.memref_squeeze %dma_wait3A_229 : memref<1x80x128xf32, #tpu.memory_space<vmem>> -> memref<80x128xf32, #tpu.memory_space<vmem>>
      %dma_wait3A_231 = arith.constant 0 : i32
      %dma_wait3A_232 = arith.constant 0 : i32
      %dma_wait3A_233 = tpu.memref_slice %dma_wait3A_230[%dma_wait3A_231, %dma_wait3A_232] : memref<80x128xf32, #tpu.memory_space<vmem>> -> memref<80x128xf32, #tpu.memory_space<vmem>>
      %dma_wait3A_234 = arith.constant 0 : i32
      %dma_wait3A_235 = tpu.memref_slice %arg7[%add3A_40, %dma_wait3A_234] : memref<10112x128xf32, #tpu.memory_space<vmem_shared>> -> memref<80x128xf32, #tpu.memory_space<vmem_shared>>
      %dma_wait3A_236 = arith.constant 0 : i32
      %dma_wait3A_237 = tpu.memref_slice %arg7[%add3A_40, %dma_wait3A_236] : memref<10112x128xf32, #tpu.memory_space<vmem_shared>> -> memref<80x128xf32, #tpu.memory_space<vmem_shared>>
      %dma_wait3A_238 = arith.constant 0 : i32
      %dma_wait3A_239 = arith.constant 0 : i32
      %dma_wait3A_240 = tpu.memref_slice %arg11[%run_scoped3A_41, %dma_wait3A_238, %dma_wait3A_239] : memref<2x80x128xf32, #tpu.memory_space<vmem>> -> memref<1x80x128xf32, #tpu.memory_space<vmem>>
      %dma_wait3A_241 = tpu.memref_squeeze %dma_wait3A_240 : memref<1x80x128xf32, #tpu.memory_space<vmem>> -> memref<80x128xf32, #tpu.memory_space<vmem>>
      %dma_wait3A_242 = arith.constant 0 : i32
      %dma_wait3A_243 = arith.constant 0 : i32
      %dma_wait3A_244 = tpu.memref_slice %dma_wait3A_241[%dma_wait3A_242, %dma_wait3A_243] : memref<80x128xf32, #tpu.memory_space<vmem>> -> memref<80x128xf32, #tpu.memory_space<vmem>>
      tpu.wait_dma2 semaphore(%run_scoped3A_208 : memref<!tpu.dma_semaphore, #tpu.memory_space<semaphore_mem>>) src(%dma_wait3A_244 : memref<80x128xf32, #tpu.memory_space<vmem>>) dst(%dma_wait3A_237 : memref<80x128xf32, #tpu.memory_space<vmem_shared>>)
      tpu.yield
    }) : () -> ()
    %mul3A_42 = arith.constant 632 : i32
    %mul3A_43 = arith.muli %arg1, %mul3A_42 : i32
    %add3A_44 = arith.constant 560 : i32
    %add3A_45 = arith.addi %mul3A_43, %add3A_44 : i32
    %run_scoped3A_46 = arith.constant 0 : i32
    "tpu.region"() ({
      %run_scoped3A_208 = tpu.sem_alloc : memref<!tpu.dma_semaphore, #tpu.memory_space<semaphore_mem>>
      %dma_start3A_209 = arith.constant 0 : i32
      %dma_start3A_210 = arith.constant 0 : i32
      %dma_start3A_211 = tpu.memref_slice %arg11[%run_scoped3A_46, %dma_start3A_209, %dma_start3A_210] : memref<2x80x128xf32, #tpu.memory_space<vmem>> -> memref<1x80x128xf32, #tpu.memory_space<vmem>>
      %dma_start3A_212 = tpu.memref_squeeze %dma_start3A_211 : memref<1x80x128xf32, #tpu.memory_space<vmem>> -> memref<80x128xf32, #tpu.memory_space<vmem>>
      %dma_start3A_213 = arith.constant 0 : i32
      %dma_start3A_214 = arith.constant 0 : i32
      %dma_start3A_215 = tpu.memref_slice %dma_start3A_212[%dma_start3A_213, %dma_start3A_214] : memref<80x128xf32, #tpu.memory_space<vmem>> -> memref<72x128xf32, #tpu.memory_space<vmem>>
      %dma_start3A_216 = arith.constant 0 : i32
      %dma_start3A_217 = tpu.memref_slice %arg7[%add3A_45, %dma_start3A_216] : memref<10112x128xf32, #tpu.memory_space<vmem_shared>> -> memref<72x128xf32, #tpu.memory_space<vmem_shared>>
      %dma_start3A_218 = arith.constant 0 : i32
      %dma_start3A_219 = tpu.memref_slice %arg7[%add3A_45, %dma_start3A_218] : memref<10112x128xf32, #tpu.memory_space<vmem_shared>> -> memref<72x128xf32, #tpu.memory_space<vmem_shared>>
      %dma_start3A_220 = arith.constant 0 : i32
      %dma_start3A_221 = arith.constant 0 : i32
      %dma_start3A_222 = tpu.memref_slice %arg11[%run_scoped3A_46, %dma_start3A_220, %dma_start3A_221] : memref<2x80x128xf32, #tpu.memory_space<vmem>> -> memref<1x80x128xf32, #tpu.memory_space<vmem>>
      %dma_start3A_223 = tpu.memref_squeeze %dma_start3A_222 : memref<1x80x128xf32, #tpu.memory_space<vmem>> -> memref<80x128xf32, #tpu.memory_space<vmem>>
      %dma_start3A_224 = arith.constant 0 : i32
      %dma_start3A_225 = arith.constant 0 : i32
      %dma_start3A_226 = tpu.memref_slice %dma_start3A_223[%dma_start3A_224, %dma_start3A_225] : memref<80x128xf32, #tpu.memory_space<vmem>> -> memref<72x128xf32, #tpu.memory_space<vmem>>
      tpu.enqueue_dma source(%dma_start3A_226 : memref<72x128xf32, #tpu.memory_space<vmem>>) target(%dma_start3A_219 : memref<72x128xf32, #tpu.memory_space<vmem_shared>>) target_semaphore(%run_scoped3A_208 : memref<!tpu.dma_semaphore, #tpu.memory_space<semaphore_mem>>)
      %dma_wait3A_227 = arith.constant 0 : i32
      %dma_wait3A_228 = arith.constant 0 : i32
      %dma_wait3A_229 = tpu.memref_slice %arg11[%run_scoped3A_46, %dma_wait3A_227, %dma_wait3A_228] : memref<2x80x128xf32, #tpu.memory_space<vmem>> -> memref<1x80x128xf32, #tpu.memory_space<vmem>>
      %dma_wait3A_230 = tpu.memref_squeeze %dma_wait3A_229 : memref<1x80x128xf32, #tpu.memory_space<vmem>> -> memref<80x128xf32, #tpu.memory_space<vmem>>
      %dma_wait3A_231 = arith.constant 0 : i32
      %dma_wait3A_232 = arith.constant 0 : i32
      %dma_wait3A_233 = tpu.memref_slice %dma_wait3A_230[%dma_wait3A_231, %dma_wait3A_232] : memref<80x128xf32, #tpu.memory_space<vmem>> -> memref<72x128xf32, #tpu.memory_space<vmem>>
      %dma_wait3A_234 = arith.constant 0 : i32
      %dma_wait3A_235 = tpu.memref_slice %arg7[%add3A_45, %dma_wait3A_234] : memref<10112x128xf32, #tpu.memory_space<vmem_shared>> -> memref<72x128xf32, #tpu.memory_space<vmem_shared>>
      %dma_wait3A_236 = arith.constant 0 : i32
      %dma_wait3A_237 = tpu.memref_slice %arg7[%add3A_45, %dma_wait3A_236] : memref<10112x128xf32, #tpu.memory_space<vmem_shared>> -> memref<72x128xf32, #tpu.memory_space<vmem_shared>>
      %dma_wait3A_238 = arith.constant 0 : i32
      %dma_wait3A_239 = arith.constant 0 : i32
      %dma_wait3A_240 = tpu.memref_slice %arg11[%run_scoped3A_46, %dma_wait3A_238, %dma_wait3A_239] : memref<2x80x128xf32, #tpu.memory_space<vmem>> -> memref<1x80x128xf32, #tpu.memory_space<vmem>>
      %dma_wait3A_241 = tpu.memref_squeeze %dma_wait3A_240 : memref<1x80x128xf32, #tpu.memory_space<vmem>> -> memref<80x128xf32, #tpu.memory_space<vmem>>
      %dma_wait3A_242 = arith.constant 0 : i32
      %dma_wait3A_243 = arith.constant 0 : i32
      %dma_wait3A_244 = tpu.memref_slice %dma_wait3A_241[%dma_wait3A_242, %dma_wait3A_243] : memref<80x128xf32, #tpu.memory_space<vmem>> -> memref<72x128xf32, #tpu.memory_space<vmem>>
      tpu.wait_dma2 semaphore(%run_scoped3A_208 : memref<!tpu.dma_semaphore, #tpu.memory_space<semaphore_mem>>) src(%dma_wait3A_244 : memref<72x128xf32, #tpu.memory_space<vmem>>) dst(%dma_wait3A_237 : memref<72x128xf32, #tpu.memory_space<vmem_shared>>)
      tpu.yield
    }) : () -> ()
    %mul3A_47 = arith.constant 24 : i32
    %mul3A_48 = arith.muli %arg1, %mul3A_47 : i32
    %run_scoped3A_49 = arith.constant 0 : i32
    "tpu.region"() ({
      %run_scoped3A_208 = tpu.sem_alloc : memref<!tpu.dma_semaphore, #tpu.memory_space<semaphore_mem>>
      %dma_start3A_209 = arith.constant 0 : i32
      %dma_start3A_210 = arith.constant 0 : i32
      %dma_start3A_211 = tpu.memref_slice %arg11[%run_scoped3A_49, %dma_start3A_209, %dma_start3A_210] : memref<2x80x128xf32, #tpu.memory_space<vmem>> -> memref<1x80x128xf32, #tpu.memory_space<vmem>>
      %dma_start3A_212 = tpu.memref_squeeze %dma_start3A_211 : memref<1x80x128xf32, #tpu.memory_space<vmem>> -> memref<80x128xf32, #tpu.memory_space<vmem>>
      %dma_start3A_213 = arith.constant 0 : i32
      %dma_start3A_214 = arith.constant 0 : i32
      %dma_start3A_215 = tpu.memref_slice %dma_start3A_212[%dma_start3A_213, %dma_start3A_214] : memref<80x128xf32, #tpu.memory_space<vmem>> -> memref<24x128xf32, #tpu.memory_space<vmem>>
      %dma_start3A_216 = arith.constant 0 : i32
      %dma_start3A_217 = tpu.memref_slice %arg8[%mul3A_48, %dma_start3A_216] : memref<384x128xf32, #tpu.memory_space<vmem_shared>> -> memref<24x128xf32, #tpu.memory_space<vmem_shared>>
      %dma_start3A_218 = arith.constant 0 : i32
      %dma_start3A_219 = tpu.memref_slice %arg8[%mul3A_48, %dma_start3A_218] : memref<384x128xf32, #tpu.memory_space<vmem_shared>> -> memref<24x128xf32, #tpu.memory_space<vmem_shared>>
      %dma_start3A_220 = arith.constant 0 : i32
      %dma_start3A_221 = arith.constant 0 : i32
      %dma_start3A_222 = tpu.memref_slice %arg11[%run_scoped3A_49, %dma_start3A_220, %dma_start3A_221] : memref<2x80x128xf32, #tpu.memory_space<vmem>> -> memref<1x80x128xf32, #tpu.memory_space<vmem>>
      %dma_start3A_223 = tpu.memref_squeeze %dma_start3A_222 : memref<1x80x128xf32, #tpu.memory_space<vmem>> -> memref<80x128xf32, #tpu.memory_space<vmem>>
      %dma_start3A_224 = arith.constant 0 : i32
      %dma_start3A_225 = arith.constant 0 : i32
      %dma_start3A_226 = tpu.memref_slice %dma_start3A_223[%dma_start3A_224, %dma_start3A_225] : memref<80x128xf32, #tpu.memory_space<vmem>> -> memref<24x128xf32, #tpu.memory_space<vmem>>
      tpu.enqueue_dma source(%dma_start3A_226 : memref<24x128xf32, #tpu.memory_space<vmem>>) target(%dma_start3A_219 : memref<24x128xf32, #tpu.memory_space<vmem_shared>>) target_semaphore(%run_scoped3A_208 : memref<!tpu.dma_semaphore, #tpu.memory_space<semaphore_mem>>)
      %dma_wait3A_227 = arith.constant 0 : i32
      %dma_wait3A_228 = arith.constant 0 : i32
      %dma_wait3A_229 = tpu.memref_slice %arg11[%run_scoped3A_49, %dma_wait3A_227, %dma_wait3A_228] : memref<2x80x128xf32, #tpu.memory_space<vmem>> -> memref<1x80x128xf32, #tpu.memory_space<vmem>>
      %dma_wait3A_230 = tpu.memref_squeeze %dma_wait3A_229 : memref<1x80x128xf32, #tpu.memory_space<vmem>> -> memref<80x128xf32, #tpu.memory_space<vmem>>
      %dma_wait3A_231 = arith.constant 0 : i32
      %dma_wait3A_232 = arith.constant 0 : i32
      %dma_wait3A_233 = tpu.memref_slice %dma_wait3A_230[%dma_wait3A_231, %dma_wait3A_232] : memref<80x128xf32, #tpu.memory_space<vmem>> -> memref<24x128xf32, #tpu.memory_space<vmem>>
      %dma_wait3A_234 = arith.constant 0 : i32
      %dma_wait3A_235 = tpu.memref_slice %arg8[%mul3A_48, %dma_wait3A_234] : memref<384x128xf32, #tpu.memory_space<vmem_shared>> -> memref<24x128xf32, #tpu.memory_space<vmem_shared>>
      %dma_wait3A_236 = arith.constant 0 : i32
      %dma_wait3A_237 = tpu.memref_slice %arg8[%mul3A_48, %dma_wait3A_236] : memref<384x128xf32, #tpu.memory_space<vmem_shared>> -> memref<24x128xf32, #tpu.memory_space<vmem_shared>>
      %dma_wait3A_238 = arith.constant 0 : i32
      %dma_wait3A_239 = arith.constant 0 : i32
      %dma_wait3A_240 = tpu.memref_slice %arg11[%run_scoped3A_49, %dma_wait3A_238, %dma_wait3A_239] : memref<2x80x128xf32, #tpu.memory_space<vmem>> -> memref<1x80x128xf32, #tpu.memory_space<vmem>>
      %dma_wait3A_241 = tpu.memref_squeeze %dma_wait3A_240 : memref<1x80x128xf32, #tpu.memory_space<vmem>> -> memref<80x128xf32, #tpu.memory_space<vmem>>
      %dma_wait3A_242 = arith.constant 0 : i32
      %dma_wait3A_243 = arith.constant 0 : i32
      %dma_wait3A_244 = tpu.memref_slice %dma_wait3A_241[%dma_wait3A_242, %dma_wait3A_243] : memref<80x128xf32, #tpu.memory_space<vmem>> -> memref<24x128xf32, #tpu.memory_space<vmem>>
      tpu.wait_dma2 semaphore(%run_scoped3A_208 : memref<!tpu.dma_semaphore, #tpu.memory_space<semaphore_mem>>) src(%dma_wait3A_244 : memref<24x128xf32, #tpu.memory_space<vmem>>) dst(%dma_wait3A_237 : memref<24x128xf32, #tpu.memory_space<vmem_shared>>)
      tpu.yield
    }) : () -> ()
    %barrier3A = arith.constant 0 : index
    tpu.barrier barrier_id(%barrier3A)
    %add3A_50 = arith.constant 0 : i32
    %add3A_51 = arith.addi %mul3A_2, %add3A_50 : i32
    %dma_start3A = arith.constant 0 : i32
    %dma_start3A_52 = arith.constant 0 : i32
    %dma_start3A_53 = tpu.memref_slice %arg9[%dma_start3A, %dma_start3A_52] : memref<2x80xi32, #tpu.memory_space<vmem>> -> memref<1x80xi32, #tpu.memory_space<vmem>>
    %dma_start3A_54 = tpu.memref_squeeze %dma_start3A_53 : memref<1x80xi32, #tpu.memory_space<vmem>> -> memref<80xi32, #tpu.memory_space<vmem>>
    %dma_start3A_55 = tpu.memref_slice %arg4[%add3A_51] : memref<320000xi32, #tpu.memory_space<hbm>> -> memref<80xi32, #tpu.memory_space<hbm>>
    %dma_start3A_56 = arith.constant 0 : i32
    %dma_start3A_57 = tpu.memref_slice %arg9[%dma_start3A, %dma_start3A_56] : memref<2x80xi32, #tpu.memory_space<vmem>> -> memref<1x80xi32, #tpu.memory_space<vmem>>
    %dma_start3A_58 = tpu.memref_squeeze %dma_start3A_57 : memref<1x80xi32, #tpu.memory_space<vmem>> -> memref<80xi32, #tpu.memory_space<vmem>>
    %dma_start3A_59 = tpu.memref_slice %arg4[%add3A_51] : memref<320000xi32, #tpu.memory_space<hbm>> -> memref<80xi32, #tpu.memory_space<hbm>>
    tpu.enqueue_dma source(%dma_start3A_59 : memref<80xi32, #tpu.memory_space<hbm>>) target(%dma_start3A_58 : memref<80xi32, #tpu.memory_space<vmem>>) target_semaphore(%arg13 : memref<!tpu.dma_semaphore, #tpu.memory_space<semaphore_mem>>)
    %dma_start3A_60 = arith.constant 0 : i32
    %dma_start3A_61 = arith.constant 0 : i32
    %dma_start3A_62 = arith.constant 0 : i32
    %dma_start3A_63 = tpu.memref_slice %arg11[%dma_start3A_60, %dma_start3A_61, %dma_start3A_62] : memref<2x80x128xf32, #tpu.memory_space<vmem>> -> memref<1x80x128xf32, #tpu.memory_space<vmem>>
    %dma_start3A_64 = tpu.memref_squeeze %dma_start3A_63 : memref<1x80x128xf32, #tpu.memory_space<vmem>> -> memref<80x128xf32, #tpu.memory_space<vmem>>
    %dma_start3A_65 = arith.constant 0 : i32
    %dma_start3A_66 = tpu.memref_slice %arg2[%add3A_51, %dma_start3A_65] : memref<320000x128xf32, #tpu.memory_space<hbm>> -> memref<80x128xf32, #tpu.memory_space<hbm>>
    %dma_start3A_67 = arith.constant 0 : i32
    %dma_start3A_68 = arith.constant 0 : i32
    %dma_start3A_69 = tpu.memref_slice %arg11[%dma_start3A_60, %dma_start3A_67, %dma_start3A_68] : memref<2x80x128xf32, #tpu.memory_space<vmem>> -> memref<1x80x128xf32, #tpu.memory_space<vmem>>
    %dma_start3A_70 = tpu.memref_squeeze %dma_start3A_69 : memref<1x80x128xf32, #tpu.memory_space<vmem>> -> memref<80x128xf32, #tpu.memory_space<vmem>>
    %dma_start3A_71 = arith.constant 0 : i32
    %dma_start3A_72 = tpu.memref_slice %arg2[%add3A_51, %dma_start3A_71] : memref<320000x128xf32, #tpu.memory_space<hbm>> -> memref<80x128xf32, #tpu.memory_space<hbm>>
    tpu.enqueue_dma source(%dma_start3A_72 : memref<80x128xf32, #tpu.memory_space<hbm>>) target(%dma_start3A_70 : memref<80x128xf32, #tpu.memory_space<vmem>>) target_semaphore(%arg14 : memref<!tpu.dma_semaphore, #tpu.memory_space<semaphore_mem>>)
    %dma_start3A_73 = arith.constant 0 : i32
    %dma_start3A_74 = arith.constant 0 : i32
    %dma_start3A_75 = arith.constant 0 : i32
    %dma_start3A_76 = tpu.memref_slice %arg12[%dma_start3A_73, %dma_start3A_74, %dma_start3A_75] : memref<2x80x128xf32, #tpu.memory_space<vmem>> -> memref<1x80x128xf32, #tpu.memory_space<vmem>>
    %dma_start3A_77 = tpu.memref_squeeze %dma_start3A_76 : memref<1x80x128xf32, #tpu.memory_space<vmem>> -> memref<80x128xf32, #tpu.memory_space<vmem>>
    %dma_start3A_78 = arith.constant 0 : i32
    %dma_start3A_79 = tpu.memref_slice %arg3[%add3A_51, %dma_start3A_78] : memref<320000x128xf32, #tpu.memory_space<hbm>> -> memref<80x128xf32, #tpu.memory_space<hbm>>
    %dma_start3A_80 = arith.constant 0 : i32
    %dma_start3A_81 = arith.constant 0 : i32
    %dma_start3A_82 = tpu.memref_slice %arg12[%dma_start3A_73, %dma_start3A_80, %dma_start3A_81] : memref<2x80x128xf32, #tpu.memory_space<vmem>> -> memref<1x80x128xf32, #tpu.memory_space<vmem>>
    %dma_start3A_83 = tpu.memref_squeeze %dma_start3A_82 : memref<1x80x128xf32, #tpu.memory_space<vmem>> -> memref<80x128xf32, #tpu.memory_space<vmem>>
    %dma_start3A_84 = arith.constant 0 : i32
    %dma_start3A_85 = tpu.memref_slice %arg3[%add3A_51, %dma_start3A_84] : memref<320000x128xf32, #tpu.memory_space<hbm>> -> memref<80x128xf32, #tpu.memory_space<hbm>>
    tpu.enqueue_dma source(%dma_start3A_85 : memref<80x128xf32, #tpu.memory_space<hbm>>) target(%dma_start3A_83 : memref<80x128xf32, #tpu.memory_space<vmem>>) target_semaphore(%arg15 : memref<!tpu.dma_semaphore, #tpu.memory_space<semaphore_mem>>)
    %scan3A_86 = arith.constant 0 : i32
    %scan3A_87 = arith.constant 0 : i32
    %scan3A_88 = arith.constant 62 : i32
    %scan3A_89 = arith.addi %scan3A_87, %scan3A_88 : i32
    %scan3A_90 = arith.constant 1 : i32
    scf.for %scan3A_208 = %scan3A_87 to %scan3A_89 step %scan3A_90  : i32 {
      %mul3A_209 = arith.constant 2 : i32
      %mul3A_210 = arith.muli %mul3A_209, %scan3A_208 : i32
      %add3A_211 = arith.constant 1 : i32
      %add3A_212 = arith.addi %mul3A_210, %add3A_211 : i32
      %mul3A_213 = arith.constant 80 : i32
      %mul3A_214 = arith.muli %add3A_212, %mul3A_213 : i32
      %add3A_215 = arith.addi %mul3A_2, %mul3A_214 : i32
      %dma_start3A_216 = arith.constant 1 : i32
      %dma_start3A_217 = arith.constant 0 : i32
      %dma_start3A_218 = tpu.memref_slice %arg9[%dma_start3A_216, %dma_start3A_217] : memref<2x80xi32, #tpu.memory_space<vmem>> -> memref<1x80xi32, #tpu.memory_space<vmem>>
      %dma_start3A_219 = tpu.memref_squeeze %dma_start3A_218 : memref<1x80xi32, #tpu.memory_space<vmem>> -> memref<80xi32, #tpu.memory_space<vmem>>
      %dma_start3A_220 = tpu.memref_slice %arg4[%add3A_215] : memref<320000xi32, #tpu.memory_space<hbm>> -> memref<80xi32, #tpu.memory_space<hbm>>
      %dma_start3A_221 = arith.constant 0 : i32
      %dma_start3A_222 = tpu.memref_slice %arg9[%dma_start3A_216, %dma_start3A_221] : memref<2x80xi32, #tpu.memory_space<vmem>> -> memref<1x80xi32, #tpu.memory_space<vmem>>
      %dma_start3A_223 = tpu.memref_squeeze %dma_start3A_222 : memref<1x80xi32, #tpu.memory_space<vmem>> -> memref<80xi32, #tpu.memory_space<vmem>>
      %dma_start3A_224 = tpu.memref_slice %arg4[%add3A_215] : memref<320000xi32, #tpu.memory_space<hbm>> -> memref<80xi32, #tpu.memory_space<hbm>>
      tpu.enqueue_dma source(%dma_start3A_224 : memref<80xi32, #tpu.memory_space<hbm>>) target(%dma_start3A_223 : memref<80xi32, #tpu.memory_space<vmem>>) target_semaphore(%arg16 : memref<!tpu.dma_semaphore, #tpu.memory_space<semaphore_mem>>)
      %dma_start3A_225 = arith.constant 1 : i32
      %dma_start3A_226 = arith.constant 0 : i32
      %dma_start3A_227 = arith.constant 0 : i32
      %dma_start3A_228 = tpu.memref_slice %arg11[%dma_start3A_225, %dma_start3A_226, %dma_start3A_227] : memref<2x80x128xf32, #tpu.memory_space<vmem>> -> memref<1x80x128xf32, #tpu.memory_space<vmem>>
      %dma_start3A_229 = tpu.memref_squeeze %dma_start3A_228 : memref<1x80x128xf32, #tpu.memory_space<vmem>> -> memref<80x128xf32, #tpu.memory_space<vmem>>
      %dma_start3A_230 = arith.constant 0 : i32
      %dma_start3A_231 = tpu.memref_slice %arg2[%add3A_215, %dma_start3A_230] : memref<320000x128xf32, #tpu.memory_space<hbm>> -> memref<80x128xf32, #tpu.memory_space<hbm>>
      %dma_start3A_232 = arith.constant 0 : i32
      %dma_start3A_233 = arith.constant 0 : i32
      %dma_start3A_234 = tpu.memref_slice %arg11[%dma_start3A_225, %dma_start3A_232, %dma_start3A_233] : memref<2x80x128xf32, #tpu.memory_space<vmem>> -> memref<1x80x128xf32, #tpu.memory_space<vmem>>
      %dma_start3A_235 = tpu.memref_squeeze %dma_start3A_234 : memref<1x80x128xf32, #tpu.memory_space<vmem>> -> memref<80x128xf32, #tpu.memory_space<vmem>>
      %dma_start3A_236 = arith.constant 0 : i32
      %dma_start3A_237 = tpu.memref_slice %arg2[%add3A_215, %dma_start3A_236] : memref<320000x128xf32, #tpu.memory_space<hbm>> -> memref<80x128xf32, #tpu.memory_space<hbm>>
      tpu.enqueue_dma source(%dma_start3A_237 : memref<80x128xf32, #tpu.memory_space<hbm>>) target(%dma_start3A_235 : memref<80x128xf32, #tpu.memory_space<vmem>>) target_semaphore(%arg17 : memref<!tpu.dma_semaphore, #tpu.memory_space<semaphore_mem>>)
      %dma_start3A_238 = arith.constant 1 : i32
      %dma_start3A_239 = arith.constant 0 : i32
      %dma_start3A_240 = arith.constant 0 : i32
      %dma_start3A_241 = tpu.memref_slice %arg12[%dma_start3A_238, %dma_start3A_239, %dma_start3A_240] : memref<2x80x128xf32, #tpu.memory_space<vmem>> -> memref<1x80x128xf32, #tpu.memory_space<vmem>>
      %dma_start3A_242 = tpu.memref_squeeze %dma_start3A_241 : memref<1x80x128xf32, #tpu.memory_space<vmem>> -> memref<80x128xf32, #tpu.memory_space<vmem>>
      %dma_start3A_243 = arith.constant 0 : i32
      %dma_start3A_244 = tpu.memref_slice %arg3[%add3A_215, %dma_start3A_243] : memref<320000x128xf32, #tpu.memory_space<hbm>> -> memref<80x128xf32, #tpu.memory_space<hbm>>
      %dma_start3A_245 = arith.constant 0 : i32
      %dma_start3A_246 = arith.constant 0 : i32
      %dma_start3A_247 = tpu.memref_slice %arg12[%dma_start3A_238, %dma_start3A_245, %dma_start3A_246] : memref<2x80x128xf32, #tpu.memory_space<vmem>> -> memref<1x80x128xf32, #tpu.memory_space<vmem>>
      %dma_start3A_248 = tpu.memref_squeeze %dma_start3A_247 : memref<1x80x128xf32, #tpu.memory_space<vmem>> -> memref<80x128xf32, #tpu.memory_space<vmem>>
      %dma_start3A_249 = arith.constant 0 : i32
      %dma_start3A_250 = tpu.memref_slice %arg3[%add3A_215, %dma_start3A_249] : memref<320000x128xf32, #tpu.memory_space<hbm>> -> memref<80x128xf32, #tpu.memory_space<hbm>>
      tpu.enqueue_dma source(%dma_start3A_250 : memref<80x128xf32, #tpu.memory_space<hbm>>) target(%dma_start3A_248 : memref<80x128xf32, #tpu.memory_space<vmem>>) target_semaphore(%arg18 : memref<!tpu.dma_semaphore, #tpu.memory_space<semaphore_mem>>)
      %mul3A_251 = arith.constant 80 : i32
      %mul3A_252 = arith.muli %mul3A_210, %mul3A_251 : i32
      %add3A_253 = arith.addi %mul3A_2, %mul3A_252 : i32
      %dma_wait3A_254 = arith.constant 0 : i32
      %dma_wait3A_255 = arith.constant 0 : i32
      %dma_wait3A_256 = tpu.memref_slice %arg9[%dma_wait3A_254, %dma_wait3A_255] : memref<2x80xi32, #tpu.memory_space<vmem>> -> memref<1x80xi32, #tpu.memory_space<vmem>>
      %dma_wait3A_257 = tpu.memref_squeeze %dma_wait3A_256 : memref<1x80xi32, #tpu.memory_space<vmem>> -> memref<80xi32, #tpu.memory_space<vmem>>
      %dma_wait3A_258 = tpu.memref_slice %arg4[%add3A_253] : memref<320000xi32, #tpu.memory_space<hbm>> -> memref<80xi32, #tpu.memory_space<hbm>>
      %dma_wait3A_259 = arith.constant 0 : i32
      %dma_wait3A_260 = tpu.memref_slice %arg9[%dma_wait3A_254, %dma_wait3A_259] : memref<2x80xi32, #tpu.memory_space<vmem>> -> memref<1x80xi32, #tpu.memory_space<vmem>>
      %dma_wait3A_261 = tpu.memref_squeeze %dma_wait3A_260 : memref<1x80xi32, #tpu.memory_space<vmem>> -> memref<80xi32, #tpu.memory_space<vmem>>
      %dma_wait3A_262 = tpu.memref_slice %arg4[%add3A_253] : memref<320000xi32, #tpu.memory_space<hbm>> -> memref<80xi32, #tpu.memory_space<hbm>>
      tpu.wait_dma2 semaphore(%arg13 : memref<!tpu.dma_semaphore, #tpu.memory_space<semaphore_mem>>) src(%dma_wait3A_262 : memref<80xi32, #tpu.memory_space<hbm>>) dst(%dma_wait3A_261 : memref<80xi32, #tpu.memory_space<vmem>>)
      %dma_wait3A_263 = arith.constant 0 : i32
      %dma_wait3A_264 = arith.constant 0 : i32
      %dma_wait3A_265 = arith.constant 0 : i32
      %dma_wait3A_266 = tpu.memref_slice %arg11[%dma_wait3A_263, %dma_wait3A_264, %dma_wait3A_265] : memref<2x80x128xf32, #tpu.memory_space<vmem>> -> memref<1x80x128xf32, #tpu.memory_space<vmem>>
      %dma_wait3A_267 = tpu.memref_squeeze %dma_wait3A_266 : memref<1x80x128xf32, #tpu.memory_space<vmem>> -> memref<80x128xf32, #tpu.memory_space<vmem>>
      %dma_wait3A_268 = arith.constant 0 : i32
      %dma_wait3A_269 = tpu.memref_slice %arg2[%add3A_253, %dma_wait3A_268] : memref<320000x128xf32, #tpu.memory_space<hbm>> -> memref<80x128xf32, #tpu.memory_space<hbm>>
      %dma_wait3A_270 = arith.constant 0 : i32
      %dma_wait3A_271 = arith.constant 0 : i32
      %dma_wait3A_272 = tpu.memref_slice %arg11[%dma_wait3A_263, %dma_wait3A_270, %dma_wait3A_271] : memref<2x80x128xf32, #tpu.memory_space<vmem>> -> memref<1x80x128xf32, #tpu.memory_space<vmem>>
      %dma_wait3A_273 = tpu.memref_squeeze %dma_wait3A_272 : memref<1x80x128xf32, #tpu.memory_space<vmem>> -> memref<80x128xf32, #tpu.memory_space<vmem>>
      %dma_wait3A_274 = arith.constant 0 : i32
      %dma_wait3A_275 = tpu.memref_slice %arg2[%add3A_253, %dma_wait3A_274] : memref<320000x128xf32, #tpu.memory_space<hbm>> -> memref<80x128xf32, #tpu.memory_space<hbm>>
      tpu.wait_dma2 semaphore(%arg14 : memref<!tpu.dma_semaphore, #tpu.memory_space<semaphore_mem>>) src(%dma_wait3A_275 : memref<80x128xf32, #tpu.memory_space<hbm>>) dst(%dma_wait3A_273 : memref<80x128xf32, #tpu.memory_space<vmem>>)
      %dma_wait3A_276 = arith.constant 0 : i32
      %dma_wait3A_277 = arith.constant 0 : i32
      %dma_wait3A_278 = arith.constant 0 : i32
      %dma_wait3A_279 = tpu.memref_slice %arg12[%dma_wait3A_276, %dma_wait3A_277, %dma_wait3A_278] : memref<2x80x128xf32, #tpu.memory_space<vmem>> -> memref<1x80x128xf32, #tpu.memory_space<vmem>>
      %dma_wait3A_280 = tpu.memref_squeeze %dma_wait3A_279 : memref<1x80x128xf32, #tpu.memory_space<vmem>> -> memref<80x128xf32, #tpu.memory_space<vmem>>
      %dma_wait3A_281 = arith.constant 0 : i32
      %dma_wait3A_282 = tpu.memref_slice %arg3[%add3A_253, %dma_wait3A_281] : memref<320000x128xf32, #tpu.memory_space<hbm>> -> memref<80x128xf32, #tpu.memory_space<hbm>>
      %dma_wait3A_283 = arith.constant 0 : i32
      %dma_wait3A_284 = arith.constant 0 : i32
      %dma_wait3A_285 = tpu.memref_slice %arg12[%dma_wait3A_276, %dma_wait3A_283, %dma_wait3A_284] : memref<2x80x128xf32, #tpu.memory_space<vmem>> -> memref<1x80x128xf32, #tpu.memory_space<vmem>>
      %dma_wait3A_286 = tpu.memref_squeeze %dma_wait3A_285 : memref<1x80x128xf32, #tpu.memory_space<vmem>> -> memref<80x128xf32, #tpu.memory_space<vmem>>
      %dma_wait3A_287 = arith.constant 0 : i32
      %dma_wait3A_288 = tpu.memref_slice %arg3[%add3A_253, %dma_wait3A_287] : memref<320000x128xf32, #tpu.memory_space<hbm>> -> memref<80x128xf32, #tpu.memory_space<hbm>>
      tpu.wait_dma2 semaphore(%arg15 : memref<!tpu.dma_semaphore, #tpu.memory_space<semaphore_mem>>) src(%dma_wait3A_288 : memref<80x128xf32, #tpu.memory_space<hbm>>) dst(%dma_wait3A_286 : memref<80x128xf32, #tpu.memory_space<vmem>>)
      %get3A_289 = arith.constant 0 : i32
      %get3A_290 = arith.index_cast %get3A_289 : i32 to index
      %get3A_291 = arith.constant 0 : index
      %get3A_292 = tpu.vector_load %arg9[%get3A_290, %get3A_291] {strides = array<i32>} : memref<2x80xi32, #tpu.memory_space<vmem>>, vector<1x16xi32>,
      %get3A_293 = vector.shape_cast %get3A_292 : vector<1x16xi32> to vector<16xi32>
      %shift_right_logical3A_294 = arith.constant 5 : i32
      %shift_right_logical3A_295 = vector.broadcast %shift_right_logical3A_294 : i32 to vector<16xi32>
      %shift_right_logical3A_296 = arith.shrui %get3A_293, %shift_right_logical3A_295 : vector<16xi32>
      %swap3A_297 = arith.constant 0 : i32
      %swap3A_298 = arith.index_cast %swap3A_297 : i32 to index
      %swap3A_299 = arith.constant 0 : index
      %swap3A_300 = tpu.vector_load %arg10[%swap3A_298, %swap3A_299] {strides = array<i32>} : memref<2x80xi32, #tpu.memory_space<vmem>>, vector<1x16xi32>,
      %swap3A_301 = vector.shape_cast %swap3A_300 : vector<1x16xi32> to vector<16xi32>
      %swap3A_302 = vector.shape_cast %shift_right_logical3A_296 : vector<16xi32> to vector<1x16xi32>
      tpu.vector_store %arg10[%swap3A_298, %swap3A_299], %swap3A_302 {strides = array<i32>} : memref<2x80xi32, #tpu.memory_space<vmem>>, vector<1x16xi32>,
      %get3A_303 = arith.constant 0 : i32
      %get3A_304 = arith.index_cast %get3A_303 : i32 to index
      %get3A_305 = arith.constant 16 : index
      %get3A_306 = tpu.vector_load %arg9[%get3A_304, %get3A_305] {strides = array<i32>} : memref<2x80xi32, #tpu.memory_space<vmem>>, vector<1x16xi32>,
      %get3A_307 = vector.shape_cast %get3A_306 : vector<1x16xi32> to vector<16xi32>
      %shift_right_logical3A_308 = arith.constant 5 : i32
      %shift_right_logical3A_309 = vector.broadcast %shift_right_logical3A_308 : i32 to vector<16xi32>
      %shift_right_logical3A_310 = arith.shrui %get3A_307, %shift_right_logical3A_309 : vector<16xi32>
      %swap3A_311 = arith.constant 0 : i32
      %swap3A_312 = arith.index_cast %swap3A_311 : i32 to index
      %swap3A_313 = arith.constant 16 : index
      %swap3A_314 = tpu.vector_load %arg10[%swap3A_312, %swap3A_313] {strides = array<i32>} : memref<2x80xi32, #tpu.memory_space<vmem>>, vector<1x16xi32>,
      %swap3A_315 = vector.shape_cast %swap3A_314 : vector<1x16xi32> to vector<16xi32>
      %swap3A_316 = vector.shape_cast %shift_right_logical3A_310 : vector<16xi32> to vector<1x16xi32>
      tpu.vector_store %arg10[%swap3A_312, %swap3A_313], %swap3A_316 {strides = array<i32>} : memref<2x80xi32, #tpu.memory_space<vmem>>, vector<1x16xi32>,
      %get3A_317 = arith.constant 0 : i32
      %get3A_318 = arith.index_cast %get3A_317 : i32 to index
      %get3A_319 = arith.constant 32 : index
      %get3A_320 = tpu.vector_load %arg9[%get3A_318, %get3A_319] {strides = array<i32>} : memref<2x80xi32, #tpu.memory_space<vmem>>, vector<1x16xi32>,
      %get3A_321 = vector.shape_cast %get3A_320 : vector<1x16xi32> to vector<16xi32>
      %shift_right_logical3A_322 = arith.constant 5 : i32
      %shift_right_logical3A_323 = vector.broadcast %shift_right_logical3A_322 : i32 to vector<16xi32>
      %shift_right_logical3A_324 = arith.shrui %get3A_321, %shift_right_logical3A_323 : vector<16xi32>
      %swap3A_325 = arith.constant 0 : i32
      %swap3A_326 = arith.index_cast %swap3A_325 : i32 to index
      %swap3A_327 = arith.constant 32 : index
      %swap3A_328 = tpu.vector_load %arg10[%swap3A_326, %swap3A_327] {strides = array<i32>} : memref<2x80xi32, #tpu.memory_space<vmem>>, vector<1x16xi32>,
      %swap3A_329 = vector.shape_cast %swap3A_328 : vector<1x16xi32> to vector<16xi32>
      %swap3A_330 = vector.shape_cast %shift_right_logical3A_324 : vector<16xi32> to vector<1x16xi32>
      tpu.vector_store %arg10[%swap3A_326, %swap3A_327], %swap3A_330 {strides = array<i32>} : memref<2x80xi32, #tpu.memory_space<vmem>>, vector<1x16xi32>,
      %get3A_331 = arith.constant 0 : i32
      %get3A_332 = arith.index_cast %get3A_331 : i32 to index
      %get3A_333 = arith.constant 48 : index
      %get3A_334 = tpu.vector_load %arg9[%get3A_332, %get3A_333] {strides = array<i32>} : memref<2x80xi32, #tpu.memory_space<vmem>>, vector<1x16xi32>,
      %get3A_335 = vector.shape_cast %get3A_334 : vector<1x16xi32> to vector<16xi32>
      %shift_right_logical3A_336 = arith.constant 5 : i32
      %shift_right_logical3A_337 = vector.broadcast %shift_right_logical3A_336 : i32 to vector<16xi32>
      %shift_right_logical3A_338 = arith.shrui %get3A_335, %shift_right_logical3A_337 : vector<16xi32>
      %swap3A_339 = arith.constant 0 : i32
      %swap3A_340 = arith.index_cast %swap3A_339 : i32 to index
      %swap3A_341 = arith.constant 48 : index
      %swap3A_342 = tpu.vector_load %arg10[%swap3A_340, %swap3A_341] {strides = array<i32>} : memref<2x80xi32, #tpu.memory_space<vmem>>, vector<1x16xi32>,
      %swap3A_343 = vector.shape_cast %swap3A_342 : vector<1x16xi32> to vector<16xi32>
      %swap3A_344 = vector.shape_cast %shift_right_logical3A_338 : vector<16xi32> to vector<1x16xi32>
      tpu.vector_store %arg10[%swap3A_340, %swap3A_341], %swap3A_344 {strides = array<i32>} : memref<2x80xi32, #tpu.memory_space<vmem>>, vector<1x16xi32>,
      %get3A_345 = arith.constant 0 : i32
      %get3A_346 = arith.index_cast %get3A_345 : i32 to index
      %get3A_347 = arith.constant 64 : index
      %get3A_348 = tpu.vector_load %arg9[%get3A_346, %get3A_347] {strides = array<i32>} : memref<2x80xi32, #tpu.memory_space<vmem>>, vector<1x16xi32>,
      %get3A_349 = vector.shape_cast %get3A_348 : vector<1x16xi32> to vector<16xi32>
      %shift_right_logical3A_350 = arith.constant 5 : i32
      %shift_right_logical3A_351 = vector.broadcast %shift_right_logical3A_350 : i32 to vector<16xi32>
      %shift_right_logical3A_352 = arith.shrui %get3A_349, %shift_right_logical3A_351 : vector<16xi32>
      %swap3A_353 = arith.constant 0 : i32
      %swap3A_354 = arith.index_cast %swap3A_353 : i32 to index
      %swap3A_355 = arith.constant 64 : index
      %swap3A_356 = tpu.vector_load %arg10[%swap3A_354, %swap3A_355] {strides = array<i32>} : memref<2x80xi32, #tpu.memory_space<vmem>>, vector<1x16xi32>,
      %swap3A_357 = vector.shape_cast %swap3A_356 : vector<1x16xi32> to vector<16xi32>
      %swap3A_358 = vector.shape_cast %shift_right_logical3A_352 : vector<16xi32> to vector<1x16xi32>
      tpu.vector_store %arg10[%swap3A_354, %swap3A_355], %swap3A_358 {strides = array<i32>} : memref<2x80xi32, #tpu.memory_space<vmem>>, vector<1x16xi32>,
      %run_scoped3A_359 = arith.constant 0 : i32
      %run_scoped3A_360 = arith.constant 0 : i32
      "tpu.region"() ({
        %run_scoped3A_517 = tpu.sem_alloc : memref<!tpu.dma_semaphore, #tpu.memory_space<semaphore_mem>>
        %dma_start3A_518 = arith.constant 0 : i32
        %dma_start3A_519 = arith.constant 0 : i32
        %dma_start3A_520 = tpu.memref_slice %arg11[%run_scoped3A_359, %dma_start3A_518, %dma_start3A_519] : memref<2x80x128xf32, #tpu.memory_space<vmem>> -> memref<1x80x128xf32, #tpu.memory_space<vmem>>
        %dma_start3A_521 = tpu.memref_squeeze %dma_start3A_520 : memref<1x80x128xf32, #tpu.memory_space<vmem>> -> memref<80x128xf32, #tpu.memory_space<vmem>>
        %dma_start3A_522 = arith.constant 0 : i32
        %dma_start3A_523 = tpu.memref_slice %arg9[%run_scoped3A_360, %dma_start3A_522] : memref<2x80xi32, #tpu.memory_space<vmem>> -> memref<1x80xi32, #tpu.memory_space<vmem>>
        %dma_start3A_524 = tpu.memref_squeeze %dma_start3A_523 : memref<1x80xi32, #tpu.memory_space<vmem>> -> memref<80xi32, #tpu.memory_space<vmem>>
        %dma_start3A_525 = arith.constant 0 : i32
        %dma_start3A_526 = arith.constant 0 : i32
        %dma_start3A_527 = tpu.memref_slice %arg7[%dma_start3A_525, %dma_start3A_526] : memref<10112x128xf32, #tpu.memory_space<vmem_shared>> -> memref<10112x128xf32, #tpu.memory_space<vmem_shared>>
        tpu.enqueue_indirect_dma source(%dma_start3A_521 : memref<80x128xf32, #tpu.memory_space<vmem>>) target(%dma_start3A_527 : memref<10112x128xf32, #tpu.memory_space<vmem_shared>>) offsets(%dma_start3A_524 : memref<80xi32, #tpu.memory_space<vmem>>) semaphore(%run_scoped3A_517 : memref<!tpu.dma_semaphore, #tpu.memory_space<semaphore_mem>>) {add = true}
        %dma_wait3A_528 = arith.constant 0 : i32
        %dma_wait3A_529 = arith.constant 0 : i32
        %dma_wait3A_530 = tpu.memref_slice %arg11[%run_scoped3A_359, %dma_wait3A_528, %dma_wait3A_529] : memref<2x80x128xf32, #tpu.memory_space<vmem>> -> memref<1x80x128xf32, #tpu.memory_space<vmem>>
        %dma_wait3A_531 = tpu.memref_squeeze %dma_wait3A_530 : memref<1x80x128xf32, #tpu.memory_space<vmem>> -> memref<80x128xf32, #tpu.memory_space<vmem>>
        %dma_wait3A_532 = arith.constant 0 : i32
        %dma_wait3A_533 = tpu.memref_slice %arg9[%run_scoped3A_360, %dma_wait3A_532] : memref<2x80xi32, #tpu.memory_space<vmem>> -> memref<1x80xi32, #tpu.memory_space<vmem>>
        %dma_wait3A_534 = tpu.memref_squeeze %dma_wait3A_533 : memref<1x80xi32, #tpu.memory_space<vmem>> -> memref<80xi32, #tpu.memory_space<vmem>>
        %dma_wait3A_535 = arith.constant 0 : i32
        %dma_wait3A_536 = arith.constant 0 : i32
        %dma_wait3A_537 = tpu.memref_slice %arg7[%dma_wait3A_535, %dma_wait3A_536] : memref<10112x128xf32, #tpu.memory_space<vmem_shared>> -> memref<10112x128xf32, #tpu.memory_space<vmem_shared>>
        tpu.wait_indirect_dma semaphore(%run_scoped3A_517 : memref<!tpu.dma_semaphore, #tpu.memory_space<semaphore_mem>>) src(%dma_wait3A_531 : memref<80x128xf32, #tpu.memory_space<vmem>>) dst(%dma_wait3A_537 : memref<10112x128xf32, #tpu.memory_space<vmem_shared>>)
        tpu.yield
      }) : () -> ()
      %run_scoped3A_361 = arith.constant 0 : i32
      %run_scoped3A_362 = arith.constant 0 : i32
      "tpu.region"() ({
        %run_scoped3A_517 = tpu.sem_alloc : memref<!tpu.dma_semaphore, #tpu.memory_space<semaphore_mem>>
        %dma_start3A_518 = arith.constant 0 : i32
        %dma_start3A_519 = arith.constant 0 : i32
        %dma_start3A_520 = tpu.memref_slice %arg12[%run_scoped3A_361, %dma_start3A_518, %dma_start3A_519] : memref<2x80x128xf32, #tpu.memory_space<vmem>> -> memref<1x80x128xf32, #tpu.memory_space<vmem>>
        %dma_start3A_521 = tpu.memref_squeeze %dma_start3A_520 : memref<1x80x128xf32, #tpu.memory_space<vmem>> -> memref<80x128xf32, #tpu.memory_space<vmem>>
        %dma_start3A_522 = arith.constant 0 : i32
        %dma_start3A_523 = tpu.memref_slice %arg10[%run_scoped3A_362, %dma_start3A_522] : memref<2x80xi32, #tpu.memory_space<vmem>> -> memref<1x80xi32, #tpu.memory_space<vmem>>
        %dma_start3A_524 = tpu.memref_squeeze %dma_start3A_523 : memref<1x80xi32, #tpu.memory_space<vmem>> -> memref<80xi32, #tpu.memory_space<vmem>>
        %dma_start3A_525 = arith.constant 0 : i32
        %dma_start3A_526 = arith.constant 0 : i32
        %dma_start3A_527 = tpu.memref_slice %arg8[%dma_start3A_525, %dma_start3A_526] : memref<384x128xf32, #tpu.memory_space<vmem_shared>> -> memref<384x128xf32, #tpu.memory_space<vmem_shared>>
        tpu.enqueue_indirect_dma source(%dma_start3A_521 : memref<80x128xf32, #tpu.memory_space<vmem>>) target(%dma_start3A_527 : memref<384x128xf32, #tpu.memory_space<vmem_shared>>) offsets(%dma_start3A_524 : memref<80xi32, #tpu.memory_space<vmem>>) semaphore(%run_scoped3A_517 : memref<!tpu.dma_semaphore, #tpu.memory_space<semaphore_mem>>) {add = true}
        %dma_wait3A_528 = arith.constant 0 : i32
        %dma_wait3A_529 = arith.constant 0 : i32
        %dma_wait3A_530 = tpu.memref_slice %arg12[%run_scoped3A_361, %dma_wait3A_528, %dma_wait3A_529] : memref<2x80x128xf32, #tpu.memory_space<vmem>> -> memref<1x80x128xf32, #tpu.memory_space<vmem>>
        %dma_wait3A_531 = tpu.memref_squeeze %dma_wait3A_530 : memref<1x80x128xf32, #tpu.memory_space<vmem>> -> memref<80x128xf32, #tpu.memory_space<vmem>>
        %dma_wait3A_532 = arith.constant 0 : i32
        %dma_wait3A_533 = tpu.memref_slice %arg10[%run_scoped3A_362, %dma_wait3A_532] : memref<2x80xi32, #tpu.memory_space<vmem>> -> memref<1x80xi32, #tpu.memory_space<vmem>>
        %dma_wait3A_534 = tpu.memref_squeeze %dma_wait3A_533 : memref<1x80xi32, #tpu.memory_space<vmem>> -> memref<80xi32, #tpu.memory_space<vmem>>
        %dma_wait3A_535 = arith.constant 0 : i32
        %dma_wait3A_536 = arith.constant 0 : i32
        %dma_wait3A_537 = tpu.memref_slice %arg8[%dma_wait3A_535, %dma_wait3A_536] : memref<384x128xf32, #tpu.memory_space<vmem_shared>> -> memref<384x128xf32, #tpu.memory_space<vmem_shared>>
        tpu.wait_indirect_dma semaphore(%run_scoped3A_517 : memref<!tpu.dma_semaphore, #tpu.memory_space<semaphore_mem>>) src(%dma_wait3A_531 : memref<80x128xf32, #tpu.memory_space<vmem>>) dst(%dma_wait3A_537 : memref<384x128xf32, #tpu.memory_space<vmem_shared>>)
        tpu.yield
      }) : () -> ()
      %add3A_363 = arith.constant 2 : i32
      %add3A_364 = arith.addi %mul3A_210, %add3A_363 : i32
      %mul3A_365 = arith.constant 80 : i32
      %mul3A_366 = arith.muli %add3A_364, %mul3A_365 : i32
      %add3A_367 = arith.addi %mul3A_2, %mul3A_366 : i32
      %dma_start3A_368 = arith.constant 0 : i32
      %dma_start3A_369 = arith.constant 0 : i32
      %dma_start3A_370 = tpu.memref_slice %arg9[%dma_start3A_368, %dma_start3A_369] : memref<2x80xi32, #tpu.memory_space<vmem>> -> memref<1x80xi32, #tpu.memory_space<vmem>>
      %dma_start3A_371 = tpu.memref_squeeze %dma_start3A_370 : memref<1x80xi32, #tpu.memory_space<vmem>> -> memref<80xi32, #tpu.memory_space<vmem>>
      %dma_start3A_372 = tpu.memref_slice %arg4[%add3A_367] : memref<320000xi32, #tpu.memory_space<hbm>> -> memref<80xi32, #tpu.memory_space<hbm>>
      %dma_start3A_373 = arith.constant 0 : i32
      %dma_start3A_374 = tpu.memref_slice %arg9[%dma_start3A_368, %dma_start3A_373] : memref<2x80xi32, #tpu.memory_space<vmem>> -> memref<1x80xi32, #tpu.memory_space<vmem>>
      %dma_start3A_375 = tpu.memref_squeeze %dma_start3A_374 : memref<1x80xi32, #tpu.memory_space<vmem>> -> memref<80xi32, #tpu.memory_space<vmem>>
      %dma_start3A_376 = tpu.memref_slice %arg4[%add3A_367] : memref<320000xi32, #tpu.memory_space<hbm>> -> memref<80xi32, #tpu.memory_space<hbm>>
      tpu.enqueue_dma source(%dma_start3A_376 : memref<80xi32, #tpu.memory_space<hbm>>) target(%dma_start3A_375 : memref<80xi32, #tpu.memory_space<vmem>>) target_semaphore(%arg13 : memref<!tpu.dma_semaphore, #tpu.memory_space<semaphore_mem>>)
      %dma_start3A_377 = arith.constant 0 : i32
      %dma_start3A_378 = arith.constant 0 : i32
      %dma_start3A_379 = arith.constant 0 : i32
      %dma_start3A_380 = tpu.memref_slice %arg11[%dma_start3A_377, %dma_start3A_378, %dma_start3A_379] : memref<2x80x128xf32, #tpu.memory_space<vmem>> -> memref<1x80x128xf32, #tpu.memory_space<vmem>>
      %dma_start3A_381 = tpu.memref_squeeze %dma_start3A_380 : memref<1x80x128xf32, #tpu.memory_space<vmem>> -> memref<80x128xf32, #tpu.memory_space<vmem>>
      %dma_start3A_382 = arith.constant 0 : i32
      %dma_start3A_383 = tpu.memref_slice %arg2[%add3A_367, %dma_start3A_382] : memref<320000x128xf32, #tpu.memory_space<hbm>> -> memref<80x128xf32, #tpu.memory_space<hbm>>
      %dma_start3A_384 = arith.constant 0 : i32
      %dma_start3A_385 = arith.constant 0 : i32
      %dma_start3A_386 = tpu.memref_slice %arg11[%dma_start3A_377, %dma_start3A_384, %dma_start3A_385] : memref<2x80x128xf32, #tpu.memory_space<vmem>> -> memref<1x80x128xf32, #tpu.memory_space<vmem>>
      %dma_start3A_387 = tpu.memref_squeeze %dma_start3A_386 : memref<1x80x128xf32, #tpu.memory_space<vmem>> -> memref<80x128xf32, #tpu.memory_space<vmem>>
      %dma_start3A_388 = arith.constant 0 : i32
      %dma_start3A_389 = tpu.memref_slice %arg2[%add3A_367, %dma_start3A_388] : memref<320000x128xf32, #tpu.memory_space<hbm>> -> memref<80x128xf32, #tpu.memory_space<hbm>>
      tpu.enqueue_dma source(%dma_start3A_389 : memref<80x128xf32, #tpu.memory_space<hbm>>) target(%dma_start3A_387 : memref<80x128xf32, #tpu.memory_space<vmem>>) target_semaphore(%arg14 : memref<!tpu.dma_semaphore, #tpu.memory_space<semaphore_mem>>)
      %dma_start3A_390 = arith.constant 0 : i32
      %dma_start3A_391 = arith.constant 0 : i32
      %dma_start3A_392 = arith.constant 0 : i32
      %dma_start3A_393 = tpu.memref_slice %arg12[%dma_start3A_390, %dma_start3A_391, %dma_start3A_392] : memref<2x80x128xf32, #tpu.memory_space<vmem>> -> memref<1x80x128xf32, #tpu.memory_space<vmem>>
      %dma_start3A_394 = tpu.memref_squeeze %dma_start3A_393 : memref<1x80x128xf32, #tpu.memory_space<vmem>> -> memref<80x128xf32, #tpu.memory_space<vmem>>
      %dma_start3A_395 = arith.constant 0 : i32
      %dma_start3A_396 = tpu.memref_slice %arg3[%add3A_367, %dma_start3A_395] : memref<320000x128xf32, #tpu.memory_space<hbm>> -> memref<80x128xf32, #tpu.memory_space<hbm>>
      %dma_start3A_397 = arith.constant 0 : i32
      %dma_start3A_398 = arith.constant 0 : i32
      %dma_start3A_399 = tpu.memref_slice %arg12[%dma_start3A_390, %dma_start3A_397, %dma_start3A_398] : memref<2x80x128xf32, #tpu.memory_space<vmem>> -> memref<1x80x128xf32, #tpu.memory_space<vmem>>
      %dma_start3A_400 = tpu.memref_squeeze %dma_start3A_399 : memref<1x80x128xf32, #tpu.memory_space<vmem>> -> memref<80x128xf32, #tpu.memory_space<vmem>>
      %dma_start3A_401 = arith.constant 0 : i32
      %dma_start3A_402 = tpu.memref_slice %arg3[%add3A_367, %dma_start3A_401] : memref<320000x128xf32, #tpu.memory_space<hbm>> -> memref<80x128xf32, #tpu.memory_space<hbm>>
      tpu.enqueue_dma source(%dma_start3A_402 : memref<80x128xf32, #tpu.memory_space<hbm>>) target(%dma_start3A_400 : memref<80x128xf32, #tpu.memory_space<vmem>>) target_semaphore(%arg15 : memref<!tpu.dma_semaphore, #tpu.memory_space<semaphore_mem>>)
      %add3A_403 = arith.constant 1 : i32
      %add3A_404 = arith.addi %mul3A_210, %add3A_403 : i32
      %mul3A_405 = arith.constant 80 : i32
      %mul3A_406 = arith.muli %add3A_404, %mul3A_405 : i32
      %add3A_407 = arith.addi %mul3A_2, %mul3A_406 : i32
      %dma_wait3A_408 = arith.constant 1 : i32
      %dma_wait3A_409 = arith.constant 0 : i32
      %dma_wait3A_410 = tpu.memref_slice %arg9[%dma_wait3A_408, %dma_wait3A_409] : memref<2x80xi32, #tpu.memory_space<vmem>> -> memref<1x80xi32, #tpu.memory_space<vmem>>
      %dma_wait3A_411 = tpu.memref_squeeze %dma_wait3A_410 : memref<1x80xi32, #tpu.memory_space<vmem>> -> memref<80xi32, #tpu.memory_space<vmem>>
      %dma_wait3A_412 = tpu.memref_slice %arg4[%add3A_407] : memref<320000xi32, #tpu.memory_space<hbm>> -> memref<80xi32, #tpu.memory_space<hbm>>
      %dma_wait3A_413 = arith.constant 0 : i32
      %dma_wait3A_414 = tpu.memref_slice %arg9[%dma_wait3A_408, %dma_wait3A_413] : memref<2x80xi32, #tpu.memory_space<vmem>> -> memref<1x80xi32, #tpu.memory_space<vmem>>
      %dma_wait3A_415 = tpu.memref_squeeze %dma_wait3A_414 : memref<1x80xi32, #tpu.memory_space<vmem>> -> memref<80xi32, #tpu.memory_space<vmem>>
      %dma_wait3A_416 = tpu.memref_slice %arg4[%add3A_407] : memref<320000xi32, #tpu.memory_space<hbm>> -> memref<80xi32, #tpu.memory_space<hbm>>
      tpu.wait_dma2 semaphore(%arg16 : memref<!tpu.dma_semaphore, #tpu.memory_space<semaphore_mem>>) src(%dma_wait3A_416 : memref<80xi32, #tpu.memory_space<hbm>>) dst(%dma_wait3A_415 : memref<80xi32, #tpu.memory_space<vmem>>)
      %dma_wait3A_417 = arith.constant 1 : i32
      %dma_wait3A_418 = arith.constant 0 : i32
      %dma_wait3A_419 = arith.constant 0 : i32
      %dma_wait3A_420 = tpu.memref_slice %arg11[%dma_wait3A_417, %dma_wait3A_418, %dma_wait3A_419] : memref<2x80x128xf32, #tpu.memory_space<vmem>> -> memref<1x80x128xf32, #tpu.memory_space<vmem>>
      %dma_wait3A_421 = tpu.memref_squeeze %dma_wait3A_420 : memref<1x80x128xf32, #tpu.memory_space<vmem>> -> memref<80x128xf32, #tpu.memory_space<vmem>>
      %dma_wait3A_422 = arith.constant 0 : i32
      %dma_wait3A_423 = tpu.memref_slice %arg2[%add3A_407, %dma_wait3A_422] : memref<320000x128xf32, #tpu.memory_space<hbm>> -> memref<80x128xf32, #tpu.memory_space<hbm>>
      %dma_wait3A_424 = arith.constant 0 : i32
      %dma_wait3A_425 = arith.constant 0 : i32
      %dma_wait3A_426 = tpu.memref_slice %arg11[%dma_wait3A_417, %dma_wait3A_424, %dma_wait3A_425] : memref<2x80x128xf32, #tpu.memory_space<vmem>> -> memref<1x80x128xf32, #tpu.memory_space<vmem>>
      %dma_wait3A_427 = tpu.memref_squeeze %dma_wait3A_426 : memref<1x80x128xf32, #tpu.memory_space<vmem>> -> memref<80x128xf32, #tpu.memory_space<vmem>>
      %dma_wait3A_428 = arith.constant 0 : i32
      %dma_wait3A_429 = tpu.memref_slice %arg2[%add3A_407, %dma_wait3A_428] : memref<320000x128xf32, #tpu.memory_space<hbm>> -> memref<80x128xf32, #tpu.memory_space<hbm>>
      tpu.wait_dma2 semaphore(%arg17 : memref<!tpu.dma_semaphore, #tpu.memory_space<semaphore_mem>>) src(%dma_wait3A_429 : memref<80x128xf32, #tpu.memory_space<hbm>>) dst(%dma_wait3A_427 : memref<80x128xf32, #tpu.memory_space<vmem>>)
      %dma_wait3A_430 = arith.constant 1 : i32
      %dma_wait3A_431 = arith.constant 0 : i32
      %dma_wait3A_432 = arith.constant 0 : i32
      %dma_wait3A_433 = tpu.memref_slice %arg12[%dma_wait3A_430, %dma_wait3A_431, %dma_wait3A_432] : memref<2x80x128xf32, #tpu.memory_space<vmem>> -> memref<1x80x128xf32, #tpu.memory_space<vmem>>
      %dma_wait3A_434 = tpu.memref_squeeze %dma_wait3A_433 : memref<1x80x128xf32, #tpu.memory_space<vmem>> -> memref<80x128xf32, #tpu.memory_space<vmem>>
      %dma_wait3A_435 = arith.constant 0 : i32
      %dma_wait3A_436 = tpu.memref_slice %arg3[%add3A_407, %dma_wait3A_435] : memref<320000x128xf32, #tpu.memory_space<hbm>> -> memref<80x128xf32, #tpu.memory_space<hbm>>
      %dma_wait3A_437 = arith.constant 0 : i32
      %dma_wait3A_438 = arith.constant 0 : i32
      %dma_wait3A_439 = tpu.memref_slice %arg12[%dma_wait3A_430, %dma_wait3A_437, %dma_wait3A_438] : memref<2x80x128xf32, #tpu.memory_space<vmem>> -> memref<1x80x128xf32, #tpu.memory_space<vmem>>
      %dma_wait3A_440 = tpu.memref_squeeze %dma_wait3A_439 : memref<1x80x128xf32, #tpu.memory_space<vmem>> -> memref<80x128xf32, #tpu.memory_space<vmem>>
      %dma_wait3A_441 = arith.constant 0 : i32
      %dma_wait3A_442 = tpu.memref_slice %arg3[%add3A_407, %dma_wait3A_441] : memref<320000x128xf32, #tpu.memory_space<hbm>> -> memref<80x128xf32, #tpu.memory_space<hbm>>
      tpu.wait_dma2 semaphore(%arg18 : memref<!tpu.dma_semaphore, #tpu.memory_space<semaphore_mem>>) src(%dma_wait3A_442 : memref<80x128xf32, #tpu.memory_space<hbm>>) dst(%dma_wait3A_440 : memref<80x128xf32, #tpu.memory_space<vmem>>)
      %get3A_443 = arith.constant 1 : i32
      %get3A_444 = arith.index_cast %get3A_443 : i32 to index
      %get3A_445 = arith.constant 0 : index
      %get3A_446 = tpu.vector_load %arg9[%get3A_444, %get3A_445] {strides = array<i32>} : memref<2x80xi32, #tpu.memory_space<vmem>>, vector<1x16xi32>,
      %get3A_447 = vector.shape_cast %get3A_446 : vector<1x16xi32> to vector<16xi32>
      %shift_right_logical3A_448 = arith.constant 5 : i32
      %shift_right_logical3A_449 = vector.broadcast %shift_right_logical3A_448 : i32 to vector<16xi32>
      %shift_right_logical3A_450 = arith.shrui %get3A_447, %shift_right_logical3A_449 : vector<16xi32>
      %swap3A_451 = arith.constant 1 : i32
      %swap3A_452 = arith.index_cast %swap3A_451 : i32 to index
      %swap3A_453 = arith.constant 0 : index
      %swap3A_454 = tpu.vector_load %arg10[%swap3A_452, %swap3A_453] {strides = array<i32>} : memref<2x80xi32, #tpu.memory_space<vmem>>, vector<1x16xi32>,
      %swap3A_455 = vector.shape_cast %swap3A_454 : vector<1x16xi32> to vector<16xi32>
      %swap3A_456 = vector.shape_cast %shift_right_logical3A_450 : vector<16xi32> to vector<1x16xi32>
      tpu.vector_store %arg10[%swap3A_452, %swap3A_453], %swap3A_456 {strides = array<i32>} : memref<2x80xi32, #tpu.memory_space<vmem>>, vector<1x16xi32>,
      %get3A_457 = arith.constant 1 : i32
      %get3A_458 = arith.index_cast %get3A_457 : i32 to index
      %get3A_459 = arith.constant 16 : index
      %get3A_460 = tpu.vector_load %arg9[%get3A_458, %get3A_459] {strides = array<i32>} : memref<2x80xi32, #tpu.memory_space<vmem>>, vector<1x16xi32>,
      %get3A_461 = vector.shape_cast %get3A_460 : vector<1x16xi32> to vector<16xi32>
      %shift_right_logical3A_462 = arith.constant 5 : i32
      %shift_right_logical3A_463 = vector.broadcast %shift_right_logical3A_462 : i32 to vector<16xi32>
      %shift_right_logical3A_464 = arith.shrui %get3A_461, %shift_right_logical3A_463 : vector<16xi32>
      %swap3A_465 = arith.constant 1 : i32
      %swap3A_466 = arith.index_cast %swap3A_465 : i32 to index
      %swap3A_467 = arith.constant 16 : index
      %swap3A_468 = tpu.vector_load %arg10[%swap3A_466, %swap3A_467] {strides = array<i32>} : memref<2x80xi32, #tpu.memory_space<vmem>>, vector<1x16xi32>,
      %swap3A_469 = vector.shape_cast %swap3A_468 : vector<1x16xi32> to vector<16xi32>
      %swap3A_470 = vector.shape_cast %shift_right_logical3A_464 : vector<16xi32> to vector<1x16xi32>
      tpu.vector_store %arg10[%swap3A_466, %swap3A_467], %swap3A_470 {strides = array<i32>} : memref<2x80xi32, #tpu.memory_space<vmem>>, vector<1x16xi32>,
      %get3A_471 = arith.constant 1 : i32
      %get3A_472 = arith.index_cast %get3A_471 : i32 to index
      %get3A_473 = arith.constant 32 : index
      %get3A_474 = tpu.vector_load %arg9[%get3A_472, %get3A_473] {strides = array<i32>} : memref<2x80xi32, #tpu.memory_space<vmem>>, vector<1x16xi32>,
      %get3A_475 = vector.shape_cast %get3A_474 : vector<1x16xi32> to vector<16xi32>
      %shift_right_logical3A_476 = arith.constant 5 : i32
      %shift_right_logical3A_477 = vector.broadcast %shift_right_logical3A_476 : i32 to vector<16xi32>
      %shift_right_logical3A_478 = arith.shrui %get3A_475, %shift_right_logical3A_477 : vector<16xi32>
      %swap3A_479 = arith.constant 1 : i32
      %swap3A_480 = arith.index_cast %swap3A_479 : i32 to index
      %swap3A_481 = arith.constant 32 : index
      %swap3A_482 = tpu.vector_load %arg10[%swap3A_480, %swap3A_481] {strides = array<i32>} : memref<2x80xi32, #tpu.memory_space<vmem>>, vector<1x16xi32>,
      %swap3A_483 = vector.shape_cast %swap3A_482 : vector<1x16xi32> to vector<16xi32>
      %swap3A_484 = vector.shape_cast %shift_right_logical3A_478 : vector<16xi32> to vector<1x16xi32>
      tpu.vector_store %arg10[%swap3A_480, %swap3A_481], %swap3A_484 {strides = array<i32>} : memref<2x80xi32, #tpu.memory_space<vmem>>, vector<1x16xi32>,
      %get3A_485 = arith.constant 1 : i32
      %get3A_486 = arith.index_cast %get3A_485 : i32 to index
      %get3A_487 = arith.constant 48 : index
      %get3A_488 = tpu.vector_load %arg9[%get3A_486, %get3A_487] {strides = array<i32>} : memref<2x80xi32, #tpu.memory_space<vmem>>, vector<1x16xi32>,
      %get3A_489 = vector.shape_cast %get3A_488 : vector<1x16xi32> to vector<16xi32>
      %shift_right_logical3A_490 = arith.constant 5 : i32
      %shift_right_logical3A_491 = vector.broadcast %shift_right_logical3A_490 : i32 to vector<16xi32>
      %shift_right_logical3A_492 = arith.shrui %get3A_489, %shift_right_logical3A_491 : vector<16xi32>
      %swap3A_493 = arith.constant 1 : i32
      %swap3A_494 = arith.index_cast %swap3A_493 : i32 to index
      %swap3A_495 = arith.constant 48 : index
      %swap3A_496 = tpu.vector_load %arg10[%swap3A_494, %swap3A_495] {strides = array<i32>} : memref<2x80xi32, #tpu.memory_space<vmem>>, vector<1x16xi32>,
      %swap3A_497 = vector.shape_cast %swap3A_496 : vector<1x16xi32> to vector<16xi32>
      %swap3A_498 = vector.shape_cast %shift_right_logical3A_492 : vector<16xi32> to vector<1x16xi32>
      tpu.vector_store %arg10[%swap3A_494, %swap3A_495], %swap3A_498 {strides = array<i32>} : memref<2x80xi32, #tpu.memory_space<vmem>>, vector<1x16xi32>,
      %get3A_499 = arith.constant 1 : i32
      %get3A_500 = arith.index_cast %get3A_499 : i32 to index
      %get3A_501 = arith.constant 64 : index
      %get3A_502 = tpu.vector_load %arg9[%get3A_500, %get3A_501] {strides = array<i32>} : memref<2x80xi32, #tpu.memory_space<vmem>>, vector<1x16xi32>,
      %get3A_503 = vector.shape_cast %get3A_502 : vector<1x16xi32> to vector<16xi32>
      %shift_right_logical3A_504 = arith.constant 5 : i32
      %shift_right_logical3A_505 = vector.broadcast %shift_right_logical3A_504 : i32 to vector<16xi32>
      %shift_right_logical3A_506 = arith.shrui %get3A_503, %shift_right_logical3A_505 : vector<16xi32>
      %swap3A_507 = arith.constant 1 : i32
      %swap3A_508 = arith.index_cast %swap3A_507 : i32 to index
      %swap3A_509 = arith.constant 64 : index
      %swap3A_510 = tpu.vector_load %arg10[%swap3A_508, %swap3A_509] {strides = array<i32>} : memref<2x80xi32, #tpu.memory_space<vmem>>, vector<1x16xi32>,
      %swap3A_511 = vector.shape_cast %swap3A_510 : vector<1x16xi32> to vector<16xi32>
      %swap3A_512 = vector.shape_cast %shift_right_logical3A_506 : vector<16xi32> to vector<1x16xi32>
      tpu.vector_store %arg10[%swap3A_508, %swap3A_509], %swap3A_512 {strides = array<i32>} : memref<2x80xi32, #tpu.memory_space<vmem>>, vector<1x16xi32>,
      %run_scoped3A_513 = arith.constant 1 : i32
      %run_scoped3A_514 = arith.constant 1 : i32
      "tpu.region"() ({
        %run_scoped3A_517 = tpu.sem_alloc : memref<!tpu.dma_semaphore, #tpu.memory_space<semaphore_mem>>
        %dma_start3A_518 = arith.constant 0 : i32
        %dma_start3A_519 = arith.constant 0 : i32
        %dma_start3A_520 = tpu.memref_slice %arg11[%run_scoped3A_513, %dma_start3A_518, %dma_start3A_519] : memref<2x80x128xf32, #tpu.memory_space<vmem>> -> memref<1x80x128xf32, #tpu.memory_space<vmem>>
        %dma_start3A_521 = tpu.memref_squeeze %dma_start3A_520 : memref<1x80x128xf32, #tpu.memory_space<vmem>> -> memref<80x128xf32, #tpu.memory_space<vmem>>
        %dma_start3A_522 = arith.constant 0 : i32
        %dma_start3A_523 = tpu.memref_slice %arg9[%run_scoped3A_514, %dma_start3A_522] : memref<2x80xi32, #tpu.memory_space<vmem>> -> memref<1x80xi32, #tpu.memory_space<vmem>>
        %dma_start3A_524 = tpu.memref_squeeze %dma_start3A_523 : memref<1x80xi32, #tpu.memory_space<vmem>> -> memref<80xi32, #tpu.memory_space<vmem>>
        %dma_start3A_525 = arith.constant 0 : i32
        %dma_start3A_526 = arith.constant 0 : i32
        %dma_start3A_527 = tpu.memref_slice %arg7[%dma_start3A_525, %dma_start3A_526] : memref<10112x128xf32, #tpu.memory_space<vmem_shared>> -> memref<10112x128xf32, #tpu.memory_space<vmem_shared>>
        tpu.enqueue_indirect_dma source(%dma_start3A_521 : memref<80x128xf32, #tpu.memory_space<vmem>>) target(%dma_start3A_527 : memref<10112x128xf32, #tpu.memory_space<vmem_shared>>) offsets(%dma_start3A_524 : memref<80xi32, #tpu.memory_space<vmem>>) semaphore(%run_scoped3A_517 : memref<!tpu.dma_semaphore, #tpu.memory_space<semaphore_mem>>) {add = true}
        %dma_wait3A_528 = arith.constant 0 : i32
        %dma_wait3A_529 = arith.constant 0 : i32
        %dma_wait3A_530 = tpu.memref_slice %arg11[%run_scoped3A_513, %dma_wait3A_528, %dma_wait3A_529] : memref<2x80x128xf32, #tpu.memory_space<vmem>> -> memref<1x80x128xf32, #tpu.memory_space<vmem>>
        %dma_wait3A_531 = tpu.memref_squeeze %dma_wait3A_530 : memref<1x80x128xf32, #tpu.memory_space<vmem>> -> memref<80x128xf32, #tpu.memory_space<vmem>>
        %dma_wait3A_532 = arith.constant 0 : i32
        %dma_wait3A_533 = tpu.memref_slice %arg9[%run_scoped3A_514, %dma_wait3A_532] : memref<2x80xi32, #tpu.memory_space<vmem>> -> memref<1x80xi32, #tpu.memory_space<vmem>>
        %dma_wait3A_534 = tpu.memref_squeeze %dma_wait3A_533 : memref<1x80xi32, #tpu.memory_space<vmem>> -> memref<80xi32, #tpu.memory_space<vmem>>
        %dma_wait3A_535 = arith.constant 0 : i32
        %dma_wait3A_536 = arith.constant 0 : i32
        %dma_wait3A_537 = tpu.memref_slice %arg7[%dma_wait3A_535, %dma_wait3A_536] : memref<10112x128xf32, #tpu.memory_space<vmem_shared>> -> memref<10112x128xf32, #tpu.memory_space<vmem_shared>>
        tpu.wait_indirect_dma semaphore(%run_scoped3A_517 : memref<!tpu.dma_semaphore, #tpu.memory_space<semaphore_mem>>) src(%dma_wait3A_531 : memref<80x128xf32, #tpu.memory_space<vmem>>) dst(%dma_wait3A_537 : memref<10112x128xf32, #tpu.memory_space<vmem_shared>>)
        tpu.yield
      }) : () -> ()
      %run_scoped3A_515 = arith.constant 1 : i32
      %run_scoped3A_516 = arith.constant 1 : i32
      "tpu.region"() ({
        %run_scoped3A_517 = tpu.sem_alloc : memref<!tpu.dma_semaphore, #tpu.memory_space<semaphore_mem>>
        %dma_start3A_518 = arith.constant 0 : i32
        %dma_start3A_519 = arith.constant 0 : i32
        %dma_start3A_520 = tpu.memref_slice %arg12[%run_scoped3A_515, %dma_start3A_518, %dma_start3A_519] : memref<2x80x128xf32, #tpu.memory_space<vmem>> -> memref<1x80x128xf32, #tpu.memory_space<vmem>>
        %dma_start3A_521 = tpu.memref_squeeze %dma_start3A_520 : memref<1x80x128xf32, #tpu.memory_space<vmem>> -> memref<80x128xf32, #tpu.memory_space<vmem>>
        %dma_start3A_522 = arith.constant 0 : i32
        %dma_start3A_523 = tpu.memref_slice %arg10[%run_scoped3A_516, %dma_start3A_522] : memref<2x80xi32, #tpu.memory_space<vmem>> -> memref<1x80xi32, #tpu.memory_space<vmem>>
        %dma_start3A_524 = tpu.memref_squeeze %dma_start3A_523 : memref<1x80xi32, #tpu.memory_space<vmem>> -> memref<80xi32, #tpu.memory_space<vmem>>
        %dma_start3A_525 = arith.constant 0 : i32
        %dma_start3A_526 = arith.constant 0 : i32
        %dma_start3A_527 = tpu.memref_slice %arg8[%dma_start3A_525, %dma_start3A_526] : memref<384x128xf32, #tpu.memory_space<vmem_shared>> -> memref<384x128xf32, #tpu.memory_space<vmem_shared>>
        tpu.enqueue_indirect_dma source(%dma_start3A_521 : memref<80x128xf32, #tpu.memory_space<vmem>>) target(%dma_start3A_527 : memref<384x128xf32, #tpu.memory_space<vmem_shared>>) offsets(%dma_start3A_524 : memref<80xi32, #tpu.memory_space<vmem>>) semaphore(%run_scoped3A_517 : memref<!tpu.dma_semaphore, #tpu.memory_space<semaphore_mem>>) {add = true}
        %dma_wait3A_528 = arith.constant 0 : i32
        %dma_wait3A_529 = arith.constant 0 : i32
        %dma_wait3A_530 = tpu.memref_slice %arg12[%run_scoped3A_515, %dma_wait3A_528, %dma_wait3A_529] : memref<2x80x128xf32, #tpu.memory_space<vmem>> -> memref<1x80x128xf32, #tpu.memory_space<vmem>>
        %dma_wait3A_531 = tpu.memref_squeeze %dma_wait3A_530 : memref<1x80x128xf32, #tpu.memory_space<vmem>> -> memref<80x128xf32, #tpu.memory_space<vmem>>
        %dma_wait3A_532 = arith.constant 0 : i32
        %dma_wait3A_533 = tpu.memref_slice %arg10[%run_scoped3A_516, %dma_wait3A_532] : memref<2x80xi32, #tpu.memory_space<vmem>> -> memref<1x80xi32, #tpu.memory_space<vmem>>
        %dma_wait3A_534 = tpu.memref_squeeze %dma_wait3A_533 : memref<1x80xi32, #tpu.memory_space<vmem>> -> memref<80xi32, #tpu.memory_space<vmem>>
        %dma_wait3A_535 = arith.constant 0 : i32
        %dma_wait3A_536 = arith.constant 0 : i32
        %dma_wait3A_537 = tpu.memref_slice %arg8[%dma_wait3A_535, %dma_wait3A_536] : memref<384x128xf32, #tpu.memory_space<vmem_shared>> -> memref<384x128xf32, #tpu.memory_space<vmem_shared>>
        tpu.wait_indirect_dma semaphore(%run_scoped3A_517 : memref<!tpu.dma_semaphore, #tpu.memory_space<semaphore_mem>>) src(%dma_wait3A_531 : memref<80x128xf32, #tpu.memory_space<vmem>>) dst(%dma_wait3A_537 : memref<384x128xf32, #tpu.memory_space<vmem_shared>>)
        tpu.yield
      }) : () -> ()
    }
    %scan3A_91 = arith.constant 62 : i32
    %add3A_92 = arith.constant 9920 : i32
    %add3A_93 = arith.addi %mul3A_2, %add3A_92 : i32
    %dma_wait3A = arith.constant 0 : i32
    %dma_wait3A_94 = arith.constant 0 : i32
    %dma_wait3A_95 = tpu.memref_slice %arg9[%dma_wait3A, %dma_wait3A_94] : memref<2x80xi32, #tpu.memory_space<vmem>> -> memref<1x80xi32, #tpu.memory_space<vmem>>
    %dma_wait3A_96 = tpu.memref_squeeze %dma_wait3A_95 : memref<1x80xi32, #tpu.memory_space<vmem>> -> memref<80xi32, #tpu.memory_space<vmem>>
    %dma_wait3A_97 = tpu.memref_slice %arg4[%add3A_93] : memref<320000xi32, #tpu.memory_space<hbm>> -> memref<80xi32, #tpu.memory_space<hbm>>
    %dma_wait3A_98 = arith.constant 0 : i32
    %dma_wait3A_99 = tpu.memref_slice %arg9[%dma_wait3A, %dma_wait3A_98] : memref<2x80xi32, #tpu.memory_space<vmem>> -> memref<1x80xi32, #tpu.memory_space<vmem>>
    %dma_wait3A_100 = tpu.memref_squeeze %dma_wait3A_99 : memref<1x80xi32, #tpu.memory_space<vmem>> -> memref<80xi32, #tpu.memory_space<vmem>>
    %dma_wait3A_101 = tpu.memref_slice %arg4[%add3A_93] : memref<320000xi32, #tpu.memory_space<hbm>> -> memref<80xi32, #tpu.memory_space<hbm>>
    tpu.wait_dma2 semaphore(%arg13 : memref<!tpu.dma_semaphore, #tpu.memory_space<semaphore_mem>>) src(%dma_wait3A_101 : memref<80xi32, #tpu.memory_space<hbm>>) dst(%dma_wait3A_100 : memref<80xi32, #tpu.memory_space<vmem>>)
    %dma_wait3A_102 = arith.constant 0 : i32
    %dma_wait3A_103 = arith.constant 0 : i32
    %dma_wait3A_104 = arith.constant 0 : i32
    %dma_wait3A_105 = tpu.memref_slice %arg11[%dma_wait3A_102, %dma_wait3A_103, %dma_wait3A_104] : memref<2x80x128xf32, #tpu.memory_space<vmem>> -> memref<1x80x128xf32, #tpu.memory_space<vmem>>
    %dma_wait3A_106 = tpu.memref_squeeze %dma_wait3A_105 : memref<1x80x128xf32, #tpu.memory_space<vmem>> -> memref<80x128xf32, #tpu.memory_space<vmem>>
    %dma_wait3A_107 = arith.constant 0 : i32
    %dma_wait3A_108 = tpu.memref_slice %arg2[%add3A_93, %dma_wait3A_107] : memref<320000x128xf32, #tpu.memory_space<hbm>> -> memref<80x128xf32, #tpu.memory_space<hbm>>
    %dma_wait3A_109 = arith.constant 0 : i32
    %dma_wait3A_110 = arith.constant 0 : i32
    %dma_wait3A_111 = tpu.memref_slice %arg11[%dma_wait3A_102, %dma_wait3A_109, %dma_wait3A_110] : memref<2x80x128xf32, #tpu.memory_space<vmem>> -> memref<1x80x128xf32, #tpu.memory_space<vmem>>
    %dma_wait3A_112 = tpu.memref_squeeze %dma_wait3A_111 : memref<1x80x128xf32, #tpu.memory_space<vmem>> -> memref<80x128xf32, #tpu.memory_space<vmem>>
    %dma_wait3A_113 = arith.constant 0 : i32
    %dma_wait3A_114 = tpu.memref_slice %arg2[%add3A_93, %dma_wait3A_113] : memref<320000x128xf32, #tpu.memory_space<hbm>> -> memref<80x128xf32, #tpu.memory_space<hbm>>
    tpu.wait_dma2 semaphore(%arg14 : memref<!tpu.dma_semaphore, #tpu.memory_space<semaphore_mem>>) src(%dma_wait3A_114 : memref<80x128xf32, #tpu.memory_space<hbm>>) dst(%dma_wait3A_112 : memref<80x128xf32, #tpu.memory_space<vmem>>)
    %dma_wait3A_115 = arith.constant 0 : i32
    %dma_wait3A_116 = arith.constant 0 : i32
    %dma_wait3A_117 = arith.constant 0 : i32
    %dma_wait3A_118 = tpu.memref_slice %arg12[%dma_wait3A_115, %dma_wait3A_116, %dma_wait3A_117] : memref<2x80x128xf32, #tpu.memory_space<vmem>> -> memref<1x80x128xf32, #tpu.memory_space<vmem>>
    %dma_wait3A_119 = tpu.memref_squeeze %dma_wait3A_118 : memref<1x80x128xf32, #tpu.memory_space<vmem>> -> memref<80x128xf32, #tpu.memory_space<vmem>>
    %dma_wait3A_120 = arith.constant 0 : i32
    %dma_wait3A_121 = tpu.memref_slice %arg3[%add3A_93, %dma_wait3A_120] : memref<320000x128xf32, #tpu.memory_space<hbm>> -> memref<80x128xf32, #tpu.memory_space<hbm>>
    %dma_wait3A_122 = arith.constant 0 : i32
    %dma_wait3A_123 = arith.constant 0 : i32
    %dma_wait3A_124 = tpu.memref_slice %arg12[%dma_wait3A_115, %dma_wait3A_122, %dma_wait3A_123] : memref<2x80x128xf32, #tpu.memory_space<vmem>> -> memref<1x80x128xf32, #tpu.memory_space<vmem>>
    %dma_wait3A_125 = tpu.memref_squeeze %dma_wait3A_124 : memref<1x80x128xf32, #tpu.memory_space<vmem>> -> memref<80x128xf32, #tpu.memory_space<vmem>>
    %dma_wait3A_126 = arith.constant 0 : i32
    %dma_wait3A_127 = tpu.memref_slice %arg3[%add3A_93, %dma_wait3A_126] : memref<320000x128xf32, #tpu.memory_space<hbm>> -> memref<80x128xf32, #tpu.memory_space<hbm>>
    tpu.wait_dma2 semaphore(%arg15 : memref<!tpu.dma_semaphore, #tpu.memory_space<semaphore_mem>>) src(%dma_wait3A_127 : memref<80x128xf32, #tpu.memory_space<hbm>>) dst(%dma_wait3A_125 : memref<80x128xf32, #tpu.memory_space<vmem>>)
    %get3A = arith.constant 0 : i32
    %get3A_128 = arith.index_cast %get3A : i32 to index
    %get3A_129 = arith.constant 0 : index
    %get3A_130 = tpu.vector_load %arg9[%get3A_128, %get3A_129] {strides = array<i32>} : memref<2x80xi32, #tpu.memory_space<vmem>>, vector<1x16xi32>,
    %get3A_131 = vector.shape_cast %get3A_130 : vector<1x16xi32> to vector<16xi32>
    %shift_right_logical3A = arith.constant 5 : i32
    %shift_right_logical3A_132 = vector.broadcast %shift_right_logical3A : i32 to vector<16xi32>
    %shift_right_logical3A_133 = arith.shrui %get3A_131, %shift_right_logical3A_132 : vector<16xi32>
    %swap3A = arith.constant 0 : i32
    %swap3A_134 = arith.index_cast %swap3A : i32 to index
    %swap3A_135 = arith.constant 0 : index
    %swap3A_136 = tpu.vector_load %arg10[%swap3A_134, %swap3A_135] {strides = array<i32>} : memref<2x80xi32, #tpu.memory_space<vmem>>, vector<1x16xi32>,
    %swap3A_137 = vector.shape_cast %swap3A_136 : vector<1x16xi32> to vector<16xi32>
    %swap3A_138 = vector.shape_cast %shift_right_logical3A_133 : vector<16xi32> to vector<1x16xi32>
    tpu.vector_store %arg10[%swap3A_134, %swap3A_135], %swap3A_138 {strides = array<i32>} : memref<2x80xi32, #tpu.memory_space<vmem>>, vector<1x16xi32>,
    %get3A_139 = arith.constant 0 : i32
    %get3A_140 = arith.index_cast %get3A_139 : i32 to index
    %get3A_141 = arith.constant 16 : index
    %get3A_142 = tpu.vector_load %arg9[%get3A_140, %get3A_141] {strides = array<i32>} : memref<2x80xi32, #tpu.memory_space<vmem>>, vector<1x16xi32>,
    %get3A_143 = vector.shape_cast %get3A_142 : vector<1x16xi32> to vector<16xi32>
    %shift_right_logical3A_144 = arith.constant 5 : i32
    %shift_right_logical3A_145 = vector.broadcast %shift_right_logical3A_144 : i32 to vector<16xi32>
    %shift_right_logical3A_146 = arith.shrui %get3A_143, %shift_right_logical3A_145 : vector<16xi32>
    %swap3A_147 = arith.constant 0 : i32
    %swap3A_148 = arith.index_cast %swap3A_147 : i32 to index
    %swap3A_149 = arith.constant 16 : index
    %swap3A_150 = tpu.vector_load %arg10[%swap3A_148, %swap3A_149] {strides = array<i32>} : memref<2x80xi32, #tpu.memory_space<vmem>>, vector<1x16xi32>,
    %swap3A_151 = vector.shape_cast %swap3A_150 : vector<1x16xi32> to vector<16xi32>
    %swap3A_152 = vector.shape_cast %shift_right_logical3A_146 : vector<16xi32> to vector<1x16xi32>
    tpu.vector_store %arg10[%swap3A_148, %swap3A_149], %swap3A_152 {strides = array<i32>} : memref<2x80xi32, #tpu.memory_space<vmem>>, vector<1x16xi32>,
    %get3A_153 = arith.constant 0 : i32
    %get3A_154 = arith.index_cast %get3A_153 : i32 to index
    %get3A_155 = arith.constant 32 : index
    %get3A_156 = tpu.vector_load %arg9[%get3A_154, %get3A_155] {strides = array<i32>} : memref<2x80xi32, #tpu.memory_space<vmem>>, vector<1x16xi32>,
    %get3A_157 = vector.shape_cast %get3A_156 : vector<1x16xi32> to vector<16xi32>
    %shift_right_logical3A_158 = arith.constant 5 : i32
    %shift_right_logical3A_159 = vector.broadcast %shift_right_logical3A_158 : i32 to vector<16xi32>
    %shift_right_logical3A_160 = arith.shrui %get3A_157, %shift_right_logical3A_159 : vector<16xi32>
    %swap3A_161 = arith.constant 0 : i32
    %swap3A_162 = arith.index_cast %swap3A_161 : i32 to index
    %swap3A_163 = arith.constant 32 : index
    %swap3A_164 = tpu.vector_load %arg10[%swap3A_162, %swap3A_163] {strides = array<i32>} : memref<2x80xi32, #tpu.memory_space<vmem>>, vector<1x16xi32>,
    %swap3A_165 = vector.shape_cast %swap3A_164 : vector<1x16xi32> to vector<16xi32>
    %swap3A_166 = vector.shape_cast %shift_right_logical3A_160 : vector<16xi32> to vector<1x16xi32>
    tpu.vector_store %arg10[%swap3A_162, %swap3A_163], %swap3A_166 {strides = array<i32>} : memref<2x80xi32, #tpu.memory_space<vmem>>, vector<1x16xi32>,
    %get3A_167 = arith.constant 0 : i32
    %get3A_168 = arith.index_cast %get3A_167 : i32 to index
    %get3A_169 = arith.constant 48 : index
    %get3A_170 = tpu.vector_load %arg9[%get3A_168, %get3A_169] {strides = array<i32>} : memref<2x80xi32, #tpu.memory_space<vmem>>, vector<1x16xi32>,
    %get3A_171 = vector.shape_cast %get3A_170 : vector<1x16xi32> to vector<16xi32>
    %shift_right_logical3A_172 = arith.constant 5 : i32
    %shift_right_logical3A_173 = vector.broadcast %shift_right_logical3A_172 : i32 to vector<16xi32>
    %shift_right_logical3A_174 = arith.shrui %get3A_171, %shift_right_logical3A_173 : vector<16xi32>
    %swap3A_175 = arith.constant 0 : i32
    %swap3A_176 = arith.index_cast %swap3A_175 : i32 to index
    %swap3A_177 = arith.constant 48 : index
    %swap3A_178 = tpu.vector_load %arg10[%swap3A_176, %swap3A_177] {strides = array<i32>} : memref<2x80xi32, #tpu.memory_space<vmem>>, vector<1x16xi32>,
    %swap3A_179 = vector.shape_cast %swap3A_178 : vector<1x16xi32> to vector<16xi32>
    %swap3A_180 = vector.shape_cast %shift_right_logical3A_174 : vector<16xi32> to vector<1x16xi32>
    tpu.vector_store %arg10[%swap3A_176, %swap3A_177], %swap3A_180 {strides = array<i32>} : memref<2x80xi32, #tpu.memory_space<vmem>>, vector<1x16xi32>,
    %get3A_181 = arith.constant 0 : i32
    %get3A_182 = arith.index_cast %get3A_181 : i32 to index
    %get3A_183 = arith.constant 64 : index
    %get3A_184 = tpu.vector_load %arg9[%get3A_182, %get3A_183] {strides = array<i32>} : memref<2x80xi32, #tpu.memory_space<vmem>>, vector<1x16xi32>,
    %get3A_185 = vector.shape_cast %get3A_184 : vector<1x16xi32> to vector<16xi32>
    %shift_right_logical3A_186 = arith.constant 5 : i32
    %shift_right_logical3A_187 = vector.broadcast %shift_right_logical3A_186 : i32 to vector<16xi32>
    %shift_right_logical3A_188 = arith.shrui %get3A_185, %shift_right_logical3A_187 : vector<16xi32>
    %swap3A_189 = arith.constant 0 : i32
    %swap3A_190 = arith.index_cast %swap3A_189 : i32 to index
    %swap3A_191 = arith.constant 64 : index
    %swap3A_192 = tpu.vector_load %arg10[%swap3A_190, %swap3A_191] {strides = array<i32>} : memref<2x80xi32, #tpu.memory_space<vmem>>, vector<1x16xi32>,
    %swap3A_193 = vector.shape_cast %swap3A_192 : vector<1x16xi32> to vector<16xi32>
    %swap3A_194 = vector.shape_cast %shift_right_logical3A_188 : vector<16xi32> to vector<1x16xi32>
    tpu.vector_store %arg10[%swap3A_190, %swap3A_191], %swap3A_194 {strides = array<i32>} : memref<2x80xi32, #tpu.memory_space<vmem>>, vector<1x16xi32>,
    %run_scoped3A_195 = arith.constant 0 : i32
    %run_scoped3A_196 = arith.constant 0 : i32
    "tpu.region"() ({
      %run_scoped3A_208 = tpu.sem_alloc : memref<!tpu.dma_semaphore, #tpu.memory_space<semaphore_mem>>
      %dma_start3A_209 = arith.constant 0 : i32
      %dma_start3A_210 = arith.constant 0 : i32
      %dma_start3A_211 = tpu.memref_slice %arg11[%run_scoped3A_195, %dma_start3A_209, %dma_start3A_210] : memref<2x80x128xf32, #tpu.memory_space<vmem>> -> memref<1x80x128xf32, #tpu.memory_space<vmem>>
      %dma_start3A_212 = tpu.memref_squeeze %dma_start3A_211 : memref<1x80x128xf32, #tpu.memory_space<vmem>> -> memref<80x128xf32, #tpu.memory_space<vmem>>
      %dma_start3A_213 = arith.constant 0 : i32
      %dma_start3A_214 = tpu.memref_slice %arg9[%run_scoped3A_196, %dma_start3A_213] : memref<2x80xi32, #tpu.memory_space<vmem>> -> memref<1x80xi32, #tpu.memory_space<vmem>>
      %dma_start3A_215 = tpu.memref_squeeze %dma_start3A_214 : memref<1x80xi32, #tpu.memory_space<vmem>> -> memref<80xi32, #tpu.memory_space<vmem>>
      %dma_start3A_216 = arith.constant 0 : i32
      %dma_start3A_217 = arith.constant 0 : i32
      %dma_start3A_218 = tpu.memref_slice %arg7[%dma_start3A_216, %dma_start3A_217] : memref<10112x128xf32, #tpu.memory_space<vmem_shared>> -> memref<10112x128xf32, #tpu.memory_space<vmem_shared>>
      tpu.enqueue_indirect_dma source(%dma_start3A_212 : memref<80x128xf32, #tpu.memory_space<vmem>>) target(%dma_start3A_218 : memref<10112x128xf32, #tpu.memory_space<vmem_shared>>) offsets(%dma_start3A_215 : memref<80xi32, #tpu.memory_space<vmem>>) semaphore(%run_scoped3A_208 : memref<!tpu.dma_semaphore, #tpu.memory_space<semaphore_mem>>) {add = true}
      %dma_wait3A_219 = arith.constant 0 : i32
      %dma_wait3A_220 = arith.constant 0 : i32
      %dma_wait3A_221 = tpu.memref_slice %arg11[%run_scoped3A_195, %dma_wait3A_219, %dma_wait3A_220] : memref<2x80x128xf32, #tpu.memory_space<vmem>> -> memref<1x80x128xf32, #tpu.memory_space<vmem>>
      %dma_wait3A_222 = tpu.memref_squeeze %dma_wait3A_221 : memref<1x80x128xf32, #tpu.memory_space<vmem>> -> memref<80x128xf32, #tpu.memory_space<vmem>>
      %dma_wait3A_223 = arith.constant 0 : i32
      %dma_wait3A_224 = tpu.memref_slice %arg9[%run_scoped3A_196, %dma_wait3A_223] : memref<2x80xi32, #tpu.memory_space<vmem>> -> memref<1x80xi32, #tpu.memory_space<vmem>>
      %dma_wait3A_225 = tpu.memref_squeeze %dma_wait3A_224 : memref<1x80xi32, #tpu.memory_space<vmem>> -> memref<80xi32, #tpu.memory_space<vmem>>
      %dma_wait3A_226 = arith.constant 0 : i32
      %dma_wait3A_227 = arith.constant 0 : i32
      %dma_wait3A_228 = tpu.memref_slice %arg7[%dma_wait3A_226, %dma_wait3A_227] : memref<10112x128xf32, #tpu.memory_space<vmem_shared>> -> memref<10112x128xf32, #tpu.memory_space<vmem_shared>>
      tpu.wait_indirect_dma semaphore(%run_scoped3A_208 : memref<!tpu.dma_semaphore, #tpu.memory_space<semaphore_mem>>) src(%dma_wait3A_222 : memref<80x128xf32, #tpu.memory_space<vmem>>) dst(%dma_wait3A_228 : memref<10112x128xf32, #tpu.memory_space<vmem_shared>>)
      tpu.yield
    }) : () -> ()
    %run_scoped3A_197 = arith.constant 0 : i32
    %run_scoped3A_198 = arith.constant 0 : i32
    "tpu.region"() ({
      %run_scoped3A_208 = tpu.sem_alloc : memref<!tpu.dma_semaphore, #tpu.memory_space<semaphore_mem>>
      %dma_start3A_209 = arith.constant 0 : i32
      %dma_start3A_210 = arith.constant 0 : i32
      %dma_start3A_211 = tpu.memref_slice %arg12[%run_scoped3A_197, %dma_start3A_209, %dma_start3A_210] : memref<2x80x128xf32, #tpu.memory_space<vmem>> -> memref<1x80x128xf32, #tpu.memory_space<vmem>>
      %dma_start3A_212 = tpu.memref_squeeze %dma_start3A_211 : memref<1x80x128xf32, #tpu.memory_space<vmem>> -> memref<80x128xf32, #tpu.memory_space<vmem>>
      %dma_start3A_213 = arith.constant 0 : i32
      %dma_start3A_214 = tpu.memref_slice %arg10[%run_scoped3A_198, %dma_start3A_213] : memref<2x80xi32, #tpu.memory_space<vmem>> -> memref<1x80xi32, #tpu.memory_space<vmem>>
      %dma_start3A_215 = tpu.memref_squeeze %dma_start3A_214 : memref<1x80xi32, #tpu.memory_space<vmem>> -> memref<80xi32, #tpu.memory_space<vmem>>
      %dma_start3A_216 = arith.constant 0 : i32
      %dma_start3A_217 = arith.constant 0 : i32
      %dma_start3A_218 = tpu.memref_slice %arg8[%dma_start3A_216, %dma_start3A_217] : memref<384x128xf32, #tpu.memory_space<vmem_shared>> -> memref<384x128xf32, #tpu.memory_space<vmem_shared>>
      tpu.enqueue_indirect_dma source(%dma_start3A_212 : memref<80x128xf32, #tpu.memory_space<vmem>>) target(%dma_start3A_218 : memref<384x128xf32, #tpu.memory_space<vmem_shared>>) offsets(%dma_start3A_215 : memref<80xi32, #tpu.memory_space<vmem>>) semaphore(%run_scoped3A_208 : memref<!tpu.dma_semaphore, #tpu.memory_space<semaphore_mem>>) {add = true}
      %dma_wait3A_219 = arith.constant 0 : i32
      %dma_wait3A_220 = arith.constant 0 : i32
      %dma_wait3A_221 = tpu.memref_slice %arg12[%run_scoped3A_197, %dma_wait3A_219, %dma_wait3A_220] : memref<2x80x128xf32, #tpu.memory_space<vmem>> -> memref<1x80x128xf32, #tpu.memory_space<vmem>>
      %dma_wait3A_222 = tpu.memref_squeeze %dma_wait3A_221 : memref<1x80x128xf32, #tpu.memory_space<vmem>> -> memref<80x128xf32, #tpu.memory_space<vmem>>
      %dma_wait3A_223 = arith.constant 0 : i32
      %dma_wait3A_224 = tpu.memref_slice %arg10[%run_scoped3A_198, %dma_wait3A_223] : memref<2x80xi32, #tpu.memory_space<vmem>> -> memref<1x80xi32, #tpu.memory_space<vmem>>
      %dma_wait3A_225 = tpu.memref_squeeze %dma_wait3A_224 : memref<1x80xi32, #tpu.memory_space<vmem>> -> memref<80xi32, #tpu.memory_space<vmem>>
      %dma_wait3A_226 = arith.constant 0 : i32
      %dma_wait3A_227 = arith.constant 0 : i32
      %dma_wait3A_228 = tpu.memref_slice %arg8[%dma_wait3A_226, %dma_wait3A_227] : memref<384x128xf32, #tpu.memory_space<vmem_shared>> -> memref<384x128xf32, #tpu.memory_space<vmem_shared>>
      tpu.wait_indirect_dma semaphore(%run_scoped3A_208 : memref<!tpu.dma_semaphore, #tpu.memory_space<semaphore_mem>>) src(%dma_wait3A_222 : memref<80x128xf32, #tpu.memory_space<vmem>>) dst(%dma_wait3A_228 : memref<384x128xf32, #tpu.memory_space<vmem_shared>>)
      tpu.yield
    }) : () -> ()
    %barrier3A_199 = arith.constant 0 : index
    tpu.barrier barrier_id(%barrier3A_199)
    %mul3A_200 = arith.constant 632 : i32
    %mul3A_201 = arith.muli %arg1, %mul3A_200 : i32
    %mul3A_202 = arith.constant 632 : i32
    %mul3A_203 = arith.muli %arg1, %mul3A_202 : i32
    "tpu.region"() ({
      %run_scoped3A_208 = tpu.sem_alloc : memref<!tpu.dma_semaphore, #tpu.memory_space<semaphore_mem>>
      %dma_start3A_209 = arith.constant 0 : i32
      %dma_start3A_210 = tpu.memref_slice %arg5[%arg0, %mul3A_203, %dma_start3A_209] : memref<2x10112x128xf32, #tpu.memory_space<hbm>> -> memref<1x632x128xf32, #tpu.memory_space<hbm>>
      %dma_start3A_211 = tpu.memref_squeeze %dma_start3A_210 : memref<1x632x128xf32, #tpu.memory_space<hbm>> -> memref<632x128xf32, #tpu.memory_space<hbm>>
      %dma_start3A_212 = arith.constant 0 : i32
      %dma_start3A_213 = tpu.memref_slice %arg7[%mul3A_201, %dma_start3A_212] : memref<10112x128xf32, #tpu.memory_space<vmem_shared>> -> memref<632x128xf32, #tpu.memory_space<vmem_shared>>
      tpu.enqueue_dma source(%dma_start3A_213 : memref<632x128xf32, #tpu.memory_space<vmem_shared>>) target(%dma_start3A_211 : memref<632x128xf32, #tpu.memory_space<hbm>>) target_semaphore(%run_scoped3A_208 : memref<!tpu.dma_semaphore, #tpu.memory_space<semaphore_mem>>)
      %dma_wait3A_214 = arith.constant 0 : i32
      %dma_wait3A_215 = tpu.memref_slice %arg5[%arg0, %mul3A_203, %dma_wait3A_214] : memref<2x10112x128xf32, #tpu.memory_space<hbm>> -> memref<1x632x128xf32, #tpu.memory_space<hbm>>
      %dma_wait3A_216 = tpu.memref_squeeze %dma_wait3A_215 : memref<1x632x128xf32, #tpu.memory_space<hbm>> -> memref<632x128xf32, #tpu.memory_space<hbm>>
      %dma_wait3A_217 = arith.constant 0 : i32
      %dma_wait3A_218 = tpu.memref_slice %arg7[%mul3A_201, %dma_wait3A_217] : memref<10112x128xf32, #tpu.memory_space<vmem_shared>> -> memref<632x128xf32, #tpu.memory_space<vmem_shared>>
      tpu.wait_dma2 semaphore(%run_scoped3A_208 : memref<!tpu.dma_semaphore, #tpu.memory_space<semaphore_mem>>) src(%dma_wait3A_218 : memref<632x128xf32, #tpu.memory_space<vmem_shared>>) dst(%dma_wait3A_216 : memref<632x128xf32, #tpu.memory_space<hbm>>)
      tpu.yield
    }) : () -> ()
    %mul3A_204 = arith.constant 24 : i32
    %mul3A_205 = arith.muli %arg1, %mul3A_204 : i32
    %mul3A_206 = arith.constant 24 : i32
    %mul3A_207 = arith.muli %arg1, %mul3A_206 : i32
    "tpu.region"() ({
      %run_scoped3A_208 = tpu.sem_alloc : memref<!tpu.dma_semaphore, #tpu.memory_space<semaphore_mem>>
      %dma_start3A_209 = arith.constant 0 : i32
      %dma_start3A_210 = tpu.memref_slice %arg6[%arg0, %mul3A_207, %dma_start3A_209] : memref<2x384x128xf32, #tpu.memory_space<hbm>> -> memref<1x24x128xf32, #tpu.memory_space<hbm>>
      %dma_start3A_211 = tpu.memref_squeeze %dma_start3A_210 : memref<1x24x128xf32, #tpu.memory_space<hbm>> -> memref<24x128xf32, #tpu.memory_space<hbm>>
      %dma_start3A_212 = arith.constant 0 : i32
      %dma_start3A_213 = tpu.memref_slice %arg8[%mul3A_205, %dma_start3A_212] : memref<384x128xf32, #tpu.memory_space<vmem_shared>> -> memref<24x128xf32, #tpu.memory_space<vmem_shared>>
      tpu.enqueue_dma source(%dma_start3A_213 : memref<24x128xf32, #tpu.memory_space<vmem_shared>>) target(%dma_start3A_211 : memref<24x128xf32, #tpu.memory_space<hbm>>) target_semaphore(%run_scoped3A_208 : memref<!tpu.dma_semaphore, #tpu.memory_space<semaphore_mem>>)
      %dma_wait3A_214 = arith.constant 0 : i32
      %dma_wait3A_215 = tpu.memref_slice %arg6[%arg0, %mul3A_207, %dma_wait3A_214] : memref<2x384x128xf32, #tpu.memory_space<hbm>> -> memref<1x24x128xf32, #tpu.memory_space<hbm>>
      %dma_wait3A_216 = tpu.memref_squeeze %dma_wait3A_215 : memref<1x24x128xf32, #tpu.memory_space<hbm>> -> memref<24x128xf32, #tpu.memory_space<hbm>>
      %dma_wait3A_217 = arith.constant 0 : i32
      %dma_wait3A_218 = tpu.memref_slice %arg8[%mul3A_205, %dma_wait3A_217] : memref<384x128xf32, #tpu.memory_space<vmem_shared>> -> memref<24x128xf32, #tpu.memory_space<vmem_shared>>
      tpu.wait_dma2 semaphore(%run_scoped3A_208 : memref<!tpu.dma_semaphore, #tpu.memory_space<semaphore_mem>>) src(%dma_wait3A_218 : memref<24x128xf32, #tpu.memory_space<vmem_shared>>) dst(%dma_wait3A_216 : memref<24x128xf32, #tpu.memory_space<hbm>>)
      tpu.yield
    }) : () -> ()
    return
  }
}

module attributes {stable_mosaic.version = 14 : i64} {
  func.func @_tables_body(%arg0: i32, %arg1: memref<1000x128xf32, #tpu.memory_space<vmem>>, %arg2: memref<1000x3xf32, #tpu.memory_space<vmem>>, %arg3: memref<1000x1xf32, #tpu.memory_space<vmem>>, %arg4: memref<128x128xf32, #tpu.memory_space<vmem>>, %arg5: memref<128x128xf32, #tpu.memory_space<vmem>>, %arg6: memref<1x128xf32, #tpu.memory_space<vmem>>, %arg7: memref<1000x256xf32, #tpu.memory_space<vmem>>, %arg8: memref<1000x256xf32, #tpu.memory_space<vmem>>) attributes {dimension_semantics = [#tpu.dimension_semantics<arbitrary>], iteration_bounds = array<i64: 10>, scalar_prefetch = 0 : i64, scratch_operands = 0 : i64, tpu.core_type = #tpu.core_type<tc>, window_params = [{transform_indices = @transform_0, window_bounds = array<i64: 1000, 128>}, {transform_indices = @transform_1, window_bounds = array<i64: 1000, 3>}, {transform_indices = @transform_2, window_bounds = array<i64: 1000, 1>}, {pipeline_mode = #tpu.pipeline_mode<synchronous>, transform_indices = @transform_3, window_bounds = array<i64: 128, 128>}, {pipeline_mode = #tpu.pipeline_mode<synchronous>, transform_indices = @transform_4, window_bounds = array<i64: 128, 128>}, {pipeline_mode = #tpu.pipeline_mode<synchronous>, transform_indices = @transform_5, window_bounds = array<i64: 1, 128>}, {transform_indices = @transform_6, window_bounds = array<i64: 1000, 256>}, {transform_indices = @transform_7, window_bounds = array<i64: 1000, 256>}]} {
    %get3A = arith.constant 0 : index
    %get3A_0 = arith.constant 0 : index
    %get3A_1 = vector.load %arg1[%get3A, %get3A_0] : memref<1000x128xf32, #tpu.memory_space<vmem>>, vector<1000x128xf32>
    %get3A_2 = arith.constant 0 : index
    %get3A_3 = arith.constant 0 : index
    %get3A_4 = vector.load %arg2[%get3A_2, %get3A_3] : memref<1000x3xf32, #tpu.memory_space<vmem>>, vector<1000x3xf32>
    %get3A_5 = arith.constant 0 : index
    %get3A_6 = arith.constant 0 : index
    %get3A_7 = vector.load %arg4[%get3A_5, %get3A_6] : memref<128x128xf32, #tpu.memory_space<vmem>>, vector<128x128xf32>
    %dot_general3A = arith.constant dense<0.000000e+00> : vector<1000x128xf32>
    %dot_general3A_8 = tpu.matmul %get3A_1, %get3A_7, %dot_general3A {dimension_numbers = #tpu.dot_dimension_numbers<[1], [0], [0], [1], [0, 0, 1, 1], [], []>, transpose_lhs_hint = false} : vector<1000x128xf32>, vector<128x128xf32>, vector<1000x128xf32> -> vector<1000x128xf32>
    %get3A_9 = arith.constant 0 : index
    %get3A_10 = arith.constant 0 : index
    %get3A_11 = vector.load %arg6[%get3A_9, %get3A_10] : memref<1x128xf32, #tpu.memory_space<vmem>>, vector<1x128xf32>
    %add3A = vector.broadcast %get3A_11 : vector<1x128xf32> to vector<1000x128xf32>
    %add3A_12 = arith.addf %dot_general3A_8, %add3A : vector<1000x128xf32>
    %get3A_13 = arith.constant 0 : index
    %get3A_14 = arith.constant 0 : index
    %get3A_15 = vector.load %arg5[%get3A_13, %get3A_14] : memref<128x128xf32, #tpu.memory_space<vmem>>, vector<128x128xf32>
    %dot_general3A_16 = arith.constant dense<0.000000e+00> : vector<1000x128xf32>
    %dot_general3A_17 = tpu.matmul %get3A_1, %get3A_15, %dot_general3A_16 {dimension_numbers = #tpu.dot_dimension_numbers<[1], [0], [0], [1], [0, 0, 1, 1], [], []>, transpose_lhs_hint = false} : vector<1000x128xf32>, vector<128x128xf32>, vector<1000x128xf32> -> vector<1000x128xf32>
    %get3A_18 = arith.constant 0 : index
    %get3A_19 = arith.constant 0 : index
    %get3A_20 = vector.load %arg3[%get3A_18, %get3A_19] : memref<1000x1xf32, #tpu.memory_space<vmem>>, vector<1000x1xf32>
    %broadcast_in_dim3A = arith.constant 0.000000e+00 : f32
    %broadcast_in_dim3A_21 = vector.broadcast %broadcast_in_dim3A : f32 to vector<1000x124xf32>
    %concatenate3A = tpu.concatenate %add3A_12, %get3A_4, %get3A_20, %broadcast_in_dim3A_21 in 1 : vector<1000x128xf32>, vector<1000x3xf32>, vector<1000x1xf32>, vector<1000x124xf32> -> vector<1000x256xf32>
    %swap3A = arith.constant 0 : index
    %swap3A_22 = arith.constant 0 : index
    %swap3A_23 = vector.load %arg7[%swap3A, %swap3A_22] : memref<1000x256xf32, #tpu.memory_space<vmem>>, vector<1000x256xf32>
    tpu.vector_store %arg7[%swap3A, %swap3A_22], %concatenate3A {strides = array<i32>} : memref<1000x256xf32, #tpu.memory_space<vmem>>, vector<1000x256xf32>,
    %neg3A = arith.constant 0.000000e+00 : f32
    %neg3A_24 = vector.broadcast %neg3A : f32 to vector<1000x3xf32>
    %neg3A_25 = arith.subf %neg3A_24, %get3A_4 : vector<1000x3xf32>
    %broadcast_in_dim3A_26 = arith.constant 0.000000e+00 : f32
    %broadcast_in_dim3A_27 = vector.broadcast %broadcast_in_dim3A_26 : f32 to vector<1000x125xf32>
    %concatenate3A_28 = tpu.concatenate %dot_general3A_17, %neg3A_25, %broadcast_in_dim3A_27 in 1 : vector<1000x128xf32>, vector<1000x3xf32>, vector<1000x125xf32> -> vector<1000x256xf32>
    %swap3A_29 = arith.constant 0 : index
    %swap3A_30 = arith.constant 0 : index
    %swap3A_31 = vector.load %arg8[%swap3A_29, %swap3A_30] : memref<1000x256xf32, #tpu.memory_space<vmem>>, vector<1000x256xf32>
    tpu.vector_store %arg8[%swap3A_29, %swap3A_30], %concatenate3A_28 {strides = array<i32>} : memref<1000x256xf32, #tpu.memory_space<vmem>>, vector<1000x256xf32>,
    return
  }
  func.func @transform_0(%arg0: i32) -> (i32, i32) {
    %c0_i32 = arith.constant 0 : i32
    %c0_i32_0 = arith.constant 0 : i32
    return %arg0, %c0_i32 : i32, i32
  }
  func.func @transform_1(%arg0: i32) -> (i32, i32) {
    %c0_i32 = arith.constant 0 : i32
    %c0_i32_0 = arith.constant 0 : i32
    return %arg0, %c0_i32 : i32, i32
  }
  func.func @transform_2(%arg0: i32) -> (i32, i32) {
    %c0_i32 = arith.constant 0 : i32
    %c0_i32_0 = arith.constant 0 : i32
    return %arg0, %c0_i32 : i32, i32
  }
  func.func @transform_3(%arg0: i32) -> (i32, i32) {
    %c0_i32 = arith.constant 0 : i32
    %c0_i32_0 = arith.constant 0 : i32
    %c0_i32_1 = arith.constant 0 : i32
    return %c0_i32, %c0_i32_0 : i32, i32
  }
  func.func @transform_4(%arg0: i32) -> (i32, i32) {
    %c0_i32 = arith.constant 0 : i32
    %c0_i32_0 = arith.constant 0 : i32
    %c0_i32_1 = arith.constant 0 : i32
    return %c0_i32, %c0_i32_0 : i32, i32
  }
  func.func @transform_5(%arg0: i32) -> (i32, i32) {
    %c0_i32 = arith.constant 0 : i32
    %c0_i32_0 = arith.constant 0 : i32
    %c0_i32_1 = arith.constant 0 : i32
    return %c0_i32, %c0_i32_0 : i32, i32
  }
  func.func @transform_6(%arg0: i32) -> (i32, i32) {
    %c0_i32 = arith.constant 0 : i32
    %c0_i32_0 = arith.constant 0 : i32
    return %arg0, %c0_i32 : i32, i32
  }
  func.func @transform_7(%arg0: i32) -> (i32, i32) {
    %c0_i32 = arith.constant 0 : i32
    %c0_i32_0 = arith.constant 0 : i32
    return %arg0, %c0_i32 : i32, i32
  }
}

module attributes {stable_mosaic.version = 14 : i64} {
  func.func @_edge_body(%arg0: i32, %arg1: memref<512x144xf32, #tpu.memory_space<vmem>>, %arg2: memref<128x128xf32, #tpu.memory_space<vmem>>, %arg3: memref<1x128xf32, #tpu.memory_space<vmem>>, %arg4: memref<128x64xf32, #tpu.memory_space<vmem>>, %arg5: memref<1x64xf32, #tpu.memory_space<vmem>>, %arg6: memref<1x64xf32, #tpu.memory_space<vmem>>, %arg7: memref<1x1xf32, #tpu.memory_space<vmem>>, %arg8: memref<1x128xf32, #tpu.memory_space<vmem>>, %arg9: memref<512x128xf32, #tpu.memory_space<vmem>>, %arg10: memref<512x128xf32, #tpu.memory_space<vmem>>) attributes {dimension_semantics = [#tpu.dimension_semantics<arbitrary>], iteration_bounds = array<i64: 625>, scalar_prefetch = 0 : i64, scratch_operands = 0 : i64, tpu.core_type = #tpu.core_type<tc>, window_params = [{transform_indices = @transform_0, window_bounds = array<i64: 512, 144>}, {pipeline_mode = #tpu.pipeline_mode<synchronous>, transform_indices = @transform_1, window_bounds = array<i64: 128, 128>}, {pipeline_mode = #tpu.pipeline_mode<synchronous>, transform_indices = @transform_2, window_bounds = array<i64: 1, 128>}, {pipeline_mode = #tpu.pipeline_mode<synchronous>, transform_indices = @transform_3, window_bounds = array<i64: 128, 64>}, {pipeline_mode = #tpu.pipeline_mode<synchronous>, transform_indices = @transform_4, window_bounds = array<i64: 1, 64>}, {pipeline_mode = #tpu.pipeline_mode<synchronous>, transform_indices = @transform_5, window_bounds = array<i64: 1, 64>}, {pipeline_mode = #tpu.pipeline_mode<synchronous>, transform_indices = @transform_6, window_bounds = array<i64: 1, 1>}, {pipeline_mode = #tpu.pipeline_mode<synchronous>, transform_indices = @transform_7, window_bounds = array<i64: 1, 128>}, {transform_indices = @transform_8, window_bounds = array<i64: 512, 128>}, {transform_indices = @transform_9, window_bounds = array<i64: 512, 128>}]} {
    %get3A = arith.constant 0 : index
    %get3A_0 = arith.constant 0 : index
    %get3A_1 = vector.load %arg1[%get3A, %get3A_0] : memref<512x144xf32, #tpu.memory_space<vmem>>, vector<512x144xf32>
    %slice3A = vector.extract_strided_slice %get3A_1 {offsets = [0, 0], sizes = [512, 128], strides = [1, 1]} : vector<512x144xf32> to vector<512x128xf32>
    %slice3A_2 = vector.extract_strided_slice %get3A_1 {offsets = [0, 128], sizes = [512, 3], strides = [1, 1]} : vector<512x144xf32> to vector<512x3xf32>
    %slice3A_3 = vector.extract_strided_slice %get3A_1 {offsets = [0, 131], sizes = [512, 1], strides = [1, 1]} : vector<512x144xf32> to vector<512x1xf32>
    %convert_element_type3A = arith.fptosi %slice3A_3 : vector<512x1xf32> to vector<512x1xi32>
    %mul3A = arith.mulf %slice3A_2, %slice3A_2 : vector<512x3xf32>
    %reduce_sum3A = arith.constant dense<0.000000e+00> : vector<512xf32>
    %reduce_sum3A_4 = vector.multi_reduction <add>, %mul3A, %reduce_sum3A [1] : vector<512x3xf32> to vector<512xf32>
    %broadcast_in_dim3A = vector.shape_cast %reduce_sum3A_4 : vector<512xf32> to vector<512x1xf32>
    %sqrt3A = math.sqrt %broadcast_in_dim3A : vector<512x1xf32>
    %get3A_5 = arith.constant 0 : index
    %get3A_6 = arith.constant 0 : index
    %get3A_7 = vector.load %arg8[%get3A_5, %get3A_6] : memref<1x128xf32, #tpu.memory_space<vmem>>, vector<1x128xf32>
    %mul3A_8 = vector.broadcast %sqrt3A : vector<512x1xf32> to vector<512x128xf32>
    %mul3A_9 = vector.broadcast %get3A_7 : vector<1x128xf32> to vector<512x128xf32>
    %mul3A_10 = arith.mulf %mul3A_8, %mul3A_9 : vector<512x128xf32>
    %add3A = arith.addf %slice3A, %mul3A_10 : vector<512x128xf32>
    %logistic3A = arith.negf %add3A : vector<512x128xf32>
    %logistic3A_11 = math.exp %logistic3A : vector<512x128xf32>
    %logistic3A_12 = arith.constant 1.000000e+00 : f32
    %logistic3A_13 = vector.broadcast %logistic3A_12 : f32 to vector<512x128xf32>
    %logistic3A_14 = arith.addf %logistic3A_13, %logistic3A_11 : vector<512x128xf32>
    %logistic3A_15 = arith.divf %logistic3A_13, %logistic3A_14 : vector<512x128xf32>
    %mul3A_16 = arith.mulf %add3A, %logistic3A_15 : vector<512x128xf32>
    %get3A_17 = arith.constant 0 : index
    %get3A_18 = arith.constant 0 : index
    %get3A_19 = vector.load %arg2[%get3A_17, %get3A_18] : memref<128x128xf32, #tpu.memory_space<vmem>>, vector<128x128xf32>
    %dot_general3A = arith.constant dense<0.000000e+00> : vector<512x128xf32>
    %dot_general3A_20 = tpu.matmul %mul3A_16, %get3A_19, %dot_general3A {dimension_numbers = #tpu.dot_dimension_numbers<[1], [0], [0], [1], [0, 0, 1, 1], [], []>, transpose_lhs_hint = false} : vector<512x128xf32>, vector<128x128xf32>, vector<512x128xf32> -> vector<512x128xf32>
    %get3A_21 = arith.constant 0 : index
    %get3A_22 = arith.constant 0 : index
    %get3A_23 = vector.load %arg3[%get3A_21, %get3A_22] : memref<1x128xf32, #tpu.memory_space<vmem>>, vector<1x128xf32>
    %add3A_24 = vector.broadcast %get3A_23 : vector<1x128xf32> to vector<512x128xf32>
    %add3A_25 = arith.addf %dot_general3A_20, %add3A_24 : vector<512x128xf32>
    %get3A_26 = arith.constant 0 : index
    %get3A_27 = arith.constant 0 : index
    %get3A_28 = vector.load %arg4[%get3A_26, %get3A_27] : memref<128x64xf32, #tpu.memory_space<vmem>>, vector<128x64xf32>
    %dot_general3A_29 = arith.constant dense<0.000000e+00> : vector<512x64xf32>
    %dot_general3A_30 = tpu.matmul %add3A_25, %get3A_28, %dot_general3A_29 {dimension_numbers = #tpu.dot_dimension_numbers<[1], [0], [0], [1], [0, 0, 1, 1], [], []>, transpose_lhs_hint = false} : vector<512x128xf32>, vector<128x64xf32>, vector<512x64xf32> -> vector<512x64xf32>
    %get3A_31 = arith.constant 0 : index
    %get3A_32 = arith.constant 0 : index
    %get3A_33 = vector.load %arg5[%get3A_31, %get3A_32] : memref<1x64xf32, #tpu.memory_space<vmem>>, vector<1x64xf32>
    %add3A_34 = vector.broadcast %get3A_33 : vector<1x64xf32> to vector<512x64xf32>
    %add3A_35 = arith.addf %dot_general3A_30, %add3A_34 : vector<512x64xf32>
    %logistic3A_36 = arith.negf %add3A_35 : vector<512x64xf32>
    %logistic3A_37 = math.exp %logistic3A_36 : vector<512x64xf32>
    %logistic3A_38 = arith.constant 1.000000e+00 : f32
    %logistic3A_39 = vector.broadcast %logistic3A_38 : f32 to vector<512x64xf32>
    %logistic3A_40 = arith.addf %logistic3A_39, %logistic3A_37 : vector<512x64xf32>
    %logistic3A_41 = arith.divf %logistic3A_39, %logistic3A_40 : vector<512x64xf32>
    %mul3A_42 = arith.mulf %add3A_35, %logistic3A_41 : vector<512x64xf32>
    %get3A_43 = arith.constant 0 : index
    %get3A_44 = arith.constant 0 : index
    %get3A_45 = vector.load %arg6[%get3A_43, %get3A_44] : memref<1x64xf32, #tpu.memory_space<vmem>>, vector<1x64xf32>
    %mul3A_46 = vector.broadcast %get3A_45 : vector<1x64xf32> to vector<512x64xf32>
    %mul3A_47 = arith.mulf %mul3A_42, %mul3A_46 : vector<512x64xf32>
    %reduce_sum3A_48 = arith.constant dense<0.000000e+00> : vector<512xf32>
    %reduce_sum3A_49 = vector.multi_reduction <add>, %mul3A_47, %reduce_sum3A_48 [1] : vector<512x64xf32> to vector<512xf32>
    %broadcast_in_dim3A_50 = vector.shape_cast %reduce_sum3A_49 : vector<512xf32> to vector<512x1xf32>
    %get3A_51 = arith.constant 0 : index
    %get3A_52 = arith.constant 0 : index
    %get3A_53 = vector.load %arg7[%get3A_51, %get3A_52] : memref<1x1xf32, #tpu.memory_space<vmem>>, vector<1x1xf32>
    %add3A_54 = vector.broadcast %get3A_53 : vector<1x1xf32> to vector<512x1xf32>
    %add3A_55 = arith.addf %broadcast_in_dim3A_50, %add3A_54 : vector<512x1xf32>
    %mul3A_56 = vector.broadcast %add3A_55 : vector<512x1xf32> to vector<512x3xf32>
    %mul3A_57 = arith.mulf %mul3A_56, %slice3A_2 : vector<512x3xf32>
    %add3A_58 = arith.constant 9.99999993E-9 : f32
    %add3A_59 = vector.broadcast %add3A_58 : f32 to vector<512x1xf32>
    %add3A_60 = arith.addf %sqrt3A, %add3A_59 : vector<512x1xf32>
    %div3A = vector.broadcast %add3A_60 : vector<512x1xf32> to vector<512x3xf32>
    %div3A_61 = arith.divf %mul3A_57, %div3A : vector<512x3xf32>
    %swap3A = arith.constant 0 : index
    %swap3A_62 = arith.constant 0 : index
    %swap3A_63 = vector.load %arg9[%swap3A, %swap3A_62] : memref<512x128xf32, #tpu.memory_space<vmem>>, vector<512x128xf32>
    tpu.vector_store %arg9[%swap3A, %swap3A_62], %add3A_25 {strides = array<i32>} : memref<512x128xf32, #tpu.memory_space<vmem>>, vector<512x128xf32>,
    %iota3A = tpu.iota {dimensions = array<i32: 1>} : vector<512x128xi32>
    %broadcast_in_dim3A_64 = arith.constant 0.000000e+00 : f32
    %broadcast_in_dim3A_65 = vector.broadcast %broadcast_in_dim3A_64 : f32 to vector<512x128xf32>
    %add3A_66 = arith.constant 0 : i32
    %add3A_67 = vector.broadcast %add3A_66 : i32 to vector<512x1xi32>
    %add3A_68 = arith.addi %convert_element_type3A, %add3A_67 : vector<512x1xi32>
    %eq3A = vector.broadcast %add3A_68 : vector<512x1xi32> to vector<512x128xi32>
    %eq3A_69 = arith.cmpi eq, %iota3A, %eq3A : vector<512x128xi32>
    %slice3A_70 = vector.extract_strided_slice %div3A_61 {offsets = [0, 0], sizes = [512, 1], strides = [1, 1]} : vector<512x3xf32> to vector<512x1xf32>
    %jit3A = arith.constant 0.000000e+00 : f32
    %broadcast_in_dim3A_71 = vector.shape_cast %slice3A_70 : vector<512x1xf32> to vector<512x1xf32>
    %broadcast_in_dim3A_72 = vector.broadcast %broadcast_in_dim3A_71 : vector<512x1xf32> to vector<512x128xf32>
    %broadcast_in_dim3A_73 = vector.broadcast %jit3A : f32 to vector<512x128xf32>
    %select_n3A = arith.select %eq3A_69, %broadcast_in_dim3A_72, %broadcast_in_dim3A_73 : vector<512x128xi1>, vector<512x128xf32>
    %add3A_74 = arith.addf %broadcast_in_dim3A_65, %select_n3A : vector<512x128xf32>
    %add3A_75 = arith.constant 1 : i32
    %add3A_76 = vector.broadcast %add3A_75 : i32 to vector<512x1xi32>
    %add3A_77 = arith.addi %convert_element_type3A, %add3A_76 : vector<512x1xi32>
    %eq3A_78 = vector.broadcast %add3A_77 : vector<512x1xi32> to vector<512x128xi32>
    %eq3A_79 = arith.cmpi eq, %iota3A, %eq3A_78 : vector<512x128xi32>
    %slice3A_80 = vector.extract_strided_slice %div3A_61 {offsets = [0, 1], sizes = [512, 1], strides = [1, 1]} : vector<512x3xf32> to vector<512x1xf32>
    %jit3A_81 = arith.constant 0.000000e+00 : f32
    %broadcast_in_dim3A_82 = vector.shape_cast %slice3A_80 : vector<512x1xf32> to vector<512x1xf32>
    %broadcast_in_dim3A_83 = vector.broadcast %broadcast_in_dim3A_82 : vector<512x1xf32> to vector<512x128xf32>
    %broadcast_in_dim3A_84 = vector.broadcast %jit3A_81 : f32 to vector<512x128xf32>
    %select_n3A_85 = arith.select %eq3A_79, %broadcast_in_dim3A_83, %broadcast_in_dim3A_84 : vector<512x128xi1>, vector<512x128xf32>
    %add3A_86 = arith.addf %add3A_74, %select_n3A_85 : vector<512x128xf32>
    %add3A_87 = arith.constant 2 : i32
    %add3A_88 = vector.broadcast %add3A_87 : i32 to vector<512x1xi32>
    %add3A_89 = arith.addi %convert_element_type3A, %add3A_88 : vector<512x1xi32>
    %eq3A_90 = vector.broadcast %add3A_89 : vector<512x1xi32> to vector<512x128xi32>
    %eq3A_91 = arith.cmpi eq, %iota3A, %eq3A_90 : vector<512x128xi32>
    %slice3A_92 = vector.extract_strided_slice %div3A_61 {offsets = [0, 2], sizes = [512, 1], strides = [1, 1]} : vector<512x3xf32> to vector<512x1xf32>
    %jit3A_93 = arith.constant 0.000000e+00 : f32
    %broadcast_in_dim3A_94 = vector.shape_cast %slice3A_92 : vector<512x1xf32> to vector<512x1xf32>
    %broadcast_in_dim3A_95 = vector.broadcast %broadcast_in_dim3A_94 : vector<512x1xf32> to vector<512x128xf32>
    %broadcast_in_dim3A_96 = vector.broadcast %jit3A_93 : f32 to vector<512x128xf32>
    %select_n3A_97 = arith.select %eq3A_91, %broadcast_in_dim3A_95, %broadcast_in_dim3A_96 : vector<512x128xi1>, vector<512x128xf32>
    %add3A_98 = arith.addf %add3A_86, %select_n3A_97 : vector<512x128xf32>
    %swap3A_99 = arith.constant 0 : index
    %swap3A_100 = arith.constant 0 : index
    %swap3A_101 = vector.load %arg10[%swap3A_99, %swap3A_100] : memref<512x128xf32, #tpu.memory_space<vmem>>, vector<512x128xf32>
    tpu.vector_store %arg10[%swap3A_99, %swap3A_100], %add3A_98 {strides = array<i32>} : memref<512x128xf32, #tpu.memory_space<vmem>>, vector<512x128xf32>,
    return
  }
  func.func @transform_0(%arg0: i32) -> (i32, i32) {
    %c0_i32 = arith.constant 0 : i32
    %c0_i32_0 = arith.constant 0 : i32
    return %arg0, %c0_i32 : i32, i32
  }
  func.func @transform_1(%arg0: i32) -> (i32, i32) {
    %c0_i32 = arith.constant 0 : i32
    %c0_i32_0 = arith.constant 0 : i32
    %c0_i32_1 = arith.constant 0 : i32
    return %c0_i32, %c0_i32_0 : i32, i32
  }
  func.func @transform_2(%arg0: i32) -> (i32, i32) {
    %c0_i32 = arith.constant 0 : i32
    %c0_i32_0 = arith.constant 0 : i32
    %c0_i32_1 = arith.constant 0 : i32
    return %c0_i32, %c0_i32_0 : i32, i32
  }
  func.func @transform_3(%arg0: i32) -> (i32, i32) {
    %c0_i32 = arith.constant 0 : i32
    %c0_i32_0 = arith.constant 0 : i32
    %c0_i32_1 = arith.constant 0 : i32
    return %c0_i32, %c0_i32_0 : i32, i32
  }
  func.func @transform_4(%arg0: i32) -> (i32, i32) {
    %c0_i32 = arith.constant 0 : i32
    %c0_i32_0 = arith.constant 0 : i32
    %c0_i32_1 = arith.constant 0 : i32
    return %c0_i32, %c0_i32_0 : i32, i32
  }
  func.func @transform_5(%arg0: i32) -> (i32, i32) {
    %c0_i32 = arith.constant 0 : i32
    %c0_i32_0 = arith.constant 0 : i32
    %c0_i32_1 = arith.constant 0 : i32
    return %c0_i32, %c0_i32_0 : i32, i32
  }
  func.func @transform_6(%arg0: i32) -> (i32, i32) {
    %c0_i32 = arith.constant 0 : i32
    %c0_i32_0 = arith.constant 0 : i32
    %c0_i32_1 = arith.constant 0 : i32
    return %c0_i32, %c0_i32_0 : i32, i32
  }
  func.func @transform_7(%arg0: i32) -> (i32, i32) {
    %c0_i32 = arith.constant 0 : i32
    %c0_i32_0 = arith.constant 0 : i32
    %c0_i32_1 = arith.constant 0 : i32
    return %c0_i32, %c0_i32_0 : i32, i32
  }
  func.func @transform_8(%arg0: i32) -> (i32, i32) {
    %c0_i32 = arith.constant 0 : i32
    %c0_i32_0 = arith.constant 0 : i32
    return %arg0, %c0_i32 : i32, i32
  }
  func.func @transform_9(%arg0: i32) -> (i32, i32) {
    %c0_i32 = arith.constant 0 : i32
    %c0_i32_0 = arith.constant 0 : i32
    return %arg0, %c0_i32 : i32, i32
  }
}

module attributes {stable_mosaic.version = 14 : i64} {
  func.func @body(%arg0: i32, %arg1: memref<1000x128xf32, #tpu.memory_space<vmem>>, %arg2: memref<1000x3xf32, #tpu.memory_space<vmem>>, %arg3: memref<1000x128xf32, #tpu.memory_space<vmem>>, %arg4: memref<1000x128xf32, #tpu.memory_space<vmem>>, %arg5: memref<1000x3xf32, #tpu.memory_space<vmem>>, %arg6: memref<1000x3xf32, #tpu.memory_space<vmem>>, %arg7: memref<128x128xf32, #tpu.memory_space<vmem>>, %arg8: memref<128x128xf32, #tpu.memory_space<vmem>>, %arg9: memref<1x128xf32, #tpu.memory_space<vmem>>, %arg10: memref<128x128xf32, #tpu.memory_space<vmem>>, %arg11: memref<1x128xf32, #tpu.memory_space<vmem>>, %arg12: memref<1000x128xf32, #tpu.memory_space<vmem>>, %arg13: memref<1000x3xf32, #tpu.memory_space<vmem>>) attributes {dimension_semantics = [#tpu.dimension_semantics<arbitrary>], iteration_bounds = array<i64: 10>, scalar_prefetch = 0 : i64, scratch_operands = 0 : i64, tpu.core_type = #tpu.core_type<tc>, window_params = [{transform_indices = @transform_0, window_bounds = array<i64: 1000, 128>}, {transform_indices = @transform_1, window_bounds = array<i64: 1000, 3>}, {transform_indices = @transform_2, window_bounds = array<i64: 1000, 128>}, {transform_indices = @transform_3, window_bounds = array<i64: 1000, 128>}, {transform_indices = @transform_4, window_bounds = array<i64: 1000, 3>}, {transform_indices = @transform_5, window_bounds = array<i64: 1000, 3>}, {pipeline_mode = #tpu.pipeline_mode<synchronous>, transform_indices = @transform_6, window_bounds = array<i64: 128, 128>}, {pipeline_mode = #tpu.pipeline_mode<synchronous>, transform_indices = @transform_7, window_bounds = array<i64: 128, 128>}, {pipeline_mode = #tpu.pipeline_mode<synchronous>, transform_indices = @transform_8, window_bounds = array<i64: 1, 128>}, {pipeline_mode = #tpu.pipeline_mode<synchronous>, transform_indices = @transform_9, window_bounds = array<i64: 128, 128>}, {pipeline_mode = #tpu.pipeline_mode<synchronous>, transform_indices = @transform_10, window_bounds = array<i64: 1, 128>}, {transform_indices = @transform_11, window_bounds = array<i64: 1000, 128>}, {transform_indices = @transform_12, window_bounds = array<i64: 1000, 3>}]} {
    %get3A = arith.constant 0 : index
    %get3A_0 = arith.constant 0 : index
    %get3A_1 = vector.load %arg1[%get3A, %get3A_0] : memref<1000x128xf32, #tpu.memory_space<vmem>>, vector<1000x128xf32>
    %get3A_2 = arith.constant 0 : index
    %get3A_3 = arith.constant 0 : index
    %get3A_4 = vector.load %arg3[%get3A_2, %get3A_3] : memref<1000x128xf32, #tpu.memory_space<vmem>>, vector<1000x128xf32>
    %get3A_5 = arith.constant 0 : index
    %get3A_6 = arith.constant 0 : index
    %get3A_7 = vector.load %arg4[%get3A_5, %get3A_6] : memref<1000x128xf32, #tpu.memory_space<vmem>>, vector<1000x128xf32>
    %add3A = arith.addf %get3A_4, %get3A_7 : vector<1000x128xf32>
    %get3A_8 = arith.constant 0 : index
    %get3A_9 = arith.constant 0 : index
    %get3A_10 = vector.load %arg7[%get3A_8, %get3A_9] : memref<128x128xf32, #tpu.memory_space<vmem>>, vector<128x128xf32>
    %dot_general3A = arith.constant dense<0.000000e+00> : vector<1000x128xf32>
    %dot_general3A_11 = tpu.matmul %get3A_1, %get3A_10, %dot_general3A {dimension_numbers = #tpu.dot_dimension_numbers<[1], [0], [0], [1], [0, 0, 1, 1], [], []>, transpose_lhs_hint = false} : vector<1000x128xf32>, vector<128x128xf32>, vector<1000x128xf32> -> vector<1000x128xf32>
    %get3A_12 = arith.constant 0 : index
    %get3A_13 = arith.constant 0 : index
    %get3A_14 = vector.load %arg8[%get3A_12, %get3A_13] : memref<128x128xf32, #tpu.memory_space<vmem>>, vector<128x128xf32>
    %dot_general3A_15 = arith.constant dense<0.000000e+00> : vector<1000x128xf32>
    %dot_general3A_16 = tpu.matmul %add3A, %get3A_14, %dot_general3A_15 {dimension_numbers = #tpu.dot_dimension_numbers<[1], [0], [0], [1], [0, 0, 1, 1], [], []>, transpose_lhs_hint = false} : vector<1000x128xf32>, vector<128x128xf32>, vector<1000x128xf32> -> vector<1000x128xf32>
    %add3A_17 = arith.addf %dot_general3A_11, %dot_general3A_16 : vector<1000x128xf32>
    %get3A_18 = arith.constant 0 : index
    %get3A_19 = arith.constant 0 : index
    %get3A_20 = vector.load %arg9[%get3A_18, %get3A_19] : memref<1x128xf32, #tpu.memory_space<vmem>>, vector<1x128xf32>
    %add3A_21 = vector.broadcast %get3A_20 : vector<1x128xf32> to vector<1000x128xf32>
    %add3A_22 = arith.addf %add3A_17, %add3A_21 : vector<1000x128xf32>
    %logistic3A = arith.negf %add3A_22 : vector<1000x128xf32>
    %logistic3A_23 = math.exp %logistic3A : vector<1000x128xf32>
    %logistic3A_24 = arith.constant 1.000000e+00 : f32
    %logistic3A_25 = vector.broadcast %logistic3A_24 : f32 to vector<1000x128xf32>
    %logistic3A_26 = arith.addf %logistic3A_25, %logistic3A_23 : vector<1000x128xf32>
    %logistic3A_27 = arith.divf %logistic3A_25, %logistic3A_26 : vector<1000x128xf32>
    %mul3A = arith.mulf %add3A_22, %logistic3A_27 : vector<1000x128xf32>
    %get3A_28 = arith.constant 0 : index
    %get3A_29 = arith.constant 0 : index
    %get3A_30 = vector.load %arg10[%get3A_28, %get3A_29] : memref<128x128xf32, #tpu.memory_space<vmem>>, vector<128x128xf32>
    %dot_general3A_31 = arith.constant dense<0.000000e+00> : vector<1000x128xf32>
    %dot_general3A_32 = tpu.matmul %mul3A, %get3A_30, %dot_general3A_31 {dimension_numbers = #tpu.dot_dimension_numbers<[1], [0], [0], [1], [0, 0, 1, 1], [], []>, transpose_lhs_hint = false} : vector<1000x128xf32>, vector<128x128xf32>, vector<1000x128xf32> -> vector<1000x128xf32>
    %get3A_33 = arith.constant 0 : index
    %get3A_34 = arith.constant 0 : index
    %get3A_35 = vector.load %arg11[%get3A_33, %get3A_34] : memref<1x128xf32, #tpu.memory_space<vmem>>, vector<1x128xf32>
    %add3A_36 = vector.broadcast %get3A_35 : vector<1x128xf32> to vector<1000x128xf32>
    %add3A_37 = arith.addf %dot_general3A_32, %add3A_36 : vector<1000x128xf32>
    %swap3A = arith.constant 0 : index
    %swap3A_38 = arith.constant 0 : index
    %swap3A_39 = vector.load %arg12[%swap3A, %swap3A_38] : memref<1000x128xf32, #tpu.memory_space<vmem>>, vector<1000x128xf32>
    tpu.vector_store %arg12[%swap3A, %swap3A_38], %add3A_37 {strides = array<i32>} : memref<1000x128xf32, #tpu.memory_space<vmem>>, vector<1000x128xf32>,
    %get3A_40 = arith.constant 0 : index
    %get3A_41 = arith.constant 0 : index
    %get3A_42 = vector.load %arg2[%get3A_40, %get3A_41] : memref<1000x3xf32, #tpu.memory_space<vmem>>, vector<1000x3xf32>
    %get3A_43 = arith.constant 0 : index
    %get3A_44 = arith.constant 0 : index
    %get3A_45 = vector.load %arg5[%get3A_43, %get3A_44] : memref<1000x3xf32, #tpu.memory_space<vmem>>, vector<1000x3xf32>
    %add3A_46 = arith.addf %get3A_42, %get3A_45 : vector<1000x3xf32>
    %get3A_47 = arith.constant 0 : index
    %get3A_48 = arith.constant 0 : index
    %get3A_49 = vector.load %arg6[%get3A_47, %get3A_48] : memref<1000x3xf32, #tpu.memory_space<vmem>>, vector<1000x3xf32>
    %add3A_50 = arith.addf %add3A_46, %get3A_49 : vector<1000x3xf32>
    %swap3A_51 = arith.constant 0 : index
    %swap3A_52 = arith.constant 0 : index
    %swap3A_53 = vector.load %arg13[%swap3A_51, %swap3A_52] : memref<1000x3xf32, #tpu.memory_space<vmem>>, vector<1000x3xf32>
    tpu.vector_store %arg13[%swap3A_51, %swap3A_52], %add3A_50 {strides = array<i32>} : memref<1000x3xf32, #tpu.memory_space<vmem>>, vector<1000x3xf32>,
    return
  }
  func.func @transform_0(%arg0: i32) -> (i32, i32) {
    %c0_i32 = arith.constant 0 : i32
    %c0_i32_0 = arith.constant 0 : i32
    return %arg0, %c0_i32 : i32, i32
  }
  func.func @transform_1(%arg0: i32) -> (i32, i32) {
    %c0_i32 = arith.constant 0 : i32
    %c0_i32_0 = arith.constant 0 : i32
    return %arg0, %c0_i32 : i32, i32
  }
  func.func @transform_2(%arg0: i32) -> (i32, i32) {
    %c0_i32 = arith.constant 0 : i32
    %c0_i32_0 = arith.constant 0 : i32
    return %arg0, %c0_i32 : i32, i32
  }
  func.func @transform_3(%arg0: i32) -> (i32, i32) {
    %c0_i32 = arith.constant 0 : i32
    %c0_i32_0 = arith.constant 0 : i32
    return %arg0, %c0_i32 : i32, i32
  }
  func.func @transform_4(%arg0: i32) -> (i32, i32) {
    %c0_i32 = arith.constant 0 : i32
    %c0_i32_0 = arith.constant 0 : i32
    return %arg0, %c0_i32 : i32, i32
  }
  func.func @transform_5(%arg0: i32) -> (i32, i32) {
    %c0_i32 = arith.constant 0 : i32
    %c0_i32_0 = arith.constant 0 : i32
    return %arg0, %c0_i32 : i32, i32
  }
  func.func @transform_6(%arg0: i32) -> (i32, i32) {
    %c0_i32 = arith.constant 0 : i32
    %c0_i32_0 = arith.constant 0 : i32
    %c0_i32_1 = arith.constant 0 : i32
    return %c0_i32, %c0_i32_0 : i32, i32
  }
  func.func @transform_7(%arg0: i32) -> (i32, i32) {
    %c0_i32 = arith.constant 0 : i32
    %c0_i32_0 = arith.constant 0 : i32
    %c0_i32_1 = arith.constant 0 : i32
    return %c0_i32, %c0_i32_0 : i32, i32
  }
  func.func @transform_8(%arg0: i32) -> (i32, i32) {
    %c0_i32 = arith.constant 0 : i32
    %c0_i32_0 = arith.constant 0 : i32
    %c0_i32_1 = arith.constant 0 : i32
    return %c0_i32, %c0_i32_0 : i32, i32
  }
  func.func @transform_9(%arg0: i32) -> (i32, i32) {
    %c0_i32 = arith.constant 0 : i32
    %c0_i32_0 = arith.constant 0 : i32
    %c0_i32_1 = arith.constant 0 : i32
    return %c0_i32, %c0_i32_0 : i32, i32
  }
  func.func @transform_10(%arg0: i32) -> (i32, i32) {
    %c0_i32 = arith.constant 0 : i32
    %c0_i32_0 = arith.constant 0 : i32
    %c0_i32_1 = arith.constant 0 : i32
    return %c0_i32, %c0_i32_0 : i32, i32
  }
  func.func @transform_11(%arg0: i32) -> (i32, i32) {
    %c0_i32 = arith.constant 0 : i32
    %c0_i32_0 = arith.constant 0 : i32
    return %arg0, %c0_i32 : i32, i32
  }
  func.func @transform_12(%arg0: i32) -> (i32, i32) {
    %c0_i32 = arith.constant 0 : i32
    %c0_i32_0 = arith.constant 0 : i32
    return %arg0, %c0_i32 : i32, i32
  }
}

</mosaic_0001>

<sc_bundles>
// kernel: kernel.10.cloned.1.call-start
scs
__scs_entry_jumppad:
0x0: {  	(pc) =	sbr.rel $0x88, $3  }
0x1: {  	(tag) =	ssettag $0x0;
	lr =	simm.s32 $0x1  }
0x2: {  	[smem:$0x3F92] =	sst lr;
	_ =	strace $0xD0000000  }
0x3: {  	_ = 	snop  }
0x4: {  	_ = 	snop  }
0x5: {  	_ = 	snop  }
0x6: {  	_ = 	snop  }
0x7: {  	_ = 	snop  }
__scs_overlays_trampoline_lowered:
0x8: {  	[smem:$0x3FA1] =	sst s0  }
0x9: {  	[smem:$0x3FA2] =	sst s1  }
0xa: {  	[smem:$0x3FA3] =	sst s2  }
0xb: {  	[smem:$0x3FA4] =	sst s3  }
0xc: {  	[smem:$0x3FA5] =	sst s4  }
0xd: {  	[smem:$0x3FA6] =	sst s5  }
0xe: {  	[smem:$0x3FA7] =	sst s6  }
0xf: {  	[smem:$0x3FA8] =	sst s7  }
0x10: {  	[smem:$0x3FA9] =	sst s8  }
0x11: {  	[smem:$0x3FAA] =	sst s9;
	s0 =	simm.s32 @!p0 $0x0  }
0x12: {  	s1 =	sld [smem:$0x3F90];
	s0 =	simm.s32 @p0 $0x1  }
0x13: {  	[smem:$0x3FAB] =	sst s0;
	s0 =	simm.s32 @!p1 $0x0  }
0x14: {  	s2 =	sld [smem:$0x3F8F];
	s0 =	simm.s32 @p1 $0x1  }
0x15: {  	[smem:$0x3FAC] =	sst s0;
	s0 =	simm.s32 @!p2 $0x0  }
0x16: {  	s3 =	sld [smem:$0x3FDB];
	s0 =	simm.s32 @p2 $0x1  }
0x17: {  	s4 =	simm.s32 $0x1BF5;
	[smem:$0x3FAE] =	sst s0  }
0x18: {  	s0 =	sld [smem:$0x3F91];
	_ =	swait.ge [sflag:s4], $0x0  }
0x19: {  	s7 =	sld [smem:$0x3F92]  }
0x1a: {  	s8 =	sadd.s32 $0xFFFFE003, lr  }
0x1b: {  	s9 =	sadd.s32 $0xFFFFFEF7, lr;
	s5 =	simm.s32 $0xFFFFFFFF;
	p2 =	slt.u32 s8, $0xFFFFF086  }
0x1c: {  	p1 =	slt.u32 s9, $0xF7A;
	s5 =	simm.s32 @!p2 $0x0  }
0x1d: {  	s5 =	simm.s32 @p1 $0x1;
	p0 =	seq.s32 s7, s2  }
0x1e: {  	s7 =	smul.u32 @!p0 $0xF7A, s2;
	p2 =	seq.s32 @!p0 s5, $0x0  }
0x1f: {  	s9 =	smul.u32 $0xF7A, s1;
	s8 =	simm.s32 @!p0 $0x1BF5;
	p2 =	por !p2, p0  }
0x20: {  	[sflag:s8] =	ssyncset.s32 @!p0 $0xFFFFF086;
	s6 =	sadd.s32 @!p0 s3, s7;
	s7 =	simm.s32 @!p0 $0x108  }
0x21: {  	s3 =	sadd.s32 s3, s9;
	s6 =	sadd.s32 @!p0 $0x88, s6;
	s7 =	simm.s32 @p2 $0x1082  }
0x22: {  	[simem:s7], [sflag:s8] =	dma.local @!p0 [hbm:s6], $0xF7A  }
0x23: {  	s9 =	sor.u32 $0xD0000000, s2;
	s6 =	simm.s32 $0x108;
	_ =	swait.ge @!p0 [sflag:s8], $0x0  }
0x24: {  	s3 =	sadd.s32 $0x88, s3;
	s6 =	simm.s32 @!p1 $0x1082;
	[sflag:s4] =	ssyncset.s32 $0xFFFFF086  }
0x25: {  	[simem:s6], [sflag:s4] =	dma.local [hbm:s3], $0xF7A  }
0x26: {  	[smem:$0x3F92] =	sst s1;
	(tag) =	ssettag s2;
	_ =	strace s9  }
0x27: {  	s1 =	sld [smem:$0x3FA2]  }
0x28: {  	s2 =	sld [smem:$0x3FA3]  }
0x29: {  	s4 =	sld [smem:$0x3FA5]  }
0x2a: {  	p0 =	seq.s32 s5, $0x0;
	s5 =	sld [smem:$0x3FA6]  }
0x2b: {  	s6 =	sld [smem:$0x3FA7]  }
0x2c: {  	s7 =	sld [smem:$0x3FA8]  }
0x2d: {  	s3 =	simm.s32 $0x108;
	s8 =	sld [smem:$0x3FA9]  }
0x2e: {  	s3 =	simm.s32 @!p0 $0x1082;
	s9 =	sld [smem:$0x3FAA]  }
0x2f: {  	lr =	sadd.s32 s0, s3;
	s0 =	sld [smem:$0x3FA1]  }
0x30: {  	s3 =	sld [smem:$0x3FA4]  }
0x31: {  	[smem:$0x3FAD] =	sst s10  }
0x32: {  	s10 =	sld [smem:$0x3FAB];
	_ =	sdelay $0x3  }
0x33: {  	p0 =	seq.s32 s10, $0x1;
	s10 =	sld [smem:$0x3FAD];
	_ =	sdelay $0x3  }
0x34: {  	[smem:$0x3FAD] =	sst s10  }
0x35: {  	s10 =	sld [smem:$0x3FAC];
	_ =	sdelay $0x3  }
0x36: {  	p1 =	seq.s32 s10, $0x1;
	s10 =	sld [smem:$0x3FAD];
	_ =	sdelay $0x3  }
0x37: {  	[smem:$0x3FAD] =	sst s10  }
0x38: {  	s10 =	sld [smem:$0x3FAE]  }
0x39: {  	_ = 	snop;
	(pc) =	sbr.ind lr, $3  }
0x3a: {  	_ = 	snop  }
0x3b: {  	_ = 	snop  }
0x3c: {  	p2 =	seq.s32 s10, $0x1;
	s10 =	sld [smem:$0x3FAD]  }
0x3d: {  	_ =	shalt  }
0x3e: {  	_ =	shalt  }
0x3f: {  	_ =	shalt  }
0x40: {  	_ =	shalt  }
0x41: {  	_ =	shalt  }
0x42: {  	_ =	shalt  }
0x43: {  	_ =	shalt  }
0x44: {  	_ =	shalt  }
0x45: {  	_ =	shalt  }
0x46: {  	_ =	shalt  }
0x47: {  	_ =	shalt  }
0x48: {  	_ =	shalt  }
0x49: {  	_ =	shalt  }
0x4a: {  	_ =	shalt  }
0x4b: {  	_ =	shalt  }
0x4c: {  	_ =	shalt  }
0x4d: {  	_ =	shalt  }
0x4e: {  	_ =	shalt  }
0x4f: {  	_ =	shalt  }
0x50: {  	_ =	shalt  }
0x51: {  	_ =	shalt  }
0x52: {  	_ =	shalt  }
0x53: {  	_ =	shalt  }
0x54: {  	_ =	shalt  }
0x55: {  	_ =	shalt  }
0x56: {  	_ =	shalt  }
0x57: {  	_ =	shalt  }
0x58: {  	_ =	shalt  }
0x59: {  	_ =	shalt  }
0x5a: {  	_ =	shalt  }
0x5b: {  	_ =	shalt  }
0x5c: {  	_ =	shalt  }
0x5d: {  	_ =	shalt  }
0x5e: {  	_ =	shalt  }
0x5f: {  	_ =	shalt  }
0x60: {  	_ =	shalt  }
0x61: {  	_ =	shalt  }
0x62: {  	_ =	shalt  }
0x63: {  	_ =	shalt  }
0x64: {  	_ =	shalt  }
0x65: {  	_ =	shalt  }
0x66: {  	_ =	shalt  }
0x67: {  	_ =	shalt  }
0x68: {  	_ =	shalt  }
0x69: {  	_ =	shalt  }
0x6a: {  	_ =	shalt  }
0x6b: {  	_ =	shalt  }
0x6c: {  	_ =	shalt  }
0x6d: {  	_ =	shalt  }
0x6e: {  	_ =	shalt  }
0x6f: {  	_ =	shalt  }
0x70: {  	_ =	shalt  }
0x71: {  	_ =	shalt  }
0x72: {  	_ =	shalt  }
0x73: {  	_ =	shalt  }
0x74: {  	_ =	shalt  }
0x75: {  	_ =	shalt  }
0x76: {  	_ =	shalt  }
0x77: {  	_ =	shalt  }
0x78: {  	_ =	shalt  }
0x79: {  	_ =	shalt  }
0x7a: {  	_ =	shalt  }
0x7b: {  	_ =	shalt  }
0x7c: {  	_ =	shalt  }
0x7d: {  	_ =	shalt  }
0x7e: {  	_ =	shalt  }
0x7f: {  	_ =	shalt  }
0x80: {  	_ =	shalt  }
0x81: {  	_ =	shalt  }
0x82: {  	_ =	shalt  }
0x83: {  	_ =	shalt  }
0x84: {  	_ =	shalt  }
0x85: {  	_ =	shalt  }
0x86: {  	_ =	shalt  }
0x87: {  	_ =	shalt  }
.Lfunc_end0:
.L_simem_size_0:
called_computation.1_lowered:
.L_overlay_start_0:
0x88: {  	s2 =	sld [smem:$0x3FD9]  }
0x89: {  	s3 =	sld [smem:$0x3FFE];
	_ =	sdelay $0x1  }
0x8a: {  	s1 =	srdreg.scid  }
0x8b: {  	s0 =	sand.u32 $0x1, s1  }
0x8c: {  	s16 =	sshll.u32 s0, $0xA;
	s2 =	sadd.s32 s3, s2  }
0x8d: {  	s2 =	sadd.s32 s2, s16  }
0x8e: {  	[smem:$0x3FB9] =	sst s2  }
0x8f: {  	_ = 	snop  }
0x90: {  	(tm) =	ssettm $0x1  }
0x91: {  	s17 =	sld [smem:$0x3FFB];
	_ =	sdelay $0x3  }
0x92: {  	_ =	strace s17  }
0x93: {  	s2 =	sld [smem:$0x3FFC];
	_ =	sdelay $0x3  }
0x94: {  	_ =	strace s2  }
0x95: {  	s2 =	sld [smem:$0x3FFD];
	_ =	sdelay $0x3  }
0x96: {  	_ =	strace s2  }
0x97: {  	_ =	strace $0x8FFFFFFF  }
0x98: {  	s18 =	sld [smem:$0x3FDB];
	_ =	sdelay $0x1  }
0x99: {  	s19 =	simm.s32 $_scs_section_size  }
0x9a: {  	s4 =	simm.s32 $_size__tile_overlayer_lowered;
	s5 =	simm.s32 $_tile_overlayer_lowered  }
0x9b: {  	s22 =	simm.s32 $0x1BFF;
	s21 =	sshll.u32 s5, $0x1;
	s2 =	sadd.s32 s19, s18  }
0x9c: {  	s6 =	simm.s32 $0x0;
	s20 =	sshll.u32 s4, $0x1;
	s4 =	sadd.s32 s21, s2  }
0x9d: {  	[timem:s6], [sflag:s22] =	dma.local [hbm:s4], s20  }
0x9e: {  	_ =	swait.ge [sflag:s22], s20  }
0x9f: {  	s3 =	ssub.s32 $0x0, s20;
	[sflag:s22] =	ssyncset.done $0x0  }
0xa0: {  	[sflag:s22] =	ssyncadd.s32 s3;
	_ =	sdelay $0x1  }
0xa1: {  	s23 =	simm.s32 $0x1B8B  }
0xa2: {  	_ =	swait.ge [sflag:s23], $0x1  }
0xa3: {  	[sflag:s23] =	ssyncset.done $0x0  }
0xa4: {  	s25 =	simm.s32 $0x1B8E;
	s24 =	sld [smem:$0x3FFE];
	[sflag:s23] =	ssyncadd.s32 $0xFFFFFFFF  }
0xa5: {  	s26 =	simm.s32 $execute0_lowered;
	[smem:$0x3FD2] =	sst s25  }
0xa6: {  	s4 =	sshll.u32 s26, $0x1;
	_ =	strace $0x80000049;
	[dreg:$0x1] =	wrdreg $0xFFFFFFFF  }
0xa7: {  	s28 =	simm.s32 $_size_execute0_lowered;
	s2 =	sadd.s32 s2, s4;
	[dreg:$0x0] =	wrdreg $0x0  }
0xa8: {  	s4 =	sshll.u32 s28, $0x1;
	[dreg:$0x2] =	wrdreg s2  }
0xa9: {  	[dreg:$0x3] =	wrdreg s4  }
0xaa: {  	[dreg:$0x4] =	wrdreg $0xC0  }
0xab: {  	_ =	task [dreg:s6], $0x5FFFF  }
0xac: {  	[dreg:$0x1] =	wrdreg $0xFFFFFFFF  }
0xad: {  	[dreg:$0x0] =	wrdreg $0x60  }
0xae: {  	[dreg:$0x2] =	wrdreg s24  }
0xaf: {  	[dreg:$0x3] =	wrdreg $0x0  }
0xb0: {  	[dreg:$0x4] =	wrdreg $0x13C000  }
0xb1: {  	[dreg:$0x5] =	wrdreg $0x9  }
0xb2: {  	_ =	task.clear_ibuf [dreg:s6], $0x6FFFF;
	_ =	strace $0x90000049  }
0xb3: {  	s29 =	simm.s32 $0x9;
	_ =	strace $0x8000004B  }
0xb4: {  	_ =	swait.ge [sflag:s29], $0x1  }
0xb5: {  	[sflag:s29] =	ssyncadd.s32 $0xFFFFFFFF  }
0xb6: {  	_ =	strace $0x9000004B  }
0xb7: {  	_ =	sfence  }
0xb8: {  	s30 =	sld [smem:$0x0];
	_ =	sdelay $0x2  }
0xb9: {  	s31 =	sshll.u32 s1, $0xD;
	s1 =	sshrl.u32 s1, $0x2  }
0xba: {  	s3 =	sand.u32 $0x4000, s31;
	s1 =	sadd.s32 s1, s30  }
0xbb: {  	s0 =	sor.u32 s3, s0;
	s1 =	sshll.u32 s1, $0x11  }
0xbc: {  	s0 =	sor.u32 s1, s0  }
0xbd: {  	s0 =	sadd.s32 $0x8F2B, s0  }
0xbe: {  	[sflag:s0] =	ssyncadd.remote.s32 $0x1  }
0xbf: {  	_ =	sfence.sel $0xFFFF  }
0xc0: {  	[dreg:$0x0] =	wrdreg $0xFFFFFFFF;
	(pc) =	sbr.abs _section_cstart, $3  }
0xc1: {  	[dreg:$0x1] =	wrdreg $0xFFFFFFFF  }
0xc2: {  	_ =	task.clear_ibuf [dreg:s6], $0x2FFFF;
	_ =	strace $0x9FFFFFFF  }
0xc3: {  	(tm) =	ssettm $0x7FFFFFFF  }
tec
execute0_lowered:
.L_overlay_start_1:
0x0: {  	(tag) =	ssettag $0x1  }
0x1: {  	s0 =	rddreg [dreg:$0x0]  }
0x2: {  	s2 =	rddreg [dreg:$0x1];
	s17 =	stileid.u32  }
0x3: {  	s1 =	srdreg.scid;
	s6 =	smul.u32 $0x13C00, s17  }
0x4: {  	s3 =	rddreg [dreg:$0x2];
	s4 =	simm.s32 $0x0;
	s8 =	smul.u32 $0xC00, s17  }
0x5: {  	s28 =	simm.s32 $0x14880;
	s29 =	simm.s32 $0x17200;
	s18 =	smul.u32 $0x4F000, s17  }
0x6: {  	s30 =	simm.s32 $0x1C200;
	s31 =	simm.s32 $0x1;
	s21 =	smul.u32 $0x3000, s17  }
0x7: {  	s1 =	sand.u32 $0x1, s1;
	[smem:$0x7FF] =	sst s4;
	s15 =	smul.u32 $0x4E20, s17  }
0x8: {  	s9 =	sadd.s32 $0xA79200, s0;
	s11 =	sshll.u32 s17, $0x1;
	s5 =	smul.u32 $0x13C000, s1  }
0x9: {  	s10 =	sadd.s32 $0xF5B200, s0;
	s7 =	smul.u32 $0xC000, s1;
	s11 =	sor.u32 s1, s11  }
0xa: {  	_ =	strace $0x8000004A;
	s19 =	ssub.s32 $0x2, s1;
	s13 =	smul.u32 $0x2710, s11  }
0xb: {  	s11 =	smul.u32 $0x27100, s11;
	s6 =	sadd.s32 s6, s5;
	s5 =	sadd.s32 $0xF000, s0  }
0xc: {  	s7 =	sadd.s32 s8, s7;
	s6 =	sshrl.u32 s6, $0x3;
	s13 =	sshrl.u32 s13, $0x3  }
0xd: {  	s16 =	sshrl.u32 s7, $0x3;
	s7 =	sshrl.u32 s18, $0x2;
	s26 =	sadd.s32 s5, s13  }
0xe: {  	s8 =	sadd.s32 s6, s0;
	s13 =	sadd.s32 s9, s11;
	[dreg:$0xe] =	wrdreg s26  }
0xf: {  	s6 =	sadd.s32 s7, s2;
	s11 =	sadd.s32 s10, s11;
	[dreg:$0xf] =	wrdreg s13  }
0x10: {  	s12 =	sshrl.u32 s19, $0x1;
	s7 =	sadd.s32 $0x2800, s6;
	[dreg:$0x10] =	wrdreg s11  }
0x11: {  	s12 =	ssub.s32 s19, s12;
	s20 =	sadd.s32 $0x5000, s6;
	[dreg:$0x7] =	wrdreg s7  }
0x12: {  	s19 =	smul.u32 $0x4E200, s17;
	s14 =	sadd.s32 $0x7800, s6;
	[dreg:$0x8] =	wrdreg s20  }
0x13: {  	s0 =	sadd.s32 s16, s0;
	s22 =	sadd.s32 $0xA000, s6;
	[dreg:$0x9] =	wrdreg s14  }
0x14: {  	s16 =	smul.u32 $0x2710, s1;
	s23 =	sadd.s32 $0xC800, s6;
	[dreg:$0xa] =	wrdreg s22  }
0x15: {  	s1 =	smul.u32 $0x27100, s1;
	s24 =	sadd.s32 $0xF000, s6;
	[dreg:$0xb] =	wrdreg s23  }
0x16: {  	s25 =	sadd.s32 $0x11800, s6;
	s8 =	sadd.s32 $0x18E00, s8;
	[dreg:$0xc] =	wrdreg s24  }
0x17: {  	s0 =	sadd.s32 $0x5200, s0;
	s26 =	simm.s32 $0x14980;
	[dreg:$0xd] =	wrdreg s25  }
0x18: {  	s11 =	simm.s32 $0x6;
	s7 =	sshrl.u32 s21, $0x2;
	[dreg:$0x11] =	wrdreg s8  }
0x19: {  	s18 =	sadd.s32 s16, s15;
	[dreg:$0x12] =	wrdreg s0;
	s20 =	smax.u32 s12, $0x1  }
0x1a: {  	s21 =	sadd.s32 s19, s9;
	s22 =	sadd.s32 s19, s10;
	[dreg:$0x6] =	wrdreg s26  }
0x1b: {  	s26 =	simm.s32 $0x19A00;
	s8 =	simm.s32 $0x14900;
	s9 =	simm.s32 $0x4  }
0x1c: {  	s10 =	simm.s32 $0x5;
	s12 =	simm.s32 $0x0;
	s14 =	sadd.s32 s7, s3  }
0x1d: {  	[dreg:$0x13] =	wrdreg s20;
	s0 =	sadd.s32 s1, s21;
	s23 =	sadd.s32 $0x50, s18  }
0x1e: {  	s24 =	sadd.s32 s1, s22;
	s21 =	sadd.s32 $0xA0, s18;
	s1 =	simm.s32 $0x3  }
0x1f: {  	s7 =	simm.s32 $0x50;
	[dreg:$0x4] =	wrdreg s0;
	s25 =	sshrl.u32 s23, $0x3  }
0x20: {  	[dreg:$0x5] =	wrdreg s24;
	s23 =	simm.s32 $0x14A00;
	s24 =	simm.s32 $0x7  }
0x21: {  	v0 =	vimm.f32 $0.0e+00;
	s0 =	simm.s32 $0x2;
	s22 =	sadd.s32 s25, s5;
	s25 =	simm.s32 $0x14800  }
.LBB2_1:
0x22: {  	s13 =	simm.s32 $0x0;
	s15 =	simm.s32 $0x200  }
.LBB2_2:
0x23: {  	p0 =	sne.s32 s15, $0x9E00;
	[tilespmem:s13+$0x14A70] =	vst v0  }
0x24: {  	[tilespmem:s13+$0x14A00] =	vst v0  }
0x25: {  	[tilespmem:s13+$0x14A10] =	vst v0  }
.Ltmp0:
0x26: {  	[tilespmem:s13+$0x14A20] =	vst v0;
	(pc) =	sbr.rel @p0 .LBB2_2-.Ltmp0, $4  }
0x27: {  	[tilespmem:s13+$0x14A30] =	vst v0  }
0x28: {  	[tilespmem:s13+$0x14A40] =	vst v0  }
0x29: {  	[tilespmem:s13+$0x14A50] =	vst v0  }
0x2a: {  	[tilespmem:s13+$0x14A60] =	vst v0;
	s13 =	sshra.s32 s15, $0x2;
	s15 =	sadd.s32 $0x200, s15  }
0x2b: {  	[tilespmem:s13+$0x14A70] =	vst v0  }
0x2c: {  	[tilespmem:s13+$0x14A00] =	vst v0  }
0x2d: {  	[tilespmem:s13+$0x14A10] =	vst v0  }
0x2e: {  	[tilespmem:s13+$0x14A20] =	vst v0  }
0x2f: {  	[tilespmem:s13+$0x14A30] =	vst v0  }
0x30: {  	[tilespmem:s13+$0x14A40] =	vst v0  }
0x31: {  	[tilespmem:s13+$0x14A50] =	vst v0  }
0x32: {  	[tilespmem:s13+$0x14A60] =	vst v0  }
0x33: {  	[spmem:s6] =	stream.linear.scatter [tilespmem:s23], [sflag:$0x7], $0x2800, $0x38;
	[tilespmem:$0x1EA00] =	vst v63  }
0x34: {  	_ =	swait.ge [sflag:s24], $0x2800  }
0x35: {  	[sflag:s24] =	ssyncset.done $0x0  }
0x36: {  	s17 =	rddreg [dreg:$0x7];
	[sflag:s24] =	ssyncadd.s32 $0xFFFFD800  }
0x37: {  	[spmem:s17] =	stream.linear.scatter [tilespmem:s23], [sflag:$0x7], $0x2800, $0x38;
	[tilespmem:$0x1EA00] =	vst v63  }
0x38: {  	_ =	swait.ge [sflag:s24], $0x2800  }
0x39: {  	[sflag:s24] =	ssyncset.done $0x0  }
0x3a: {  	s18 =	rddreg [dreg:$0x8];
	[sflag:s24] =	ssyncadd.s32 $0xFFFFD800  }
0x3b: {  	[spmem:s18] =	stream.linear.scatter [tilespmem:s23], [sflag:$0x7], $0x2800, $0x38;
	[tilespmem:$0x1EA00] =	vst v63  }
0x3c: {  	_ =	swait.ge [sflag:s24], $0x2800  }
0x3d: {  	[sflag:s24] =	ssyncset.done $0x0  }
0x3e: {  	s19 =	rddreg [dreg:$0x9];
	[sflag:s24] =	ssyncadd.s32 $0xFFFFD800  }
0x3f: {  	[spmem:s19] =	stream.linear.scatter [tilespmem:s23], [sflag:$0x7], $0x2800, $0x38;
	[tilespmem:$0x1EA00] =	vst v63  }
0x40: {  	_ =	swait.ge [sflag:s24], $0x2800  }
0x41: {  	[sflag:s24] =	ssyncset.done $0x0  }
0x42: {  	s20 =	rddreg [dreg:$0xa];
	[sflag:s24] =	ssyncadd.s32 $0xFFFFD800  }
0x43: {  	[spmem:s20] =	stream.linear.scatter [tilespmem:s23], [sflag:$0x7], $0x2800, $0x38;
	[tilespmem:$0x1EA00] =	vst v63  }
0x44: {  	_ =	swait.ge [sflag:s24], $0x2800  }
0x45: {  	[sflag:s24] =	ssyncset.done $0x0  }
0x46: {  	s15 =	rddreg [dreg:$0xb];
	[sflag:s24] =	ssyncadd.s32 $0xFFFFD800  }
0x47: {  	[spmem:s15] =	stream.linear.scatter [tilespmem:s23], [sflag:$0x7], $0x2800, $0x38;
	[tilespmem:$0x1EA00] =	vst v63  }
0x48: {  	_ =	swait.ge [sflag:s24], $0x2800  }
0x49: {  	[sflag:s24] =	ssyncset.done $0x0  }
0x4a: {  	s16 =	rddreg [dreg:$0xc];
	[sflag:s24] =	ssyncadd.s32 $0xFFFFD800  }
0x4b: {  	[spmem:s16] =	stream.linear.scatter [tilespmem:s23], [sflag:$0x7], $0x2800, $0x38;
	[tilespmem:$0x1EA00] =	vst v63  }
0x4c: {  	_ =	swait.ge [sflag:s24], $0x2800  }
0x4d: {  	[sflag:s24] =	ssyncset.done $0x0  }
0x4e: {  	s17 =	rddreg [dreg:$0xd];
	[sflag:s24] =	ssyncadd.s32 $0xFFFFD800  }
0x4f: {  	[spmem:s17] =	stream.linear.scatter [tilespmem:s23], [sflag:$0x7], $0x2400, $0x38;
	[tilespmem:$0x1EA00] =	vst v63  }
0x50: {  	_ =	swait.ge [sflag:s24], $0x2400  }
0x51: {  	[sflag:s24] =	ssyncset.done $0x0  }
0x52: {  	[sflag:s24] =	ssyncadd.s32 $0xFFFFDC00  }
0x53: {  	[spmem:s14] =	stream.linear.scatter [tilespmem:s23], [sflag:$0x7], $0xC00, $0x38;
	[tilespmem:$0x1EA00] =	vst v63  }
0x54: {  	_ =	swait.ge [sflag:s24], $0xC00  }
0x55: {  	[sflag:s24] =	ssyncset.done $0x0  }
0x56: {  	[sflag:s24] =	ssyncadd.s32 $0xFFFFF400  }
0x57: {  	[bflag:$0x0] =	sbarrier.arrive $0xFFFF  }
0x58: {  	s15 =	rddreg [dreg:$0xe]  }
0x59: {  	s18 =	simm.s32 $0x0;
	s19 =	rddreg [dreg:$0xf]  }
0x5a: {  	[tilespmem:s25], [sflag:$0x1] =	stream.linear.gather [hbm4b:s15+s18], $0x50, $0x38;
	[tilespmem:$0x1EA00] =	vst v63  }
0x5b: {  	s20 =	rddreg [dreg:$0x10]  }
0x5c: {  	[tilespmem:s23], [sflag:$0x2] =	stream.linear.gather [hbm4b:s19+s18], $0x2800, $0x38;
	[tilespmem:$0x1EA00] =	vst v63  }
0x5d: {  	s16 =	rddreg [dreg:$0x4]  }
0x5e: {  	[tilespmem:s26], [sflag:$0x3] =	stream.linear.gather [hbm4b:s20+s18], $0x2800, $0x38;
	[tilespmem:$0x1EA00] =	vst v63  }
0x5f: {  	s17 =	rddreg [dreg:$0x5];
	s13 =	sadd.s32 $0x0, s16  }
0x60: {  	[tilespmem:s28], [sflag:$0x4] =	stream.linear.gather [hbm4b:s22+s4], $0x50, $0x38;
	[tilespmem:$0x1EA00] =	vst v63  }
0x61: {  	s15 =	sadd.s32 $0x0, s17;
	s16 =	sadd.s32 $0x500, s13  }
0x62: {  	[tilespmem:s29], [sflag:$0x5] =	stream.linear.gather [hbm4b:s16+s4], $0x2800, $0x38;
	[tilespmem:$0x1EA00] =	vst v63  }
0x63: {  	s18 =	sadd.s32 $0x500, s15  }
0x64: {  	[tilespmem:s30], [sflag:$0x6] =	stream.linear.gather [hbm4b:s18+s4], $0x2800, $0x38;
	[tilespmem:$0x1EA00] =	vst v63  }
0x65: {  	_ =	swait.ge [sflag:s31], $0x50  }
0x66: {  	[sflag:s31] =	ssyncset.done $0x0  }
0x67: {  	[sflag:s31] =	ssyncadd.s32 $0xFFFFFFB0  }
0x68: {  	_ =	swait.ge [sflag:s0], $0x2800  }
0x69: {  	[sflag:s0] =	ssyncset.done $0x0  }
0x6a: {  	[sflag:s0] =	ssyncadd.s32 $0xFFFFD800  }
0x6b: {  	_ =	swait.ge [sflag:s1], $0x2800  }
0x6c: {  	[sflag:s1] =	ssyncset.done $0x0  }
0x6d: {  	[sflag:s1] =	ssyncadd.s32 $0xFFFFD800  }
0x6e: {  	v1 =	vld [tilespmem:$0x14840]  }
0x6f: {  	v2 =	vld [tilespmem:$0x14820]  }
0x70: {  	v3 =	vld [tilespmem:$0x14810]  }
0x71: {  	v4 =	vld [tilespmem:$0x14800]  }
0x72: {  	v5 =	vld [tilespmem:$0x14830]  }
0x73: {  	v1 =	vshrl.u32 v1, $0x5  }
0x74: {  	v2 =	vshrl.u32 v2, $0x5;
	[tilespmem:$0x14940] =	vst v1  }
0x75: {  	v1 =	vshrl.u32 v3, $0x5;
	[tilespmem:$0x14920] =	vst v2  }
0x76: {  	v2 =	vshrl.u32 v4, $0x5;
	[tilespmem:$0x14910] =	vst v1  }
0x77: {  	[tilespmem:$0x14900] =	vst v2;
	v1 =	vshrl.u32 v5, $0x5  }
0x78: {  	[tilespmem:$0x14930] =	vst v1  }
0x79: {  	[spmem:s2] =	stream.indirect.scatter.add.f32 [tilespmem:s23], [sflag:$0x7], $0x80, s25, s7, $0xb8;
	[tilespmem:$0x1EA00] =	vst v63  }
0x7a: {  	_ =	swait.ge [sflag:s24], $0x2800  }
0x7b: {  	[sflag:s24] =	ssyncset.done $0x0  }
0x7c: {  	[sflag:s24] =	ssyncadd.s32 $0xFFFFD800  }
0x7d: {  	[spmem:s3] =	stream.indirect.scatter.add.f32 [tilespmem:s26], [sflag:$0x7], $0x80, s8, s7, $0xb8;
	[tilespmem:$0x1EA00] =	vst v63  }
0x7e: {  	_ =	swait.ge [sflag:s24], $0x2800  }
0x7f: {  	s19 =	sshrl.u32 s21, $0x3;
	[sflag:s24] =	ssyncset.done $0x0  }
0x80: {  	s16 =	sadd.s32 s5, s19;
	[sflag:s24] =	ssyncadd.s32 $0xFFFFD800  }
0x81: {  	[tilespmem:s25], [sflag:$0x1] =	stream.linear.gather [hbm4b:s16+s4], $0x50, $0x38;
	[tilespmem:$0x1EA00] =	vst v63  }
0x82: {  	s13 =	sadd.s32 $0xA00, s13  }
0x83: {  	[tilespmem:s23], [sflag:$0x2] =	stream.linear.gather [hbm4b:s13+s4], $0x2800, $0x38;
	[tilespmem:$0x1EA00] =	vst v63  }
0x84: {  	s20 =	sadd.s32 $0xA00, s15  }
0x85: {  	[tilespmem:s26], [sflag:$0x3] =	stream.linear.gather [hbm4b:s20+s4], $0x2800, $0x38;
	[tilespmem:$0x1EA00] =	vst v63  }
0x86: {  	_ =	swait.ge [sflag:s9], $0x50  }
0x87: {  	[sflag:s9] =	ssyncset.done $0x0  }
0x88: {  	[sflag:s9] =	ssyncadd.s32 $0xFFFFFFB0  }
0x89: {  	_ =	swait.ge [sflag:s10], $0x2800  }
0x8a: {  	[sflag:s10] =	ssyncset.done $0x0  }
0x8b: {  	[sflag:s10] =	ssyncadd.s32 $0xFFFFD800  }
0x8c: {  	_ =	swait.ge [sflag:s11], $0x2800  }
0x8d: {  	[sflag:s11] =	ssyncset.done $0x0  }
0x8e: {  	[sflag:s11] =	ssyncadd.s32 $0xFFFFD800  }
0x8f: {  	v1 =	vld [tilespmem:$0x148C0]  }
0x90: {  	v2 =	vld [tilespmem:$0x148B0]  }
0x91: {  	v3 =	vld [tilespmem:$0x14890]  }
0x92: {  	v62 =	vld [tilespmem:$0x14880]  }
0x93: {  	v63 =	vld [tilespmem:$0x148A0]  }
0x94: {  	v1 =	vshrl.u32 v1, $0x5  }
0x95: {  	v2 =	vshrl.u32 v2, $0x5;
	[tilespmem:$0x149C0] =	vst v1  }
0x96: {  	v1 =	vshrl.u32 v3, $0x5;
	[tilespmem:$0x149B0] =	vst v2  }
0x97: {  	v2 =	vshrl.u32 v62, $0x5;
	[tilespmem:$0x14990] =	vst v1  }
0x98: {  	[tilespmem:$0x14980] =	vst v2;
	v1 =	vshrl.u32 v63, $0x5  }
0x99: {  	s15 =	sadd.s32 $0xA0, s21;
	s16 =	sadd.s32 $0x14, s22;
	s13 =	simm.s32 $0xA00;
	[tilespmem:$0x149A0] =	vst v1  }
.LBB2_4:
0x9a: {  	[spmem:s2] =	stream.indirect.scatter.add.f32 [tilespmem:s29], [sflag:$0x7], $0x80, s28, s7, $0xb8;
	[tilespmem:$0x1EA00] =	vst v63  }
0x9b: {  	_ =	swait.ge [sflag:s24], $0x2800  }
0x9c: {  	[sflag:s24] =	ssyncset.done $0x0  }
0x9d: {  	s18 =	rddreg [dreg:$0x6];
	[sflag:s24] =	ssyncadd.s32 $0xFFFFD800  }
0x9e: {  	[spmem:s3] =	stream.indirect.scatter.add.f32 [tilespmem:s30], [sflag:$0x7], $0x80, s18, s7, $0xb8;
	[tilespmem:$0x1EA00] =	vst v63  }
0x9f: {  	_ =	swait.ge [sflag:s24], $0x2800  }
0xa0: {  	s17 =	smov.u32 s13;
	s20 =	rddreg [dreg:$0x4];
	[sflag:s24] =	ssyncset.done $0x0  }
0xa1: {  	s19 =	rddreg [dreg:$0x5];
	[sflag:s24] =	ssyncadd.s32 $0xFFFFD800;
	s18 =	sadd.s32 s17, s20  }
0xa2: {  	[tilespmem:s28], [sflag:$0x4] =	stream.linear.gather [hbm4b:s16+s4], $0x50, $0x38;
	[tilespmem:$0x1EA00] =	vst v63  }
0xa3: {  	s17 =	sadd.s32 s17, s19;
	s20 =	sadd.s32 $0x500, s18  }
0xa4: {  	[tilespmem:s29], [sflag:$0x5] =	stream.linear.gather [hbm4b:s20+s4], $0x2800, $0x38;
	[tilespmem:$0x1EA00] =	vst v63  }
0xa5: {  	s19 =	sadd.s32 $0x500, s17  }
0xa6: {  	[tilespmem:s30], [sflag:$0x6] =	stream.linear.gather [hbm4b:s19+s4], $0x2800, $0x38;
	[tilespmem:$0x1EA00] =	vst v63  }
0xa7: {  	_ =	swait.ge [sflag:s31], $0x50  }
0xa8: {  	[sflag:s31] =	ssyncset.done $0x0  }
0xa9: {  	[sflag:s31] =	ssyncadd.s32 $0xFFFFFFB0  }
0xaa: {  	_ =	swait.ge [sflag:s0], $0x2800  }
0xab: {  	[sflag:s0] =	ssyncset.done $0x0  }
0xac: {  	[sflag:s0] =	ssyncadd.s32 $0xFFFFD800  }
0xad: {  	_ =	swait.ge [sflag:s1], $0x2800  }
0xae: {  	[sflag:s1] =	ssyncset.done $0x0  }
0xaf: {  	[sflag:s1] =	ssyncadd.s32 $0xFFFFD800  }
0xb0: {  	v1 =	vld [tilespmem:$0x14840]  }
0xb1: {  	v2 =	vld [tilespmem:$0x14820]  }
0xb2: {  	v3 =	vld [tilespmem:$0x14810]  }
0xb3: {  	v4 =	vld [tilespmem:$0x14800]  }
0xb4: {  	v5 =	vld [tilespmem:$0x14830]  }
0xb5: {  	v1 =	vshrl.u32 v1, $0x5  }
0xb6: {  	v2 =	vshrl.u32 v2, $0x5;
	[tilespmem:$0x14940] =	vst v1  }
0xb7: {  	v1 =	vshrl.u32 v3, $0x5;
	[tilespmem:$0x14920] =	vst v2  }
0xb8: {  	v2 =	vshrl.u32 v4, $0x5;
	[tilespmem:$0x14910] =	vst v1  }
0xb9: {  	[tilespmem:$0x14900] =	vst v2;
	v1 =	vshrl.u32 v5, $0x5  }
0xba: {  	[tilespmem:$0x14930] =	vst v1  }
0xbb: {  	[spmem:s2] =	stream.indirect.scatter.add.f32 [tilespmem:s23], [sflag:$0x7], $0x80, s25, s7, $0xb8;
	[tilespmem:$0x1EA00] =	vst v63  }
0xbc: {  	_ =	swait.ge [sflag:s24], $0x2800  }
0xbd: {  	[sflag:s24] =	ssyncset.done $0x0  }
0xbe: {  	[sflag:s24] =	ssyncadd.s32 $0xFFFFD800  }
0xbf: {  	[spmem:s3] =	stream.indirect.scatter.add.f32 [tilespmem:s26], [sflag:$0x7], $0x80, s8, s7, $0xb8;
	[tilespmem:$0x1EA00] =	vst v63  }
0xc0: {  	_ =	swait.ge [sflag:s24], $0x2800  }
0xc1: {  	s20 =	sshrl.u32 s15, $0x3;
	[sflag:s24] =	ssyncset.done $0x0  }
0xc2: {  	s19 =	sadd.s32 s5, s20;
	[sflag:s24] =	ssyncadd.s32 $0xFFFFD800  }
0xc3: {  	[tilespmem:s25], [sflag:$0x1] =	stream.linear.gather [hbm4b:s19+s4], $0x50, $0x38;
	[tilespmem:$0x1EA00] =	vst v63  }
0xc4: {  	s18 =	sadd.s32 $0xA00, s18  }
0xc5: {  	[tilespmem:s23], [sflag:$0x2] =	stream.linear.gather [hbm4b:s18+s4], $0x2800, $0x38;
	[tilespmem:$0x1EA00] =	vst v63  }
0xc6: {  	s17 =	sadd.s32 $0xA00, s17  }
0xc7: {  	[tilespmem:s26], [sflag:$0x3] =	stream.linear.gather [hbm4b:s17+s4], $0x2800, $0x38;
	[tilespmem:$0x1EA00] =	vst v63  }
0xc8: {  	_ =	swait.ge [sflag:s9], $0x50  }
0xc9: {  	[sflag:s9] =	ssyncset.done $0x0  }
0xca: {  	[sflag:s9] =	ssyncadd.s32 $0xFFFFFFB0  }
0xcb: {  	_ =	swait.ge [sflag:s10], $0x2800  }
0xcc: {  	[sflag:s10] =	ssyncset.done $0x0  }
0xcd: {  	[sflag:s10] =	ssyncadd.s32 $0xFFFFD800  }
0xce: {  	_ =	swait.ge [sflag:s11], $0x2800  }
0xcf: {  	[sflag:s11] =	ssyncset.done $0x0  }
0xd0: {  	[sflag:s11] =	ssyncadd.s32 $0xFFFFD800  }
0xd1: {  	v1 =	vld [tilespmem:$0x148C0]  }
0xd2: {  	v2 =	vld [tilespmem:$0x148B0]  }
0xd3: {  	v3 =	vld [tilespmem:$0x14890]  }
0xd4: {  	v62 =	vld [tilespmem:$0x14880]  }
0xd5: {  	v63 =	vld [tilespmem:$0x148A0]  }
0xd6: {  	p0 =	sne.s32 s13, $0x26200;
	v1 =	vshrl.u32 v1, $0x5  }
.Ltmp1:
0xd7: {  	v2 =	vshrl.u32 v2, $0x5;
	[tilespmem:$0x149C0] =	vst v1;
	(pc) =	sbr.rel @p0 .LBB2_4-.Ltmp1, $4  }
0xd8: {  	v1 =	vshrl.u32 v3, $0x5;
	[tilespmem:$0x149B0] =	vst v2  }
0xd9: {  	v2 =	vshrl.u32 v62, $0x5;
	[tilespmem:$0x14990] =	vst v1  }
0xda: {  	[tilespmem:$0x14980] =	vst v2;
	v1 =	vshrl.u32 v63, $0x5  }
0xdb: {  	s13 =	sadd.s32 $0xA00, s13;
	s16 =	sadd.s32 $0x14, s16;
	s15 =	sadd.s32 $0xA0, s15;
	[tilespmem:$0x149A0] =	vst v1  }
0xdc: {  	[spmem:s2] =	stream.indirect.scatter.add.f32 [tilespmem:s29], [sflag:$0x7], $0x80, s28, s7, $0xb8;
	[tilespmem:$0x1EA00] =	vst v63  }
0xdd: {  	_ =	swait.ge [sflag:s24], $0x2800  }
0xde: {  	[sflag:s24] =	ssyncset.done $0x0  }
0xdf: {  	s13 =	rddreg [dreg:$0x6];
	[sflag:s24] =	ssyncadd.s32 $0xFFFFD800  }
0xe0: {  	[spmem:s3] =	stream.indirect.scatter.add.f32 [tilespmem:s30], [sflag:$0x7], $0x80, s13, s7, $0xb8;
	[tilespmem:$0x1EA00] =	vst v63  }
0xe1: {  	_ =	swait.ge [sflag:s24], $0x2800  }
0xe2: {  	[sflag:s24] =	ssyncset.done $0x0  }
0xe3: {  	[sflag:s24] =	ssyncadd.s32 $0xFFFFD800  }
0xe4: {  	_ =	swait.ge [sflag:s31], $0x50  }
0xe5: {  	[sflag:s31] =	ssyncset.done $0x0  }
0xe6: {  	[sflag:s31] =	ssyncadd.s32 $0xFFFFFFB0  }
0xe7: {  	_ =	swait.ge [sflag:s0], $0x2800  }
0xe8: {  	[sflag:s0] =	ssyncset.done $0x0  }
0xe9: {  	[sflag:s0] =	ssyncadd.s32 $0xFFFFD800  }
0xea: {  	_ =	swait.ge [sflag:s1], $0x2800  }
0xeb: {  	[sflag:s1] =	ssyncset.done $0x0  }
0xec: {  	[sflag:s1] =	ssyncadd.s32 $0xFFFFD800  }
0xed: {  	v1 =	vld [tilespmem:$0x14800]  }
0xee: {  	v2 =	vld [tilespmem:$0x14810]  }
0xef: {  	v3 =	vld [tilespmem:$0x14820]  }
0xf0: {  	v4 =	vld [tilespmem:$0x14830]  }
0xf1: {  	v5 =	vld [tilespmem:$0x14840]  }
0xf2: {  	v1 =	vshrl.u32 v1, $0x5  }
0xf3: {  	[tilespmem:$0x14900] =	vst v1;
	v1 =	vshrl.u32 v2, $0x5  }
0xf4: {  	[tilespmem:$0x14910] =	vst v1;
	v1 =	vshrl.u32 v3, $0x5  }
0xf5: {  	[tilespmem:$0x14920] =	vst v1;
	v1 =	vshrl.u32 v4, $0x5  }
0xf6: {  	[tilespmem:$0x14930] =	vst v1;
	v1 =	vshrl.u32 v5, $0x5  }
0xf7: {  	[tilespmem:$0x14940] =	vst v1  }
0xf8: {  	[spmem:s2] =	stream.indirect.scatter.add.f32 [tilespmem:s23], [sflag:$0x7], $0x80, s25, s7, $0xb8;
	[tilespmem:$0x1EA00] =	vst v63  }
0xf9: {  	_ =	swait.ge [sflag:s24], $0x2800  }
0xfa: {  	[sflag:s24] =	ssyncset.done $0x0  }
0xfb: {  	[sflag:s24] =	ssyncadd.s32 $0xFFFFD800  }
0xfc: {  	[spmem:s3] =	stream.indirect.scatter.add.f32 [tilespmem:s26], [sflag:$0x7], $0x80, s8, s7, $0xb8;
	[tilespmem:$0x1EA00] =	vst v63  }
0xfd: {  	_ =	swait.ge [sflag:s24], $0x2800  }
0xfe: {  	[sflag:s24] =	ssyncset.done $0x0  }
0xff: {  	s17 =	stileid.u32;
	[sflag:s24] =	ssyncadd.s32 $0xFFFFD800  }
0x100: {  	s13 =	sshll.u32 s17, $0x6;
	[bflag:$0x0] =	sbarrier.arrive $0xFFFF  }
0x101: {  	s15 =	sshrl.u32 s6, $0x3;
	s13 =	sor.u32 $0x1C07, s13;
	s16 =	rddreg [dreg:$0x11]  }
0x102: {  	[hbm:s16], [sflag:s13] =	dma.local [spmem:s15], $0x2780  }
0x103: {  	_ =	swait.ge [sflag:s24], $0x2780  }
0x104: {  	[sflag:s24] =	ssyncset.done $0x0  }
0x105: {  	s18 =	sshrl.u32 s14, $0x3;
	s19 =	rddreg [dreg:$0x12];
	[sflag:s24] =	ssyncadd.s32 $0xFFFFD880  }
0x106: {  	[hbm:s19], [sflag:s13] =	dma.local [spmem:s18], $0x180  }
0x107: {  	_ =	swait.ge [sflag:s24], $0x180  }
0x108: {  	s12 =	sadd.s32 $0x1, s12;
	s20 =	rddreg [dreg:$0x13]  }
0x109: {  	p0 =	sne.s32 s12, s20  }
.Ltmp2:
0x10a: {  	_ = 	snop;
	(pc) =	sbr.rel @p0 .LBB2_1-.Ltmp2, $3  }
0x10b: {  	_ =	sdelay $0x1  }
0x10c: {  	[sflag:s24] =	ssyncset.done $0x0  }
0x10d: {  	[sflag:s24] =	ssyncadd.s32 $0xFFFFFE80  }
0x10e: {  	_ =	sfence.sel $0x180000  }
0x10f: {  	[bflag:$0x0] =	sbarrier.arrive $0xFFFF  }
0x110: {  	_ =	strace $0x9000004A  }
0x111: {  	s0 =	stileid.u32;
	[bflag:$0x2] =	sbarrier.arrive $0xFFFF  }
0x112: {  	p0 =	sne.s32 s0, $0x0;
	s0 =	rddreg [dreg:$0x3]  }
0x113: {  	s0 =	sadd.s32 @!p0 $0x100000, s0  }
0x114: {  	[sflag:s0] =	ssyncadd.tile.s32 @!p0 $0x1;
	_ =	shalt  }
.Lfunc_end2:
_tile_overlayer_lowered:
.L_overlay_start_2:
0x115: {  	(tag) =	ssettag $0x2  }
0x116: {  	s0 =	rddreg [dreg:$0x0];
	s2 =	stileid.u32  }
0x117: {  	s1 =	rddreg [dreg:$0x1];
	p0 =	sne.s32 s2, $0x0  }
0x118: {  	s3 =	rddreg [dreg:$0x2];
	[bflag:$0x3] =	sbarrier.arrive $0xFFFF;
	s2 =	simm.s32 @!p0 $0x1C07  }
0x119: {  	[timem:s3], [sflag:s2] =	dma.local @!p0 [hbm:s0], s1  }
0x11a: {  	s0 =	simm.s32 @!p0 $0x7  }
0x11b: {  	_ =	swait.ge @!p0 [sflag:s0], s1  }
0x11c: {  	s1 =	ssub.s32 @!p0 $0x0, s1;
	[sflag:s0] =	ssyncset.done @!p0 $0x0  }
0x11d: {  	[sflag:s0] =	ssyncadd.s32 @!p0 s1  }
0x11e: {  	[bflag:$0x3] =	sbarrier.arrive $0xFFFF  }
0x11f: {  	_ =	shalt  }

// kernel: kernel.7.cloned.1.call-start
scs
__scs_entry_jumppad:
0x0: {  	(pc) =	sbr.rel $0x88, $3  }
0x1: {  	(tag) =	ssettag $0x0;
	lr =	simm.s32 $0x1  }
0x2: {  	[smem:$0x3F92] =	sst lr;
	_ =	strace $0xD0000000  }
0x3: {  	_ = 	snop  }
0x4: {  	_ = 	snop  }
0x5: {  	_ = 	snop  }
0x6: {  	_ = 	snop  }
0x7: {  	_ = 	snop  }
__scs_overlays_trampoline_lowered:
0x8: {  	[smem:$0x3FA1] =	sst s0  }
0x9: {  	[smem:$0x3FA2] =	sst s1  }
0xa: {  	[smem:$0x3FA3] =	sst s2  }
0xb: {  	[smem:$0x3FA4] =	sst s3  }
0xc: {  	[smem:$0x3FA5] =	sst s4  }
0xd: {  	[smem:$0x3FA6] =	sst s5  }
0xe: {  	[smem:$0x3FA7] =	sst s6  }
0xf: {  	[smem:$0x3FA8] =	sst s7  }
0x10: {  	[smem:$0x3FA9] =	sst s8  }
0x11: {  	[smem:$0x3FAA] =	sst s9;
	s0 =	simm.s32 @!p0 $0x0  }
0x12: {  	s1 =	sld [smem:$0x3F90];
	s0 =	simm.s32 @p0 $0x1  }
0x13: {  	[smem:$0x3FAB] =	sst s0;
	s0 =	simm.s32 @!p1 $0x0  }
0x14: {  	s2 =	sld [smem:$0x3F8F];
	s0 =	simm.s32 @p1 $0x1  }
0x15: {  	[smem:$0x3FAC] =	sst s0;
	s0 =	simm.s32 @!p2 $0x0  }
0x16: {  	s3 =	sld [smem:$0x3FDB];
	s0 =	simm.s32 @p2 $0x1  }
0x17: {  	s4 =	simm.s32 $0x1BF5;
	[smem:$0x3FAE] =	sst s0  }
0x18: {  	s0 =	sld [smem:$0x3F91];
	_ =	swait.ge [sflag:s4], $0x0  }
0x19: {  	s7 =	sld [smem:$0x3F92]  }
0x1a: {  	s8 =	sadd.s32 $0xFFFFE003, lr  }
0x1b: {  	s9 =	sadd.s32 $0xFFFFFEF7, lr;
	s5 =	simm.s32 $0xFFFFFFFF;
	p2 =	slt.u32 s8, $0xFFFFF086  }
0x1c: {  	p1 =	slt.u32 s9, $0xF7A;
	s5 =	simm.s32 @!p2 $0x0  }
0x1d: {  	s5 =	simm.s32 @p1 $0x1;
	p0 =	seq.s32 s7, s2  }
0x1e: {  	s7 =	smul.u32 @!p0 $0xF7A, s2;
	p2 =	seq.s32 @!p0 s5, $0x0  }
0x1f: {  	s9 =	smul.u32 $0xF7A, s1;
	s8 =	simm.s32 @!p0 $0x1BF5;
	p2 =	por !p2, p0  }
0x20: {  	[sflag:s8] =	ssyncset.s32 @!p0 $0xFFFFF086;
	s6 =	sadd.s32 @!p0 s3, s7;
	s7 =	simm.s32 @!p0 $0x108  }
0x21: {  	s3 =	sadd.s32 s3, s9;
	s6 =	sadd.s32 @!p0 $0x88, s6;
	s7 =	simm.s32 @p2 $0x1082  }
0x22: {  	[simem:s7], [sflag:s8] =	dma.local @!p0 [hbm:s6], $0xF7A  }
0x23: {  	s9 =	sor.u32 $0xD0000000, s2;
	s6 =	simm.s32 $0x108;
	_ =	swait.ge @!p0 [sflag:s8], $0x0  }
0x24: {  	s3 =	sadd.s32 $0x88, s3;
	s6 =	simm.s32 @!p1 $0x1082;
	[sflag:s4] =	ssyncset.s32 $0xFFFFF086  }
0x25: {  	[simem:s6], [sflag:s4] =	dma.local [hbm:s3], $0xF7A  }
0x26: {  	[smem:$0x3F92] =	sst s1;
	(tag) =	ssettag s2;
	_ =	strace s9  }
0x27: {  	s1 =	sld [smem:$0x3FA2]  }
0x28: {  	s2 =	sld [smem:$0x3FA3]  }
0x29: {  	s4 =	sld [smem:$0x3FA5]  }
0x2a: {  	p0 =	seq.s32 s5, $0x0;
	s5 =	sld [smem:$0x3FA6]  }
0x2b: {  	s6 =	sld [smem:$0x3FA7]  }
0x2c: {  	s7 =	sld [smem:$0x3FA8]  }
0x2d: {  	s3 =	simm.s32 $0x108;
	s8 =	sld [smem:$0x3FA9]  }
0x2e: {  	s3 =	simm.s32 @!p0 $0x1082;
	s9 =	sld [smem:$0x3FAA]  }
0x2f: {  	lr =	sadd.s32 s0, s3;
	s0 =	sld [smem:$0x3FA1]  }
0x30: {  	s3 =	sld [smem:$0x3FA4]  }
0x31: {  	[smem:$0x3FAD] =	sst s10  }
0x32: {  	s10 =	sld [smem:$0x3FAB];
	_ =	sdelay $0x3  }
0x33: {  	p0 =	seq.s32 s10, $0x1;
	s10 =	sld [smem:$0x3FAD];
	_ =	sdelay $0x3  }
0x34: {  	[smem:$0x3FAD] =	sst s10  }
0x35: {  	s10 =	sld [smem:$0x3FAC];
	_ =	sdelay $0x3  }
0x36: {  	p1 =	seq.s32 s10, $0x1;
	s10 =	sld [smem:$0x3FAD];
	_ =	sdelay $0x3  }
0x37: {  	[smem:$0x3FAD] =	sst s10  }
0x38: {  	s10 =	sld [smem:$0x3FAE]  }
0x39: {  	_ = 	snop;
	(pc) =	sbr.ind lr, $3  }
0x3a: {  	_ = 	snop  }
0x3b: {  	_ = 	snop  }
0x3c: {  	p2 =	seq.s32 s10, $0x1;
	s10 =	sld [smem:$0x3FAD]  }
0x3d: {  	_ =	shalt  }
0x3e: {  	_ =	shalt  }
0x3f: {  	_ =	shalt  }
0x40: {  	_ =	shalt  }
0x41: {  	_ =	shalt  }
0x42: {  	_ =	shalt  }
0x43: {  	_ =	shalt  }
0x44: {  	_ =	shalt  }
0x45: {  	_ =	shalt  }
0x46: {  	_ =	shalt  }
0x47: {  	_ =	shalt  }
0x48: {  	_ =	shalt  }
0x49: {  	_ =	shalt  }
0x4a: {  	_ =	shalt  }
0x4b: {  	_ =	shalt  }
0x4c: {  	_ =	shalt  }
0x4d: {  	_ =	shalt  }
0x4e: {  	_ =	shalt  }
0x4f: {  	_ =	shalt  }
0x50: {  	_ =	shalt  }
0x51: {  	_ =	shalt  }
0x52: {  	_ =	shalt  }
0x53: {  	_ =	shalt  }
0x54: {  	_ =	shalt  }
0x55: {  	_ =	shalt  }
0x56: {  	_ =	shalt  }
0x57: {  	_ =	shalt  }
0x58: {  	_ =	shalt  }
0x59: {  	_ =	shalt  }
0x5a: {  	_ =	shalt  }
0x5b: {  	_ =	shalt  }
0x5c: {  	_ =	shalt  }
0x5d: {  	_ =	shalt  }
0x5e: {  	_ =	shalt  }
0x5f: {  	_ =	shalt  }
0x60: {  	_ =	shalt  }
0x61: {  	_ =	shalt  }
0x62: {  	_ =	shalt  }
0x63: {  	_ =	shalt  }
0x64: {  	_ =	shalt  }
0x65: {  	_ =	shalt  }
0x66: {  	_ =	shalt  }
0x67: {  	_ =	shalt  }
0x68: {  	_ =	shalt  }
0x69: {  	_ =	shalt  }
0x6a: {  	_ =	shalt  }
0x6b: {  	_ =	shalt  }
0x6c: {  	_ =	shalt  }
0x6d: {  	_ =	shalt  }
0x6e: {  	_ =	shalt  }
0x6f: {  	_ =	shalt  }
0x70: {  	_ =	shalt  }
0x71: {  	_ =	shalt  }
0x72: {  	_ =	shalt  }
0x73: {  	_ =	shalt  }
0x74: {  	_ =	shalt  }
0x75: {  	_ =	shalt  }
0x76: {  	_ =	shalt  }
0x77: {  	_ =	shalt  }
0x78: {  	_ =	shalt  }
0x79: {  	_ =	shalt  }
0x7a: {  	_ =	shalt  }
0x7b: {  	_ =	shalt  }
0x7c: {  	_ =	shalt  }
0x7d: {  	_ =	shalt  }
0x7e: {  	_ =	shalt  }
0x7f: {  	_ =	shalt  }
0x80: {  	_ =	shalt  }
0x81: {  	_ =	shalt  }
0x82: {  	_ =	shalt  }
0x83: {  	_ =	shalt  }
0x84: {  	_ =	shalt  }
0x85: {  	_ =	shalt  }
0x86: {  	_ =	shalt  }
0x87: {  	_ =	shalt  }
.Lfunc_end0:
.L_simem_size_0:
called_computation_lowered:
.L_overlay_start_0:
0x88: {  	s2 =	sld [smem:$0x3FD9]  }
0x89: {  	s3 =	sld [smem:$0x3FFE];
	_ =	sdelay $0x1  }
0x8a: {  	s1 =	srdreg.scid  }
0x8b: {  	s0 =	sand.u32 $0x1, s1  }
0x8c: {  	s16 =	sshll.u32 s0, $0xA;
	s2 =	sadd.s32 s3, s2  }
0x8d: {  	s2 =	sadd.s32 s2, s16  }
0x8e: {  	[smem:$0x3FB9] =	sst s2  }
0x8f: {  	_ = 	snop  }
0x90: {  	(tm) =	ssettm $0x1  }
0x91: {  	s17 =	sld [smem:$0x3FFB];
	_ =	sdelay $0x3  }
0x92: {  	_ =	strace s17  }
0x93: {  	s2 =	sld [smem:$0x3FFC];
	_ =	sdelay $0x3  }
0x94: {  	_ =	strace s2  }
0x95: {  	s2 =	sld [smem:$0x3FFD];
	_ =	sdelay $0x3  }
0x96: {  	_ =	strace s2  }
0x97: {  	_ =	strace $0x8FFFFFFF  }
0x98: {  	s18 =	sld [smem:$0x3FDB];
	_ =	sdelay $0x1  }
0x99: {  	s19 =	simm.s32 $_scs_section_size  }
0x9a: {  	s4 =	simm.s32 $_size__tile_overlayer_lowered;
	s5 =	simm.s32 $_tile_overlayer_lowered  }
0x9b: {  	s22 =	simm.s32 $0x1BFF;
	s21 =	sshll.u32 s5, $0x1;
	s2 =	sadd.s32 s19, s18  }
0x9c: {  	s6 =	simm.s32 $0x0;
	s20 =	sshll.u32 s4, $0x1;
	s4 =	sadd.s32 s21, s2  }
0x9d: {  	[timem:s6], [sflag:s22] =	dma.local [hbm:s4], s20  }
0x9e: {  	_ =	swait.ge [sflag:s22], s20  }
0x9f: {  	s3 =	ssub.s32 $0x0, s20;
	[sflag:s22] =	ssyncset.done $0x0  }
0xa0: {  	[sflag:s22] =	ssyncadd.s32 s3;
	_ =	sdelay $0x1  }
0xa1: {  	s23 =	simm.s32 $0x1B8B  }
0xa2: {  	_ =	swait.ge [sflag:s23], $0x1  }
0xa3: {  	[sflag:s23] =	ssyncset.done $0x0  }
0xa4: {  	s25 =	simm.s32 $0x1B8E;
	s24 =	sld [smem:$0x3FFE];
	[sflag:s23] =	ssyncadd.s32 $0xFFFFFFFF  }
0xa5: {  	s26 =	simm.s32 $execute0_lowered;
	[smem:$0x3FD2] =	sst s25  }
0xa6: {  	s4 =	sshll.u32 s26, $0x1;
	_ =	strace $0x80000046;
	[dreg:$0x1] =	wrdreg $0xFFFFFFFF  }
0xa7: {  	s28 =	simm.s32 $_size_execute0_lowered;
	s2 =	sadd.s32 s2, s4;
	[dreg:$0x0] =	wrdreg $0x0  }
0xa8: {  	s4 =	sshll.u32 s28, $0x1;
	[dreg:$0x2] =	wrdreg s2  }
0xa9: {  	[dreg:$0x3] =	wrdreg s4  }
0xaa: {  	[dreg:$0x4] =	wrdreg $0xC0  }
0xab: {  	_ =	task [dreg:s6], $0x5FFFF  }
0xac: {  	[dreg:$0x1] =	wrdreg $0xFFFFFFFF  }
0xad: {  	[dreg:$0x0] =	wrdreg $0x60  }
0xae: {  	[dreg:$0x2] =	wrdreg s24  }
0xaf: {  	[dreg:$0x3] =	wrdreg $0x9  }
0xb0: {  	_ =	task.clear_ibuf [dreg:s6], $0x4FFFF;
	_ =	strace $0x90000046  }
0xb1: {  	s29 =	simm.s32 $0x9;
	_ =	strace $0x80000048  }
0xb2: {  	_ =	swait.ge [sflag:s29], $0x1  }
0xb3: {  	[sflag:s29] =	ssyncadd.s32 $0xFFFFFFFF  }
0xb4: {  	_ =	strace $0x90000048  }
0xb5: {  	_ =	sfence  }
0xb6: {  	s30 =	sld [smem:$0x0];
	_ =	sdelay $0x2  }
0xb7: {  	s31 =	sshll.u32 s1, $0xD;
	s1 =	sshrl.u32 s1, $0x2  }
0xb8: {  	s3 =	sand.u32 $0x4000, s31;
	s1 =	sadd.s32 s1, s30  }
0xb9: {  	s0 =	sor.u32 s3, s0;
	s1 =	sshll.u32 s1, $0x11  }
0xba: {  	s0 =	sor.u32 s1, s0  }
0xbb: {  	s0 =	sadd.s32 $0x8F2B, s0  }
0xbc: {  	[sflag:s0] =	ssyncadd.remote.s32 $0x1  }
0xbd: {  	_ =	sfence.sel $0xFFFF  }
0xbe: {  	[dreg:$0x0] =	wrdreg $0xFFFFFFFF;
	(pc) =	sbr.abs _section_cstart, $3  }
0xbf: {  	[dreg:$0x1] =	wrdreg $0xFFFFFFFF  }
0xc0: {  	_ =	task.clear_ibuf [dreg:s6], $0x2FFFF;
	_ =	strace $0x9FFFFFFF  }
0xc1: {  	(tm) =	ssettm $0x7FFFFFFF  }
tec
execute0_lowered:
.L_overlay_start_1:
0x0: {  	(tag) =	ssettag $0x1  }
0x1: {  	s0 =	rddreg [dreg:$0x0]  }
0x2: {  	s2 =	simm.s32 $0x0;
	s1 =	srdreg.scid;
	s3 =	stileid.u32  }
0x3: {  	s21 =	simm.s32 $0x1;
	s22 =	simm.s32 $0x2;
	s28 =	simm.s32 $0x6  }
0x4: {  	[smem:$0x7FF] =	sst s2;
	s1 =	sand.u32 $0x1, s1;
	s5 =	sshll.u32 s3, $0x1  }
0x5: {  	s3 =	sadd.s32 $0x18E00, s0;
	s4 =	sadd.s32 $0x67000, s0;
	s6 =	sor.u32 s1, s5  }
0x6: {  	s7 =	sadd.s32 $0x5200, s0;
	s8 =	sadd.s32 $0xB5200, s0;
	s10 =	smul.u32 $0x2710, s6  }
0x7: {  	_ =	strace $0x80000047;
	s5 =	sadd.s32 $0xF000, s0;
	s1 =	ssub.s32 $0x2, s1  }
0x8: {  	s23 =	sshrl.u32 s1, $0x1;
	s11 =	sadd.s32 $0x50, s10;
	[dreg:$0x2] =	wrdreg s10  }
0x9: {  	s6 =	smul.u32 $0x271000, s6;
	s29 =	sadd.s32 $0xA0, s10;
	[dreg:$0x3] =	wrdreg s11  }
0xa: {  	s0 =	ssub.s32 s1, s23;
	s31 =	sadd.s32 $0xF0, s10;
	[dreg:$0x8] =	wrdreg s29  }
0xb: {  	s9 =	sshrl.u32 s10, $0x3;
	s0 =	smax.u32 s0, $0x1;
	[dreg:$0x9] =	wrdreg s31  }
0xc: {  	s23 =	simm.s32 $0x3;
	s24 =	sadd.s32 s5, s9;
	[dreg:$0xb] =	wrdreg s0  }
0xd: {  	s25 =	sshrl.u32 s11, $0x3;
	s9 =	sadd.s32 s7, s9;
	[dreg:$0x4] =	wrdreg s24  }
0xe: {  	s6 =	sshrl.u32 s6, $0x3;
	[dreg:$0x5] =	wrdreg s9;
	s26 =	sadd.s32 s5, s25  }
0xf: {  	v2 =	vlaneseq.u32;
	s30 =	sadd.s32 s8, s6;
	s1 =	sadd.s32 s7, s25;
	[dreg:$0x6] =	wrdreg s26  }
0x10: {  	vm0 =	vmmov $0xffff;
	v1 =	vshrl.u32 v2, $0x3;
	s24 =	simm.s32 $0x4;
	[dreg:$0x7] =	wrdreg s1;
	s1 =	sadd.s32 $0x4D800, s30  }
0x11: {  	v0 =	vand.u32 $0x7, v2;
	v2 =	vor.u32 $0x8, v2;
	v1 =	vmul.u32 $0x8, v1;
	s26 =	simm.s32 $0x5;
	[dreg:$0xa] =	wrdreg s1;
	s1 =	simm.s32 $0x0  }
.LBB2_1:
0x12: {  	[dreg:$0xc] =	wrdreg s1  }
0x13: {  	s0 =	rddreg [dreg:$0x4]  }
0x14: {  	[tilespmem:s2], [sflag:$0x1] =	stream.linear.gather [hbm4b:s0+s2], $0x50, $0x38;
	[tilespmem:$0x1E200] =	vst v63  }
0x15: {  	s15 =	rddreg [dreg:$0x5];
	s16 =	simm.s32 $0x100  }
0x16: {  	[tilespmem:s16], [sflag:$0x1] =	stream.linear.gather [hbm4b:s15+s2], $0x50, $0x38;
	[tilespmem:$0x1E200] =	vst v63  }
0x17: {  	s17 =	rddreg [dreg:$0x6];
	s18 =	simm.s32 $0x80  }
0x18: {  	[tilespmem:s18], [sflag:$0x2] =	stream.linear.gather [hbm4b:s17+s2], $0x50, $0x38;
	[tilespmem:$0x1E200] =	vst v63  }
0x19: {  	s19 =	rddreg [dreg:$0x7];
	s20 =	simm.s32 $0x180  }
0x1a: {  	[tilespmem:s20], [sflag:$0x2] =	stream.linear.gather [hbm4b:s19+s2], $0x50, $0x38;
	[tilespmem:$0x1E200] =	vst v63  }
0x1b: {  	_ =	swait.ge [sflag:s21], $0x50  }
0x1c: {  	[sflag:s21] =	ssyncset.done $0x0  }
0x1d: {  	[sflag:s21] =	ssyncadd.s32 $0xFFFFFFB0  }
0x1e: {  	_ =	swait.ge [sflag:s21], $0x50  }
0x1f: {  	[sflag:s21] =	ssyncset.done $0x0  }
0x20: {  	[sflag:s21] =	ssyncadd.s32 $0xFFFFFFB0  }
0x21: {  	v3 =	vld [tilespmem:$0x0];
	_ =	sdelay $0x4  }
0x22: {  	v4 =	vshll.u32 v3, $0x1  }
0x23: {  	v3 =	vand.u32 $0x7, v3;
	v4 =	vand.u32 $0xFFFFFFF0, v4  }
0x24: {  	v3 =	vor.u32 v3, v4  }
0x25: {  	v4 =	vperm.xlane v3, v0;
	_ =	sdelay $0x1  }
0x26: {  	v3 =	vperm.xlane v3, v2;
	v4 =	vadd.s32 v1, v4;
	_ =	sdelay $0x1  }
0x27: {  	v3 =	vadd.s32 v1, v3;
	_ =	sdelay $0x1  }
0x28: {  	s25 =	simm.s32 $0x200  }
0x29: {  	[tilespmem:s25], [sflag:$0x3] =	stream.indirect_vreg.gather [hbm4b:s3+s2], $0x80, v4, vm0, $0xb8;
	[tilespmem:$0x1E200] =	vst v63  }
0x2a: {  	s29 =	simm.s32 $0xA00  }
0x2b: {  	[tilespmem:s29], [sflag:$0x3] =	stream.indirect_vreg.gather [hbm4b:s3+s2], $0x80, v3, vm0, $0xb8;
	[tilespmem:$0x1E200] =	vst v63  }
0x2c: {  	v3 =	vld [tilespmem:$0x10];
	_ =	sdelay $0x4  }
0x2d: {  	v55 =	vshll.u32 v3, $0x1  }
0x2e: {  	v3 =	vand.u32 $0x7, v3;
	v4 =	vand.u32 $0xFFFFFFF0, v55  }
0x2f: {  	v3 =	vor.u32 v3, v4  }
0x30: {  	v4 =	vperm.xlane v3, v0;
	_ =	sdelay $0x1  }
0x31: {  	v3 =	vperm.xlane v3, v2;
	v4 =	vadd.s32 v1, v4;
	_ =	sdelay $0x1  }
0x32: {  	v3 =	vadd.s32 v1, v3;
	_ =	sdelay $0x1  }
0x33: {  	s31 =	simm.s32 $0x1200  }
0x34: {  	[tilespmem:s31], [sflag:$0x3] =	stream.indirect_vreg.gather [hbm4b:s3+s2], $0x80, v4, vm0, $0xb8;
	[tilespmem:$0x1E200] =	vst v63  }
0x35: {  	s1 =	simm.s32 $0x1A00  }
0x36: {  	[tilespmem:s1], [sflag:$0x3] =	stream.indirect_vreg.gather [hbm4b:s3+s2], $0x80, v3, vm0, $0xb8;
	[tilespmem:$0x1E200] =	vst v63  }
0x37: {  	v3 =	vld [tilespmem:$0x20];
	_ =	sdelay $0x4  }
0x38: {  	v56 =	vshll.u32 v3, $0x1  }
0x39: {  	v3 =	vand.u32 $0x7, v3;
	v4 =	vand.u32 $0xFFFFFFF0, v56  }
0x3a: {  	v3 =	vor.u32 v3, v4  }
0x3b: {  	v4 =	vperm.xlane v3, v0;
	_ =	sdelay $0x1  }
0x3c: {  	v3 =	vperm.xlane v3, v2;
	v4 =	vadd.s32 v1, v4;
	_ =	sdelay $0x1  }
0x3d: {  	v3 =	vadd.s32 v1, v3;
	_ =	sdelay $0x1  }
0x3e: {  	s6 =	simm.s32 $0x2200  }
0x3f: {  	[tilespmem:s6], [sflag:$0x3] =	stream.indirect_vreg.gather [hbm4b:s3+s2], $0x80, v4, vm0, $0xb8;
	[tilespmem:$0x1E200] =	vst v63  }
0x40: {  	s9 =	simm.s32 $0x2A00  }
0x41: {  	[tilespmem:s9], [sflag:$0x3] =	stream.indirect_vreg.gather [hbm4b:s3+s2], $0x80, v3, vm0, $0xb8;
	[tilespmem:$0x1E200] =	vst v63  }
0x42: {  	v3 =	vld [tilespmem:$0x30];
	_ =	sdelay $0x4  }
0x43: {  	v57 =	vshll.u32 v3, $0x1  }
0x44: {  	v3 =	vand.u32 $0x7, v3;
	v4 =	vand.u32 $0xFFFFFFF0, v57  }
0x45: {  	v3 =	vor.u32 v3, v4  }
0x46: {  	v4 =	vperm.xlane v3, v0;
	_ =	sdelay $0x1  }
0x47: {  	v3 =	vperm.xlane v3, v2;
	v4 =	vadd.s32 v1, v4;
	_ =	sdelay $0x1  }
0x48: {  	v3 =	vadd.s32 v1, v3;
	_ =	sdelay $0x1  }
0x49: {  	s10 =	simm.s32 $0x3200  }
0x4a: {  	[tilespmem:s10], [sflag:$0x3] =	stream.indirect_vreg.gather [hbm4b:s3+s2], $0x80, v4, vm0, $0xb8;
	[tilespmem:$0x1E200] =	vst v63  }
0x4b: {  	s11 =	simm.s32 $0x3A00  }
0x4c: {  	[tilespmem:s11], [sflag:$0x3] =	stream.indirect_vreg.gather [hbm4b:s3+s2], $0x80, v3, vm0, $0xb8;
	[tilespmem:$0x1E200] =	vst v63  }
0x4d: {  	v3 =	vld [tilespmem:$0x40];
	_ =	sdelay $0x4  }
0x4e: {  	v58 =	vshll.u32 v3, $0x1  }
0x4f: {  	v3 =	vand.u32 $0x7, v3;
	v4 =	vand.u32 $0xFFFFFFF0, v58  }
0x50: {  	v3 =	vor.u32 v3, v4  }
0x51: {  	v4 =	vperm.xlane v3, v0;
	_ =	sdelay $0x1  }
0x52: {  	v3 =	vperm.xlane v3, v2;
	v4 =	vadd.s32 v1, v4;
	_ =	sdelay $0x1  }
0x53: {  	v3 =	vadd.s32 v1, v3;
	_ =	sdelay $0x1  }
0x54: {  	s12 =	simm.s32 $0x4200  }
0x55: {  	[tilespmem:s12], [sflag:$0x3] =	stream.indirect_vreg.gather [hbm4b:s3+s2], $0x80, v4, vm0, $0xb8;
	[tilespmem:$0x1E200] =	vst v63  }
0x56: {  	s13 =	simm.s32 $0x4A00  }
0x57: {  	[tilespmem:s13], [sflag:$0x3] =	stream.indirect_vreg.gather [hbm4b:s3+s2], $0x80, v3, vm0, $0xb8;
	[tilespmem:$0x1E200] =	vst v63  }
0x58: {  	v3 =	vld [tilespmem:$0x100];
	_ =	sdelay $0x4  }
0x59: {  	v59 =	vshll.u32 v3, $0x1  }
0x5a: {  	v3 =	vand.u32 $0x7, v3;
	v4 =	vand.u32 $0xFFFFFFF0, v59  }
0x5b: {  	v3 =	vor.u32 v3, v4  }
0x5c: {  	v4 =	vperm.xlane v3, v0;
	_ =	sdelay $0x1  }
0x5d: {  	v3 =	vperm.xlane v3, v2;
	v4 =	vadd.s32 v1, v4;
	_ =	sdelay $0x1  }
0x5e: {  	v3 =	vadd.s32 v1, v3;
	_ =	sdelay $0x1  }
0x5f: {  	s14 =	simm.s32 $0xA200  }
0x60: {  	[tilespmem:s14], [sflag:$0x4] =	stream.indirect_vreg.gather [hbm4b:s4+s2], $0x80, v4, vm0, $0xb8;
	[tilespmem:$0x1E200] =	vst v63  }
0x61: {  	s15 =	simm.s32 $0xAA00  }
0x62: {  	[tilespmem:s15], [sflag:$0x4] =	stream.indirect_vreg.gather [hbm4b:s4+s2], $0x80, v3, vm0, $0xb8;
	[tilespmem:$0x1E200] =	vst v63  }
0x63: {  	v3 =	vld [tilespmem:$0x110];
	_ =	sdelay $0x4  }
0x64: {  	v60 =	vshll.u32 v3, $0x1  }
0x65: {  	v3 =	vand.u32 $0x7, v3;
	v4 =	vand.u32 $0xFFFFFFF0, v60  }
0x66: {  	v3 =	vor.u32 v3, v4  }
0x67: {  	v4 =	vperm.xlane v3, v0;
	_ =	sdelay $0x1  }
0x68: {  	v3 =	vperm.xlane v3, v2;
	v4 =	vadd.s32 v1, v4;
	_ =	sdelay $0x1  }
0x69: {  	v3 =	vadd.s32 v1, v3;
	_ =	sdelay $0x1  }
0x6a: {  	s16 =	simm.s32 $0xB200  }
0x6b: {  	[tilespmem:s16], [sflag:$0x4] =	stream.indirect_vreg.gather [hbm4b:s4+s2], $0x80, v4, vm0, $0xb8;
	[tilespmem:$0x1E200] =	vst v63  }
0x6c: {  	s17 =	simm.s32 $0xBA00  }
0x6d: {  	[tilespmem:s17], [sflag:$0x4] =	stream.indirect_vreg.gather [hbm4b:s4+s2], $0x80, v3, vm0, $0xb8;
	[tilespmem:$0x1E200] =	vst v63  }
0x6e: {  	v3 =	vld [tilespmem:$0x120];
	_ =	sdelay $0x4  }
0x6f: {  	v61 =	vshll.u32 v3, $0x1  }
0x70: {  	v3 =	vand.u32 $0x7, v3;
	v4 =	vand.u32 $0xFFFFFFF0, v61  }
0x71: {  	v3 =	vor.u32 v3, v4  }
0x72: {  	v4 =	vperm.xlane v3, v0;
	_ =	sdelay $0x1  }
0x73: {  	v3 =	vperm.xlane v3, v2;
	v4 =	vadd.s32 v1, v4;
	_ =	sdelay $0x1  }
0x74: {  	v3 =	vadd.s32 v1, v3;
	_ =	sdelay $0x1  }
0x75: {  	s18 =	simm.s32 $0xC200  }
0x76: {  	[tilespmem:s18], [sflag:$0x4] =	stream.indirect_vreg.gather [hbm4b:s4+s2], $0x80, v4, vm0, $0xb8;
	[tilespmem:$0x1E200] =	vst v63  }
0x77: {  	s19 =	simm.s32 $0xCA00  }
0x78: {  	[tilespmem:s19], [sflag:$0x4] =	stream.indirect_vreg.gather [hbm4b:s4+s2], $0x80, v3, vm0, $0xb8;
	[tilespmem:$0x1E200] =	vst v63  }
0x79: {  	v3 =	vld [tilespmem:$0x130];
	_ =	sdelay $0x4  }
0x7a: {  	v62 =	vshll.u32 v3, $0x1  }
0x7b: {  	v3 =	vand.u32 $0x7, v3;
	v4 =	vand.u32 $0xFFFFFFF0, v62  }
0x7c: {  	v3 =	vor.u32 v3, v4  }
0x7d: {  	v4 =	vperm.xlane v3, v0;
	_ =	sdelay $0x1  }
0x7e: {  	v3 =	vperm.xlane v3, v2;
	v4 =	vadd.s32 v1, v4;
	_ =	sdelay $0x1  }
0x7f: {  	v3 =	vadd.s32 v1, v3;
	_ =	sdelay $0x1  }
0x80: {  	s20 =	simm.s32 $0xD200  }
0x81: {  	[tilespmem:s20], [sflag:$0x4] =	stream.indirect_vreg.gather [hbm4b:s4+s2], $0x80, v4, vm0, $0xb8;
	[tilespmem:$0x1E200] =	vst v63  }
0x82: {  	s25 =	simm.s32 $0xDA00  }
0x83: {  	[tilespmem:s25], [sflag:$0x4] =	stream.indirect_vreg.gather [hbm4b:s4+s2], $0x80, v3, vm0, $0xb8;
	[tilespmem:$0x1E200] =	vst v63  }
0x84: {  	v3 =	vld [tilespmem:$0x140];
	_ =	sdelay $0x4  }
0x85: {  	v63 =	vshll.u32 v3, $0x1  }
0x86: {  	v3 =	vand.u32 $0x7, v3;
	v4 =	vand.u32 $0xFFFFFFF0, v63  }
0x87: {  	v3 =	vor.u32 v3, v4  }
0x88: {  	v4 =	vperm.xlane v3, v0;
	_ =	sdelay $0x1  }
0x89: {  	v3 =	vperm.xlane v3, v2;
	v4 =	vadd.s32 v1, v4;
	_ =	sdelay $0x1  }
0x8a: {  	v3 =	vadd.s32 v1, v3;
	_ =	sdelay $0x1  }
0x8b: {  	s29 =	simm.s32 $0xE200  }
0x8c: {  	[tilespmem:s29], [sflag:$0x4] =	stream.indirect_vreg.gather [hbm4b:s4+s2], $0x80, v4, vm0, $0xb8;
	[tilespmem:$0x1E200] =	vst v63  }
0x8d: {  	s30 =	simm.s32 $0x0;
	s31 =	simm.s32 $0xEA00  }
0x8e: {  	[tilespmem:s31], [sflag:$0x4] =	stream.indirect_vreg.gather [hbm4b:s4+s2], $0x80, v3, vm0, $0xb8;
	[tilespmem:$0x1E200] =	vst v63  }
.LBB2_2:
0x8f: {  	_ =	swait.ge [sflag:s22], $0x50  }
0x90: {  	[sflag:s22] =	ssyncset.done $0x0  }
0x91: {  	[sflag:s22] =	ssyncadd.s32 $0xFFFFFFB0  }
0x92: {  	_ =	swait.ge [sflag:s22], $0x50  }
0x93: {  	[sflag:s22] =	ssyncset.done $0x0  }
0x94: {  	[sflag:s22] =	ssyncadd.s32 $0xFFFFFFB0  }
0x95: {  	v3 =	vld [tilespmem:$0x80];
	_ =	sdelay $0x4  }
0x96: {  	v4 =	vshll.u32 v3, $0x1  }
0x97: {  	v3 =	vand.u32 $0x7, v3;
	v4 =	vand.u32 $0xFFFFFFF0, v4  }
0x98: {  	v3 =	vor.u32 v3, v4  }
0x99: {  	v4 =	vperm.xlane v3, v0;
	_ =	sdelay $0x1  }
0x9a: {  	v3 =	vperm.xlane v3, v2;
	v4 =	vadd.s32 v1, v4;
	_ =	sdelay $0x1  }
0x9b: {  	v3 =	vadd.s32 v1, v3;
	_ =	sdelay $0x1  }
0x9c: {  	s0 =	simm.s32 $0x5200  }
0x9d: {  	[tilespmem:s0], [sflag:$0x5] =	stream.indirect_vreg.gather [hbm4b:s3+s2], $0x80, v4, vm0, $0xb8;
	[tilespmem:$0x1E200] =	vst v63  }
0x9e: {  	s9 =	simm.s32 $0x5A00  }
0x9f: {  	[tilespmem:s9], [sflag:$0x5] =	stream.indirect_vreg.gather [hbm4b:s3+s2], $0x80, v3, vm0, $0xb8;
	[tilespmem:$0x1E200] =	vst v63  }
0xa0: {  	v3 =	vld [tilespmem:$0x90];
	_ =	sdelay $0x4  }
0xa1: {  	v4 =	vshll.u32 v3, $0x1  }
0xa2: {  	v3 =	vand.u32 $0x7, v3;
	v4 =	vand.u32 $0xFFFFFFF0, v4  }
0xa3: {  	v3 =	vor.u32 v3, v4  }
0xa4: {  	v4 =	vperm.xlane v3, v0;
	_ =	sdelay $0x1  }
0xa5: {  	v3 =	vperm.xlane v3, v2;
	v4 =	vadd.s32 v1, v4;
	_ =	sdelay $0x1  }
0xa6: {  	v3 =	vadd.s32 v1, v3;
	_ =	sdelay $0x1  }
0xa7: {  	s10 =	simm.s32 $0x6200  }
0xa8: {  	[tilespmem:s10], [sflag:$0x5] =	stream.indirect_vreg.gather [hbm4b:s3+s2], $0x80, v4, vm0, $0xb8;
	[tilespmem:$0x1E200] =	vst v63  }
0xa9: {  	s11 =	simm.s32 $0x6A00  }
0xaa: {  	[tilespmem:s11], [sflag:$0x5] =	stream.indirect_vreg.gather [hbm4b:s3+s2], $0x80, v3, vm0, $0xb8;
	[tilespmem:$0x1E200] =	vst v63  }
0xab: {  	v3 =	vld [tilespmem:$0xA0];
	_ =	sdelay $0x4  }
0xac: {  	v4 =	vshll.u32 v3, $0x1  }
0xad: {  	v3 =	vand.u32 $0x7, v3;
	v4 =	vand.u32 $0xFFFFFFF0, v4  }
0xae: {  	v3 =	vor.u32 v3, v4  }
0xaf: {  	v4 =	vperm.xlane v3, v0;
	_ =	sdelay $0x1  }
0xb0: {  	v3 =	vperm.xlane v3, v2;
	v4 =	vadd.s32 v1, v4;
	_ =	sdelay $0x1  }
0xb1: {  	v3 =	vadd.s32 v1, v3;
	_ =	sdelay $0x1  }
0xb2: {  	s12 =	simm.s32 $0x7200  }
0xb3: {  	[tilespmem:s12], [sflag:$0x5] =	stream.indirect_vreg.gather [hbm4b:s3+s2], $0x80, v4, vm0, $0xb8;
	[tilespmem:$0x1E200] =	vst v63  }
0xb4: {  	s13 =	simm.s32 $0x7A00  }
0xb5: {  	[tilespmem:s13], [sflag:$0x5] =	stream.indirect_vreg.gather [hbm4b:s3+s2], $0x80, v3, vm0, $0xb8;
	[tilespmem:$0x1E200] =	vst v63  }
0xb6: {  	v3 =	vld [tilespmem:$0xB0];
	_ =	sdelay $0x4  }
0xb7: {  	v4 =	vshll.u32 v3, $0x1  }
0xb8: {  	v3 =	vand.u32 $0x7, v3;
	v4 =	vand.u32 $0xFFFFFFF0, v4  }
0xb9: {  	v3 =	vor.u32 v3, v4  }
0xba: {  	v4 =	vperm.xlane v3, v0;
	_ =	sdelay $0x1  }
0xbb: {  	v3 =	vperm.xlane v3, v2;
	v4 =	vadd.s32 v1, v4;
	_ =	sdelay $0x1  }
0xbc: {  	v3 =	vadd.s32 v1, v3;
	_ =	sdelay $0x1  }
0xbd: {  	s14 =	simm.s32 $0x8200  }
0xbe: {  	[tilespmem:s14], [sflag:$0x5] =	stream.indirect_vreg.gather [hbm4b:s3+s2], $0x80, v4, vm0, $0xb8;
	[tilespmem:$0x1E200] =	vst v63  }
0xbf: {  	s15 =	simm.s32 $0x8A00  }
0xc0: {  	[tilespmem:s15], [sflag:$0x5] =	stream.indirect_vreg.gather [hbm4b:s3+s2], $0x80, v3, vm0, $0xb8;
	[tilespmem:$0x1E200] =	vst v63  }
0xc1: {  	v3 =	vld [tilespmem:$0xC0];
	_ =	sdelay $0x4  }
0xc2: {  	v4 =	vshll.u32 v3, $0x1  }
0xc3: {  	v3 =	vand.u32 $0x7, v3;
	v4 =	vand.u32 $0xFFFFFFF0, v4  }
0xc4: {  	v3 =	vor.u32 v3, v4  }
0xc5: {  	v4 =	vperm.xlane v3, v0;
	_ =	sdelay $0x1  }
0xc6: {  	v3 =	vperm.xlane v3, v2;
	v4 =	vadd.s32 v1, v4;
	_ =	sdelay $0x1  }
0xc7: {  	v3 =	vadd.s32 v1, v3;
	_ =	sdelay $0x1  }
0xc8: {  	s16 =	simm.s32 $0x9200  }
0xc9: {  	[tilespmem:s16], [sflag:$0x5] =	stream.indirect_vreg.gather [hbm4b:s3+s2], $0x80, v4, vm0, $0xb8;
	[tilespmem:$0x1E200] =	vst v63  }
0xca: {  	s17 =	simm.s32 $0x9A00  }
0xcb: {  	[tilespmem:s17], [sflag:$0x5] =	stream.indirect_vreg.gather [hbm4b:s3+s2], $0x80, v3, vm0, $0xb8;
	[tilespmem:$0x1E200] =	vst v63  }
0xcc: {  	v3 =	vld [tilespmem:$0x180];
	_ =	sdelay $0x4  }
0xcd: {  	v4 =	vshll.u32 v3, $0x1  }
0xce: {  	v3 =	vand.u32 $0x7, v3;
	v4 =	vand.u32 $0xFFFFFFF0, v4  }
0xcf: {  	v3 =	vor.u32 v3, v4  }
0xd0: {  	v4 =	vperm.xlane v3, v0;
	_ =	sdelay $0x1  }
0xd1: {  	v3 =	vperm.xlane v3, v2;
	v4 =	vadd.s32 v1, v4;
	_ =	sdelay $0x1  }
0xd2: {  	v3 =	vadd.s32 v1, v3;
	_ =	sdelay $0x1  }
0xd3: {  	s18 =	simm.s32 $0xF200  }
0xd4: {  	[tilespmem:s18], [sflag:$0x6] =	stream.indirect_vreg.gather [hbm4b:s4+s2], $0x80, v4, vm0, $0xb8;
	[tilespmem:$0x1E200] =	vst v63  }
0xd5: {  	s19 =	simm.s32 $0xFA00  }
0xd6: {  	[tilespmem:s19], [sflag:$0x6] =	stream.indirect_vreg.gather [hbm4b:s4+s2], $0x80, v3, vm0, $0xb8;
	[tilespmem:$0x1E200] =	vst v63  }
0xd7: {  	v3 =	vld [tilespmem:$0x190];
	_ =	sdelay $0x4  }
0xd8: {  	v4 =	vshll.u32 v3, $0x1  }
0xd9: {  	v3 =	vand.u32 $0x7, v3;
	v4 =	vand.u32 $0xFFFFFFF0, v4  }
0xda: {  	v3 =	vor.u32 v3, v4  }
0xdb: {  	v4 =	vperm.xlane v3, v0;
	_ =	sdelay $0x1  }
0xdc: {  	v3 =	vperm.xlane v3, v2;
	v4 =	vadd.s32 v1, v4;
	_ =	sdelay $0x1  }
0xdd: {  	v3 =	vadd.s32 v1, v3;
	_ =	sdelay $0x1  }
0xde: {  	s20 =	simm.s32 $0x10200  }
0xdf: {  	[tilespmem:s20], [sflag:$0x6] =	stream.indirect_vreg.gather [hbm4b:s4+s2], $0x80, v4, vm0, $0xb8;
	[tilespmem:$0x1E200] =	vst v63  }
0xe0: {  	s25 =	simm.s32 $0x10A00  }
0xe1: {  	[tilespmem:s25], [sflag:$0x6] =	stream.indirect_vreg.gather [hbm4b:s4+s2], $0x80, v3, vm0, $0xb8;
	[tilespmem:$0x1E200] =	vst v63  }
0xe2: {  	v3 =	vld [tilespmem:$0x1A0];
	_ =	sdelay $0x4  }
0xe3: {  	v4 =	vshll.u32 v3, $0x1  }
0xe4: {  	v3 =	vand.u32 $0x7, v3;
	v4 =	vand.u32 $0xFFFFFFF0, v4  }
0xe5: {  	v3 =	vor.u32 v3, v4  }
0xe6: {  	v4 =	vperm.xlane v3, v0;
	_ =	sdelay $0x1  }
0xe7: {  	v3 =	vperm.xlane v3, v2;
	v4 =	vadd.s32 v1, v4;
	_ =	sdelay $0x1  }
0xe8: {  	v3 =	vadd.s32 v1, v3;
	_ =	sdelay $0x1  }
0xe9: {  	s29 =	simm.s32 $0x11200  }
0xea: {  	[tilespmem:s29], [sflag:$0x6] =	stream.indirect_vreg.gather [hbm4b:s4+s2], $0x80, v4, vm0, $0xb8;
	[tilespmem:$0x1E200] =	vst v63  }
0xeb: {  	s1 =	simm.s32 $0x11A00  }
0xec: {  	[tilespmem:s1], [sflag:$0x6] =	stream.indirect_vreg.gather [hbm4b:s4+s2], $0x80, v3, vm0, $0xb8;
	[tilespmem:$0x1E200] =	vst v63  }
0xed: {  	v3 =	vld [tilespmem:$0x1B0];
	_ =	sdelay $0x4  }
0xee: {  	v4 =	vshll.u32 v3, $0x1  }
0xef: {  	v3 =	vand.u32 $0x7, v3;
	v4 =	vand.u32 $0xFFFFFFF0, v4  }
0xf0: {  	v3 =	vor.u32 v3, v4  }
0xf1: {  	v4 =	vperm.xlane v3, v0;
	_ =	sdelay $0x1  }
0xf2: {  	v3 =	vperm.xlane v3, v2;
	v4 =	vadd.s32 v1, v4;
	_ =	sdelay $0x1  }
0xf3: {  	v3 =	vadd.s32 v1, v3;
	_ =	sdelay $0x1  }
0xf4: {  	s6 =	simm.s32 $0x12200  }
0xf5: {  	[tilespmem:s6], [sflag:$0x6] =	stream.indirect_vreg.gather [hbm4b:s4+s2], $0x80, v4, vm0, $0xb8;
	[tilespmem:$0x1E200] =	vst v63  }
0xf6: {  	s9 =	simm.s32 $0x12A00  }
0xf7: {  	[tilespmem:s9], [sflag:$0x6] =	stream.indirect_vreg.gather [hbm4b:s4+s2], $0x80, v3, vm0, $0xb8;
	[tilespmem:$0x1E200] =	vst v63  }
0xf8: {  	v3 =	vld [tilespmem:$0x1C0];
	_ =	sdelay $0x4  }
0xf9: {  	v4 =	vshll.u32 v3, $0x1  }
0xfa: {  	v3 =	vand.u32 $0x7, v3;
	v4 =	vand.u32 $0xFFFFFFF0, v4  }
0xfb: {  	v3 =	vor.u32 v3, v4  }
0xfc: {  	v4 =	vperm.xlane v3, v0;
	_ =	sdelay $0x1  }
0xfd: {  	v3 =	vperm.xlane v3, v2;
	v4 =	vadd.s32 v1, v4;
	_ =	sdelay $0x1  }
0xfe: {  	v3 =	vadd.s32 v1, v3;
	_ =	sdelay $0x1  }
0xff: {  	s10 =	simm.s32 $0x13200  }
0x100: {  	[tilespmem:s10], [sflag:$0x6] =	stream.indirect_vreg.gather [hbm4b:s4+s2], $0x80, v4, vm0, $0xb8;
	[tilespmem:$0x1E200] =	vst v63  }
0x101: {  	s11 =	simm.s32 $0x13A00  }
0x102: {  	[tilespmem:s11], [sflag:$0x6] =	stream.indirect_vreg.gather [hbm4b:s4+s2], $0x80, v3, vm0, $0xb8;
	[tilespmem:$0x1E200] =	vst v63  }
0x103: {  	_ =	swait.ge [sflag:s23], $0x5000  }
0x104: {  	[sflag:s23] =	ssyncset.done $0x0  }
0x105: {  	[sflag:s23] =	ssyncadd.s32 $0xFFFFB000  }
0x106: {  	s31 =	smul.u32 $0xA0, s30;
	_ =	swait.ge [sflag:s24], $0x5000  }
0x107: {  	s12 =	rddreg [dreg:$0x8]  }
0x108: {  	s0 =	sadd.s32 s31, s12  }
0x109: {  	[sflag:s24] =	ssyncset.done $0x0;
	s0 =	sshrl.u32 s0, $0x3  }
0x10a: {  	[sflag:s24] =	ssyncadd.s32 $0xFFFFB000;
	s1 =	sadd.s32 s5, s0  }
0x10b: {  	[tilespmem:s2], [sflag:$0x1] =	stream.linear.gather [hbm4b:s1+s2], $0x50, $0x38;
	[tilespmem:$0x1E200] =	vst v63  }
0x10c: {  	p0 =	seq.s32 s30, $0x0;
	s13 =	simm.s32 $0x100;
	s0 =	sadd.s32 s7, s0  }
0x10d: {  	[tilespmem:s13], [sflag:$0x1] =	stream.linear.gather [hbm4b:s0+s2], $0x50, $0x38;
	[tilespmem:$0x1E200] =	vst v63  }
0x10e: {  	s0 =	simm.s32 @!p0 $0x7  }
0x10f: {  	s14 =	simm.s32 $0x0;
	_ =	swait.ge @!p0 [sflag:s0], $0x5000  }
0x110: {  	s6 =	sand.u32 $0x7800, s14;
	s1 =	sand.u32 $0x200, s14;
	[sflag:s0] =	ssyncset.done @!p0 $0x0  }
0x111: {  	s19 =	sor.u32 s1, s6;
	[sflag:s0] =	ssyncadd.s32 @!p0 $0xFFFFB000  }
0x112: {  	v3 =	vld [tilespmem:s19+$0x380]  }
0x113: {  	v4 =	vld [tilespmem:s19+$0xA380]  }
0x114: {  	v5 =	vld [tilespmem:s19+$0x390]  }
0x115: {  	v6 =	vld [tilespmem:s19+$0xA390]  }
0x116: {  	v7 =	vld [tilespmem:s19+$0x3A0]  }
0x117: {  	v8 =	vld [tilespmem:s19+$0xA3A0]  }
0x118: {  	v9 =	vld [tilespmem:s19+$0x3B0]  }
0x119: {  	v10 =	vld [tilespmem:s19+$0xA3B0]  }
0x11a: {  	v11 =	vld [tilespmem:s19+$0x3C0]  }
0x11b: {  	v12 =	vld [tilespmem:s19+$0xA3C0]  }
0x11c: {  	v13 =	vld [tilespmem:s19+$0x3D0]  }
0x11d: {  	v14 =	vld [tilespmem:s19+$0xA3D0]  }
0x11e: {  	v15 =	vld [tilespmem:s19+$0x3E0]  }
0x11f: {  	v16 =	vld [tilespmem:s19+$0x200]  }
0x120: {  	v55 =	vld [tilespmem:s19+$0xA210]  }
0x121: {  	v56 =	vld [tilespmem:s19+$0x220]  }
0x122: {  	v17 =	vld [tilespmem:s19+$0xA220]  }
0x123: {  	v18 =	vld [tilespmem:s19+$0x230]  }
0x124: {  	v19 =	vld [tilespmem:s19+$0xA230]  }
0x125: {  	v20 =	vld [tilespmem:s19+$0x240]  }
0x126: {  	v21 =	vld [tilespmem:s19+$0xA240]  }
0x127: {  	v22 =	vld [tilespmem:s19+$0x250]  }
0x128: {  	v23 =	vld [tilespmem:s19+$0xA250]  }
0x129: {  	v24 =	vld [tilespmem:s19+$0x260]  }
0x12a: {  	v25 =	vld [tilespmem:s19+$0xA260]  }
0x12b: {  	v26 =	vld [tilespmem:s19+$0x270]  }
0x12c: {  	v27 =	vld [tilespmem:s19+$0xA270]  }
0x12d: {  	v28 =	vld [tilespmem:s19+$0x280]  }
0x12e: {  	v29 =	vld [tilespmem:s19+$0xA280]  }
0x12f: {  	v30 =	vld [tilespmem:s19+$0x290]  }
0x130: {  	v31 =	vld [tilespmem:s19+$0xA290]  }
0x131: {  	v32 =	vld [tilespmem:s19+$0x2A0]  }
0x132: {  	v33 =	vld [tilespmem:s19+$0xA2A0]  }
0x133: {  	v34 =	vld [tilespmem:s19+$0x2B0]  }
0x134: {  	v35 =	vld [tilespmem:s19+$0xA2B0]  }
0x135: {  	v36 =	vld [tilespmem:s19+$0x2C0]  }
0x136: {  	v37 =	vld [tilespmem:s19+$0xA2C0]  }
0x137: {  	v38 =	vld [tilespmem:s19+$0x2D0]  }
0x138: {  	v39 =	vld [tilespmem:s19+$0xA2D0]  }
0x139: {  	v40 =	vld [tilespmem:s19+$0x2E0]  }
0x13a: {  	v41 =	vld [tilespmem:s19+$0xA2E0]  }
0x13b: {  	p0 =	por $0x0, $0x0;
	s0 =	simm.s32 $0x1;
	v42 =	vld [tilespmem:s19+$0x2F0]  }
0x13c: {  	s0 =	simm.s32 @!p0 $0x0;
	v43 =	vld [tilespmem:s19+$0xA2F0]  }
0x13d: {  	s0 =	sshll.u32 s0, $0x9;
	v3 =	vadd.f32 v4, v3;
	v4 =	vld [tilespmem:s19+$0xA3E0]  }
0x13e: {  	s15 =	sadd.s32 $0x0, s0;
	v5 =	vadd.f32 v6, v5;
	v6 =	vld [tilespmem:s19+$0x3F0]  }
0x13f: {  	s17 =	simm.s32 $0x200;
	s18 =	simm.s32 $0x400;
	s0 =	sadd.s32 $0x180, s15;
	v57 =	vadd.f32 v19, v18;
	v19 =	vld [tilespmem:s19+$0xA360]  }
0x140: {  	s6 =	sand.u32 $0x7800, s18;
	s10 =	sor.u32 $0x400, s0;
	s0 =	sand.u32 $0x200, s17;
	v18 =	vld [tilespmem:s19+$0x370]  }
0x141: {  	v58 =	vadd.f32 v21, v20;
	v20 =	vld [tilespmem:s19+$0xA370];
	s0 =	sor.u32 s0, s6  }
0x142: {  	v62 =	vld [tilespmem:s0+$0x380]  }
0x143: {  	v63 =	vld [tilespmem:s0+$0xA380]  }
0x144: {  	v48 =	vld [tilespmem:s0+$0x390]  }
0x145: {  	v49 =	vld [tilespmem:s0+$0xA390]  }
0x146: {  	v50 =	vld [tilespmem:s0+$0x3A0]  }
0x147: {  	v51 =	vld [tilespmem:s0+$0xA3A0]  }
0x148: {  	v44 =	vld [tilespmem:s0+$0x3B0]  }
0x149: {  	v45 =	vld [tilespmem:s0+$0xA3B0]  }
0x14a: {  	v52 =	vld [tilespmem:s0+$0x3C0]  }
0x14b: {  	v53 =	vld [tilespmem:s0+$0xA3C0]  }
0x14c: {  	v54 =	vadd.f32 v33, v32;
	v32 =	vld [tilespmem:s0+$0x260]  }
0x14d: {  	[tilespmem:s19+$0x14380] =	vst v3;
	v3 =	vadd.f32 v8, v7;
	v7 =	vld [tilespmem:s19+$0xA3F0]  }
0x14e: {  	[tilespmem:s19+$0x14390] =	vst v5;
	v5 =	vadd.f32 v10, v9;
	v10 =	vld [tilespmem:s19+$0xA200]  }
0x14f: {  	v8 =	vld [tilespmem:s19+$0xA310]  }
0x150: {  	v59 =	vadd.f32 v23, v22;
	v9 =	vld [tilespmem:s19+$0xA320]  }
0x151: {  	v60 =	vadd.f32 v25, v24;
	[tilespmem:s19+$0x14230] =	vst v57;
	v57 =	vld [tilespmem:s0+$0xA3D0]  }
0x152: {  	v61 =	vadd.f32 v27, v26;
	[tilespmem:s19+$0x14250] =	vst v59;
	v59 =	vld [tilespmem:s0+$0x3E0]  }
0x153: {  	[tilespmem:s19+$0x14260] =	vst v60;
	v60 =	vld [tilespmem:s0+$0xA3E0]  }
0x154: {  	[tilespmem:s19+$0x14270] =	vst v61;
	v61 =	vadd.f32 v39, v38;
	v38 =	vld [tilespmem:s0+$0xA3F0]  }
0x155: {  	v39 =	vld [tilespmem:s0+$0x200]  }
0x156: {  	[tilespmem:s19+$0x14240] =	vst v58;
	v58 =	vadd.f32 v37, v36;
	v37 =	vadd.f32 v43, v42;
	v43 =	vld [tilespmem:s0+$0x210]  }
0x157: {  	[tilespmem:s19+$0x143A0] =	vst v3;
	v3 =	vadd.f32 v12, v11;
	v11 =	vld [tilespmem:s19+$0x210]  }
0x158: {  	[tilespmem:s19+$0x143B0] =	vst v5;
	v5 =	vadd.f32 v14, v13;
	v14 =	vld [tilespmem:s19+$0x300]  }
0x159: {  	v13 =	vadd.f32 v17, v56;
	v17 =	vld [tilespmem:s19+$0x360]  }
0x15a: {  	[tilespmem:s19+$0x142C0] =	vst v58;
	v58 =	vld [tilespmem:s0+$0x280]  }
0x15b: {  	[tilespmem:s19+$0x142D0] =	vst v61;
	v61 =	vld [tilespmem:s0+$0xA290]  }
0x15c: {  	[tilespmem:s19+$0x143C0] =	vst v3;
	v3 =	vadd.f32 v4, v15;
	v15 =	vld [tilespmem:s19+$0xA300]  }
0x15d: {  	[tilespmem:s19+$0x143D0] =	vst v5;
	v5 =	vld [tilespmem:s19+$0x330]  }
0x15e: {  	[tilespmem:s19+$0x14220] =	vst v13;
	v13 =	vld [tilespmem:s19+$0x350]  }
0x15f: {  	v22 =	vadd.f32 v63, v62;
	v62 =	vld [tilespmem:s0+$0x3F0]  }
0x160: {  	v63 =	vadd.f32 v41, v40;
	v41 =	vld [tilespmem:s0+$0xA200]  }
0x161: {  	v42 =	vadd.f32 v45, v44;
	v45 =	vld [tilespmem:s0+$0xA210]  }
0x162: {  	v24 =	vadd.f32 v49, v48;
	v48 =	vld [tilespmem:s0+$0x220]  }
0x163: {  	v49 =	vld [tilespmem:s0+$0xA220]  }
0x164: {  	v40 =	vadd.f32 v51, v50;
	v51 =	vld [tilespmem:s0+$0x230]  }
0x165: {  	v44 =	vadd.f32 v53, v52;
	v53 =	vld [tilespmem:s0+$0xA230]  }
0x166: {  	v28 =	vadd.f32 v29, v28;
	v4 =	vadd.f32 v7, v6;
	v6 =	vld [tilespmem:s19+$0x310]  }
0x167: {  	v30 =	vadd.f32 v31, v30;
	v7 =	vld [tilespmem:s19+$0x320]  }
0x168: {  	[tilespmem:s19+$0x14280] =	vst v28;
	v16 =	vadd.f32 v10, v16;
	v10 =	vld [tilespmem:s19+$0xA330]  }
0x169: {  	[tilespmem:s19+$0x14290] =	vst v30;
	v47 =	vadd.f32 v60, v59;
	v59 =	vld [tilespmem:s0+$0xA280]  }
0x16a: {  	[tilespmem:s19+$0x142A0] =	vst v54;
	v60 =	vld [tilespmem:s0+$0x290]  }
0x16b: {  	[tilespmem:s0+$0x14390] =	vst v24;
	v24 =	vld [tilespmem:s0+$0x240]  }
0x16c: {  	[tilespmem:s19+$0x142E0] =	vst v63;
	v63 =	vld [tilespmem:s0+$0xA2A0]  }
0x16d: {  	[tilespmem:s0+$0x143C0] =	vst v44;
	v44 =	vld [tilespmem:s0+$0x2B0]  }
0x16e: {  	v56 =	vadd.f32 v35, v34;
	[tilespmem:s19+$0x142F0] =	vst v37;
	v12 =	vadd.f32 v55, v11;
	v11 =	vld [tilespmem:s19+$0x340]  }
0x16f: {  	s20 =	sadd.s32 $0x80, s15;
	[tilespmem:s19+$0x14200] =	vst v16;
	v16 =	vld [tilespmem:s19+$0xA350]  }
0x170: {  	s12 =	sor.u32 $0x400, s20;
	[tilespmem:s19+$0x142B0] =	vst v56;
	v55 =	vld [tilespmem:s0+$0x3D0]  }
0x171: {  	[tilespmem:s19+$0x143E0] =	vst v3;
	v31 =	vld [tilespmem:s12+$0x200]  }
0x172: {  	[tilespmem:s19+$0x143F0] =	vst v4;
	v28 =	vld [tilespmem:s12+$0xA200]  }
0x173: {  	v3 =	vld [tilespmem:s10+$0x200]  }
0x174: {  	v4 =	vld [tilespmem:s10+$0xA200]  }
0x175: {  	[tilespmem:s19+$0x14210] =	vst v12;
	v12 =	vld [tilespmem:s19+$0xA340]  }
0x176: {  	[tilespmem:s0+$0x14380] =	vst v22;
	v50 =	vadd.f32 v38, v62;
	v62 =	vld [tilespmem:s0+$0x2A0]  }
0x177: {  	[tilespmem:s0+$0x143A0] =	vst v40;
	v52 =	vadd.f32 v45, v43;
	v45 =	vld [tilespmem:s0+$0xA2B0]  }
0x178: {  	[tilespmem:s0+$0x143B0] =	vst v42;
	v25 =	vadd.f32 v41, v39;
	v23 =	vadd.f32 v49, v48;
	v48 =	vld [tilespmem:s0+$0x2C0]  }
0x179: {  	[tilespmem:s0+$0x143E0] =	vst v47;
	v49 =	vld [tilespmem:s0+$0x270]  }
0x17a: {  	v22 =	vadd.f32 v53, v51;
	v51 =	vld [tilespmem:s0+$0xA310];
	[tilespmem:s0+$0x14200] =	vst v25  }
0x17b: {  	s11 =	sor.u32 $0x400, s15;
	v53 =	vld [tilespmem:s0+$0xA320];
	[tilespmem:s0+$0x143F0] =	vst v50  }
0x17c: {  	v21 =	vld [tilespmem:s11+$0x200];
	[tilespmem:s0+$0x14210] =	vst v52  }
0x17d: {  	v14 =	vadd.f32 v15, v14;
	v36 =	vld [tilespmem:s11+$0xA200];
	[tilespmem:s0+$0x14220] =	vst v23  }
0x17e: {  	v33 =	vadd.f32 v59, v58;
	v6 =	vadd.f32 v8, v6;
	v8 =	vld [tilespmem:s0+$0xA2D0];
	[tilespmem:s0+$0x14230] =	vst v22  }
0x17f: {  	v47 =	vadd.f32 v61, v60;
	v7 =	vadd.f32 v9, v7;
	v9 =	vld [tilespmem:s0+$0x300];
	[tilespmem:s19+$0x14300] =	vst v14  }
0x180: {  	v5 =	vadd.f32 v10, v5;
	v10 =	vld [tilespmem:s0+$0xA300];
	[tilespmem:s0+$0x14280] =	vst v33  }
0x181: {  	v59 =	vld [tilespmem:s0+$0x350];
	[tilespmem:s0+$0x14290] =	vst v47  }
0x182: {  	v61 =	vld [tilespmem:s0+$0xA350];
	[tilespmem:s19+$0x14310] =	vst v6  }
0x183: {  	v23 =	vld [tilespmem:s0+$0x250];
	v46 =	vadd.f32 v57, v55;
	[tilespmem:s19+$0x14320] =	vst v7  }
0x184: {  	p0 =	por !p0, !p0;
	s6 =	simm.s32 $0x1;
	v50 =	vld [tilespmem:s0+$0x2D0];
	[tilespmem:s19+$0x14330] =	vst v5;
	v5 =	vadd.f32 v16, v13  }
0x185: {  	s6 =	simm.s32 @!p0 $0x0;
	v52 =	vld [tilespmem:s0+$0x320];
	v3 =	vadd.f32 v4, v3;
	[tilespmem:s0+$0x143D0] =	vst v46  }
0x186: {  	s6 =	sshll.u32 s6, $0x9;
	v55 =	vld [tilespmem:s0+$0xA240];
	v7 =	vadd.f32 v12, v11;
	[tilespmem:s19+$0x14350] =	vst v5  }
0x187: {  	s16 =	sadd.s32 $0x400, s6;
	v57 =	vld [tilespmem:s0+$0xA250];
	v5 =	vadd.f32 v20, v18;
	[tilespmem:s10+$0x14200] =	vst v3  }
0x188: {  	s6 =	sadd.s32 $0x180, s16;
	v6 =	vld [tilespmem:s0+$0x2E0];
	v3 =	vadd.f32 v63, v62;
	[tilespmem:s19+$0x14340] =	vst v7  }
0x189: {  	s6 =	sor.u32 $0x400, s6;
	v4 =	vld [tilespmem:s0+$0xA2C0];
	v7 =	vadd.f32 v19, v17;
	[tilespmem:s19+$0x14370] =	vst v5  }
0x18a: {  	v54 =	vld [tilespmem:s6+$0x200];
	v5 =	vadd.f32 v28, v31;
	[tilespmem:s0+$0x142A0] =	vst v3  }
0x18b: {  	v56 =	vld [tilespmem:s6+$0xA200];
	v58 =	vadd.f32 v53, v52;
	[tilespmem:s19+$0x14360] =	vst v7  }
0x18c: {  	v46 =	vld [tilespmem:s0+$0xA260];
	v8 =	vadd.f32 v8, v50;
	[tilespmem:s12+$0x14200] =	vst v5  }
0x18d: {  	v11 =	vld [tilespmem:s0+$0x310];
	v55 =	vadd.f32 v55, v24;
	[tilespmem:s0+$0x14320] =	vst v58  }
0x18e: {  	v62 =	vld [tilespmem:s0+$0xA2F0];
	v57 =	vadd.f32 v57, v23;
	[tilespmem:s0+$0x142D0] =	vst v8  }
0x18f: {  	v3 =	vld [tilespmem:s0+$0xA270];
	v7 =	vadd.f32 v36, v21;
	[tilespmem:s0+$0x14240] =	vst v55  }
0x190: {  	v63 =	vld [tilespmem:s0+$0xA360];
	[tilespmem:s0+$0x14250] =	vst v57;
	v5 =	vadd.f32 v56, v54  }
0x191: {  	[tilespmem:s11+$0x14200] =	vst v7;
	v7 =	vadd.f32 v10, v9;
	v9 =	vld [tilespmem:s0+$0x330]  }
0x192: {  	v10 =	vld [tilespmem:s0+$0xA330];
	[tilespmem:s6+$0x14200] =	vst v5;
	v5 =	vadd.f32 v51, v11  }
0x193: {  	v60 =	vadd.f32 v46, v32;
	[tilespmem:s0+$0x14300] =	vst v7;
	v7 =	vld [tilespmem:s0+$0xA2E0]  }
0x194: {  	v3 =	vadd.f32 v3, v49;
	[tilespmem:s0+$0x14310] =	vst v5;
	v5 =	vld [tilespmem:s0+$0x2F0]  }
0x195: {  	v54 =	vadd.f32 v45, v44;
	v56 =	vld [tilespmem:s0+$0xA340];
	[tilespmem:s0+$0x14260] =	vst v60  }
0x196: {  	v11 =	vld [tilespmem:s0+$0x340];
	[tilespmem:s0+$0x14270] =	vst v3;
	v3 =	vadd.f32 v4, v48  }
0x197: {  	[tilespmem:s0+$0x142B0] =	vst v54;
	v9 =	vadd.f32 v10, v9;
	v10 =	vld [tilespmem:s0+$0x360]  }
0x198: {  	v4 =	vld [tilespmem:s0+$0x370];
	[tilespmem:s0+$0x142C0] =	vst v3;
	v3 =	vadd.f32 v7, v6  }
0x199: {  	s13 =	sor.u32 $0x400, s16;
	[tilespmem:s0+$0x14330] =	vst v9;
	v6 =	vld [tilespmem:s0+$0xA370];
	v5 =	vadd.f32 v62, v5  }
0x19a: {  	s25 =	sadd.s32 $0x80, s16;
	v9 =	vadd.f32 v61, v59;
	v7 =	vld [tilespmem:s13+$0xA200];
	[tilespmem:s0+$0x142E0] =	vst v3  }
0x19b: {  	s1 =	sadd.s32 $0x100, s15;
	s12 =	sor.u32 $0x400, s25;
	v8 =	vadd.f32 v56, v11;
	v3 =	vld [tilespmem:s13+$0x200];
	[tilespmem:s0+$0x142F0] =	vst v5  }
0x19c: {  	s1 =	sor.u32 $0x400, s1;
	s20 =	simm.s32 $0x400;
	s29 =	sadd.s32 $0x100, s16;
	[tilespmem:s0+$0x14350] =	vst v9;
	v9 =	vadd.f32 v63, v10;
	v5 =	vld [tilespmem:s12+$0x200]  }
0x19d: {  	s10 =	simm.s32 $0x800;
	s19 =	simm.s32 $0x4;
	s11 =	sor.u32 $0x400, s29;
	[tilespmem:s0+$0x14340] =	vst v8;
	v8 =	vld [tilespmem:s12+$0xA200]  }
.LBB2_3:
0x19e: {  	s6 =	sand.u32 $0x7800, s10;
	s9 =	sand.u32 $0x200, s20;
	[tilespmem:s0+$0x14360] =	vst v9;
	v4 =	vadd.f32 v6, v4;
	v6 =	vld [tilespmem:s1+$0x200]  }
0x19f: {  	s6 =	sor.u32 s9, s6;
	v9 =	vld [tilespmem:s1+$0xA200]  }
0x1a0: {  	v10 =	vld [tilespmem:s6+$0x380];
	v3 =	vadd.f32 v7, v3;
	[tilespmem:s0+$0x14370] =	vst v4;
	s0 =	smov.u32 s6  }
0x1a1: {  	v4 =	vld [tilespmem:s0+$0xA380]  }
0x1a2: {  	v7 =	vld [tilespmem:s0+$0x390];
	[tilespmem:s13+$0x14200] =	vst v3;
	v3 =	vadd.f32 v8, v5  }
0x1a3: {  	v5 =	vld [tilespmem:s0+$0xA390]  }
0x1a4: {  	v8 =	vld [tilespmem:s0+$0x3A0];
	[tilespmem:s12+$0x14200] =	vst v3;
	v3 =	vadd.f32 v9, v6  }
0x1a5: {  	v6 =	vld [tilespmem:s0+$0xA3A0]  }
0x1a6: {  	v9 =	vld [tilespmem:s0+$0x3B0];
	[tilespmem:s1+$0x14200] =	vst v3;
	s1 =	smov.u32 s11  }
0x1a7: {  	v3 =	vld [tilespmem:s0+$0xA3B0]  }
0x1a8: {  	v11 =	vld [tilespmem:s0+$0x3C0]  }
0x1a9: {  	v12 =	vld [tilespmem:s0+$0xA3C0]  }
0x1aa: {  	v13 =	vld [tilespmem:s0+$0x3D0]  }
0x1ab: {  	v14 =	vld [tilespmem:s0+$0xA3D0]  }
0x1ac: {  	v15 =	vld [tilespmem:s0+$0x3E0]  }
0x1ad: {  	v4 =	vadd.f32 v4, v10;
	v10 =	vld [tilespmem:s0+$0xA3E0]  }
0x1ae: {  	s19 =	sadd.s32 $0x4, s19;
	v5 =	vadd.f32 v5, v7;
	v7 =	vld [tilespmem:s0+$0x3F0]  }
0x1af: {  	p1 =	slt.u32 s19, $0x4C;
	[tilespmem:s0+$0x14380] =	vst v4;
	v4 =	vadd.f32 v6, v8;
	v6 =	vld [tilespmem:s0+$0xA3F0]  }
0x1b0: {  	v3 =	vadd.f32 v3, v9;
	v8 =	vld [tilespmem:s0+$0x200];
	[tilespmem:s0+$0x14390] =	vst v5  }
0x1b1: {  	p0 =	por !p0, !p0;
	s6 =	simm.s32 $0x1;
	v5 =	vld [tilespmem:s0+$0xA200];
	[tilespmem:s0+$0x143A0] =	vst v4;
	v4 =	vadd.f32 v12, v11  }
0x1b2: {  	s6 =	simm.s32 @!p0 $0x0;
	v9 =	vld [tilespmem:s0+$0x210];
	[tilespmem:s0+$0x143B0] =	vst v3;
	v3 =	vadd.f32 v14, v13  }
0x1b3: {  	s6 =	sshll.u32 s6, $0x9;
	v11 =	vld [tilespmem:s0+$0xA210];
	[tilespmem:s0+$0x143C0] =	vst v4;
	v4 =	vadd.f32 v10, v15  }
0x1b4: {  	s6 =	sadd.s32 s6, s10;
	v10 =	vld [tilespmem:s0+$0x220];
	[tilespmem:s0+$0x143D0] =	vst v3;
	v3 =	vadd.f32 v6, v7  }
0x1b5: {  	s9 =	sadd.s32 $0x80, s6;
	s13 =	sadd.s32 $0x180, s6;
	s11 =	sadd.s32 $0x100, s6;
	v6 =	vld [tilespmem:s0+$0xA220];
	[tilespmem:s0+$0x143E0] =	vst v4  }
0x1b6: {  	s12 =	sor.u32 $0x400, s9;
	s9 =	sor.u32 $0x400, s13;
	s11 =	sor.u32 $0x400, s11;
	v4 =	vadd.f32 v5, v8;
	v5 =	vld [tilespmem:s0+$0x230];
	[tilespmem:s0+$0x143F0] =	vst v3  }
0x1b7: {  	s13 =	sor.u32 $0x400, s6;
	v3 =	vld [tilespmem:s9+$0x200]  }
0x1b8: {  	[tilespmem:s0+$0x14200] =	vst v4;
	v4 =	vadd.f32 v11, v9;
	v7 =	vld [tilespmem:s9+$0xA200]  }
0x1b9: {  	v8 =	vld [tilespmem:s0+$0xA230]  }
0x1ba: {  	[tilespmem:s0+$0x14210] =	vst v4;
	v4 =	vadd.f32 v6, v10;
	v6 =	vld [tilespmem:s0+$0x240]  }
0x1bb: {  	v9 =	vld [tilespmem:s0+$0xA240]  }
0x1bc: {  	[tilespmem:s0+$0x14220] =	vst v4;
	v4 =	vld [tilespmem:s0+$0x250]  }
0x1bd: {  	v10 =	vld [tilespmem:s0+$0xA250];
	v3 =	vadd.f32 v7, v3  }
0x1be: {  	v5 =	vadd.f32 v8, v5;
	v7 =	vld [tilespmem:s0+$0x260]  }
0x1bf: {  	v8 =	vld [tilespmem:s0+$0xA260];
	[tilespmem:s9+$0x14200] =	vst v3  }
0x1c0: {  	[tilespmem:s0+$0x14230] =	vst v5;
	v3 =	vadd.f32 v9, v6;
	v5 =	vld [tilespmem:s0+$0x270]  }
0x1c1: {  	v6 =	vld [tilespmem:s0+$0xA270]  }
0x1c2: {  	[tilespmem:s0+$0x14240] =	vst v3;
	v3 =	vadd.f32 v10, v4;
	v4 =	vld [tilespmem:s0+$0x280]  }
0x1c3: {  	v9 =	vld [tilespmem:s0+$0xA280]  }
0x1c4: {  	[tilespmem:s0+$0x14250] =	vst v3;
	v3 =	vadd.f32 v8, v7;
	v7 =	vld [tilespmem:s0+$0x290]  }
0x1c5: {  	v8 =	vld [tilespmem:s0+$0xA290]  }
0x1c6: {  	[tilespmem:s0+$0x14260] =	vst v3;
	v3 =	vadd.f32 v6, v5;
	v5 =	vld [tilespmem:s0+$0x2A0]  }
0x1c7: {  	v6 =	vld [tilespmem:s0+$0xA2A0]  }
0x1c8: {  	[tilespmem:s0+$0x14270] =	vst v3;
	v3 =	vadd.f32 v9, v4;
	v4 =	vld [tilespmem:s0+$0x2B0]  }
0x1c9: {  	v9 =	vld [tilespmem:s0+$0xA2B0]  }
0x1ca: {  	[tilespmem:s0+$0x14280] =	vst v3;
	v3 =	vadd.f32 v8, v7;
	v7 =	vld [tilespmem:s0+$0x2C0]  }
0x1cb: {  	v8 =	vld [tilespmem:s0+$0xA2C0]  }
0x1cc: {  	[tilespmem:s0+$0x14290] =	vst v3;
	v3 =	vadd.f32 v6, v5;
	v5 =	vld [tilespmem:s0+$0x2D0]  }
0x1cd: {  	v6 =	vld [tilespmem:s0+$0xA2D0]  }
0x1ce: {  	[tilespmem:s0+$0x142A0] =	vst v3;
	v3 =	vadd.f32 v9, v4;
	v4 =	vld [tilespmem:s0+$0x2E0]  }
0x1cf: {  	v9 =	vld [tilespmem:s0+$0xA2E0]  }
0x1d0: {  	[tilespmem:s0+$0x142B0] =	vst v3;
	v3 =	vadd.f32 v8, v7;
	v7 =	vld [tilespmem:s0+$0x2F0]  }
0x1d1: {  	v8 =	vld [tilespmem:s0+$0xA2F0]  }
0x1d2: {  	[tilespmem:s0+$0x142C0] =	vst v3;
	v3 =	vadd.f32 v6, v5;
	v5 =	vld [tilespmem:s0+$0x300]  }
0x1d3: {  	v6 =	vld [tilespmem:s0+$0xA300]  }
0x1d4: {  	[tilespmem:s0+$0x142D0] =	vst v3;
	v3 =	vadd.f32 v9, v4;
	v4 =	vld [tilespmem:s0+$0x310]  }
0x1d5: {  	v9 =	vld [tilespmem:s0+$0xA310]  }
0x1d6: {  	[tilespmem:s0+$0x142E0] =	vst v3;
	v3 =	vadd.f32 v8, v7;
	v7 =	vld [tilespmem:s0+$0x320]  }
0x1d7: {  	v8 =	vld [tilespmem:s0+$0xA320]  }
0x1d8: {  	[tilespmem:s0+$0x142F0] =	vst v3;
	v3 =	vadd.f32 v6, v5;
	v5 =	vld [tilespmem:s0+$0x330]  }
0x1d9: {  	v6 =	vld [tilespmem:s0+$0xA330]  }
0x1da: {  	[tilespmem:s0+$0x14300] =	vst v3;
	v3 =	vadd.f32 v9, v4;
	v4 =	vld [tilespmem:s0+$0x340]  }
0x1db: {  	v9 =	vld [tilespmem:s0+$0xA340]  }
0x1dc: {  	[tilespmem:s0+$0x14310] =	vst v3;
	v3 =	vadd.f32 v8, v7;
	v7 =	vld [tilespmem:s0+$0x350]  }
0x1dd: {  	v8 =	vld [tilespmem:s0+$0xA350]  }
0x1de: {  	[tilespmem:s0+$0x14320] =	vst v3;
	v3 =	vadd.f32 v6, v5;
	v10 =	vld [tilespmem:s0+$0x360]  }
0x1df: {  	v11 =	vld [tilespmem:s0+$0xA360]  }
0x1e0: {  	[tilespmem:s0+$0x14330] =	vst v3;
	v5 =	vadd.f32 v9, v4;
	v4 =	vld [tilespmem:s0+$0x370]  }
.Ltmp0:
0x1e1: {  	v6 =	vld [tilespmem:s0+$0xA370];
	(pc) =	sbr.rel @p1 .LBB2_3-.Ltmp0, $4  }
0x1e2: {  	v3 =	vld [tilespmem:s13+$0x200];
	[tilespmem:s0+$0x14340] =	vst v5;
	v8 =	vadd.f32 v8, v7  }
0x1e3: {  	v7 =	vld [tilespmem:s13+$0xA200]  }
0x1e4: {  	v5 =	vld [tilespmem:s12+$0x200];
	[tilespmem:s0+$0x14350] =	vst v8;
	v9 =	vadd.f32 v11, v10  }
0x1e5: {  	s20 =	sadd.s32 $0x200, s20;
	s10 =	sadd.s32 $0x400, s10;
	v8 =	vld [tilespmem:s12+$0xA200]  }
0x1e6: {  	v4 =	vadd.f32 v6, v4  }
0x1e7: {  	[tilespmem:s0+$0x14360] =	vst v9;
	v6 =	vld [tilespmem:s1+$0x200]  }
0x1e8: {  	[tilespmem:s0+$0x14370] =	vst v4;
	v4 =	vld [tilespmem:s1+$0xA200]  }
0x1e9: {  	v9 =	vld [tilespmem:s11+$0x200]  }
0x1ea: {  	v3 =	vadd.f32 v7, v3;
	v10 =	vld [tilespmem:s11+$0xA200]  }
0x1eb: {  	v5 =	vadd.f32 v8, v5  }
0x1ec: {  	[tilespmem:s13+$0x14200] =	vst v3  }
0x1ed: {  	[tilespmem:s12+$0x14200] =	vst v5  }
0x1ee: {  	v3 =	vadd.f32 v4, v6;
	s0 =	rddreg [dreg:$0x2]  }
0x1ef: {  	v4 =	vadd.f32 v10, v9;
	s0 =	sadd.s32 s0, s31  }
0x1f0: {  	[tilespmem:s1+$0x14200] =	vst v3;
	s0 =	sshll.u32 s0, $0x5  }
0x1f1: {  	[tilespmem:s11+$0x14200] =	vst v4;
	s0 =	sadd.s32 s8, s0;
	s11 =	simm.s32 $0x14200  }
0x1f2: {  	[hbm4b:s0+s2] =	stream.linear.scatter [tilespmem:s11], [sflag:$0x7], $0x5000, $0x38;
	[tilespmem:$0x1E200] =	vst v63  }
0x1f3: {  	_ =	swait.ge [sflag:s21], $0x50  }
0x1f4: {  	[sflag:s21] =	ssyncset.done $0x0  }
0x1f5: {  	[sflag:s21] =	ssyncadd.s32 $0xFFFFFFB0  }
0x1f6: {  	_ =	swait.ge [sflag:s21], $0x50  }
0x1f7: {  	[sflag:s21] =	ssyncset.done $0x0  }
0x1f8: {  	[sflag:s21] =	ssyncadd.s32 $0xFFFFFFB0  }
0x1f9: {  	v3 =	vld [tilespmem:$0x0];
	_ =	sdelay $0x4  }
0x1fa: {  	v4 =	vshll.u32 v3, $0x1  }
0x1fb: {  	v3 =	vand.u32 $0x7, v3;
	v4 =	vand.u32 $0xFFFFFFF0, v4  }
0x1fc: {  	v3 =	vor.u32 v3, v4  }
0x1fd: {  	v4 =	vperm.xlane v3, v0;
	_ =	sdelay $0x1  }
0x1fe: {  	v3 =	vperm.xlane v3, v2;
	v4 =	vadd.s32 v1, v4;
	_ =	sdelay $0x1  }
0x1ff: {  	v3 =	vadd.s32 v1, v3;
	_ =	sdelay $0x1  }
0x200: {  	s12 =	simm.s32 $0x200  }
0x201: {  	[tilespmem:s12], [sflag:$0x3] =	stream.indirect_vreg.gather [hbm4b:s3+s2], $0x80, v4, vm0, $0xb8;
	[tilespmem:$0x1E200] =	vst v63  }
0x202: {  	s13 =	simm.s32 $0xA00  }
0x203: {  	[tilespmem:s13], [sflag:$0x3] =	stream.indirect_vreg.gather [hbm4b:s3+s2], $0x80, v3, vm0, $0xb8;
	[tilespmem:$0x1E200] =	vst v63  }
0x204: {  	v3 =	vld [tilespmem:$0x10];
	_ =	sdelay $0x4  }
0x205: {  	v4 =	vshll.u32 v3, $0x1  }
0x206: {  	v3 =	vand.u32 $0x7, v3;
	v4 =	vand.u32 $0xFFFFFFF0, v4  }
0x207: {  	v3 =	vor.u32 v3, v4  }
0x208: {  	v4 =	vperm.xlane v3, v0;
	_ =	sdelay $0x1  }
0x209: {  	v3 =	vperm.xlane v3, v2;
	v4 =	vadd.s32 v1, v4;
	_ =	sdelay $0x1  }
0x20a: {  	v3 =	vadd.s32 v1, v3;
	_ =	sdelay $0x1  }
0x20b: {  	s14 =	simm.s32 $0x1200  }
0x20c: {  	[tilespmem:s14], [sflag:$0x3] =	stream.indirect_vreg.gather [hbm4b:s3+s2], $0x80, v4, vm0, $0xb8;
	[tilespmem:$0x1E200] =	vst v63  }
0x20d: {  	s15 =	simm.s32 $0x1A00  }
0x20e: {  	[tilespmem:s15], [sflag:$0x3] =	stream.indirect_vreg.gather [hbm4b:s3+s2], $0x80, v3, vm0, $0xb8;
	[tilespmem:$0x1E200] =	vst v63  }
0x20f: {  	v3 =	vld [tilespmem:$0x20];
	_ =	sdelay $0x4  }
0x210: {  	v4 =	vshll.u32 v3, $0x1  }
0x211: {  	v3 =	vand.u32 $0x7, v3;
	v4 =	vand.u32 $0xFFFFFFF0, v4  }
0x212: {  	v3 =	vor.u32 v3, v4  }
0x213: {  	v4 =	vperm.xlane v3, v0;
	_ =	sdelay $0x1  }
0x214: {  	v3 =	vperm.xlane v3, v2;
	v4 =	vadd.s32 v1, v4;
	_ =	sdelay $0x1  }
0x215: {  	v3 =	vadd.s32 v1, v3;
	_ =	sdelay $0x1  }
0x216: {  	s16 =	simm.s32 $0x2200  }
0x217: {  	[tilespmem:s16], [sflag:$0x3] =	stream.indirect_vreg.gather [hbm4b:s3+s2], $0x80, v4, vm0, $0xb8;
	[tilespmem:$0x1E200] =	vst v63  }
0x218: {  	s17 =	simm.s32 $0x2A00  }
0x219: {  	[tilespmem:s17], [sflag:$0x3] =	stream.indirect_vreg.gather [hbm4b:s3+s2], $0x80, v3, vm0, $0xb8;
	[tilespmem:$0x1E200] =	vst v63  }
0x21a: {  	v3 =	vld [tilespmem:$0x30];
	_ =	sdelay $0x4  }
0x21b: {  	v4 =	vshll.u32 v3, $0x1  }
0x21c: {  	v3 =	vand.u32 $0x7, v3;
	v4 =	vand.u32 $0xFFFFFFF0, v4  }
0x21d: {  	v3 =	vor.u32 v3, v4  }
0x21e: {  	v4 =	vperm.xlane v3, v0;
	_ =	sdelay $0x1  }
0x21f: {  	v3 =	vperm.xlane v3, v2;
	v4 =	vadd.s32 v1, v4;
	_ =	sdelay $0x1  }
0x220: {  	v3 =	vadd.s32 v1, v3;
	_ =	sdelay $0x1  }
0x221: {  	s18 =	simm.s32 $0x3200  }
0x222: {  	[tilespmem:s18], [sflag:$0x3] =	stream.indirect_vreg.gather [hbm4b:s3+s2], $0x80, v4, vm0, $0xb8;
	[tilespmem:$0x1E200] =	vst v63  }
0x223: {  	s19 =	simm.s32 $0x3A00  }
0x224: {  	[tilespmem:s19], [sflag:$0x3] =	stream.indirect_vreg.gather [hbm4b:s3+s2], $0x80, v3, vm0, $0xb8;
	[tilespmem:$0x1E200] =	vst v63  }
0x225: {  	v3 =	vld [tilespmem:$0x40];
	_ =	sdelay $0x4  }
0x226: {  	v4 =	vshll.u32 v3, $0x1  }
0x227: {  	v3 =	vand.u32 $0x7, v3;
	v4 =	vand.u32 $0xFFFFFFF0, v4  }
0x228: {  	v3 =	vor.u32 v3, v4  }
0x229: {  	v4 =	vperm.xlane v3, v0;
	_ =	sdelay $0x1  }
0x22a: {  	v3 =	vperm.xlane v3, v2;
	v4 =	vadd.s32 v1, v4;
	_ =	sdelay $0x1  }
0x22b: {  	v3 =	vadd.s32 v1, v3;
	_ =	sdelay $0x1  }
0x22c: {  	s20 =	simm.s32 $0x4200  }
0x22d: {  	[tilespmem:s20], [sflag:$0x3] =	stream.indirect_vreg.gather [hbm4b:s3+s2], $0x80, v4, vm0, $0xb8;
	[tilespmem:$0x1E200] =	vst v63  }
0x22e: {  	s25 =	simm.s32 $0x4A00  }
0x22f: {  	[tilespmem:s25], [sflag:$0x3] =	stream.indirect_vreg.gather [hbm4b:s3+s2], $0x80, v3, vm0, $0xb8;
	[tilespmem:$0x1E200] =	vst v63  }
0x230: {  	v3 =	vld [tilespmem:$0x100];
	_ =	sdelay $0x4  }
0x231: {  	v4 =	vshll.u32 v3, $0x1  }
0x232: {  	v3 =	vand.u32 $0x7, v3;
	v4 =	vand.u32 $0xFFFFFFF0, v4  }
0x233: {  	v3 =	vor.u32 v3, v4  }
0x234: {  	v4 =	vperm.xlane v3, v0;
	_ =	sdelay $0x1  }
0x235: {  	v3 =	vperm.xlane v3, v2;
	v4 =	vadd.s32 v1, v4;
	_ =	sdelay $0x1  }
0x236: {  	v3 =	vadd.s32 v1, v3;
	_ =	sdelay $0x1  }
0x237: {  	s29 =	simm.s32 $0xA200  }
0x238: {  	[tilespmem:s29], [sflag:$0x4] =	stream.indirect_vreg.gather [hbm4b:s4+s2], $0x80, v4, vm0, $0xb8;
	[tilespmem:$0x1E200] =	vst v63  }
0x239: {  	s1 =	simm.s32 $0xAA00  }
0x23a: {  	[tilespmem:s1], [sflag:$0x4] =	stream.indirect_vreg.gather [hbm4b:s4+s2], $0x80, v3, vm0, $0xb8;
	[tilespmem:$0x1E200] =	vst v63  }
0x23b: {  	v3 =	vld [tilespmem:$0x110];
	_ =	sdelay $0x4  }
0x23c: {  	v4 =	vshll.u32 v3, $0x1  }
0x23d: {  	v3 =	vand.u32 $0x7, v3;
	v4 =	vand.u32 $0xFFFFFFF0, v4  }
0x23e: {  	v3 =	vor.u32 v3, v4  }
0x23f: {  	v4 =	vperm.xlane v3, v0;
	_ =	sdelay $0x1  }
0x240: {  	v3 =	vperm.xlane v3, v2;
	v4 =	vadd.s32 v1, v4;
	_ =	sdelay $0x1  }
0x241: {  	v3 =	vadd.s32 v1, v3;
	_ =	sdelay $0x1  }
0x242: {  	s6 =	simm.s32 $0xB200  }
0x243: {  	[tilespmem:s6], [sflag:$0x4] =	stream.indirect_vreg.gather [hbm4b:s4+s2], $0x80, v4, vm0, $0xb8;
	[tilespmem:$0x1E200] =	vst v63  }
0x244: {  	s9 =	simm.s32 $0xBA00  }
0x245: {  	[tilespmem:s9], [sflag:$0x4] =	stream.indirect_vreg.gather [hbm4b:s4+s2], $0x80, v3, vm0, $0xb8;
	[tilespmem:$0x1E200] =	vst v63  }
0x246: {  	v3 =	vld [tilespmem:$0x120];
	_ =	sdelay $0x4  }
0x247: {  	v4 =	vshll.u32 v3, $0x1  }
0x248: {  	v3 =	vand.u32 $0x7, v3;
	v4 =	vand.u32 $0xFFFFFFF0, v4  }
0x249: {  	v3 =	vor.u32 v3, v4  }
0x24a: {  	v4 =	vperm.xlane v3, v0;
	_ =	sdelay $0x1  }
0x24b: {  	v3 =	vperm.xlane v3, v2;
	v4 =	vadd.s32 v1, v4;
	_ =	sdelay $0x1  }
0x24c: {  	v3 =	vadd.s32 v1, v3;
	_ =	sdelay $0x1  }
0x24d: {  	s10 =	simm.s32 $0xC200  }
0x24e: {  	[tilespmem:s10], [sflag:$0x4] =	stream.indirect_vreg.gather [hbm4b:s4+s2], $0x80, v4, vm0, $0xb8;
	[tilespmem:$0x1E200] =	vst v63  }
0x24f: {  	s11 =	simm.s32 $0xCA00  }
0x250: {  	[tilespmem:s11], [sflag:$0x4] =	stream.indirect_vreg.gather [hbm4b:s4+s2], $0x80, v3, vm0, $0xb8;
	[tilespmem:$0x1E200] =	vst v63  }
0x251: {  	v3 =	vld [tilespmem:$0x130];
	_ =	sdelay $0x4  }
0x252: {  	v4 =	vshll.u32 v3, $0x1  }
0x253: {  	v3 =	vand.u32 $0x7, v3;
	v4 =	vand.u32 $0xFFFFFFF0, v4  }
0x254: {  	v3 =	vor.u32 v3, v4  }
0x255: {  	v4 =	vperm.xlane v3, v0;
	_ =	sdelay $0x1  }
0x256: {  	v3 =	vperm.xlane v3, v2;
	v4 =	vadd.s32 v1, v4;
	_ =	sdelay $0x1  }
0x257: {  	v3 =	vadd.s32 v1, v3;
	_ =	sdelay $0x1  }
0x258: {  	s12 =	simm.s32 $0xD200  }
0x259: {  	[tilespmem:s12], [sflag:$0x4] =	stream.indirect_vreg.gather [hbm4b:s4+s2], $0x80, v4, vm0, $0xb8;
	[tilespmem:$0x1E200] =	vst v63  }
0x25a: {  	s13 =	simm.s32 $0xDA00  }
0x25b: {  	[tilespmem:s13], [sflag:$0x4] =	stream.indirect_vreg.gather [hbm4b:s4+s2], $0x80, v3, vm0, $0xb8;
	[tilespmem:$0x1E200] =	vst v63  }
0x25c: {  	v3 =	vld [tilespmem:$0x140];
	_ =	sdelay $0x4  }
0x25d: {  	v4 =	vshll.u32 v3, $0x1  }
0x25e: {  	v3 =	vand.u32 $0x7, v3;
	v4 =	vand.u32 $0xFFFFFFF0, v4  }
0x25f: {  	v3 =	vor.u32 v3, v4  }
0x260: {  	v4 =	vperm.xlane v3, v0;
	_ =	sdelay $0x1  }
0x261: {  	v3 =	vperm.xlane v3, v2;
	v4 =	vadd.s32 v1, v4;
	_ =	sdelay $0x1  }
0x262: {  	v3 =	vadd.s32 v1, v3;
	_ =	sdelay $0x1  }
0x263: {  	s14 =	simm.s32 $0xE200  }
0x264: {  	[tilespmem:s14], [sflag:$0x4] =	stream.indirect_vreg.gather [hbm4b:s4+s2], $0x80, v4, vm0, $0xb8;
	[tilespmem:$0x1E200] =	vst v63  }
0x265: {  	s15 =	simm.s32 $0xEA00  }
0x266: {  	[tilespmem:s15], [sflag:$0x4] =	stream.indirect_vreg.gather [hbm4b:s4+s2], $0x80, v3, vm0, $0xb8;
	[tilespmem:$0x1E200] =	vst v63  }
0x267: {  	_ =	swait.ge [sflag:s26], $0x5000  }
0x268: {  	[sflag:s26] =	ssyncset.done $0x0  }
0x269: {  	[sflag:s26] =	ssyncadd.s32 $0xFFFFB000  }
0x26a: {  	_ =	swait.ge [sflag:s28], $0x5000  }
0x26b: {  	p0 =	seq.s32 s30, $0x3D;
	s0 =	rddreg [dreg:$0x9]  }
0x26c: {  	s0 =	sadd.s32 @!p0 s31, s0  }
0x26d: {  	s6 =	simm.s32 @!p0 $0x0;
	[sflag:s28] =	ssyncset.done $0x0;
	s0 =	sshrl.u32 @!p0 s0, $0x3  }
0x26e: {  	s9 =	simm.s32 @!p0 $0x80;
	[sflag:s28] =	ssyncadd.s32 $0xFFFFB000;
	s1 =	sadd.s32 @!p0 s5, s0  }
0x26f: {  	[tilespmem:s9], [sflag:$0x2] =	stream.linear.gather @!p0 [hbm4b:s1+s6], $0x50, $0x38;
	[tilespmem:$0x1E200] =	vst v63  }
0x270: {  	p1 =	seq.s32 @!p0 s30, $0x0;
	s0 =	sadd.s32 @!p0 s7, s0;
	s1 =	simm.s32 @!p0 $0x180  }
0x271: {  	[tilespmem:s1], [sflag:$0x2] =	stream.linear.gather @!p0 [hbm4b:s0+s6], $0x50, $0x38;
	[tilespmem:$0x1E200] =	vst v63  }
0x272: {  	p0 =	por p0, !p1  }
0x273: {  	s16 =	simm.s32 $0x0;
	s0 =	simm.s32 @p0 $0x8  }
0x274: {  	s17 =	sand.u32 $0x7800, s16;
	_ =	swait.ge @p0 [sflag:s0], $0x5000  }
0x275: {  	s18 =	sand.u32 $0x200, s16;
	s19 =	sadd.s32 $0x5000, s17;
	[sflag:s0] =	ssyncset.done @p0 $0x0  }
0x276: {  	s20 =	sor.u32 s18, s19;
	[sflag:s0] =	ssyncadd.s32 @p0 $0xFFFFB000  }
0x277: {  	v54 =	vld [tilespmem:s20+$0x220]  }
0x278: {  	v55 =	vld [tilespmem:s20+$0x240]  }
0x279: {  	v56 =	vld [tilespmem:s20+$0xA240]  }
0x27a: {  	v57 =	vld [tilespmem:s20+$0x250]  }
0x27b: {  	v16 =	vld [tilespmem:s20+$0xA250]  }
0x27c: {  	v17 =	vld [tilespmem:s20+$0x260]  }
0x27d: {  	v18 =	vld [tilespmem:s20+$0xA260]  }
0x27e: {  	s25 =	sor.u32 $0x80, s18;
	v19 =	vld [tilespmem:s20+$0x270]  }
0x27f: {  	s14 =	sor.u32 s25, s19;
	v20 =	vld [tilespmem:s20+$0xA270]  }
0x280: {  	v21 =	vld [tilespmem:s14+$0x200]  }
0x281: {  	v22 =	vld [tilespmem:s14+$0xA200]  }
0x282: {  	v23 =	vld [tilespmem:s14+$0x210]  }
0x283: {  	v24 =	vld [tilespmem:s14+$0xA210]  }
0x284: {  	v25 =	vld [tilespmem:s14+$0x220]  }
0x285: {  	v26 =	vld [tilespmem:s14+$0xA220]  }
0x286: {  	v27 =	vld [tilespmem:s14+$0x230]  }
0x287: {  	v28 =	vld [tilespmem:s14+$0xA230]  }
0x288: {  	v29 =	vld [tilespmem:s14+$0x240]  }
0x289: {  	v30 =	vld [tilespmem:s14+$0xA240]  }
0x28a: {  	v31 =	vld [tilespmem:s14+$0x250]  }
0x28b: {  	v32 =	vld [tilespmem:s14+$0xA250]  }
0x28c: {  	v33 =	vld [tilespmem:s14+$0x260]  }
0x28d: {  	v34 =	vld [tilespmem:s14+$0xA260]  }
0x28e: {  	s0 =	sor.u32 $0x180, s18;
	v35 =	vld [tilespmem:s14+$0x270]  }
0x28f: {  	s10 =	sor.u32 s0, s19;
	v36 =	vld [tilespmem:s14+$0xA270]  }
0x290: {  	v3 =	vld [tilespmem:s10+$0x200]  }
0x291: {  	v4 =	vld [tilespmem:s10+$0xA200]  }
0x292: {  	v5 =	vld [tilespmem:s10+$0x210]  }
0x293: {  	v6 =	vld [tilespmem:s10+$0xA210]  }
0x294: {  	v7 =	vld [tilespmem:s10+$0x220]  }
0x295: {  	v8 =	vld [tilespmem:s10+$0xA220]  }
0x296: {  	v9 =	vld [tilespmem:s10+$0x230]  }
0x297: {  	v10 =	vld [tilespmem:s10+$0xA230]  }
0x298: {  	v11 =	vld [tilespmem:s10+$0x240]  }
0x299: {  	v12 =	vld [tilespmem:s10+$0xA240]  }
0x29a: {  	v13 =	vld [tilespmem:s10+$0x250]  }
0x29b: {  	v14 =	vld [tilespmem:s10+$0xA250]  }
0x29c: {  	v15 =	vld [tilespmem:s10+$0x260]  }
0x29d: {  	v3 =	vadd.f32 v4, v3;
	v4 =	vld [tilespmem:s10+$0xA260]  }
0x29e: {  	v5 =	vadd.f32 v6, v5;
	v6 =	vld [tilespmem:s10+$0x270]  }
0x29f: {  	[tilespmem:s10+$0x14200] =	vst v3;
	v3 =	vadd.f32 v8, v7;
	v7 =	vld [tilespmem:s10+$0xA270]  }
0x2a0: {  	v8 =	vld [tilespmem:s20+$0x200];
	[tilespmem:s10+$0x14210] =	vst v5;
	v5 =	vadd.f32 v10, v9  }
0x2a1: {  	v9 =	vld [tilespmem:s20+$0xA200];
	[tilespmem:s10+$0x14220] =	vst v3;
	v3 =	vadd.f32 v12, v11  }
0x2a2: {  	v10 =	vld [tilespmem:s20+$0x210];
	[tilespmem:s10+$0x14230] =	vst v5;
	v5 =	vadd.f32 v14, v13  }
0x2a3: {  	v11 =	vld [tilespmem:s20+$0xA210];
	[tilespmem:s10+$0x14240] =	vst v3;
	v3 =	vadd.f32 v4, v15  }
0x2a4: {  	[tilespmem:s10+$0x14250] =	vst v5;
	v5 =	vld [tilespmem:s20+$0xA220];
	v4 =	vadd.f32 v7, v6  }
0x2a5: {  	s1 =	sadd.s32 $0x5400, s17;
	v6 =	vld [tilespmem:s20+$0x230];
	[tilespmem:s10+$0x14260] =	vst v3  }
0x2a6: {  	s0 =	sor.u32 s0, s1;
	v7 =	vld [tilespmem:s20+$0xA230];
	[tilespmem:s10+$0x14270] =	vst v4  }
0x2a7: {  	s10 =	sor.u32 $0x100, s18;
	v3 =	vld [tilespmem:s0+$0x200]  }
0x2a8: {  	v4 =	vld [tilespmem:s0+$0xA200];
	s12 =	sor.u32 s10, s19  }
0x2a9: {  	v8 =	vadd.f32 v9, v8;
	v9 =	vld [tilespmem:s12+$0x200]  }
0x2aa: {  	v10 =	vadd.f32 v11, v10;
	v11 =	vld [tilespmem:s12+$0xA200]  }
0x2ab: {  	[tilespmem:s20+$0x14200] =	vst v8;
	v8 =	vld [tilespmem:s12+$0x210]  }
0x2ac: {  	[tilespmem:s20+$0x14210] =	vst v10;
	v10 =	vld [tilespmem:s12+$0x220]  }
0x2ad: {  	v12 =	vld [tilespmem:s12+$0xA220]  }
0x2ae: {  	v13 =	vld [tilespmem:s12+$0x230]  }
0x2af: {  	v5 =	vadd.f32 v5, v54;
	v14 =	vld [tilespmem:s12+$0xA230]  }
0x2b0: {  	v15 =	vld [tilespmem:s12+$0x240];
	v6 =	vadd.f32 v7, v6  }
0x2b1: {  	v7 =	vld [tilespmem:s12+$0xA210];
	[tilespmem:s20+$0x14220] =	vst v5;
	v5 =	vadd.f32 v56, v55  }
0x2b2: {  	[tilespmem:s20+$0x14230] =	vst v6;
	v6 =	vadd.f32 v16, v57;
	v16 =	vld [tilespmem:s12+$0xA240]  }
0x2b3: {  	[tilespmem:s20+$0x14240] =	vst v5;
	v5 =	vadd.f32 v18, v17;
	v17 =	vld [tilespmem:s12+$0x250]  }
0x2b4: {  	v18 =	vld [tilespmem:s12+$0xA250]  }
0x2b5: {  	s11 =	simm.s32 $0x400;
	[tilespmem:s20+$0x14250] =	vst v6;
	v6 =	vadd.f32 v20, v19;
	v19 =	vld [tilespmem:s12+$0x260]  }
0x2b6: {  	s29 =	simm.s32 $0x200;
	s9 =	sand.u32 $0x7800, s11;
	v20 =	vld [tilespmem:s12+$0xA260];
	[tilespmem:s20+$0x14260] =	vst v5  }
0x2b7: {  	s11 =	sand.u32 $0x200, s29;
	v5 =	vadd.f32 v22, v21;
	v21 =	vld [tilespmem:s12+$0x270];
	[tilespmem:s20+$0x14270] =	vst v6;
	s20 =	sor.u32 s25, s1;
	s25 =	sadd.s32 $0x5000, s9  }
0x2b8: {  	v22 =	vld [tilespmem:s12+$0xA270];
	s19 =	sor.u32 s11, s25  }
0x2b9: {  	v3 =	vadd.f32 v4, v3;
	v51 =	vld [tilespmem:s19+$0xA200]  }
0x2ba: {  	v9 =	vadd.f32 v11, v9;
	v53 =	vld [tilespmem:s19+$0x210]  }
0x2bb: {  	[tilespmem:s0+$0x14200] =	vst v3;
	v55 =	vld [tilespmem:s19+$0xA210]  }
0x2bc: {  	v3 =	vadd.f32 v7, v8;
	v8 =	vadd.f32 v12, v10;
	[tilespmem:s12+$0x14200] =	vst v9;
	v57 =	vld [tilespmem:s19+$0x220]  }
0x2bd: {  	s15 =	sor.u32 $0x80, s11;
	v6 =	vadd.f32 v24, v23;
	[tilespmem:s14+$0x14200] =	vst v5;
	v38 =	vld [tilespmem:s19+$0xA250]  }
0x2be: {  	s17 =	sor.u32 s18, s1;
	v5 =	vadd.f32 v26, v25;
	s18 =	sor.u32 s15, s25;
	[tilespmem:s12+$0x14220] =	vst v8;
	v39 =	vld [tilespmem:s19+$0x260]  }
0x2bf: {  	v8 =	vadd.f32 v16, v15;
	[tilespmem:s14+$0x14210] =	vst v6;
	v4 =	vld [tilespmem:s18+$0xA200]  }
0x2c0: {  	v6 =	vadd.f32 v28, v27;
	v11 =	vld [tilespmem:s18+$0x210];
	[tilespmem:s14+$0x14220] =	vst v5  }
0x2c1: {  	v9 =	vld [tilespmem:s18+$0x220];
	v5 =	vadd.f32 v30, v29;
	[tilespmem:s12+$0x14240] =	vst v8  }
0x2c2: {  	v10 =	vld [tilespmem:s18+$0xA220];
	v8 =	vadd.f32 v20, v19;
	[tilespmem:s14+$0x14230] =	vst v6  }
0x2c3: {  	v7 =	vld [tilespmem:s18+$0xA210];
	v6 =	vadd.f32 v32, v31;
	[tilespmem:s14+$0x14240] =	vst v5  }
0x2c4: {  	v30 =	vld [tilespmem:s19+$0x200];
	v5 =	vadd.f32 v34, v33;
	[tilespmem:s12+$0x14260] =	vst v8  }
0x2c5: {  	s29 =	sor.u32 $0x100, s11;
	v8 =	vld [tilespmem:s18+$0xA250];
	[tilespmem:s14+$0x14250] =	vst v6  }
0x2c6: {  	s0 =	sor.u32 s29, s25;
	v6 =	vadd.f32 v36, v35;
	[tilespmem:s14+$0x14260] =	vst v5;
	v5 =	vld [tilespmem:s17+$0x200]  }
0x2c7: {  	v9 =	vadd.f32 v10, v9;
	v10 =	vld [tilespmem:s0+$0x250]  }
0x2c8: {  	[tilespmem:s14+$0x14270] =	vst v6;
	v6 =	vld [tilespmem:s17+$0xA200]  }
0x2c9: {  	s6 =	sor.u32 $0x180, s11;
	v23 =	vld [tilespmem:s20+$0x200]  }
0x2ca: {  	s14 =	sor.u32 s6, s25;
	v24 =	vld [tilespmem:s20+$0xA200]  }
0x2cb: {  	v58 =	vld [tilespmem:s14+$0x200]  }
0x2cc: {  	v59 =	vld [tilespmem:s14+$0xA200]  }
0x2cd: {  	v60 =	vld [tilespmem:s14+$0x210]  }
0x2ce: {  	v61 =	vld [tilespmem:s14+$0xA210]  }
0x2cf: {  	v62 =	vld [tilespmem:s14+$0x220]  }
0x2d0: {  	v63 =	vld [tilespmem:s14+$0xA220]  }
0x2d1: {  	v40 =	vld [tilespmem:s14+$0x230]  }
0x2d2: {  	v41 =	vld [tilespmem:s14+$0xA230]  }
0x2d3: {  	v42 =	vld [tilespmem:s14+$0x240]  }
0x2d4: {  	v43 =	vld [tilespmem:s14+$0xA240]  }
0x2d5: {  	v44 =	vld [tilespmem:s14+$0x250]  }
0x2d6: {  	v45 =	vld [tilespmem:s14+$0xA250]  }
0x2d7: {  	v37 =	vld [tilespmem:s14+$0x260]  }
0x2d8: {  	v46 =	vld [tilespmem:s14+$0xA260]  }
0x2d9: {  	v47 =	vld [tilespmem:s14+$0x270]  }
0x2da: {  	v49 =	vld [tilespmem:s14+$0xA270]  }
0x2db: {  	v5 =	vadd.f32 v6, v5;
	v6 =	vld [tilespmem:s18+$0x250]  }
0x2dc: {  	[tilespmem:s12+$0x14210] =	vst v3;
	v3 =	vadd.f32 v14, v13;
	v25 =	vadd.f32 v59, v58;
	v59 =	vld [tilespmem:s19+$0xA220]  }
0x2dd: {  	v27 =	vadd.f32 v61, v60;
	v60 =	vld [tilespmem:s19+$0x230]  }
0x2de: {  	[tilespmem:s12+$0x14230] =	vst v3;
	v3 =	vadd.f32 v18, v17;
	v48 =	vadd.f32 v63, v62;
	v62 =	vld [tilespmem:s19+$0xA230]  }
0x2df: {  	v63 =	vld [tilespmem:s19+$0x240]  }
0x2e0: {  	[tilespmem:s12+$0x14250] =	vst v3;
	v54 =	vadd.f32 v45, v44;
	v45 =	vld [tilespmem:s19+$0xA240]  }
0x2e1: {  	v56 =	vadd.f32 v46, v37;
	v46 =	vld [tilespmem:s19+$0x250];
	[tilespmem:s17+$0x14200] =	vst v5  }
0x2e2: {  	v50 =	vadd.f32 v41, v40;
	v40 =	vld [tilespmem:s19+$0xA260];
	[tilespmem:s14+$0x14200] =	vst v25  }
0x2e3: {  	v41 =	vld [tilespmem:s19+$0x270];
	[tilespmem:s14+$0x14210] =	vst v27  }
0x2e4: {  	v52 =	vadd.f32 v43, v42;
	v42 =	vld [tilespmem:s19+$0xA270];
	[tilespmem:s14+$0x14220] =	vst v48  }
0x2e5: {  	v43 =	vld [tilespmem:s18+$0x200];
	[tilespmem:s14+$0x14230] =	vst v50  }
0x2e6: {  	v58 =	vadd.f32 v49, v47;
	v47 =	vld [tilespmem:s18+$0x230];
	[tilespmem:s14+$0x14240] =	vst v52  }
0x2e7: {  	v49 =	vld [tilespmem:s18+$0x240];
	[tilespmem:s14+$0x14250] =	vst v54  }
0x2e8: {  	s16 =	sadd.s32 $0x5400, s9;
	v3 =	vadd.f32 v22, v21;
	v5 =	vadd.f32 v51, v30;
	v51 =	vld [tilespmem:s18+$0x260];
	[tilespmem:s14+$0x14260] =	vst v56  }
0x2e9: {  	s9 =	sor.u32 s6, s16;
	[tilespmem:s14+$0x14270] =	vst v58;
	v48 =	vld [tilespmem:s18+$0xA230]  }
0x2ea: {  	[tilespmem:s12+$0x14270] =	vst v3;
	v3 =	vadd.f32 v24, v23;
	v27 =	vld [tilespmem:s9+$0x200]  }
0x2eb: {  	[tilespmem:s18+$0x14220] =	vst v9;
	v61 =	vld [tilespmem:s9+$0xA200]  }
0x2ec: {  	v50 =	vld [tilespmem:s18+$0xA240];
	[tilespmem:s20+$0x14200] =	vst v3;
	v3 =	vadd.f32 v55, v53  }
0x2ed: {  	v52 =	vld [tilespmem:s18+$0xA260];
	[tilespmem:s19+$0x14200] =	vst v5;
	v6 =	vadd.f32 v8, v6  }
0x2ee: {  	v53 =	vld [tilespmem:s0+$0x200];
	[tilespmem:s19+$0x14210] =	vst v3;
	v5 =	vadd.f32 v59, v57  }
0x2ef: {  	v54 =	vld [tilespmem:s0+$0xA200];
	v4 =	vadd.f32 v4, v43;
	[tilespmem:s18+$0x14250] =	vst v6  }
0x2f0: {  	v55 =	vld [tilespmem:s0+$0x210];
	[tilespmem:s19+$0x14220] =	vst v5;
	v3 =	vadd.f32 v61, v27  }
0x2f1: {  	v56 =	vld [tilespmem:s0+$0xA210];
	v5 =	vadd.f32 v62, v60;
	[tilespmem:s18+$0x14200] =	vst v4  }
0x2f2: {  	v58 =	vld [tilespmem:s0+$0xA220];
	[tilespmem:s9+$0x14200] =	vst v3;
	v3 =	vadd.f32 v45, v63  }
0x2f3: {  	v57 =	vld [tilespmem:s0+$0x220];
	v4 =	vadd.f32 v7, v11;
	[tilespmem:s19+$0x14230] =	vst v5  }
0x2f4: {  	v59 =	vld [tilespmem:s0+$0x230];
	[tilespmem:s19+$0x14240] =	vst v3;
	v3 =	vadd.f32 v40, v39  }
0x2f5: {  	v60 =	vld [tilespmem:s0+$0xA230];
	v5 =	vadd.f32 v38, v46;
	[tilespmem:s18+$0x14210] =	vst v4  }
0x2f6: {  	v7 =	vld [tilespmem:s0+$0xA240];
	[tilespmem:s19+$0x14260] =	vst v3;
	v3 =	vadd.f32 v42, v41  }
0x2f7: {  	v11 =	vld [tilespmem:s0+$0xA250];
	[tilespmem:s19+$0x14250] =	vst v5;
	v5 =	vadd.f32 v54, v53  }
0x2f8: {  	v61 =	vld [tilespmem:s0+$0x240];
	[tilespmem:s19+$0x14270] =	vst v3;
	v3 =	vadd.f32 v56, v55  }
0x2f9: {  	v9 =	vadd.f32 v48, v47;
	[tilespmem:s0+$0x14200] =	vst v5;
	v5 =	vld [tilespmem:s18+$0x270]  }
0x2fa: {  	v4 =	vadd.f32 v58, v57;
	[tilespmem:s0+$0x14210] =	vst v3;
	v3 =	vld [tilespmem:s18+$0xA270]  }
0x2fb: {  	v62 =	vadd.f32 v50, v49;
	[tilespmem:s18+$0x14230] =	vst v9  }
0x2fc: {  	v8 =	vld [tilespmem:s0+$0xA260];
	[tilespmem:s0+$0x14220] =	vst v4;
	v4 =	vadd.f32 v60, v59  }
0x2fd: {  	v9 =	vld [tilespmem:s0+$0x260];
	[tilespmem:s18+$0x14240] =	vst v62;
	v63 =	vadd.f32 v52, v51  }
0x2fe: {  	v10 =	vadd.f32 v11, v10;
	[tilespmem:s0+$0x14230] =	vst v4;
	v4 =	vadd.f32 v7, v61;
	v7 =	vld [tilespmem:s0+$0xA270]  }
0x2ff: {  	s12 =	sor.u32 s11, s16;
	[tilespmem:s18+$0x14260] =	vst v63;
	v3 =	vadd.f32 v3, v5;
	v5 =	vld [tilespmem:s0+$0x270]  }
0x300: {  	[tilespmem:s0+$0x14250] =	vst v10;
	v6 =	vld [tilespmem:s12+$0xA200]  }
0x301: {  	s13 =	sor.u32 s15, s16;
	s1 =	sor.u32 s10, s1;
	s10 =	simm.s32 $0x400;
	[tilespmem:s18+$0x14270] =	vst v3;
	v3 =	vld [tilespmem:s12+$0x200]  }
0x302: {  	s11 =	sor.u32 s29, s16;
	s20 =	simm.s32 $0x800;
	v8 =	vadd.f32 v8, v9;
	s19 =	simm.s32 $0x4;
	[tilespmem:s0+$0x14240] =	vst v4;
	v4 =	vld [tilespmem:s13+$0x200]  }
.LBB2_5:
0x303: {  	s6 =	sand.u32 $0x7800, s20;
	s18 =	sand.u32 $0x200, s10;
	v9 =	vld [tilespmem:s13+$0xA200]  }
0x304: {  	s29 =	sadd.s32 $0x5000, s6;
	s9 =	sor.u32 $0x80, s18;
	s25 =	sor.u32 $0x180, s18;
	[tilespmem:s0+$0x14260] =	vst v8;
	v5 =	vadd.f32 v7, v5;
	v7 =	vld [tilespmem:s1+$0x200]  }
0x305: {  	s14 =	sor.u32 $0x100, s18;
	s17 =	sor.u32 s18, s29;
	s15 =	sor.u32 s25, s29;
	v8 =	vld [tilespmem:s1+$0xA200]  }
0x306: {  	s16 =	sor.u32 s9, s29;
	v10 =	vld [tilespmem:s15+$0x200];
	v3 =	vadd.f32 v6, v3;
	[tilespmem:s0+$0x14270] =	vst v5;
	s0 =	sor.u32 s14, s29  }
0x307: {  	v5 =	vld [tilespmem:s15+$0xA200]  }
0x308: {  	v6 =	vld [tilespmem:s15+$0x210];
	[tilespmem:s12+$0x14200] =	vst v3;
	v3 =	vadd.f32 v9, v4  }
0x309: {  	v4 =	vld [tilespmem:s15+$0xA210]  }
0x30a: {  	v9 =	vld [tilespmem:s15+$0x220];
	[tilespmem:s13+$0x14200] =	vst v3;
	v3 =	vadd.f32 v8, v7  }
0x30b: {  	v7 =	vld [tilespmem:s15+$0xA220]  }
0x30c: {  	v8 =	vld [tilespmem:s15+$0x230];
	[tilespmem:s1+$0x14200] =	vst v3;
	s1 =	smov.u32 s11  }
0x30d: {  	v3 =	vld [tilespmem:s15+$0xA230]  }
0x30e: {  	v11 =	vld [tilespmem:s15+$0x240]  }
0x30f: {  	v12 =	vld [tilespmem:s15+$0xA240]  }
0x310: {  	v13 =	vld [tilespmem:s15+$0x250]  }
0x311: {  	v14 =	vld [tilespmem:s15+$0xA250]  }
0x312: {  	v15 =	vld [tilespmem:s15+$0x260]  }
0x313: {  	s19 =	sadd.s32 $0x4, s19;
	v5 =	vadd.f32 v5, v10;
	v10 =	vld [tilespmem:s15+$0xA260]  }
0x314: {  	p0 =	slt.u32 s19, $0x4C;
	v4 =	vadd.f32 v4, v6;
	v6 =	vld [tilespmem:s15+$0x270]  }
0x315: {  	[tilespmem:s15+$0x14200] =	vst v5;
	v5 =	vadd.f32 v7, v9;
	v7 =	vld [tilespmem:s15+$0xA270]  }
0x316: {  	v3 =	vadd.f32 v3, v8;
	v9 =	vld [tilespmem:s17+$0x200];
	[tilespmem:s15+$0x14210] =	vst v4  }
0x317: {  	v4 =	vld [tilespmem:s17+$0xA200];
	[tilespmem:s15+$0x14220] =	vst v5;
	v5 =	vadd.f32 v12, v11  }
0x318: {  	v8 =	vld [tilespmem:s17+$0x210];
	[tilespmem:s15+$0x14230] =	vst v3;
	v3 =	vadd.f32 v14, v13  }
0x319: {  	v11 =	vld [tilespmem:s17+$0xA210];
	[tilespmem:s15+$0x14240] =	vst v5;
	v5 =	vadd.f32 v10, v15  }
0x31a: {  	v10 =	vld [tilespmem:s17+$0x220];
	[tilespmem:s15+$0x14250] =	vst v3;
	v3 =	vadd.f32 v7, v6  }
0x31b: {  	s6 =	sadd.s32 $0x5400, s6;
	v6 =	vld [tilespmem:s17+$0xA220];
	[tilespmem:s15+$0x14260] =	vst v5  }
0x31c: {  	s12 =	sor.u32 s18, s6;
	s13 =	sor.u32 s9, s6;
	s9 =	sor.u32 s25, s6;
	v4 =	vadd.f32 v4, v9;
	v5 =	vld [tilespmem:s17+$0x230];
	[tilespmem:s15+$0x14270] =	vst v3  }
0x31d: {  	s11 =	sor.u32 s14, s6;
	v3 =	vld [tilespmem:s9+$0x200]  }
0x31e: {  	[tilespmem:s17+$0x14200] =	vst v4;
	v4 =	vadd.f32 v11, v8;
	v7 =	vld [tilespmem:s9+$0xA200]  }
0x31f: {  	v8 =	vld [tilespmem:s17+$0xA230]  }
0x320: {  	[tilespmem:s17+$0x14210] =	vst v4;
	v4 =	vadd.f32 v6, v10;
	v6 =	vld [tilespmem:s17+$0x240]  }
0x321: {  	v9 =	vld [tilespmem:s17+$0xA240]  }
0x322: {  	[tilespmem:s17+$0x14220] =	vst v4;
	v4 =	vld [tilespmem:s17+$0x250]  }
0x323: {  	v10 =	vld [tilespmem:s17+$0xA250];
	v3 =	vadd.f32 v7, v3  }
0x324: {  	v5 =	vadd.f32 v8, v5;
	v7 =	vld [tilespmem:s17+$0x260]  }
0x325: {  	v8 =	vld [tilespmem:s17+$0xA260];
	[tilespmem:s9+$0x14200] =	vst v3  }
0x326: {  	[tilespmem:s17+$0x14230] =	vst v5;
	v3 =	vadd.f32 v9, v6;
	v5 =	vld [tilespmem:s17+$0x270]  }
0x327: {  	v6 =	vld [tilespmem:s17+$0xA270]  }
0x328: {  	[tilespmem:s17+$0x14240] =	vst v3;
	v3 =	vadd.f32 v10, v4;
	v4 =	vld [tilespmem:s16+$0x200]  }
0x329: {  	v9 =	vld [tilespmem:s16+$0xA200]  }
0x32a: {  	[tilespmem:s17+$0x14250] =	vst v3;
	v3 =	vadd.f32 v8, v7;
	v7 =	vld [tilespmem:s16+$0x210]  }
0x32b: {  	v8 =	vld [tilespmem:s16+$0xA210]  }
0x32c: {  	[tilespmem:s17+$0x14260] =	vst v3;
	v3 =	vadd.f32 v6, v5;
	v5 =	vld [tilespmem:s16+$0x220]  }
0x32d: {  	v6 =	vld [tilespmem:s16+$0xA220]  }
0x32e: {  	[tilespmem:s17+$0x14270] =	vst v3;
	v3 =	vadd.f32 v9, v4;
	v4 =	vld [tilespmem:s16+$0x230]  }
0x32f: {  	v9 =	vld [tilespmem:s16+$0xA230]  }
0x330: {  	[tilespmem:s16+$0x14200] =	vst v3;
	v3 =	vadd.f32 v8, v7;
	v7 =	vld [tilespmem:s16+$0x240]  }
0x331: {  	v8 =	vld [tilespmem:s16+$0xA240]  }
0x332: {  	[tilespmem:s16+$0x14210] =	vst v3;
	v3 =	vadd.f32 v6, v5;
	v5 =	vld [tilespmem:s16+$0x250]  }
0x333: {  	v6 =	vld [tilespmem:s16+$0xA250]  }
0x334: {  	[tilespmem:s16+$0x14220] =	vst v3;
	v3 =	vadd.f32 v9, v4;
	v4 =	vld [tilespmem:s16+$0x260]  }
0x335: {  	v9 =	vld [tilespmem:s16+$0xA260]  }
0x336: {  	[tilespmem:s16+$0x14230] =	vst v3;
	v3 =	vadd.f32 v8, v7;
	v7 =	vld [tilespmem:s16+$0x270]  }
0x337: {  	v8 =	vld [tilespmem:s16+$0xA270]  }
0x338: {  	[tilespmem:s16+$0x14240] =	vst v3;
	v3 =	vadd.f32 v6, v5;
	v5 =	vld [tilespmem:s0+$0x200]  }
0x339: {  	v6 =	vld [tilespmem:s0+$0xA200]  }
0x33a: {  	[tilespmem:s16+$0x14250] =	vst v3;
	v3 =	vadd.f32 v9, v4;
	v4 =	vld [tilespmem:s0+$0x210]  }
0x33b: {  	v9 =	vld [tilespmem:s0+$0xA210]  }
0x33c: {  	[tilespmem:s16+$0x14260] =	vst v3;
	v3 =	vadd.f32 v8, v7;
	v7 =	vld [tilespmem:s0+$0x220]  }
0x33d: {  	v8 =	vld [tilespmem:s0+$0xA220]  }
0x33e: {  	[tilespmem:s16+$0x14270] =	vst v3;
	v3 =	vadd.f32 v6, v5;
	v5 =	vld [tilespmem:s0+$0x230]  }
0x33f: {  	v6 =	vld [tilespmem:s0+$0xA230]  }
0x340: {  	[tilespmem:s0+$0x14200] =	vst v3;
	v3 =	vadd.f32 v9, v4;
	v4 =	vld [tilespmem:s0+$0x240]  }
0x341: {  	v9 =	vld [tilespmem:s0+$0xA240]  }
0x342: {  	[tilespmem:s0+$0x14210] =	vst v3;
	v3 =	vadd.f32 v8, v7;
	v8 =	vld [tilespmem:s0+$0x250]  }
0x343: {  	v10 =	vld [tilespmem:s0+$0xA250]  }
0x344: {  	[tilespmem:s0+$0x14220] =	vst v3;
	v3 =	vadd.f32 v6, v5;
	v11 =	vld [tilespmem:s0+$0x260]  }
0x345: {  	v12 =	vld [tilespmem:s0+$0xA260]  }
.Ltmp1:
0x346: {  	[tilespmem:s0+$0x14230] =	vst v3;
	v4 =	vadd.f32 v9, v4;
	v5 =	vld [tilespmem:s0+$0x270];
	(pc) =	sbr.rel @p0 .LBB2_5-.Ltmp1, $4  }
0x347: {  	v7 =	vld [tilespmem:s0+$0xA270]  }
0x348: {  	v3 =	vld [tilespmem:s12+$0x200];
	[tilespmem:s0+$0x14240] =	vst v4;
	v8 =	vadd.f32 v10, v8  }
0x349: {  	v6 =	vld [tilespmem:s12+$0xA200]  }
0x34a: {  	s10 =	sadd.s32 $0x200, s10;
	s20 =	sadd.s32 $0x400, s20;
	v4 =	vld [tilespmem:s13+$0x200];
	[tilespmem:s0+$0x14250] =	vst v8;
	v8 =	vadd.f32 v12, v11  }
0x34b: {  	_ = 	snop  }
0x34c: {  	v9 =	vld [tilespmem:s13+$0xA200];
	v5 =	vadd.f32 v7, v5  }
0x34d: {  	v61 =	vld [tilespmem:s1+$0x200];
	[tilespmem:s0+$0x14260] =	vst v8  }
0x34e: {  	v62 =	vld [tilespmem:s1+$0xA200];
	[tilespmem:s0+$0x14270] =	vst v5  }
0x34f: {  	v5 =	vld [tilespmem:s11+$0x200]  }
0x350: {  	v3 =	vadd.f32 v6, v3;
	v10 =	vld [tilespmem:s11+$0xA200]  }
0x351: {  	v4 =	vadd.f32 v9, v4  }
0x352: {  	s30 =	sadd.s32 $0x1, s30;
	[tilespmem:s12+$0x14200] =	vst v3  }
0x353: {  	p0 =	sne.s32 s30, $0x3E;
	[tilespmem:s13+$0x14200] =	vst v4  }
.Ltmp2:
0x354: {  	v3 =	vadd.f32 v62, v61;
	s0 =	rddreg [dreg:$0x3];
	(pc) =	sbr.rel @p0 .LBB2_2-.Ltmp2, $4  }
0x355: {  	v63 =	vadd.f32 v10, v5;
	s0 =	sadd.s32 s31, s0  }
0x356: {  	[tilespmem:s1+$0x14200] =	vst v3;
	s0 =	sshll.u32 s0, $0x5  }
0x357: {  	s31 =	simm.s32 $0x19200;
	[tilespmem:s11+$0x14200] =	vst v63;
	s0 =	sadd.s32 s8, s0  }
0x358: {  	[hbm4b:s0+s2] =	stream.linear.scatter [tilespmem:s31], [sflag:$0x8], $0x5000, $0x38;
	[tilespmem:$0x1E200] =	vst v63  }
0x359: {  	_ =	swait.ge [sflag:s23], $0x5000  }
0x35a: {  	[sflag:s23] =	ssyncset.done $0x0  }
0x35b: {  	[sflag:s23] =	ssyncadd.s32 $0xFFFFB000  }
0x35c: {  	_ =	swait.ge [sflag:s24], $0x5000  }
0x35d: {  	[sflag:s24] =	ssyncset.done $0x0  }
0x35e: {  	s14 =	simm.s32 $0x7;
	[sflag:s24] =	ssyncadd.s32 $0xFFFFB000  }
0x35f: {  	s0 =	simm.s32 $0x0;
	_ =	swait.ge [sflag:s14], $0x5000  }
0x360: {  	s1 =	sand.u32 $0x7800, s0;
	s0 =	sand.u32 $0x200, s0;
	[sflag:s14] =	ssyncset.done $0x0  }
0x361: {  	s1 =	sor.u32 s0, s1;
	[sflag:s14] =	ssyncadd.s32 $0xFFFFB000  }
0x362: {  	v3 =	vld [tilespmem:s1+$0x380]  }
0x363: {  	v4 =	vld [tilespmem:s1+$0xA380]  }
0x364: {  	v5 =	vld [tilespmem:s1+$0x390]  }
0x365: {  	v6 =	vld [tilespmem:s1+$0xA390]  }
0x366: {  	v7 =	vld [tilespmem:s1+$0x3A0]  }
0x367: {  	v8 =	vld [tilespmem:s1+$0xA3A0]  }
0x368: {  	v9 =	vld [tilespmem:s1+$0x3B0]  }
0x369: {  	v10 =	vld [tilespmem:s1+$0xA3B0]  }
0x36a: {  	v11 =	vld [tilespmem:s1+$0x3C0]  }
0x36b: {  	v12 =	vld [tilespmem:s1+$0xA3C0]  }
0x36c: {  	v13 =	vld [tilespmem:s1+$0x3D0]  }
0x36d: {  	v14 =	vld [tilespmem:s1+$0xA3D0]  }
0x36e: {  	v15 =	vld [tilespmem:s1+$0x3E0]  }
0x36f: {  	v16 =	vld [tilespmem:s1+$0x200]  }
0x370: {  	v55 =	vld [tilespmem:s1+$0xA210]  }
0x371: {  	v56 =	vld [tilespmem:s1+$0x220]  }
0x372: {  	v17 =	vld [tilespmem:s1+$0xA220]  }
0x373: {  	v18 =	vld [tilespmem:s1+$0x230]  }
0x374: {  	v19 =	vld [tilespmem:s1+$0xA230]  }
0x375: {  	v20 =	vld [tilespmem:s1+$0x240]  }
0x376: {  	v21 =	vld [tilespmem:s1+$0xA240]  }
0x377: {  	v22 =	vld [tilespmem:s1+$0x250]  }
0x378: {  	v23 =	vld [tilespmem:s1+$0xA250]  }
0x379: {  	v24 =	vld [tilespmem:s1+$0x260]  }
0x37a: {  	v25 =	vld [tilespmem:s1+$0xA260]  }
0x37b: {  	v26 =	vld [tilespmem:s1+$0x270]  }
0x37c: {  	v27 =	vld [tilespmem:s1+$0xA270]  }
0x37d: {  	v28 =	vld [tilespmem:s1+$0x280]  }
0x37e: {  	v29 =	vld [tilespmem:s1+$0xA280]  }
0x37f: {  	v30 =	vld [tilespmem:s1+$0x290]  }
0x380: {  	v31 =	vld [tilespmem:s1+$0xA290]  }
0x381: {  	v32 =	vld [tilespmem:s1+$0x2A0]  }
0x382: {  	v33 =	vld [tilespmem:s1+$0xA2A0]  }
0x383: {  	v34 =	vld [tilespmem:s1+$0x2B0]  }
0x384: {  	v35 =	vld [tilespmem:s1+$0xA2B0]  }
0x385: {  	v36 =	vld [tilespmem:s1+$0x2C0]  }
0x386: {  	p0 =	por $0x0, $0x0;
	s0 =	simm.s32 $0x1;
	v37 =	vld [tilespmem:s1+$0xA2C0]  }
0x387: {  	s0 =	simm.s32 @!p0 $0x0;
	v38 =	vld [tilespmem:s1+$0x2D0]  }
0x388: {  	s0 =	sshll.u32 s0, $0x9;
	v39 =	vld [tilespmem:s1+$0xA2D0]  }
0x389: {  	s0 =	sadd.s32 $0x0, s0;
	v40 =	vld [tilespmem:s1+$0x2E0]  }
0x38a: {  	s20 =	simm.s32 $0x200;
	s9 =	simm.s32 $0x400;
	s6 =	sadd.s32 $0x180, s0;
	v41 =	vld [tilespmem:s1+$0xA2E0]  }
0x38b: {  	s9 =	sand.u32 $0x7800, s9;
	s10 =	sor.u32 $0x400, s6;
	s6 =	sand.u32 $0x200, s20;
	v42 =	vld [tilespmem:s1+$0x2F0]  }
0x38c: {  	s30 =	sor.u32 s6, s9;
	v43 =	vld [tilespmem:s1+$0xA2F0]  }
0x38d: {  	v62 =	vld [tilespmem:s30+$0x380]  }
0x38e: {  	v63 =	vld [tilespmem:s30+$0xA380]  }
0x38f: {  	v48 =	vld [tilespmem:s30+$0x390]  }
0x390: {  	v49 =	vld [tilespmem:s30+$0xA390]  }
0x391: {  	v50 =	vld [tilespmem:s30+$0x3A0]  }
0x392: {  	v51 =	vld [tilespmem:s30+$0xA3A0]  }
0x393: {  	v44 =	vld [tilespmem:s30+$0x3B0]  }
0x394: {  	v45 =	vld [tilespmem:s30+$0xA3B0]  }
0x395: {  	v52 =	vld [tilespmem:s30+$0x3C0]  }
0x396: {  	v53 =	vld [tilespmem:s30+$0xA3C0]  }
0x397: {  	v3 =	vadd.f32 v4, v3;
	v4 =	vld [tilespmem:s1+$0xA3E0]  }
0x398: {  	v5 =	vadd.f32 v6, v5;
	v6 =	vld [tilespmem:s1+$0x3F0]  }
0x399: {  	v57 =	vadd.f32 v19, v18;
	v19 =	vld [tilespmem:s1+$0xA360]  }
0x39a: {  	v18 =	vld [tilespmem:s1+$0x370]  }
0x39b: {  	v58 =	vadd.f32 v21, v20;
	v20 =	vld [tilespmem:s1+$0xA370]  }
0x39c: {  	v59 =	vadd.f32 v23, v22;
	v22 =	vadd.f32 v63, v62;
	v62 =	vld [tilespmem:s30+$0x3F0]  }
0x39d: {  	v63 =	vadd.f32 v41, v40;
	v41 =	vld [tilespmem:s30+$0xA200]  }
0x39e: {  	v60 =	vadd.f32 v25, v24;
	v24 =	vadd.f32 v49, v48;
	v48 =	vld [tilespmem:s30+$0x220]  }
0x39f: {  	v49 =	vld [tilespmem:s30+$0xA220]  }
0x3a0: {  	v40 =	vadd.f32 v51, v50;
	v51 =	vld [tilespmem:s30+$0x230]  }
0x3a1: {  	v54 =	vadd.f32 v33, v32;
	v32 =	vld [tilespmem:s30+$0x260]  }
0x3a2: {  	[tilespmem:s1+$0x14380] =	vst v3;
	v3 =	vadd.f32 v8, v7;
	v7 =	vld [tilespmem:s1+$0xA3F0]  }
0x3a3: {  	[tilespmem:s1+$0x14390] =	vst v5;
	v5 =	vadd.f32 v10, v9;
	v10 =	vld [tilespmem:s1+$0xA200]  }
0x3a4: {  	v8 =	vld [tilespmem:s1+$0xA310]  }
0x3a5: {  	v9 =	vld [tilespmem:s1+$0xA320]  }
0x3a6: {  	[tilespmem:s1+$0x14230] =	vst v57;
	v57 =	vld [tilespmem:s30+$0xA3D0]  }
0x3a7: {  	v61 =	vadd.f32 v27, v26;
	[tilespmem:s1+$0x14250] =	vst v59;
	v59 =	vld [tilespmem:s30+$0x3E0]  }
0x3a8: {  	[tilespmem:s1+$0x14260] =	vst v60;
	v60 =	vld [tilespmem:s30+$0xA3E0]  }
0x3a9: {  	[tilespmem:s1+$0x14270] =	vst v61;
	v61 =	vadd.f32 v39, v38;
	v38 =	vld [tilespmem:s30+$0xA3F0]  }
0x3aa: {  	v39 =	vld [tilespmem:s30+$0x200]  }
0x3ab: {  	[tilespmem:s1+$0x14240] =	vst v58;
	v58 =	vadd.f32 v37, v36;
	v37 =	vadd.f32 v43, v42;
	v43 =	vld [tilespmem:s30+$0x210]  }
0x3ac: {  	v42 =	vadd.f32 v45, v44;
	v45 =	vld [tilespmem:s30+$0xA210]  }
0x3ad: {  	v44 =	vadd.f32 v53, v52;
	v53 =	vld [tilespmem:s30+$0xA230]  }
0x3ae: {  	[tilespmem:s30+$0x14390] =	vst v24;
	v24 =	vld [tilespmem:s30+$0x240]  }
0x3af: {  	[tilespmem:s1+$0x142E0] =	vst v63;
	v63 =	vld [tilespmem:s30+$0xA2A0]  }
0x3b0: {  	[tilespmem:s1+$0x143A0] =	vst v3;
	v3 =	vadd.f32 v12, v11;
	v11 =	vld [tilespmem:s1+$0x210]  }
0x3b1: {  	[tilespmem:s1+$0x143B0] =	vst v5;
	v5 =	vadd.f32 v14, v13;
	v14 =	vld [tilespmem:s1+$0x300]  }
0x3b2: {  	v13 =	vadd.f32 v17, v56;
	v17 =	vld [tilespmem:s1+$0x360]  }
0x3b3: {  	[tilespmem:s1+$0x142C0] =	vst v58;
	v58 =	vld [tilespmem:s30+$0x280]  }
0x3b4: {  	v28 =	vadd.f32 v29, v28;
	[tilespmem:s1+$0x142D0] =	vst v61;
	v61 =	vld [tilespmem:s30+$0xA290]  }
0x3b5: {  	v30 =	vadd.f32 v31, v30;
	[tilespmem:s30+$0x143C0] =	vst v44;
	v44 =	vld [tilespmem:s30+$0x2B0]  }
0x3b6: {  	[tilespmem:s1+$0x14280] =	vst v28;
	v23 =	vadd.f32 v49, v48;
	v48 =	vld [tilespmem:s30+$0x2C0]  }
0x3b7: {  	[tilespmem:s1+$0x14290] =	vst v30;
	v49 =	vld [tilespmem:s30+$0x270]  }
0x3b8: {  	[tilespmem:s1+$0x143C0] =	vst v3;
	v3 =	vadd.f32 v4, v15;
	v15 =	vld [tilespmem:s1+$0xA300]  }
0x3b9: {  	[tilespmem:s1+$0x143D0] =	vst v5;
	v5 =	vld [tilespmem:s1+$0x330]  }
0x3ba: {  	[tilespmem:s1+$0x14220] =	vst v13;
	v13 =	vld [tilespmem:s1+$0x350]  }
0x3bb: {  	[tilespmem:s1+$0x142A0] =	vst v54;
	v56 =	vadd.f32 v35, v34;
	v4 =	vadd.f32 v7, v6;
	v6 =	vld [tilespmem:s1+$0x310]  }
0x3bc: {  	s25 =	sadd.s32 $0x80, s0;
	[tilespmem:s1+$0x142F0] =	vst v37;
	v7 =	vld [tilespmem:s1+$0x320]  }
0x3bd: {  	s13 =	sor.u32 $0x400, s25;
	[tilespmem:s1+$0x142B0] =	vst v56;
	v16 =	vadd.f32 v10, v16;
	v10 =	vld [tilespmem:s1+$0xA330]  }
0x3be: {  	v31 =	vld [tilespmem:s13+$0x200]  }
0x3bf: {  	v28 =	vld [tilespmem:s13+$0xA200]  }
0x3c0: {  	[tilespmem:s30+$0x14220] =	vst v23;
	v23 =	vld [tilespmem:s30+$0x250]  }
0x3c1: {  	v47 =	vadd.f32 v60, v59;
	v59 =	vld [tilespmem:s30+$0xA280]  }
0x3c2: {  	v60 =	vld [tilespmem:s30+$0x290]  }
0x3c3: {  	[tilespmem:s30+$0x14380] =	vst v22;
	v50 =	vadd.f32 v38, v62;
	v62 =	vld [tilespmem:s30+$0x2A0]  }
0x3c4: {  	[tilespmem:s30+$0x143A0] =	vst v40;
	v52 =	vadd.f32 v45, v43;
	v45 =	vld [tilespmem:s30+$0xA2B0]  }
0x3c5: {  	[tilespmem:s30+$0x143B0] =	vst v42;
	v22 =	vadd.f32 v53, v51;
	v51 =	vld [tilespmem:s30+$0xA310]  }
0x3c6: {  	v53 =	vld [tilespmem:s30+$0xA320];
	[tilespmem:s1+$0x143E0] =	vst v3  }
0x3c7: {  	[tilespmem:s1+$0x143F0] =	vst v4;
	v12 =	vadd.f32 v55, v11;
	v11 =	vld [tilespmem:s1+$0x340]  }
0x3c8: {  	[tilespmem:s1+$0x14200] =	vst v16;
	v16 =	vld [tilespmem:s1+$0xA350]  }
0x3c9: {  	v55 =	vld [tilespmem:s30+$0x3D0];
	[tilespmem:s30+$0x143E0] =	vst v47  }
0x3ca: {  	v25 =	vadd.f32 v41, v39;
	[tilespmem:s30+$0x143F0] =	vst v50;
	v50 =	vld [tilespmem:s30+$0x2D0]  }
0x3cb: {  	[tilespmem:s30+$0x14210] =	vst v52;
	v52 =	vld [tilespmem:s30+$0x320]  }
0x3cc: {  	[tilespmem:s30+$0x14200] =	vst v25;
	v3 =	vld [tilespmem:s10+$0x200]  }
0x3cd: {  	[tilespmem:s30+$0x14230] =	vst v22;
	v4 =	vld [tilespmem:s10+$0xA200];
	v14 =	vadd.f32 v15, v14  }
0x3ce: {  	s11 =	sor.u32 $0x400, s0;
	[tilespmem:s1+$0x14210] =	vst v12;
	v12 =	vld [tilespmem:s1+$0xA340];
	v33 =	vadd.f32 v59, v58  }
0x3cf: {  	v21 =	vld [tilespmem:s11+$0x200];
	v47 =	vadd.f32 v61, v60;
	[tilespmem:s1+$0x14300] =	vst v14  }
0x3d0: {  	v36 =	vld [tilespmem:s11+$0xA200];
	v6 =	vadd.f32 v8, v6;
	[tilespmem:s30+$0x14280] =	vst v33  }
0x3d1: {  	v8 =	vld [tilespmem:s30+$0xA2D0];
	v7 =	vadd.f32 v9, v7;
	[tilespmem:s30+$0x14290] =	vst v47  }
0x3d2: {  	v5 =	vadd.f32 v10, v5;
	v9 =	vld [tilespmem:s30+$0x300];
	[tilespmem:s1+$0x14310] =	vst v6  }
0x3d3: {  	v10 =	vld [tilespmem:s30+$0xA300];
	v46 =	vadd.f32 v57, v55;
	[tilespmem:s1+$0x14320] =	vst v7  }
0x3d4: {  	p0 =	por !p0, !p0;
	s6 =	simm.s32 $0x1;
	v59 =	vld [tilespmem:s30+$0x350];
	[tilespmem:s1+$0x14330] =	vst v5;
	v5 =	vadd.f32 v16, v13  }
0x3d5: {  	s6 =	simm.s32 @!p0 $0x0;
	v61 =	vld [tilespmem:s30+$0xA350];
	v58 =	vadd.f32 v53, v52;
	[tilespmem:s30+$0x143D0] =	vst v46  }
0x3d6: {  	s6 =	sshll.u32 s6, $0x9;
	v55 =	vld [tilespmem:s30+$0xA240];
	v3 =	vadd.f32 v4, v3;
	[tilespmem:s1+$0x14350] =	vst v5  }
0x3d7: {  	s12 =	sadd.s32 $0x400, s6;
	v57 =	vld [tilespmem:s30+$0xA250];
	v7 =	vadd.f32 v12, v11;
	[tilespmem:s30+$0x14320] =	vst v58  }
0x3d8: {  	s6 =	sadd.s32 $0x180, s12;
	v6 =	vld [tilespmem:s30+$0x2E0];
	v5 =	vadd.f32 v20, v18;
	[tilespmem:s10+$0x14200] =	vst v3  }
0x3d9: {  	s6 =	sor.u32 $0x400, s6;
	v4 =	vld [tilespmem:s30+$0xA2C0];
	v3 =	vadd.f32 v63, v62;
	[tilespmem:s1+$0x14340] =	vst v7  }
0x3da: {  	v54 =	vld [tilespmem:s6+$0x200];
	v8 =	vadd.f32 v8, v50;
	[tilespmem:s1+$0x14370] =	vst v5  }
0x3db: {  	v56 =	vld [tilespmem:s6+$0xA200];
	v7 =	vadd.f32 v19, v17;
	[tilespmem:s30+$0x142A0] =	vst v3  }
0x3dc: {  	v46 =	vld [tilespmem:s30+$0xA260];
	v5 =	vadd.f32 v28, v31;
	[tilespmem:s30+$0x142D0] =	vst v8  }
0x3dd: {  	v11 =	vld [tilespmem:s30+$0x310];
	v55 =	vadd.f32 v55, v24;
	[tilespmem:s1+$0x14360] =	vst v7  }
0x3de: {  	v62 =	vld [tilespmem:s30+$0xA2F0];
	v57 =	vadd.f32 v57, v23;
	[tilespmem:s13+$0x14200] =	vst v5  }
0x3df: {  	v3 =	vld [tilespmem:s30+$0xA270];
	v7 =	vadd.f32 v36, v21;
	[tilespmem:s30+$0x14240] =	vst v55  }
0x3e0: {  	v63 =	vld [tilespmem:s30+$0xA360];
	[tilespmem:s30+$0x14250] =	vst v57;
	v5 =	vadd.f32 v56, v54  }
0x3e1: {  	[tilespmem:s11+$0x14200] =	vst v7;
	v7 =	vadd.f32 v10, v9;
	v9 =	vld [tilespmem:s30+$0x330]  }
0x3e2: {  	v10 =	vld [tilespmem:s30+$0xA330];
	[tilespmem:s6+$0x14200] =	vst v5;
	v5 =	vadd.f32 v51, v11  }
0x3e3: {  	v60 =	vadd.f32 v46, v32;
	[tilespmem:s30+$0x14300] =	vst v7;
	v7 =	vld [tilespmem:s30+$0xA2E0]  }
0x3e4: {  	v3 =	vadd.f32 v3, v49;
	[tilespmem:s30+$0x14310] =	vst v5;
	v5 =	vld [tilespmem:s30+$0x2F0]  }
0x3e5: {  	v54 =	vadd.f32 v45, v44;
	v56 =	vld [tilespmem:s30+$0xA340];
	[tilespmem:s30+$0x14260] =	vst v60  }
0x3e6: {  	v11 =	vld [tilespmem:s30+$0x340];
	[tilespmem:s30+$0x14270] =	vst v3;
	v3 =	vadd.f32 v4, v48  }
0x3e7: {  	[tilespmem:s30+$0x142B0] =	vst v54;
	v9 =	vadd.f32 v10, v9;
	v10 =	vld [tilespmem:s30+$0x360]  }
0x3e8: {  	v4 =	vld [tilespmem:s30+$0x370];
	[tilespmem:s30+$0x142C0] =	vst v3;
	v3 =	vadd.f32 v7, v6  }
0x3e9: {  	s13 =	sor.u32 $0x400, s12;
	[tilespmem:s30+$0x14330] =	vst v9;
	v6 =	vld [tilespmem:s30+$0xA370];
	v5 =	vadd.f32 v62, v5  }
0x3ea: {  	s29 =	sadd.s32 $0x80, s12;
	v9 =	vadd.f32 v61, v59;
	v7 =	vld [tilespmem:s13+$0xA200];
	[tilespmem:s30+$0x142E0] =	vst v3  }
0x3eb: {  	s0 =	sadd.s32 $0x100, s0;
	s11 =	sor.u32 $0x400, s29;
	v8 =	vadd.f32 v56, v11;
	v3 =	vld [tilespmem:s13+$0x200];
	[tilespmem:s30+$0x142F0] =	vst v5  }
0x3ec: {  	s19 =	simm.s32 $0x400;
	s0 =	sor.u32 $0x400, s0;
	s31 =	sadd.s32 $0x100, s12;
	[tilespmem:s30+$0x14350] =	vst v9;
	v9 =	vadd.f32 v63, v10;
	v5 =	vld [tilespmem:s11+$0x200]  }
0x3ed: {  	s10 =	simm.s32 $0x800;
	s1 =	simm.s32 $0x4;
	s12 =	sor.u32 $0x400, s31;
	[tilespmem:s30+$0x14340] =	vst v8;
	v8 =	vld [tilespmem:s11+$0xA200]  }
.LBB2_8:
0x3ee: {  	s6 =	sand.u32 $0x7800, s10;
	s9 =	sand.u32 $0x200, s19;
	[tilespmem:s30+$0x14360] =	vst v9;
	v4 =	vadd.f32 v6, v4;
	v6 =	vld [tilespmem:s0+$0x200]  }
0x3ef: {  	s6 =	sor.u32 s9, s6;
	v9 =	vld [tilespmem:s0+$0xA200]  }
0x3f0: {  	v10 =	vld [tilespmem:s6+$0x380];
	v3 =	vadd.f32 v7, v3;
	[tilespmem:s30+$0x14370] =	vst v4;
	s30 =	smov.u32 s6  }
0x3f1: {  	v4 =	vld [tilespmem:s30+$0xA380]  }
0x3f2: {  	v7 =	vld [tilespmem:s30+$0x390];
	[tilespmem:s13+$0x14200] =	vst v3;
	v3 =	vadd.f32 v8, v5  }
0x3f3: {  	v5 =	vld [tilespmem:s30+$0xA390]  }
0x3f4: {  	v8 =	vld [tilespmem:s30+$0x3A0];
	[tilespmem:s11+$0x14200] =	vst v3;
	v3 =	vadd.f32 v9, v6  }
0x3f5: {  	v6 =	vld [tilespmem:s30+$0xA3A0]  }
0x3f6: {  	v9 =	vld [tilespmem:s30+$0x3B0];
	[tilespmem:s0+$0x14200] =	vst v3;
	s0 =	smov.u32 s12  }
0x3f7: {  	v3 =	vld [tilespmem:s30+$0xA3B0]  }
0x3f8: {  	v11 =	vld [tilespmem:s30+$0x3C0]  }
0x3f9: {  	v12 =	vld [tilespmem:s30+$0xA3C0]  }
0x3fa: {  	v13 =	vld [tilespmem:s30+$0x3D0]  }
0x3fb: {  	v14 =	vld [tilespmem:s30+$0xA3D0]  }
0x3fc: {  	v15 =	vld [tilespmem:s30+$0x3E0]  }
0x3fd: {  	v4 =	vadd.f32 v4, v10;
	v10 =	vld [tilespmem:s30+$0xA3E0]  }
0x3fe: {  	s1 =	sadd.s32 $0x4, s1;
	v5 =	vadd.f32 v5, v7;
	v7 =	vld [tilespmem:s30+$0x3F0]  }
0x3ff: {  	p1 =	slt.u32 s1, $0x4C;
	[tilespmem:s30+$0x14380] =	vst v4;
	v4 =	vadd.f32 v6, v8;
	v6 =	vld [tilespmem:s30+$0xA3F0]  }
0x400: {  	v3 =	vadd.f32 v3, v9;
	v8 =	vld [tilespmem:s30+$0x200];
	[tilespmem:s30+$0x14390] =	vst v5  }
0x401: {  	p0 =	por !p0, !p0;
	s6 =	simm.s32 $0x1;
	v5 =	vld [tilespmem:s30+$0xA200];
	[tilespmem:s30+$0x143A0] =	vst v4;
	v4 =	vadd.f32 v12, v11  }
0x402: {  	s6 =	simm.s32 @!p0 $0x0;
	v9 =	vld [tilespmem:s30+$0x210];
	[tilespmem:s30+$0x143B0] =	vst v3;
	v3 =	vadd.f32 v14, v13  }
0x403: {  	s6 =	sshll.u32 s6, $0x9;
	v11 =	vld [tilespmem:s30+$0xA210];
	[tilespmem:s30+$0x143C0] =	vst v4;
	v4 =	vadd.f32 v10, v15  }
0x404: {  	s6 =	sadd.s32 s6, s10;
	v10 =	vld [tilespmem:s30+$0x220];
	[tilespmem:s30+$0x143D0] =	vst v3;
	v3 =	vadd.f32 v6, v7  }
0x405: {  	s9 =	sadd.s32 $0x80, s6;
	s13 =	sadd.s32 $0x180, s6;
	s12 =	sadd.s32 $0x100, s6;
	v6 =	vld [tilespmem:s30+$0xA220];
	[tilespmem:s30+$0x143E0] =	vst v4  }
0x406: {  	s11 =	sor.u32 $0x400, s9;
	s9 =	sor.u32 $0x400, s13;
	s12 =	sor.u32 $0x400, s12;
	v4 =	vadd.f32 v5, v8;
	v5 =	vld [tilespmem:s30+$0x230];
	[tilespmem:s30+$0x143F0] =	vst v3  }
0x407: {  	s13 =	sor.u32 $0x400, s6;
	v3 =	vld [tilespmem:s9+$0x200]  }
0x408: {  	[tilespmem:s30+$0x14200] =	vst v4;
	v4 =	vadd.f32 v11, v9;
	v7 =	vld [tilespmem:s9+$0xA200]  }
0x409: {  	v8 =	vld [tilespmem:s30+$0xA230]  }
0x40a: {  	[tilespmem:s30+$0x14210] =	vst v4;
	v4 =	vadd.f32 v6, v10;
	v6 =	vld [tilespmem:s30+$0x240]  }
0x40b: {  	v9 =	vld [tilespmem:s30+$0xA240]  }
0x40c: {  	[tilespmem:s30+$0x14220] =	vst v4;
	v4 =	vld [tilespmem:s30+$0x250]  }
0x40d: {  	v10 =	vld [tilespmem:s30+$0xA250];
	v3 =	vadd.f32 v7, v3  }
0x40e: {  	v5 =	vadd.f32 v8, v5;
	v7 =	vld [tilespmem:s30+$0x260]  }
0x40f: {  	v8 =	vld [tilespmem:s30+$0xA260];
	[tilespmem:s9+$0x14200] =	vst v3  }
0x410: {  	[tilespmem:s30+$0x14230] =	vst v5;
	v3 =	vadd.f32 v9, v6;
	v5 =	vld [tilespmem:s30+$0x270]  }
0x411: {  	v6 =	vld [tilespmem:s30+$0xA270]  }
0x412: {  	[tilespmem:s30+$0x14240] =	vst v3;
	v3 =	vadd.f32 v10, v4;
	v4 =	vld [tilespmem:s30+$0x280]  }
0x413: {  	v9 =	vld [tilespmem:s30+$0xA280]  }
0x414: {  	[tilespmem:s30+$0x14250] =	vst v3;
	v3 =	vadd.f32 v8, v7;
	v7 =	vld [tilespmem:s30+$0x290]  }
0x415: {  	v8 =	vld [tilespmem:s30+$0xA290]  }
0x416: {  	[tilespmem:s30+$0x14260] =	vst v3;
	v3 =	vadd.f32 v6, v5;
	v5 =	vld [tilespmem:s30+$0x2A0]  }
0x417: {  	v6 =	vld [tilespmem:s30+$0xA2A0]  }
0x418: {  	[tilespmem:s30+$0x14270] =	vst v3;
	v3 =	vadd.f32 v9, v4;
	v4 =	vld [tilespmem:s30+$0x2B0]  }
0x419: {  	v9 =	vld [tilespmem:s30+$0xA2B0]  }
0x41a: {  	[tilespmem:s30+$0x14280] =	vst v3;
	v3 =	vadd.f32 v8, v7;
	v7 =	vld [tilespmem:s30+$0x2C0]  }
0x41b: {  	v8 =	vld [tilespmem:s30+$0xA2C0]  }
0x41c: {  	[tilespmem:s30+$0x14290] =	vst v3;
	v3 =	vadd.f32 v6, v5;
	v5 =	vld [tilespmem:s30+$0x2D0]  }
0x41d: {  	v6 =	vld [tilespmem:s30+$0xA2D0]  }
0x41e: {  	[tilespmem:s30+$0x142A0] =	vst v3;
	v3 =	vadd.f32 v9, v4;
	v4 =	vld [tilespmem:s30+$0x2E0]  }
0x41f: {  	v9 =	vld [tilespmem:s30+$0xA2E0]  }
0x420: {  	[tilespmem:s30+$0x142B0] =	vst v3;
	v3 =	vadd.f32 v8, v7;
	v7 =	vld [tilespmem:s30+$0x2F0]  }
0x421: {  	v8 =	vld [tilespmem:s30+$0xA2F0]  }
0x422: {  	[tilespmem:s30+$0x142C0] =	vst v3;
	v3 =	vadd.f32 v6, v5;
	v5 =	vld [tilespmem:s30+$0x300]  }
0x423: {  	v6 =	vld [tilespmem:s30+$0xA300]  }
0x424: {  	[tilespmem:s30+$0x142D0] =	vst v3;
	v3 =	vadd.f32 v9, v4;
	v4 =	vld [tilespmem:s30+$0x310]  }
0x425: {  	v9 =	vld [tilespmem:s30+$0xA310]  }
0x426: {  	[tilespmem:s30+$0x142E0] =	vst v3;
	v3 =	vadd.f32 v8, v7;
	v7 =	vld [tilespmem:s30+$0x320]  }
0x427: {  	v8 =	vld [tilespmem:s30+$0xA320]  }
0x428: {  	[tilespmem:s30+$0x142F0] =	vst v3;
	v3 =	vadd.f32 v6, v5;
	v5 =	vld [tilespmem:s30+$0x330]  }
0x429: {  	v6 =	vld [tilespmem:s30+$0xA330]  }
0x42a: {  	[tilespmem:s30+$0x14300] =	vst v3;
	v3 =	vadd.f32 v9, v4;
	v4 =	vld [tilespmem:s30+$0x340]  }
0x42b: {  	v9 =	vld [tilespmem:s30+$0xA340]  }
0x42c: {  	[tilespmem:s30+$0x14310] =	vst v3;
	v3 =	vadd.f32 v8, v7;
	v7 =	vld [tilespmem:s30+$0x350]  }
0x42d: {  	v8 =	vld [tilespmem:s30+$0xA350]  }
0x42e: {  	[tilespmem:s30+$0x14320] =	vst v3;
	v3 =	vadd.f32 v6, v5;
	v10 =	vld [tilespmem:s30+$0x360]  }
0x42f: {  	v11 =	vld [tilespmem:s30+$0xA360]  }
0x430: {  	[tilespmem:s30+$0x14330] =	vst v3;
	v5 =	vadd.f32 v9, v4;
	v4 =	vld [tilespmem:s30+$0x370]  }
.Ltmp3:
0x431: {  	v6 =	vld [tilespmem:s30+$0xA370];
	(pc) =	sbr.rel @p1 .LBB2_8-.Ltmp3, $4  }
0x432: {  	v3 =	vld [tilespmem:s13+$0x200];
	[tilespmem:s30+$0x14340] =	vst v5;
	v8 =	vadd.f32 v8, v7  }
0x433: {  	v7 =	vld [tilespmem:s13+$0xA200]  }
0x434: {  	v5 =	vld [tilespmem:s11+$0x200];
	[tilespmem:s30+$0x14350] =	vst v8;
	v9 =	vadd.f32 v11, v10  }
0x435: {  	s19 =	sadd.s32 $0x200, s19;
	s10 =	sadd.s32 $0x400, s10;
	v8 =	vld [tilespmem:s11+$0xA200]  }
0x436: {  	v4 =	vadd.f32 v6, v4  }
0x437: {  	[tilespmem:s30+$0x14360] =	vst v9;
	v62 =	vld [tilespmem:s0+$0x200]  }
0x438: {  	v63 =	vld [tilespmem:s0+$0xA200];
	[tilespmem:s30+$0x14370] =	vst v4  }
0x439: {  	v4 =	vld [tilespmem:s12+$0x200]  }
0x43a: {  	v10 =	vld [tilespmem:s12+$0xA200];
	_ =	sdelay $0x1  }
0x43b: {  	v3 =	vadd.f32 v7, v3  }
0x43c: {  	v5 =	vadd.f32 v8, v5  }
0x43d: {  	[tilespmem:s13+$0x14200] =	vst v3;
	v3 =	vadd.f32 v63, v62  }
0x43e: {  	[tilespmem:s11+$0x14200] =	vst v5;
	v4 =	vadd.f32 v10, v4  }
0x43f: {  	[tilespmem:s0+$0x14200] =	vst v3  }
0x440: {  	[tilespmem:s12+$0x14200] =	vst v4  }
0x441: {  	s1 =	simm.s32 $0x14200;
	s29 =	simm.s32 $0x8;
	s0 =	rddreg [dreg:$0xa]  }
0x442: {  	[hbm4b:s0+s2] =	stream.linear.scatter [tilespmem:s1], [sflag:$0x7], $0x5000, $0x38;
	[tilespmem:$0x1E200] =	vst v63  }
0x443: {  	_ =	swait.ge [sflag:s29], $0x5000  }
0x444: {  	[sflag:s29] =	ssyncset.done $0x0  }
0x445: {  	[sflag:s29] =	ssyncadd.s32 $0xFFFFB000  }
0x446: {  	_ =	swait.ge [sflag:s14], $0x5000  }
0x447: {  	s30 =	rddreg [dreg:$0xc]  }
0x448: {  	s31 =	rddreg [dreg:$0xb];
	s1 =	sadd.s32 $0x1, s30  }
0x449: {  	p0 =	sne.s32 s1, s31  }
.Ltmp4:
0x44a: {  	_ = 	snop;
	(pc) =	sbr.rel @p0 .LBB2_1-.Ltmp4, $3  }
0x44b: {  	_ =	sdelay $0x1  }
0x44c: {  	[sflag:s14] =	ssyncset.done $0x0  }
0x44d: {  	[sflag:s14] =	ssyncadd.s32 $0xFFFFB000  }
0x44e: {  	_ =	sfence.sel $0x180000  }
0x44f: {  	[bflag:$0x0] =	sbarrier.arrive $0xFFFF  }
0x450: {  	_ =	strace $0x90000047  }
0x451: {  	s0 =	stileid.u32;
	[bflag:$0x2] =	sbarrier.arrive $0xFFFF  }
0x452: {  	p0 =	sne.s32 s0, $0x0;
	s0 =	rddreg [dreg:$0x1]  }
0x453: {  	s0 =	sadd.s32 @!p0 $0x100000, s0  }
0x454: {  	[sflag:s0] =	ssyncadd.tile.s32 @!p0 $0x1;
	_ =	shalt  }
.Lfunc_end2:
_tile_overlayer_lowered:
.L_overlay_start_2:
0x455: {  	(tag) =	ssettag $0x2  }
0x456: {  	s0 =	rddreg [dreg:$0x0];
	s2 =	stileid.u32  }
0x457: {  	s1 =	rddreg [dreg:$0x1];
	p0 =	sne.s32 s2, $0x0  }
0x458: {  	s3 =	rddreg [dreg:$0x2];
	[bflag:$0x3] =	sbarrier.arrive $0xFFFF;
	s2 =	simm.s32 @!p0 $0x1C09  }
0x459: {  	[timem:s3], [sflag:s2] =	dma.local @!p0 [hbm:s0], s1  }
0x45a: {  	s0 =	simm.s32 @!p0 $0x9  }
0x45b: {  	_ =	swait.ge @!p0 [sflag:s0], s1  }
0x45c: {  	s1 =	ssub.s32 @!p0 $0x0, s1;
	[sflag:s0] =	ssyncset.done @!p0 $0x0  }
0x45d: {  	[sflag:s0] =	ssyncadd.s32 @!p0 s1  }
0x45e: {  	[bflag:$0x3] =	sbarrier.arrive $0xFFFF  }
0x45f: {  	_ =	shalt  }

</sc_bundles>
